<compile_context>
chip_gen: v7x
topology: tpu7x:2x2x1
jax: 0.10.2.dev20260603
libtpu: 0.0.44.dev20260713+nightly
codegen_flags: <defaults>
</compile_context>

<pallas_src>
import functools

import jax
import jax.numpy as jnp
from jax import lax
from jax.experimental import pallas as pl
from jax.experimental.pallas import tpu as pltpu
from jax.experimental.pallas import tpu_sc as plsc

NUM_NODES = 50000
B = 4
N_PER = 8192
D = 128
C = 128

NC = 2
NS = 16
NW = NC * NS

POS = B * N_PER
PA = POS // NW
CHUNK = 16
NCHUNK = D // CHUNK
NTASK = (B // NC) * NCHUNK
SEG = N_PER // NS
ROWS_PER_TILE = NUM_NODES // NS


def _sc_body(x_hbm, basex_hbm, idxr_hbm, bg_hbm, sg_hbm,
             acc0, acc1, idx_a, idx_all, bbuf, xbuf, gbuf, zbuf,
             sem, sem2, sem3):
    c = lax.axis_index("c")
    s = lax.axis_index("s")
    wid = c * NS + s

    def _z(i, _):
        zbuf[i, pl.ds(0, 16)] = jnp.zeros((16,), jnp.float32)
        return 0
    lax.fori_loop(0, 128, _z, 0)

    full, rem = divmod(ROWS_PER_TILE, 128)
    for acc in (acc0, acc1):
        for k in range(full):
            pltpu.sync_copy(zbuf,
                            acc.at[pl.ds(s * ROWS_PER_TILE + k * 128, 128)])
        if rem:
            pltpu.sync_copy(zbuf.at[pl.ds(0, rem)],
                            acc.at[pl.ds(s * ROWS_PER_TILE + full * 128, rem)])

    nr = N_PER // 128
    pltpu.sync_copy(idxr_hbm.at[pl.ds(8 * wid, 8)], idx_a)
    pltpu.sync_copy(idxr_hbm.at[pl.ds(2 * c * nr + 4 * s, 4)],
                    idx_all.at[pl.ds(0, 4)])
    pltpu.sync_copy(idxr_hbm.at[pl.ds((2 * c + 1) * nr + 4 * s, 4)],
                    idx_all.at[pl.ds(4, 4)])

    def xsrc(k):
        t = 2 * c + k // NCHUNK
        return x_hbm.at[pl.ds(t * N_PER + SEG * s, SEG),
                        pl.ds(CHUNK * (k % NCHUNK), CHUNK)]

    def sgdst(k):
        t = 2 * c + k // NCHUNK
        return sg_hbm.at[pl.ds(t * N_PER + SEG * s, SEG),
                         pl.ds(CHUNK * (k % NCHUNK), CHUNK)]

    pltpu.sync_copy(xsrc(0), xbuf)
    plsc.subcore_barrier()

    def _task(k, acc, first, last, do_pa, i):
        idxrow = lambda kk, j: idx_all.at[4 * (kk // NCHUNK) + j]
        sc = [pltpu.async_copy(xbuf.at[pl.ds(128 * j, 128)],
                               acc.at[idxrow(k, j)], sem, add=True)
              for j in range(4)]
        if not first:
            oacc = acc1 if acc is acc0 else acc0
            zs = [pltpu.async_copy(zbuf, oacc.at[idxrow(k - 1, j)], sem2)
                  for j in range(4)]
            ow = pltpu.async_copy(gbuf, sgdst(k - 1), sem3)
            for d in zs:
                d.wait()
            ow.wait()
        for d in sc:
            d.wait()
        plsc.subcore_barrier()
        ga = [pltpu.async_copy(acc.at[idxrow(k, j)],
                               gbuf.at[pl.ds(128 * j, 128)], sem)
              for j in range(4)]
        if not last:
            lx = pltpu.async_copy(xsrc(k + 1), xbuf, sem3)
        if do_pa:
            for h in range(2):
                g0 = pltpu.async_copy(
                    basex_hbm.at[idx_a.at[i, pl.ds(64 * h, 64)]], bbuf, sem2)
                g0.wait()
                w0 = pltpu.async_copy(
                    bbuf, bg_hbm.at[pl.ds(PA * wid + 128 * i + 64 * h, 64)],
                    sem2)
                w0.wait()
        for d in ga:
            d.wait()
        if not last:
            lx.wait()
        plsc.subcore_barrier()

    _task(0, acc0, True, False, False, 0)

    def _mid(i, _):
        _task(2 * i + 1, acc1, False, False, True, i)
        _task(2 * i + 2, acc0, False, False, False, i)
        return 0
    lax.fori_loop(0, (NTASK - 2) // 2, _mid, 0)

    _task(NTASK - 1, acc1, False, True, True, (NTASK - 2) // 2)
    ow = pltpu.async_copy(gbuf, sgdst(NTASK - 1), sem3)
    ow.wait()


def _sc_gather_scatter(x, base_x, idx_flat):
    idxr = idx_flat.reshape(POS // 128, 128)
    mesh = plsc.VectorSubcoreMesh(core_axis_name="c", subcore_axis_name="s",
                                  num_cores=NC, num_subcores=NS)
    f = pl.kernel(
        _sc_body,
        out_type=(jax.ShapeDtypeStruct((POS, D), jnp.float32),
                  jax.ShapeDtypeStruct((POS, D), jnp.float32)),
        mesh=mesh,
        scratch_types=[
            pltpu.VMEM_SHARED((NUM_NODES, CHUNK), jnp.float32),
            pltpu.VMEM_SHARED((NUM_NODES, CHUNK), jnp.float32),
            pltpu.VMEM((8, 128), jnp.int32),
            pltpu.VMEM((8, 128), jnp.int32),
            pltpu.VMEM((64, D), jnp.float32),
            pltpu.VMEM((SEG, CHUNK), jnp.float32),
            pltpu.VMEM((SEG, CHUNK), jnp.float32),
            pltpu.VMEM((128, CHUNK), jnp.float32),
            pltpu.SemaphoreType.DMA,
            pltpu.SemaphoreType.DMA,
            pltpu.SemaphoreType.DMA,
        ],
        compiler_params=pltpu.CompilerParams(use_tc_tiling_on_sc=False),
    )
    return f(x, base_x, idxr)


def _gelu(h):
    return 0.5 * h * (1.0 + lax.erf(h * (2.0 ** -0.5)))


def _ln(h, g, b):
    m = jnp.mean(h, axis=-1, keepdims=True)
    v = jnp.mean((h - m) ** 2, axis=-1, keepdims=True)
    return (h - m) * lax.rsqrt(v + 1e-5) * g + b


def _tc_body(bg_ref, sg_ref, w1d_ref, b1d_ref, w2d_ref, b2d_ref,
             lndg_ref, lndb_ref, lnug_ref, lnub_ref,
             w1u_ref, b1u_ref, w2u_ref, b2u_ref, out_ref):
    def bdot(a, w):
        return jnp.dot(a, w, preferred_element_type=jnp.float32)

    inp = bg_ref[...] + sg_ref[...]
    h = _ln(inp, lndg_ref[...], lndb_ref[...])
    h = _gelu(bdot(h, w1d_ref[...]) + b1d_ref[...])
    h = bdot(h, w2d_ref[...]) + b2d_ref[...]
    h = _ln(h, lnug_ref[...], lnub_ref[...])
    h = _gelu(bdot(h, w1u_ref[...]) + b1u_ref[...])
    out_ref[...] = bdot(h, w2u_ref[...]) + b2u_ref[...]


def _tc_mlp(bg, sg, W1d, b1d, W2d, b2d, ln_d_g, ln_d_b,
            ln_u_g, ln_u_b, W1u, b1u, W2u, b2u):
    R = 4096
    n = bg.shape[0]
    grid = (n // R,)
    row_spec = pl.BlockSpec((R, D), lambda i: (i, 0))

    def rep(shape):
        return pl.BlockSpec(shape, lambda i: tuple(0 for _ in shape))

    return pl.pallas_call(
        _tc_body,
        grid=grid,
        in_specs=[
            row_spec, row_spec,
            rep((D, 2 * D)), rep((1, 2 * D)), rep((2 * D, C)), rep((1, C)),
            rep((1, D)), rep((1, D)), rep((1, C)), rep((1, C)),
            rep((C, 2 * C)), rep((1, 2 * C)), rep((2 * C, D)), rep((1, D)),
        ],
        out_specs=row_spec,
        out_shape=jax.ShapeDtypeStruct((n, D), jnp.float32),
    )(bg, sg, W1d, b1d.reshape(1, -1), W2d, b2d.reshape(1, -1),
      ln_d_g.reshape(1, -1), ln_d_b.reshape(1, -1),
      ln_u_g.reshape(1, -1), ln_u_b.reshape(1, -1),
      W1u, b1u.reshape(1, -1), W2u, b2u.reshape(1, -1))


def kernel(x, base_x, ln_d_g, ln_d_b, W1d, b1d, W2d, b2d,
           ln_u_g, ln_u_b, W1u, b1u, W2u, b2u, indices_subnodes):
    idx_flat = indices_subnodes.reshape(POS).astype(jnp.int32)
    bg, sg = _sc_gather_scatter(x, base_x, idx_flat)
    return _tc_mlp(bg, sg, W1d, b1d, W2d, b2d, ln_d_g, ln_d_b,
                   ln_u_g, ln_u_b, W1u, b1u, W2u, b2u)

# --- scband reference (transcript-rebuilt; emitter-appended) ---
"""Pipeline reference for scband-scatter-and-gather-16690242912428 (READ-ONLY COPY).

The authoritative reference and input builder live on the scoring server;
editing this copy changes nothing except your own understanding.
"""

import jax, jax.numpy as jnp
import numpy as np

NUM_NODES = 50000
B = 4
N_PER = 8192
D = 128
C = 128


def layer_norm(x, g, b, eps=1e-5):
    m = jnp.mean(x, axis=-1, keepdims=True)
    v = jnp.var(x, axis=-1, keepdims=True)
    return (x - m) / jnp.sqrt(v + eps) * g + b


def setup_inputs(seed: int = 0) -> dict:
    key = jax.random.key(seed)
    ks = jax.random.split(key, 14)
    x = jax.random.normal(ks[0], (B * N_PER, D), dtype=jnp.float32)
    base_x = jax.random.normal(ks[1], (NUM_NODES, D), dtype=jnp.float32)
    indices_subnodes = jax.random.randint(ks[2], (B, N_PER), 0, NUM_NODES)
    # LayerNorm (down) params
    ln_d_g = jnp.ones((D,), jnp.float32)
    ln_d_b = jnp.zeros((D,), jnp.float32)
    # mlp_d: Linear(D, 2D) -> GELU -> (Dropout, identity in eval) -> Linear(2D, C)
    W1d = jax.random.normal(ks[3], (D, 2 * D), jnp.float32) * 0.02
    b1d = jnp.zeros((2 * D,), jnp.float32)
    W2d = jax.random.normal(ks[4], (2 * D, C), jnp.float32) * 0.02
    b2d = jnp.zeros((C,), jnp.float32)
    # LayerNorm (up) params
    ln_u_g = jnp.ones((C,), jnp.float32)
    ln_u_b = jnp.zeros((C,), jnp.float32)
    # mlp_u: Linear(C, 2C) -> GELU -> Linear(2C, D)
    W1u = jax.random.normal(ks[5], (C, 2 * C), jnp.float32) * 0.02
    b1u = jnp.zeros((2 * C,), jnp.float32)
    W2u = jax.random.normal(ks[6], (2 * C, D), jnp.float32) * 0.02
    b2u = jnp.zeros((D,), jnp.float32)
    return {
        "x": x, "base_x": base_x,
        "ln_d_g": ln_d_g, "ln_d_b": ln_d_b,
        "W1d": W1d, "b1d": b1d, "W2d": W2d, "b2d": b2d,
        "ln_u_g": ln_u_g, "ln_u_b": ln_u_b,
        "W1u": W1u, "b1u": b1u, "W2u": W2u, "b2u": b2u,
        "indices_subnodes": indices_subnodes,
    }


def reference(x, base_x, ln_d_g, ln_d_b, W1d, b1d, W2d, b2d,
              ln_u_g, ln_u_b, W1u, b1u, W2u, b2u, indices_subnodes):
    # _to_entire: per-subgraph scatter-add into the entire-node memory, add
    # base node features, then LayerNorm + MLP (Dropout1d is identity in eval).
    entire = []
    for t in range(B):
        seg = x[t * N_PER:(t + 1) * N_PER]
        idx = indices_subnodes[t]
        ta = jnp.zeros((NUM_NODES, D), x.dtype).at[idx].add(seg)
        inp = ta + base_x
        h = layer_norm(inp, ln_d_g, ln_d_b)
        h = jax.nn.gelu(h @ W1d + b1d, approximate=False) @ W2d + b2d
        entire.append(h)
    entire = jnp.stack(entire, axis=0)  # [B, NUM_NODES, C]
    # _from_entire: gather activated rows per subgraph, concat, LN + MLP up.
    gathered = jnp.concatenate(
        [entire[t][indices_subnodes[t]] for t in range(B)], axis=0)
    h = layer_norm(gathered, ln_u_g, ln_u_b)
    out = jax.nn.gelu(h @ W1u + b1u, approximate=False) @ W2u + b2u
    return out  # [B*N_PER, D]

if __name__ == "__main__":
    import jax
    _d = setup_inputs()
    print(jax.jit(kernel)(*tuple(_d.values())))

</pallas_src>

<mosaic_0001>
#map = affine_map<(d0, d1) -> (0, 0)>
module attributes {stable_mosaic.version = 14 : i64} {
  func.func @_sc_body(%arg0: i32, %arg1: i32, %arg2: memref<32768x128xf32, #tpu.memory_space<hbm>>, %arg3: memref<50000x128xf32, #tpu.memory_space<hbm>>, %arg4: memref<256x128xi32, #tpu.memory_space<hbm>>, %arg5: memref<32768x128xf32, #tpu.memory_space<hbm>>, %arg6: memref<32768x128xf32, #tpu.memory_space<hbm>>, %arg7: memref<50000x16xf32, #tpu.memory_space<vmem_shared>>, %arg8: memref<50000x16xf32, #tpu.memory_space<vmem_shared>>, %arg9: memref<8x128xi32, #tpu.memory_space<vmem>>, %arg10: memref<8x128xi32, #tpu.memory_space<vmem>>, %arg11: memref<64x128xf32, #tpu.memory_space<vmem>>, %arg12: memref<512x16xf32, #tpu.memory_space<vmem>>, %arg13: memref<512x16xf32, #tpu.memory_space<vmem>>, %arg14: memref<128x16xf32, #tpu.memory_space<vmem>>, %arg15: memref<!tpu.dma_semaphore, #tpu.memory_space<semaphore_mem>>, %arg16: memref<!tpu.dma_semaphore, #tpu.memory_space<semaphore_mem>>, %arg17: memref<!tpu.dma_semaphore, #tpu.memory_space<semaphore_mem>>) attributes {dimension_semantics = [#tpu.dimension_semantics<core_parallel>, #tpu.dimension_semantics<subcore_parallel>], iteration_bounds = array<i64: 2, 16>, scalar_prefetch = 0 : i64, scratch_operands = 11 : i64, tpu.core_type = #tpu.core_type<sc_vector_subcore>, window_params = [{transform_indices = #map}, {transform_indices = #map}, {transform_indices = #map}, {transform_indices = #map}, {transform_indices = #map}]} {
    %mul3A = arith.constant 16 : i32
    %mul3A_0 = arith.muli %arg0, %mul3A : i32
    %add3A = arith.addi %mul3A_0, %arg1 : i32
    %scan3A = arith.constant 0 : i32
    %scan3A_1 = arith.constant 0 : i32
    %scan3A_2 = arith.constant 128 : i32
    %scan3A_3 = arith.addi %scan3A_1, %scan3A_2 : i32
    %scan3A_4 = arith.constant 1 : i32
    %scan3A_5 = scf.for %scan3A_726 = %scan3A_1 to %scan3A_3 step %scan3A_4 iter_args(%scan3A_727 = %scan3A) -> (i32)  : i32 {
      %broadcast_in_dim3A = arith.constant 0.000000e+00 : f32
      %broadcast_in_dim3A_728 = vector.broadcast %broadcast_in_dim3A : f32 to vector<16xf32>
      %swap3A = arith.index_cast %scan3A_726 : i32 to index
      %swap3A_729 = arith.constant 0 : index
      %swap3A_730 = tpu.vector_load %arg14[%swap3A, %swap3A_729] {strides = array<i32>} : memref<128x16xf32, #tpu.memory_space<vmem>>, vector<1x16xf32>,
      %swap3A_731 = vector.shape_cast %swap3A_730 : vector<1x16xf32> to vector<16xf32>
      %swap3A_732 = vector.shape_cast %broadcast_in_dim3A_728 : vector<16xf32> to vector<1x16xf32>
      tpu.vector_store %arg14[%swap3A, %swap3A_729], %swap3A_732 {strides = array<i32>} : memref<128x16xf32, #tpu.memory_space<vmem>>, vector<1x16xf32>,
      %scan3A_733 = arith.constant 0 : i32
      scf.yield %scan3A_733 : i32
    }
    %scan3A_6 = arith.constant 128 : i32
    %mul3A_7 = arith.constant 3125 : i32
    %mul3A_8 = arith.muli %arg1, %mul3A_7 : i32
    %add3A_9 = arith.constant 0 : i32
    %add3A_10 = arith.addi %mul3A_8, %add3A_9 : i32
    "tpu.region"() ({
      %run_scoped3A = tpu.sem_alloc : memref<!tpu.dma_semaphore, #tpu.memory_space<semaphore_mem>>
      %dma_start3A_726 = arith.constant 0 : i32
      %dma_start3A_727 = tpu.memref_slice %arg7[%add3A_10, %dma_start3A_726] : memref<50000x16xf32, #tpu.memory_space<vmem_shared>> -> memref<128x16xf32, #tpu.memory_space<vmem_shared>>
      %dma_start3A_728 = arith.constant 0 : i32
      %dma_start3A_729 = tpu.memref_slice %arg7[%add3A_10, %dma_start3A_728] : memref<50000x16xf32, #tpu.memory_space<vmem_shared>> -> memref<128x16xf32, #tpu.memory_space<vmem_shared>>
      tpu.enqueue_dma source(%arg14 : memref<128x16xf32, #tpu.memory_space<vmem>>) target(%dma_start3A_729 : memref<128x16xf32, #tpu.memory_space<vmem_shared>>) target_semaphore(%run_scoped3A : memref<!tpu.dma_semaphore, #tpu.memory_space<semaphore_mem>>)
      %dma_wait3A_730 = arith.constant 0 : i32
      %dma_wait3A_731 = tpu.memref_slice %arg7[%add3A_10, %dma_wait3A_730] : memref<50000x16xf32, #tpu.memory_space<vmem_shared>> -> memref<128x16xf32, #tpu.memory_space<vmem_shared>>
      %dma_wait3A_732 = arith.constant 0 : i32
      %dma_wait3A_733 = tpu.memref_slice %arg7[%add3A_10, %dma_wait3A_732] : memref<50000x16xf32, #tpu.memory_space<vmem_shared>> -> memref<128x16xf32, #tpu.memory_space<vmem_shared>>
      tpu.wait_dma2 semaphore(%run_scoped3A : memref<!tpu.dma_semaphore, #tpu.memory_space<semaphore_mem>>) src(%arg14 : memref<128x16xf32, #tpu.memory_space<vmem>>) dst(%dma_wait3A_733 : memref<128x16xf32, #tpu.memory_space<vmem_shared>>)
      tpu.yield
    }) : () -> ()
    %mul3A_11 = arith.constant 3125 : i32
    %mul3A_12 = arith.muli %arg1, %mul3A_11 : i32
    %add3A_13 = arith.constant 128 : i32
    %add3A_14 = arith.addi %mul3A_12, %add3A_13 : i32
    "tpu.region"() ({
      %run_scoped3A = tpu.sem_alloc : memref<!tpu.dma_semaphore, #tpu.memory_space<semaphore_mem>>
      %dma_start3A_726 = arith.constant 0 : i32
      %dma_start3A_727 = tpu.memref_slice %arg7[%add3A_14, %dma_start3A_726] : memref<50000x16xf32, #tpu.memory_space<vmem_shared>> -> memref<128x16xf32, #tpu.memory_space<vmem_shared>>
      %dma_start3A_728 = arith.constant 0 : i32
      %dma_start3A_729 = tpu.memref_slice %arg7[%add3A_14, %dma_start3A_728] : memref<50000x16xf32, #tpu.memory_space<vmem_shared>> -> memref<128x16xf32, #tpu.memory_space<vmem_shared>>
      tpu.enqueue_dma source(%arg14 : memref<128x16xf32, #tpu.memory_space<vmem>>) target(%dma_start3A_729 : memref<128x16xf32, #tpu.memory_space<vmem_shared>>) target_semaphore(%run_scoped3A : memref<!tpu.dma_semaphore, #tpu.memory_space<semaphore_mem>>)
      %dma_wait3A_730 = arith.constant 0 : i32
      %dma_wait3A_731 = tpu.memref_slice %arg7[%add3A_14, %dma_wait3A_730] : memref<50000x16xf32, #tpu.memory_space<vmem_shared>> -> memref<128x16xf32, #tpu.memory_space<vmem_shared>>
      %dma_wait3A_732 = arith.constant 0 : i32
      %dma_wait3A_733 = tpu.memref_slice %arg7[%add3A_14, %dma_wait3A_732] : memref<50000x16xf32, #tpu.memory_space<vmem_shared>> -> memref<128x16xf32, #tpu.memory_space<vmem_shared>>
      tpu.wait_dma2 semaphore(%run_scoped3A : memref<!tpu.dma_semaphore, #tpu.memory_space<semaphore_mem>>) src(%arg14 : memref<128x16xf32, #tpu.memory_space<vmem>>) dst(%dma_wait3A_733 : memref<128x16xf32, #tpu.memory_space<vmem_shared>>)
      tpu.yield
    }) : () -> ()
    %mul3A_15 = arith.constant 3125 : i32
    %mul3A_16 = arith.muli %arg1, %mul3A_15 : i32
    %add3A_17 = arith.constant 256 : i32
    %add3A_18 = arith.addi %mul3A_16, %add3A_17 : i32
    "tpu.region"() ({
      %run_scoped3A = tpu.sem_alloc : memref<!tpu.dma_semaphore, #tpu.memory_space<semaphore_mem>>
      %dma_start3A_726 = arith.constant 0 : i32
      %dma_start3A_727 = tpu.memref_slice %arg7[%add3A_18, %dma_start3A_726] : memref<50000x16xf32, #tpu.memory_space<vmem_shared>> -> memref<128x16xf32, #tpu.memory_space<vmem_shared>>
      %dma_start3A_728 = arith.constant 0 : i32
      %dma_start3A_729 = tpu.memref_slice %arg7[%add3A_18, %dma_start3A_728] : memref<50000x16xf32, #tpu.memory_space<vmem_shared>> -> memref<128x16xf32, #tpu.memory_space<vmem_shared>>
      tpu.enqueue_dma source(%arg14 : memref<128x16xf32, #tpu.memory_space<vmem>>) target(%dma_start3A_729 : memref<128x16xf32, #tpu.memory_space<vmem_shared>>) target_semaphore(%run_scoped3A : memref<!tpu.dma_semaphore, #tpu.memory_space<semaphore_mem>>)
      %dma_wait3A_730 = arith.constant 0 : i32
      %dma_wait3A_731 = tpu.memref_slice %arg7[%add3A_18, %dma_wait3A_730] : memref<50000x16xf32, #tpu.memory_space<vmem_shared>> -> memref<128x16xf32, #tpu.memory_space<vmem_shared>>
      %dma_wait3A_732 = arith.constant 0 : i32
      %dma_wait3A_733 = tpu.memref_slice %arg7[%add3A_18, %dma_wait3A_732] : memref<50000x16xf32, #tpu.memory_space<vmem_shared>> -> memref<128x16xf32, #tpu.memory_space<vmem_shared>>
      tpu.wait_dma2 semaphore(%run_scoped3A : memref<!tpu.dma_semaphore, #tpu.memory_space<semaphore_mem>>) src(%arg14 : memref<128x16xf32, #tpu.memory_space<vmem>>) dst(%dma_wait3A_733 : memref<128x16xf32, #tpu.memory_space<vmem_shared>>)
      tpu.yield
    }) : () -> ()
    %mul3A_19 = arith.constant 3125 : i32
    %mul3A_20 = arith.muli %arg1, %mul3A_19 : i32
    %add3A_21 = arith.constant 384 : i32
    %add3A_22 = arith.addi %mul3A_20, %add3A_21 : i32
    "tpu.region"() ({
      %run_scoped3A = tpu.sem_alloc : memref<!tpu.dma_semaphore, #tpu.memory_space<semaphore_mem>>
      %dma_start3A_726 = arith.constant 0 : i32
      %dma_start3A_727 = tpu.memref_slice %arg7[%add3A_22, %dma_start3A_726] : memref<50000x16xf32, #tpu.memory_space<vmem_shared>> -> memref<128x16xf32, #tpu.memory_space<vmem_shared>>
      %dma_start3A_728 = arith.constant 0 : i32
      %dma_start3A_729 = tpu.memref_slice %arg7[%add3A_22, %dma_start3A_728] : memref<50000x16xf32, #tpu.memory_space<vmem_shared>> -> memref<128x16xf32, #tpu.memory_space<vmem_shared>>
      tpu.enqueue_dma source(%arg14 : memref<128x16xf32, #tpu.memory_space<vmem>>) target(%dma_start3A_729 : memref<128x16xf32, #tpu.memory_space<vmem_shared>>) target_semaphore(%run_scoped3A : memref<!tpu.dma_semaphore, #tpu.memory_space<semaphore_mem>>)
      %dma_wait3A_730 = arith.constant 0 : i32
      %dma_wait3A_731 = tpu.memref_slice %arg7[%add3A_22, %dma_wait3A_730] : memref<50000x16xf32, #tpu.memory_space<vmem_shared>> -> memref<128x16xf32, #tpu.memory_space<vmem_shared>>
      %dma_wait3A_732 = arith.constant 0 : i32
      %dma_wait3A_733 = tpu.memref_slice %arg7[%add3A_22, %dma_wait3A_732] : memref<50000x16xf32, #tpu.memory_space<vmem_shared>> -> memref<128x16xf32, #tpu.memory_space<vmem_shared>>
      tpu.wait_dma2 semaphore(%run_scoped3A : memref<!tpu.dma_semaphore, #tpu.memory_space<semaphore_mem>>) src(%arg14 : memref<128x16xf32, #tpu.memory_space<vmem>>) dst(%dma_wait3A_733 : memref<128x16xf32, #tpu.memory_space<vmem_shared>>)
      tpu.yield
    }) : () -> ()
    %mul3A_23 = arith.constant 3125 : i32
    %mul3A_24 = arith.muli %arg1, %mul3A_23 : i32
    %add3A_25 = arith.constant 512 : i32
    %add3A_26 = arith.addi %mul3A_24, %add3A_25 : i32
    "tpu.region"() ({
      %run_scoped3A = tpu.sem_alloc : memref<!tpu.dma_semaphore, #tpu.memory_space<semaphore_mem>>
      %dma_start3A_726 = arith.constant 0 : i32
      %dma_start3A_727 = tpu.memref_slice %arg7[%add3A_26, %dma_start3A_726] : memref<50000x16xf32, #tpu.memory_space<vmem_shared>> -> memref<128x16xf32, #tpu.memory_space<vmem_shared>>
      %dma_start3A_728 = arith.constant 0 : i32
      %dma_start3A_729 = tpu.memref_slice %arg7[%add3A_26, %dma_start3A_728] : memref<50000x16xf32, #tpu.memory_space<vmem_shared>> -> memref<128x16xf32, #tpu.memory_space<vmem_shared>>
      tpu.enqueue_dma source(%arg14 : memref<128x16xf32, #tpu.memory_space<vmem>>) target(%dma_start3A_729 : memref<128x16xf32, #tpu.memory_space<vmem_shared>>) target_semaphore(%run_scoped3A : memref<!tpu.dma_semaphore, #tpu.memory_space<semaphore_mem>>)
      %dma_wait3A_730 = arith.constant 0 : i32
      %dma_wait3A_731 = tpu.memref_slice %arg7[%add3A_26, %dma_wait3A_730] : memref<50000x16xf32, #tpu.memory_space<vmem_shared>> -> memref<128x16xf32, #tpu.memory_space<vmem_shared>>
      %dma_wait3A_732 = arith.constant 0 : i32
      %dma_wait3A_733 = tpu.memref_slice %arg7[%add3A_26, %dma_wait3A_732] : memref<50000x16xf32, #tpu.memory_space<vmem_shared>> -> memref<128x16xf32, #tpu.memory_space<vmem_shared>>
      tpu.wait_dma2 semaphore(%run_scoped3A : memref<!tpu.dma_semaphore, #tpu.memory_space<semaphore_mem>>) src(%arg14 : memref<128x16xf32, #tpu.memory_space<vmem>>) dst(%dma_wait3A_733 : memref<128x16xf32, #tpu.memory_space<vmem_shared>>)
      tpu.yield
    }) : () -> ()
    %mul3A_27 = arith.constant 3125 : i32
    %mul3A_28 = arith.muli %arg1, %mul3A_27 : i32
    %add3A_29 = arith.constant 640 : i32
    %add3A_30 = arith.addi %mul3A_28, %add3A_29 : i32
    "tpu.region"() ({
      %run_scoped3A = tpu.sem_alloc : memref<!tpu.dma_semaphore, #tpu.memory_space<semaphore_mem>>
      %dma_start3A_726 = arith.constant 0 : i32
      %dma_start3A_727 = tpu.memref_slice %arg7[%add3A_30, %dma_start3A_726] : memref<50000x16xf32, #tpu.memory_space<vmem_shared>> -> memref<128x16xf32, #tpu.memory_space<vmem_shared>>
      %dma_start3A_728 = arith.constant 0 : i32
      %dma_start3A_729 = tpu.memref_slice %arg7[%add3A_30, %dma_start3A_728] : memref<50000x16xf32, #tpu.memory_space<vmem_shared>> -> memref<128x16xf32, #tpu.memory_space<vmem_shared>>
      tpu.enqueue_dma source(%arg14 : memref<128x16xf32, #tpu.memory_space<vmem>>) target(%dma_start3A_729 : memref<128x16xf32, #tpu.memory_space<vmem_shared>>) target_semaphore(%run_scoped3A : memref<!tpu.dma_semaphore, #tpu.memory_space<semaphore_mem>>)
      %dma_wait3A_730 = arith.constant 0 : i32
      %dma_wait3A_731 = tpu.memref_slice %arg7[%add3A_30, %dma_wait3A_730] : memref<50000x16xf32, #tpu.memory_space<vmem_shared>> -> memref<128x16xf32, #tpu.memory_space<vmem_shared>>
      %dma_wait3A_732 = arith.constant 0 : i32
      %dma_wait3A_733 = tpu.memref_slice %arg7[%add3A_30, %dma_wait3A_732] : memref<50000x16xf32, #tpu.memory_space<vmem_shared>> -> memref<128x16xf32, #tpu.memory_space<vmem_shared>>
      tpu.wait_dma2 semaphore(%run_scoped3A : memref<!tpu.dma_semaphore, #tpu.memory_space<semaphore_mem>>) src(%arg14 : memref<128x16xf32, #tpu.memory_space<vmem>>) dst(%dma_wait3A_733 : memref<128x16xf32, #tpu.memory_space<vmem_shared>>)
      tpu.yield
    }) : () -> ()
    %mul3A_31 = arith.constant 3125 : i32
    %mul3A_32 = arith.muli %arg1, %mul3A_31 : i32
    %add3A_33 = arith.constant 768 : i32
    %add3A_34 = arith.addi %mul3A_32, %add3A_33 : i32
    "tpu.region"() ({
      %run_scoped3A = tpu.sem_alloc : memref<!tpu.dma_semaphore, #tpu.memory_space<semaphore_mem>>
      %dma_start3A_726 = arith.constant 0 : i32
      %dma_start3A_727 = tpu.memref_slice %arg7[%add3A_34, %dma_start3A_726] : memref<50000x16xf32, #tpu.memory_space<vmem_shared>> -> memref<128x16xf32, #tpu.memory_space<vmem_shared>>
      %dma_start3A_728 = arith.constant 0 : i32
      %dma_start3A_729 = tpu.memref_slice %arg7[%add3A_34, %dma_start3A_728] : memref<50000x16xf32, #tpu.memory_space<vmem_shared>> -> memref<128x16xf32, #tpu.memory_space<vmem_shared>>
      tpu.enqueue_dma source(%arg14 : memref<128x16xf32, #tpu.memory_space<vmem>>) target(%dma_start3A_729 : memref<128x16xf32, #tpu.memory_space<vmem_shared>>) target_semaphore(%run_scoped3A : memref<!tpu.dma_semaphore, #tpu.memory_space<semaphore_mem>>)
      %dma_wait3A_730 = arith.constant 0 : i32
      %dma_wait3A_731 = tpu.memref_slice %arg7[%add3A_34, %dma_wait3A_730] : memref<50000x16xf32, #tpu.memory_space<vmem_shared>> -> memref<128x16xf32, #tpu.memory_space<vmem_shared>>
      %dma_wait3A_732 = arith.constant 0 : i32
      %dma_wait3A_733 = tpu.memref_slice %arg7[%add3A_34, %dma_wait3A_732] : memref<50000x16xf32, #tpu.memory_space<vmem_shared>> -> memref<128x16xf32, #tpu.memory_space<vmem_shared>>
      tpu.wait_dma2 semaphore(%run_scoped3A : memref<!tpu.dma_semaphore, #tpu.memory_space<semaphore_mem>>) src(%arg14 : memref<128x16xf32, #tpu.memory_space<vmem>>) dst(%dma_wait3A_733 : memref<128x16xf32, #tpu.memory_space<vmem_shared>>)
      tpu.yield
    }) : () -> ()
    %mul3A_35 = arith.constant 3125 : i32
    %mul3A_36 = arith.muli %arg1, %mul3A_35 : i32
    %add3A_37 = arith.constant 896 : i32
    %add3A_38 = arith.addi %mul3A_36, %add3A_37 : i32
    "tpu.region"() ({
      %run_scoped3A = tpu.sem_alloc : memref<!tpu.dma_semaphore, #tpu.memory_space<semaphore_mem>>
      %dma_start3A_726 = arith.constant 0 : i32
      %dma_start3A_727 = tpu.memref_slice %arg7[%add3A_38, %dma_start3A_726] : memref<50000x16xf32, #tpu.memory_space<vmem_shared>> -> memref<128x16xf32, #tpu.memory_space<vmem_shared>>
      %dma_start3A_728 = arith.constant 0 : i32
      %dma_start3A_729 = tpu.memref_slice %arg7[%add3A_38, %dma_start3A_728] : memref<50000x16xf32, #tpu.memory_space<vmem_shared>> -> memref<128x16xf32, #tpu.memory_space<vmem_shared>>
      tpu.enqueue_dma source(%arg14 : memref<128x16xf32, #tpu.memory_space<vmem>>) target(%dma_start3A_729 : memref<128x16xf32, #tpu.memory_space<vmem_shared>>) target_semaphore(%run_scoped3A : memref<!tpu.dma_semaphore, #tpu.memory_space<semaphore_mem>>)
      %dma_wait3A_730 = arith.constant 0 : i32
      %dma_wait3A_731 = tpu.memref_slice %arg7[%add3A_38, %dma_wait3A_730] : memref<50000x16xf32, #tpu.memory_space<vmem_shared>> -> memref<128x16xf32, #tpu.memory_space<vmem_shared>>
      %dma_wait3A_732 = arith.constant 0 : i32
      %dma_wait3A_733 = tpu.memref_slice %arg7[%add3A_38, %dma_wait3A_732] : memref<50000x16xf32, #tpu.memory_space<vmem_shared>> -> memref<128x16xf32, #tpu.memory_space<vmem_shared>>
      tpu.wait_dma2 semaphore(%run_scoped3A : memref<!tpu.dma_semaphore, #tpu.memory_space<semaphore_mem>>) src(%arg14 : memref<128x16xf32, #tpu.memory_space<vmem>>) dst(%dma_wait3A_733 : memref<128x16xf32, #tpu.memory_space<vmem_shared>>)
      tpu.yield
    }) : () -> ()
    %mul3A_39 = arith.constant 3125 : i32
    %mul3A_40 = arith.muli %arg1, %mul3A_39 : i32
    %add3A_41 = arith.constant 1024 : i32
    %add3A_42 = arith.addi %mul3A_40, %add3A_41 : i32
    "tpu.region"() ({
      %run_scoped3A = tpu.sem_alloc : memref<!tpu.dma_semaphore, #tpu.memory_space<semaphore_mem>>
      %dma_start3A_726 = arith.constant 0 : i32
      %dma_start3A_727 = tpu.memref_slice %arg7[%add3A_42, %dma_start3A_726] : memref<50000x16xf32, #tpu.memory_space<vmem_shared>> -> memref<128x16xf32, #tpu.memory_space<vmem_shared>>
      %dma_start3A_728 = arith.constant 0 : i32
      %dma_start3A_729 = tpu.memref_slice %arg7[%add3A_42, %dma_start3A_728] : memref<50000x16xf32, #tpu.memory_space<vmem_shared>> -> memref<128x16xf32, #tpu.memory_space<vmem_shared>>
      tpu.enqueue_dma source(%arg14 : memref<128x16xf32, #tpu.memory_space<vmem>>) target(%dma_start3A_729 : memref<128x16xf32, #tpu.memory_space<vmem_shared>>) target_semaphore(%run_scoped3A : memref<!tpu.dma_semaphore, #tpu.memory_space<semaphore_mem>>)
      %dma_wait3A_730 = arith.constant 0 : i32
      %dma_wait3A_731 = tpu.memref_slice %arg7[%add3A_42, %dma_wait3A_730] : memref<50000x16xf32, #tpu.memory_space<vmem_shared>> -> memref<128x16xf32, #tpu.memory_space<vmem_shared>>
      %dma_wait3A_732 = arith.constant 0 : i32
      %dma_wait3A_733 = tpu.memref_slice %arg7[%add3A_42, %dma_wait3A_732] : memref<50000x16xf32, #tpu.memory_space<vmem_shared>> -> memref<128x16xf32, #tpu.memory_space<vmem_shared>>
      tpu.wait_dma2 semaphore(%run_scoped3A : memref<!tpu.dma_semaphore, #tpu.memory_space<semaphore_mem>>) src(%arg14 : memref<128x16xf32, #tpu.memory_space<vmem>>) dst(%dma_wait3A_733 : memref<128x16xf32, #tpu.memory_space<vmem_shared>>)
      tpu.yield
    }) : () -> ()
    %mul3A_43 = arith.constant 3125 : i32
    %mul3A_44 = arith.muli %arg1, %mul3A_43 : i32
    %add3A_45 = arith.constant 1152 : i32
    %add3A_46 = arith.addi %mul3A_44, %add3A_45 : i32
    "tpu.region"() ({
      %run_scoped3A = tpu.sem_alloc : memref<!tpu.dma_semaphore, #tpu.memory_space<semaphore_mem>>
      %dma_start3A_726 = arith.constant 0 : i32
      %dma_start3A_727 = tpu.memref_slice %arg7[%add3A_46, %dma_start3A_726] : memref<50000x16xf32, #tpu.memory_space<vmem_shared>> -> memref<128x16xf32, #tpu.memory_space<vmem_shared>>
      %dma_start3A_728 = arith.constant 0 : i32
      %dma_start3A_729 = tpu.memref_slice %arg7[%add3A_46, %dma_start3A_728] : memref<50000x16xf32, #tpu.memory_space<vmem_shared>> -> memref<128x16xf32, #tpu.memory_space<vmem_shared>>
      tpu.enqueue_dma source(%arg14 : memref<128x16xf32, #tpu.memory_space<vmem>>) target(%dma_start3A_729 : memref<128x16xf32, #tpu.memory_space<vmem_shared>>) target_semaphore(%run_scoped3A : memref<!tpu.dma_semaphore, #tpu.memory_space<semaphore_mem>>)
      %dma_wait3A_730 = arith.constant 0 : i32
      %dma_wait3A_731 = tpu.memref_slice %arg7[%add3A_46, %dma_wait3A_730] : memref<50000x16xf32, #tpu.memory_space<vmem_shared>> -> memref<128x16xf32, #tpu.memory_space<vmem_shared>>
      %dma_wait3A_732 = arith.constant 0 : i32
      %dma_wait3A_733 = tpu.memref_slice %arg7[%add3A_46, %dma_wait3A_732] : memref<50000x16xf32, #tpu.memory_space<vmem_shared>> -> memref<128x16xf32, #tpu.memory_space<vmem_shared>>
      tpu.wait_dma2 semaphore(%run_scoped3A : memref<!tpu.dma_semaphore, #tpu.memory_space<semaphore_mem>>) src(%arg14 : memref<128x16xf32, #tpu.memory_space<vmem>>) dst(%dma_wait3A_733 : memref<128x16xf32, #tpu.memory_space<vmem_shared>>)
      tpu.yield
    }) : () -> ()
    %mul3A_47 = arith.constant 3125 : i32
    %mul3A_48 = arith.muli %arg1, %mul3A_47 : i32
    %add3A_49 = arith.constant 1280 : i32
    %add3A_50 = arith.addi %mul3A_48, %add3A_49 : i32
    "tpu.region"() ({
      %run_scoped3A = tpu.sem_alloc : memref<!tpu.dma_semaphore, #tpu.memory_space<semaphore_mem>>
      %dma_start3A_726 = arith.constant 0 : i32
      %dma_start3A_727 = tpu.memref_slice %arg7[%add3A_50, %dma_start3A_726] : memref<50000x16xf32, #tpu.memory_space<vmem_shared>> -> memref<128x16xf32, #tpu.memory_space<vmem_shared>>
      %dma_start3A_728 = arith.constant 0 : i32
      %dma_start3A_729 = tpu.memref_slice %arg7[%add3A_50, %dma_start3A_728] : memref<50000x16xf32, #tpu.memory_space<vmem_shared>> -> memref<128x16xf32, #tpu.memory_space<vmem_shared>>
      tpu.enqueue_dma source(%arg14 : memref<128x16xf32, #tpu.memory_space<vmem>>) target(%dma_start3A_729 : memref<128x16xf32, #tpu.memory_space<vmem_shared>>) target_semaphore(%run_scoped3A : memref<!tpu.dma_semaphore, #tpu.memory_space<semaphore_mem>>)
      %dma_wait3A_730 = arith.constant 0 : i32
      %dma_wait3A_731 = tpu.memref_slice %arg7[%add3A_50, %dma_wait3A_730] : memref<50000x16xf32, #tpu.memory_space<vmem_shared>> -> memref<128x16xf32, #tpu.memory_space<vmem_shared>>
      %dma_wait3A_732 = arith.constant 0 : i32
      %dma_wait3A_733 = tpu.memref_slice %arg7[%add3A_50, %dma_wait3A_732] : memref<50000x16xf32, #tpu.memory_space<vmem_shared>> -> memref<128x16xf32, #tpu.memory_space<vmem_shared>>
      tpu.wait_dma2 semaphore(%run_scoped3A : memref<!tpu.dma_semaphore, #tpu.memory_space<semaphore_mem>>) src(%arg14 : memref<128x16xf32, #tpu.memory_space<vmem>>) dst(%dma_wait3A_733 : memref<128x16xf32, #tpu.memory_space<vmem_shared>>)
      tpu.yield
    }) : () -> ()
    %mul3A_51 = arith.constant 3125 : i32
    %mul3A_52 = arith.muli %arg1, %mul3A_51 : i32
    %add3A_53 = arith.constant 1408 : i32
    %add3A_54 = arith.addi %mul3A_52, %add3A_53 : i32
    "tpu.region"() ({
      %run_scoped3A = tpu.sem_alloc : memref<!tpu.dma_semaphore, #tpu.memory_space<semaphore_mem>>
      %dma_start3A_726 = arith.constant 0 : i32
      %dma_start3A_727 = tpu.memref_slice %arg7[%add3A_54, %dma_start3A_726] : memref<50000x16xf32, #tpu.memory_space<vmem_shared>> -> memref<128x16xf32, #tpu.memory_space<vmem_shared>>
      %dma_start3A_728 = arith.constant 0 : i32
      %dma_start3A_729 = tpu.memref_slice %arg7[%add3A_54, %dma_start3A_728] : memref<50000x16xf32, #tpu.memory_space<vmem_shared>> -> memref<128x16xf32, #tpu.memory_space<vmem_shared>>
      tpu.enqueue_dma source(%arg14 : memref<128x16xf32, #tpu.memory_space<vmem>>) target(%dma_start3A_729 : memref<128x16xf32, #tpu.memory_space<vmem_shared>>) target_semaphore(%run_scoped3A : memref<!tpu.dma_semaphore, #tpu.memory_space<semaphore_mem>>)
      %dma_wait3A_730 = arith.constant 0 : i32
      %dma_wait3A_731 = tpu.memref_slice %arg7[%add3A_54, %dma_wait3A_730] : memref<50000x16xf32, #tpu.memory_space<vmem_shared>> -> memref<128x16xf32, #tpu.memory_space<vmem_shared>>
      %dma_wait3A_732 = arith.constant 0 : i32
      %dma_wait3A_733 = tpu.memref_slice %arg7[%add3A_54, %dma_wait3A_732] : memref<50000x16xf32, #tpu.memory_space<vmem_shared>> -> memref<128x16xf32, #tpu.memory_space<vmem_shared>>
      tpu.wait_dma2 semaphore(%run_scoped3A : memref<!tpu.dma_semaphore, #tpu.memory_space<semaphore_mem>>) src(%arg14 : memref<128x16xf32, #tpu.memory_space<vmem>>) dst(%dma_wait3A_733 : memref<128x16xf32, #tpu.memory_space<vmem_shared>>)
      tpu.yield
    }) : () -> ()
    %mul3A_55 = arith.constant 3125 : i32
    %mul3A_56 = arith.muli %arg1, %mul3A_55 : i32
    %add3A_57 = arith.constant 1536 : i32
    %add3A_58 = arith.addi %mul3A_56, %add3A_57 : i32
    "tpu.region"() ({
      %run_scoped3A = tpu.sem_alloc : memref<!tpu.dma_semaphore, #tpu.memory_space<semaphore_mem>>
      %dma_start3A_726 = arith.constant 0 : i32
      %dma_start3A_727 = tpu.memref_slice %arg7[%add3A_58, %dma_start3A_726] : memref<50000x16xf32, #tpu.memory_space<vmem_shared>> -> memref<128x16xf32, #tpu.memory_space<vmem_shared>>
      %dma_start3A_728 = arith.constant 0 : i32
      %dma_start3A_729 = tpu.memref_slice %arg7[%add3A_58, %dma_start3A_728] : memref<50000x16xf32, #tpu.memory_space<vmem_shared>> -> memref<128x16xf32, #tpu.memory_space<vmem_shared>>
      tpu.enqueue_dma source(%arg14 : memref<128x16xf32, #tpu.memory_space<vmem>>) target(%dma_start3A_729 : memref<128x16xf32, #tpu.memory_space<vmem_shared>>) target_semaphore(%run_scoped3A : memref<!tpu.dma_semaphore, #tpu.memory_space<semaphore_mem>>)
      %dma_wait3A_730 = arith.constant 0 : i32
      %dma_wait3A_731 = tpu.memref_slice %arg7[%add3A_58, %dma_wait3A_730] : memref<50000x16xf32, #tpu.memory_space<vmem_shared>> -> memref<128x16xf32, #tpu.memory_space<vmem_shared>>
      %dma_wait3A_732 = arith.constant 0 : i32
      %dma_wait3A_733 = tpu.memref_slice %arg7[%add3A_58, %dma_wait3A_732] : memref<50000x16xf32, #tpu.memory_space<vmem_shared>> -> memref<128x16xf32, #tpu.memory_space<vmem_shared>>
      tpu.wait_dma2 semaphore(%run_scoped3A : memref<!tpu.dma_semaphore, #tpu.memory_space<semaphore_mem>>) src(%arg14 : memref<128x16xf32, #tpu.memory_space<vmem>>) dst(%dma_wait3A_733 : memref<128x16xf32, #tpu.memory_space<vmem_shared>>)
      tpu.yield
    }) : () -> ()
    %mul3A_59 = arith.constant 3125 : i32
    %mul3A_60 = arith.muli %arg1, %mul3A_59 : i32
    %add3A_61 = arith.constant 1664 : i32
    %add3A_62 = arith.addi %mul3A_60, %add3A_61 : i32
    "tpu.region"() ({
      %run_scoped3A = tpu.sem_alloc : memref<!tpu.dma_semaphore, #tpu.memory_space<semaphore_mem>>
      %dma_start3A_726 = arith.constant 0 : i32
      %dma_start3A_727 = tpu.memref_slice %arg7[%add3A_62, %dma_start3A_726] : memref<50000x16xf32, #tpu.memory_space<vmem_shared>> -> memref<128x16xf32, #tpu.memory_space<vmem_shared>>
      %dma_start3A_728 = arith.constant 0 : i32
      %dma_start3A_729 = tpu.memref_slice %arg7[%add3A_62, %dma_start3A_728] : memref<50000x16xf32, #tpu.memory_space<vmem_shared>> -> memref<128x16xf32, #tpu.memory_space<vmem_shared>>
      tpu.enqueue_dma source(%arg14 : memref<128x16xf32, #tpu.memory_space<vmem>>) target(%dma_start3A_729 : memref<128x16xf32, #tpu.memory_space<vmem_shared>>) target_semaphore(%run_scoped3A : memref<!tpu.dma_semaphore, #tpu.memory_space<semaphore_mem>>)
      %dma_wait3A_730 = arith.constant 0 : i32
      %dma_wait3A_731 = tpu.memref_slice %arg7[%add3A_62, %dma_wait3A_730] : memref<50000x16xf32, #tpu.memory_space<vmem_shared>> -> memref<128x16xf32, #tpu.memory_space<vmem_shared>>
      %dma_wait3A_732 = arith.constant 0 : i32
      %dma_wait3A_733 = tpu.memref_slice %arg7[%add3A_62, %dma_wait3A_732] : memref<50000x16xf32, #tpu.memory_space<vmem_shared>> -> memref<128x16xf32, #tpu.memory_space<vmem_shared>>
      tpu.wait_dma2 semaphore(%run_scoped3A : memref<!tpu.dma_semaphore, #tpu.memory_space<semaphore_mem>>) src(%arg14 : memref<128x16xf32, #tpu.memory_space<vmem>>) dst(%dma_wait3A_733 : memref<128x16xf32, #tpu.memory_space<vmem_shared>>)
      tpu.yield
    }) : () -> ()
    %mul3A_63 = arith.constant 3125 : i32
    %mul3A_64 = arith.muli %arg1, %mul3A_63 : i32
    %add3A_65 = arith.constant 1792 : i32
    %add3A_66 = arith.addi %mul3A_64, %add3A_65 : i32
    "tpu.region"() ({
      %run_scoped3A = tpu.sem_alloc : memref<!tpu.dma_semaphore, #tpu.memory_space<semaphore_mem>>
      %dma_start3A_726 = arith.constant 0 : i32
      %dma_start3A_727 = tpu.memref_slice %arg7[%add3A_66, %dma_start3A_726] : memref<50000x16xf32, #tpu.memory_space<vmem_shared>> -> memref<128x16xf32, #tpu.memory_space<vmem_shared>>
      %dma_start3A_728 = arith.constant 0 : i32
      %dma_start3A_729 = tpu.memref_slice %arg7[%add3A_66, %dma_start3A_728] : memref<50000x16xf32, #tpu.memory_space<vmem_shared>> -> memref<128x16xf32, #tpu.memory_space<vmem_shared>>
      tpu.enqueue_dma source(%arg14 : memref<128x16xf32, #tpu.memory_space<vmem>>) target(%dma_start3A_729 : memref<128x16xf32, #tpu.memory_space<vmem_shared>>) target_semaphore(%run_scoped3A : memref<!tpu.dma_semaphore, #tpu.memory_space<semaphore_mem>>)
      %dma_wait3A_730 = arith.constant 0 : i32
      %dma_wait3A_731 = tpu.memref_slice %arg7[%add3A_66, %dma_wait3A_730] : memref<50000x16xf32, #tpu.memory_space<vmem_shared>> -> memref<128x16xf32, #tpu.memory_space<vmem_shared>>
      %dma_wait3A_732 = arith.constant 0 : i32
      %dma_wait3A_733 = tpu.memref_slice %arg7[%add3A_66, %dma_wait3A_732] : memref<50000x16xf32, #tpu.memory_space<vmem_shared>> -> memref<128x16xf32, #tpu.memory_space<vmem_shared>>
      tpu.wait_dma2 semaphore(%run_scoped3A : memref<!tpu.dma_semaphore, #tpu.memory_space<semaphore_mem>>) src(%arg14 : memref<128x16xf32, #tpu.memory_space<vmem>>) dst(%dma_wait3A_733 : memref<128x16xf32, #tpu.memory_space<vmem_shared>>)
      tpu.yield
    }) : () -> ()
    %mul3A_67 = arith.constant 3125 : i32
    %mul3A_68 = arith.muli %arg1, %mul3A_67 : i32
    %add3A_69 = arith.constant 1920 : i32
    %add3A_70 = arith.addi %mul3A_68, %add3A_69 : i32
    "tpu.region"() ({
      %run_scoped3A = tpu.sem_alloc : memref<!tpu.dma_semaphore, #tpu.memory_space<semaphore_mem>>
      %dma_start3A_726 = arith.constant 0 : i32
      %dma_start3A_727 = tpu.memref_slice %arg7[%add3A_70, %dma_start3A_726] : memref<50000x16xf32, #tpu.memory_space<vmem_shared>> -> memref<128x16xf32, #tpu.memory_space<vmem_shared>>
      %dma_start3A_728 = arith.constant 0 : i32
      %dma_start3A_729 = tpu.memref_slice %arg7[%add3A_70, %dma_start3A_728] : memref<50000x16xf32, #tpu.memory_space<vmem_shared>> -> memref<128x16xf32, #tpu.memory_space<vmem_shared>>
      tpu.enqueue_dma source(%arg14 : memref<128x16xf32, #tpu.memory_space<vmem>>) target(%dma_start3A_729 : memref<128x16xf32, #tpu.memory_space<vmem_shared>>) target_semaphore(%run_scoped3A : memref<!tpu.dma_semaphore, #tpu.memory_space<semaphore_mem>>)
      %dma_wait3A_730 = arith.constant 0 : i32
      %dma_wait3A_731 = tpu.memref_slice %arg7[%add3A_70, %dma_wait3A_730] : memref<50000x16xf32, #tpu.memory_space<vmem_shared>> -> memref<128x16xf32, #tpu.memory_space<vmem_shared>>
      %dma_wait3A_732 = arith.constant 0 : i32
      %dma_wait3A_733 = tpu.memref_slice %arg7[%add3A_70, %dma_wait3A_732] : memref<50000x16xf32, #tpu.memory_space<vmem_shared>> -> memref<128x16xf32, #tpu.memory_space<vmem_shared>>
      tpu.wait_dma2 semaphore(%run_scoped3A : memref<!tpu.dma_semaphore, #tpu.memory_space<semaphore_mem>>) src(%arg14 : memref<128x16xf32, #tpu.memory_space<vmem>>) dst(%dma_wait3A_733 : memref<128x16xf32, #tpu.memory_space<vmem_shared>>)
      tpu.yield
    }) : () -> ()
    %mul3A_71 = arith.constant 3125 : i32
    %mul3A_72 = arith.muli %arg1, %mul3A_71 : i32
    %add3A_73 = arith.constant 2048 : i32
    %add3A_74 = arith.addi %mul3A_72, %add3A_73 : i32
    "tpu.region"() ({
      %run_scoped3A = tpu.sem_alloc : memref<!tpu.dma_semaphore, #tpu.memory_space<semaphore_mem>>
      %dma_start3A_726 = arith.constant 0 : i32
      %dma_start3A_727 = tpu.memref_slice %arg7[%add3A_74, %dma_start3A_726] : memref<50000x16xf32, #tpu.memory_space<vmem_shared>> -> memref<128x16xf32, #tpu.memory_space<vmem_shared>>
      %dma_start3A_728 = arith.constant 0 : i32
      %dma_start3A_729 = tpu.memref_slice %arg7[%add3A_74, %dma_start3A_728] : memref<50000x16xf32, #tpu.memory_space<vmem_shared>> -> memref<128x16xf32, #tpu.memory_space<vmem_shared>>
      tpu.enqueue_dma source(%arg14 : memref<128x16xf32, #tpu.memory_space<vmem>>) target(%dma_start3A_729 : memref<128x16xf32, #tpu.memory_space<vmem_shared>>) target_semaphore(%run_scoped3A : memref<!tpu.dma_semaphore, #tpu.memory_space<semaphore_mem>>)
      %dma_wait3A_730 = arith.constant 0 : i32
      %dma_wait3A_731 = tpu.memref_slice %arg7[%add3A_74, %dma_wait3A_730] : memref<50000x16xf32, #tpu.memory_space<vmem_shared>> -> memref<128x16xf32, #tpu.memory_space<vmem_shared>>
      %dma_wait3A_732 = arith.constant 0 : i32
      %dma_wait3A_733 = tpu.memref_slice %arg7[%add3A_74, %dma_wait3A_732] : memref<50000x16xf32, #tpu.memory_space<vmem_shared>> -> memref<128x16xf32, #tpu.memory_space<vmem_shared>>
      tpu.wait_dma2 semaphore(%run_scoped3A : memref<!tpu.dma_semaphore, #tpu.memory_space<semaphore_mem>>) src(%arg14 : memref<128x16xf32, #tpu.memory_space<vmem>>) dst(%dma_wait3A_733 : memref<128x16xf32, #tpu.memory_space<vmem_shared>>)
      tpu.yield
    }) : () -> ()
    %mul3A_75 = arith.constant 3125 : i32
    %mul3A_76 = arith.muli %arg1, %mul3A_75 : i32
    %add3A_77 = arith.constant 2176 : i32
    %add3A_78 = arith.addi %mul3A_76, %add3A_77 : i32
    "tpu.region"() ({
      %run_scoped3A = tpu.sem_alloc : memref<!tpu.dma_semaphore, #tpu.memory_space<semaphore_mem>>
      %dma_start3A_726 = arith.constant 0 : i32
      %dma_start3A_727 = tpu.memref_slice %arg7[%add3A_78, %dma_start3A_726] : memref<50000x16xf32, #tpu.memory_space<vmem_shared>> -> memref<128x16xf32, #tpu.memory_space<vmem_shared>>
      %dma_start3A_728 = arith.constant 0 : i32
      %dma_start3A_729 = tpu.memref_slice %arg7[%add3A_78, %dma_start3A_728] : memref<50000x16xf32, #tpu.memory_space<vmem_shared>> -> memref<128x16xf32, #tpu.memory_space<vmem_shared>>
      tpu.enqueue_dma source(%arg14 : memref<128x16xf32, #tpu.memory_space<vmem>>) target(%dma_start3A_729 : memref<128x16xf32, #tpu.memory_space<vmem_shared>>) target_semaphore(%run_scoped3A : memref<!tpu.dma_semaphore, #tpu.memory_space<semaphore_mem>>)
      %dma_wait3A_730 = arith.constant 0 : i32
      %dma_wait3A_731 = tpu.memref_slice %arg7[%add3A_78, %dma_wait3A_730] : memref<50000x16xf32, #tpu.memory_space<vmem_shared>> -> memref<128x16xf32, #tpu.memory_space<vmem_shared>>
      %dma_wait3A_732 = arith.constant 0 : i32
      %dma_wait3A_733 = tpu.memref_slice %arg7[%add3A_78, %dma_wait3A_732] : memref<50000x16xf32, #tpu.memory_space<vmem_shared>> -> memref<128x16xf32, #tpu.memory_space<vmem_shared>>
      tpu.wait_dma2 semaphore(%run_scoped3A : memref<!tpu.dma_semaphore, #tpu.memory_space<semaphore_mem>>) src(%arg14 : memref<128x16xf32, #tpu.memory_space<vmem>>) dst(%dma_wait3A_733 : memref<128x16xf32, #tpu.memory_space<vmem_shared>>)
      tpu.yield
    }) : () -> ()
    %mul3A_79 = arith.constant 3125 : i32
    %mul3A_80 = arith.muli %arg1, %mul3A_79 : i32
    %add3A_81 = arith.constant 2304 : i32
    %add3A_82 = arith.addi %mul3A_80, %add3A_81 : i32
    "tpu.region"() ({
      %run_scoped3A = tpu.sem_alloc : memref<!tpu.dma_semaphore, #tpu.memory_space<semaphore_mem>>
      %dma_start3A_726 = arith.constant 0 : i32
      %dma_start3A_727 = tpu.memref_slice %arg7[%add3A_82, %dma_start3A_726] : memref<50000x16xf32, #tpu.memory_space<vmem_shared>> -> memref<128x16xf32, #tpu.memory_space<vmem_shared>>
      %dma_start3A_728 = arith.constant 0 : i32
      %dma_start3A_729 = tpu.memref_slice %arg7[%add3A_82, %dma_start3A_728] : memref<50000x16xf32, #tpu.memory_space<vmem_shared>> -> memref<128x16xf32, #tpu.memory_space<vmem_shared>>
      tpu.enqueue_dma source(%arg14 : memref<128x16xf32, #tpu.memory_space<vmem>>) target(%dma_start3A_729 : memref<128x16xf32, #tpu.memory_space<vmem_shared>>) target_semaphore(%run_scoped3A : memref<!tpu.dma_semaphore, #tpu.memory_space<semaphore_mem>>)
      %dma_wait3A_730 = arith.constant 0 : i32
      %dma_wait3A_731 = tpu.memref_slice %arg7[%add3A_82, %dma_wait3A_730] : memref<50000x16xf32, #tpu.memory_space<vmem_shared>> -> memref<128x16xf32, #tpu.memory_space<vmem_shared>>
      %dma_wait3A_732 = arith.constant 0 : i32
      %dma_wait3A_733 = tpu.memref_slice %arg7[%add3A_82, %dma_wait3A_732] : memref<50000x16xf32, #tpu.memory_space<vmem_shared>> -> memref<128x16xf32, #tpu.memory_space<vmem_shared>>
      tpu.wait_dma2 semaphore(%run_scoped3A : memref<!tpu.dma_semaphore, #tpu.memory_space<semaphore_mem>>) src(%arg14 : memref<128x16xf32, #tpu.memory_space<vmem>>) dst(%dma_wait3A_733 : memref<128x16xf32, #tpu.memory_space<vmem_shared>>)
      tpu.yield
    }) : () -> ()
    %mul3A_83 = arith.constant 3125 : i32
    %mul3A_84 = arith.muli %arg1, %mul3A_83 : i32
    %add3A_85 = arith.constant 2432 : i32
    %add3A_86 = arith.addi %mul3A_84, %add3A_85 : i32
    "tpu.region"() ({
      %run_scoped3A = tpu.sem_alloc : memref<!tpu.dma_semaphore, #tpu.memory_space<semaphore_mem>>
      %dma_start3A_726 = arith.constant 0 : i32
      %dma_start3A_727 = tpu.memref_slice %arg7[%add3A_86, %dma_start3A_726] : memref<50000x16xf32, #tpu.memory_space<vmem_shared>> -> memref<128x16xf32, #tpu.memory_space<vmem_shared>>
      %dma_start3A_728 = arith.constant 0 : i32
      %dma_start3A_729 = tpu.memref_slice %arg7[%add3A_86, %dma_start3A_728] : memref<50000x16xf32, #tpu.memory_space<vmem_shared>> -> memref<128x16xf32, #tpu.memory_space<vmem_shared>>
      tpu.enqueue_dma source(%arg14 : memref<128x16xf32, #tpu.memory_space<vmem>>) target(%dma_start3A_729 : memref<128x16xf32, #tpu.memory_space<vmem_shared>>) target_semaphore(%run_scoped3A : memref<!tpu.dma_semaphore, #tpu.memory_space<semaphore_mem>>)
      %dma_wait3A_730 = arith.constant 0 : i32
      %dma_wait3A_731 = tpu.memref_slice %arg7[%add3A_86, %dma_wait3A_730] : memref<50000x16xf32, #tpu.memory_space<vmem_shared>> -> memref<128x16xf32, #tpu.memory_space<vmem_shared>>
      %dma_wait3A_732 = arith.constant 0 : i32
      %dma_wait3A_733 = tpu.memref_slice %arg7[%add3A_86, %dma_wait3A_732] : memref<50000x16xf32, #tpu.memory_space<vmem_shared>> -> memref<128x16xf32, #tpu.memory_space<vmem_shared>>
      tpu.wait_dma2 semaphore(%run_scoped3A : memref<!tpu.dma_semaphore, #tpu.memory_space<semaphore_mem>>) src(%arg14 : memref<128x16xf32, #tpu.memory_space<vmem>>) dst(%dma_wait3A_733 : memref<128x16xf32, #tpu.memory_space<vmem_shared>>)
      tpu.yield
    }) : () -> ()
    %mul3A_87 = arith.constant 3125 : i32
    %mul3A_88 = arith.muli %arg1, %mul3A_87 : i32
    %add3A_89 = arith.constant 2560 : i32
    %add3A_90 = arith.addi %mul3A_88, %add3A_89 : i32
    "tpu.region"() ({
      %run_scoped3A = tpu.sem_alloc : memref<!tpu.dma_semaphore, #tpu.memory_space<semaphore_mem>>
      %dma_start3A_726 = arith.constant 0 : i32
      %dma_start3A_727 = tpu.memref_slice %arg7[%add3A_90, %dma_start3A_726] : memref<50000x16xf32, #tpu.memory_space<vmem_shared>> -> memref<128x16xf32, #tpu.memory_space<vmem_shared>>
      %dma_start3A_728 = arith.constant 0 : i32
      %dma_start3A_729 = tpu.memref_slice %arg7[%add3A_90, %dma_start3A_728] : memref<50000x16xf32, #tpu.memory_space<vmem_shared>> -> memref<128x16xf32, #tpu.memory_space<vmem_shared>>
      tpu.enqueue_dma source(%arg14 : memref<128x16xf32, #tpu.memory_space<vmem>>) target(%dma_start3A_729 : memref<128x16xf32, #tpu.memory_space<vmem_shared>>) target_semaphore(%run_scoped3A : memref<!tpu.dma_semaphore, #tpu.memory_space<semaphore_mem>>)
      %dma_wait3A_730 = arith.constant 0 : i32
      %dma_wait3A_731 = tpu.memref_slice %arg7[%add3A_90, %dma_wait3A_730] : memref<50000x16xf32, #tpu.memory_space<vmem_shared>> -> memref<128x16xf32, #tpu.memory_space<vmem_shared>>
      %dma_wait3A_732 = arith.constant 0 : i32
      %dma_wait3A_733 = tpu.memref_slice %arg7[%add3A_90, %dma_wait3A_732] : memref<50000x16xf32, #tpu.memory_space<vmem_shared>> -> memref<128x16xf32, #tpu.memory_space<vmem_shared>>
      tpu.wait_dma2 semaphore(%run_scoped3A : memref<!tpu.dma_semaphore, #tpu.memory_space<semaphore_mem>>) src(%arg14 : memref<128x16xf32, #tpu.memory_space<vmem>>) dst(%dma_wait3A_733 : memref<128x16xf32, #tpu.memory_space<vmem_shared>>)
      tpu.yield
    }) : () -> ()
    %mul3A_91 = arith.constant 3125 : i32
    %mul3A_92 = arith.muli %arg1, %mul3A_91 : i32
    %add3A_93 = arith.constant 2688 : i32
    %add3A_94 = arith.addi %mul3A_92, %add3A_93 : i32
    "tpu.region"() ({
      %run_scoped3A = tpu.sem_alloc : memref<!tpu.dma_semaphore, #tpu.memory_space<semaphore_mem>>
      %dma_start3A_726 = arith.constant 0 : i32
      %dma_start3A_727 = tpu.memref_slice %arg7[%add3A_94, %dma_start3A_726] : memref<50000x16xf32, #tpu.memory_space<vmem_shared>> -> memref<128x16xf32, #tpu.memory_space<vmem_shared>>
      %dma_start3A_728 = arith.constant 0 : i32
      %dma_start3A_729 = tpu.memref_slice %arg7[%add3A_94, %dma_start3A_728] : memref<50000x16xf32, #tpu.memory_space<vmem_shared>> -> memref<128x16xf32, #tpu.memory_space<vmem_shared>>
      tpu.enqueue_dma source(%arg14 : memref<128x16xf32, #tpu.memory_space<vmem>>) target(%dma_start3A_729 : memref<128x16xf32, #tpu.memory_space<vmem_shared>>) target_semaphore(%run_scoped3A : memref<!tpu.dma_semaphore, #tpu.memory_space<semaphore_mem>>)
      %dma_wait3A_730 = arith.constant 0 : i32
      %dma_wait3A_731 = tpu.memref_slice %arg7[%add3A_94, %dma_wait3A_730] : memref<50000x16xf32, #tpu.memory_space<vmem_shared>> -> memref<128x16xf32, #tpu.memory_space<vmem_shared>>
      %dma_wait3A_732 = arith.constant 0 : i32
      %dma_wait3A_733 = tpu.memref_slice %arg7[%add3A_94, %dma_wait3A_732] : memref<50000x16xf32, #tpu.memory_space<vmem_shared>> -> memref<128x16xf32, #tpu.memory_space<vmem_shared>>
      tpu.wait_dma2 semaphore(%run_scoped3A : memref<!tpu.dma_semaphore, #tpu.memory_space<semaphore_mem>>) src(%arg14 : memref<128x16xf32, #tpu.memory_space<vmem>>) dst(%dma_wait3A_733 : memref<128x16xf32, #tpu.memory_space<vmem_shared>>)
      tpu.yield
    }) : () -> ()
    %mul3A_95 = arith.constant 3125 : i32
    %mul3A_96 = arith.muli %arg1, %mul3A_95 : i32
    %add3A_97 = arith.constant 2816 : i32
    %add3A_98 = arith.addi %mul3A_96, %add3A_97 : i32
    "tpu.region"() ({
      %run_scoped3A = tpu.sem_alloc : memref<!tpu.dma_semaphore, #tpu.memory_space<semaphore_mem>>
      %dma_start3A_726 = arith.constant 0 : i32
      %dma_start3A_727 = tpu.memref_slice %arg7[%add3A_98, %dma_start3A_726] : memref<50000x16xf32, #tpu.memory_space<vmem_shared>> -> memref<128x16xf32, #tpu.memory_space<vmem_shared>>
      %dma_start3A_728 = arith.constant 0 : i32
      %dma_start3A_729 = tpu.memref_slice %arg7[%add3A_98, %dma_start3A_728] : memref<50000x16xf32, #tpu.memory_space<vmem_shared>> -> memref<128x16xf32, #tpu.memory_space<vmem_shared>>
      tpu.enqueue_dma source(%arg14 : memref<128x16xf32, #tpu.memory_space<vmem>>) target(%dma_start3A_729 : memref<128x16xf32, #tpu.memory_space<vmem_shared>>) target_semaphore(%run_scoped3A : memref<!tpu.dma_semaphore, #tpu.memory_space<semaphore_mem>>)
      %dma_wait3A_730 = arith.constant 0 : i32
      %dma_wait3A_731 = tpu.memref_slice %arg7[%add3A_98, %dma_wait3A_730] : memref<50000x16xf32, #tpu.memory_space<vmem_shared>> -> memref<128x16xf32, #tpu.memory_space<vmem_shared>>
      %dma_wait3A_732 = arith.constant 0 : i32
      %dma_wait3A_733 = tpu.memref_slice %arg7[%add3A_98, %dma_wait3A_732] : memref<50000x16xf32, #tpu.memory_space<vmem_shared>> -> memref<128x16xf32, #tpu.memory_space<vmem_shared>>
      tpu.wait_dma2 semaphore(%run_scoped3A : memref<!tpu.dma_semaphore, #tpu.memory_space<semaphore_mem>>) src(%arg14 : memref<128x16xf32, #tpu.memory_space<vmem>>) dst(%dma_wait3A_733 : memref<128x16xf32, #tpu.memory_space<vmem_shared>>)
      tpu.yield
    }) : () -> ()
    %mul3A_99 = arith.constant 3125 : i32
    %mul3A_100 = arith.muli %arg1, %mul3A_99 : i32
    %add3A_101 = arith.constant 2944 : i32
    %add3A_102 = arith.addi %mul3A_100, %add3A_101 : i32
    "tpu.region"() ({
      %run_scoped3A = tpu.sem_alloc : memref<!tpu.dma_semaphore, #tpu.memory_space<semaphore_mem>>
      %dma_start3A_726 = arith.constant 0 : i32
      %dma_start3A_727 = tpu.memref_slice %arg7[%add3A_102, %dma_start3A_726] : memref<50000x16xf32, #tpu.memory_space<vmem_shared>> -> memref<128x16xf32, #tpu.memory_space<vmem_shared>>
      %dma_start3A_728 = arith.constant 0 : i32
      %dma_start3A_729 = tpu.memref_slice %arg7[%add3A_102, %dma_start3A_728] : memref<50000x16xf32, #tpu.memory_space<vmem_shared>> -> memref<128x16xf32, #tpu.memory_space<vmem_shared>>
      tpu.enqueue_dma source(%arg14 : memref<128x16xf32, #tpu.memory_space<vmem>>) target(%dma_start3A_729 : memref<128x16xf32, #tpu.memory_space<vmem_shared>>) target_semaphore(%run_scoped3A : memref<!tpu.dma_semaphore, #tpu.memory_space<semaphore_mem>>)
      %dma_wait3A_730 = arith.constant 0 : i32
      %dma_wait3A_731 = tpu.memref_slice %arg7[%add3A_102, %dma_wait3A_730] : memref<50000x16xf32, #tpu.memory_space<vmem_shared>> -> memref<128x16xf32, #tpu.memory_space<vmem_shared>>
      %dma_wait3A_732 = arith.constant 0 : i32
      %dma_wait3A_733 = tpu.memref_slice %arg7[%add3A_102, %dma_wait3A_732] : memref<50000x16xf32, #tpu.memory_space<vmem_shared>> -> memref<128x16xf32, #tpu.memory_space<vmem_shared>>
      tpu.wait_dma2 semaphore(%run_scoped3A : memref<!tpu.dma_semaphore, #tpu.memory_space<semaphore_mem>>) src(%arg14 : memref<128x16xf32, #tpu.memory_space<vmem>>) dst(%dma_wait3A_733 : memref<128x16xf32, #tpu.memory_space<vmem_shared>>)
      tpu.yield
    }) : () -> ()
    %mul3A_103 = arith.constant 3125 : i32
    %mul3A_104 = arith.muli %arg1, %mul3A_103 : i32
    %add3A_105 = arith.constant 3072 : i32
    %add3A_106 = arith.addi %mul3A_104, %add3A_105 : i32
    "tpu.region"() ({
      %run_scoped3A = tpu.sem_alloc : memref<!tpu.dma_semaphore, #tpu.memory_space<semaphore_mem>>
      %dma_start3A_726 = arith.constant 0 : i32
      %dma_start3A_727 = arith.constant 0 : i32
      %dma_start3A_728 = tpu.memref_slice %arg14[%dma_start3A_726, %dma_start3A_727] : memref<128x16xf32, #tpu.memory_space<vmem>> -> memref<53x16xf32, #tpu.memory_space<vmem>>
      %dma_start3A_729 = arith.constant 0 : i32
      %dma_start3A_730 = tpu.memref_slice %arg7[%add3A_106, %dma_start3A_729] : memref<50000x16xf32, #tpu.memory_space<vmem_shared>> -> memref<53x16xf32, #tpu.memory_space<vmem_shared>>
      %dma_start3A_731 = arith.constant 0 : i32
      %dma_start3A_732 = tpu.memref_slice %arg7[%add3A_106, %dma_start3A_731] : memref<50000x16xf32, #tpu.memory_space<vmem_shared>> -> memref<53x16xf32, #tpu.memory_space<vmem_shared>>
      %dma_start3A_733 = arith.constant 0 : i32
      %dma_start3A_734 = arith.constant 0 : i32
      %dma_start3A_735 = tpu.memref_slice %arg14[%dma_start3A_733, %dma_start3A_734] : memref<128x16xf32, #tpu.memory_space<vmem>> -> memref<53x16xf32, #tpu.memory_space<vmem>>
      tpu.enqueue_dma source(%dma_start3A_735 : memref<53x16xf32, #tpu.memory_space<vmem>>) target(%dma_start3A_732 : memref<53x16xf32, #tpu.memory_space<vmem_shared>>) target_semaphore(%run_scoped3A : memref<!tpu.dma_semaphore, #tpu.memory_space<semaphore_mem>>)
      %dma_wait3A_736 = arith.constant 0 : i32
      %dma_wait3A_737 = arith.constant 0 : i32
      %dma_wait3A_738 = tpu.memref_slice %arg14[%dma_wait3A_736, %dma_wait3A_737] : memref<128x16xf32, #tpu.memory_space<vmem>> -> memref<53x16xf32, #tpu.memory_space<vmem>>
      %dma_wait3A_739 = arith.constant 0 : i32
      %dma_wait3A_740 = tpu.memref_slice %arg7[%add3A_106, %dma_wait3A_739] : memref<50000x16xf32, #tpu.memory_space<vmem_shared>> -> memref<53x16xf32, #tpu.memory_space<vmem_shared>>
      %dma_wait3A_741 = arith.constant 0 : i32
      %dma_wait3A_742 = tpu.memref_slice %arg7[%add3A_106, %dma_wait3A_741] : memref<50000x16xf32, #tpu.memory_space<vmem_shared>> -> memref<53x16xf32, #tpu.memory_space<vmem_shared>>
      %dma_wait3A_743 = arith.constant 0 : i32
      %dma_wait3A_744 = arith.constant 0 : i32
      %dma_wait3A_745 = tpu.memref_slice %arg14[%dma_wait3A_743, %dma_wait3A_744] : memref<128x16xf32, #tpu.memory_space<vmem>> -> memref<53x16xf32, #tpu.memory_space<vmem>>
      tpu.wait_dma2 semaphore(%run_scoped3A : memref<!tpu.dma_semaphore, #tpu.memory_space<semaphore_mem>>) src(%dma_wait3A_745 : memref<53x16xf32, #tpu.memory_space<vmem>>) dst(%dma_wait3A_742 : memref<53x16xf32, #tpu.memory_space<vmem_shared>>)
      tpu.yield
    }) : () -> ()
    %mul3A_107 = arith.constant 3125 : i32
    %mul3A_108 = arith.muli %arg1, %mul3A_107 : i32
    %add3A_109 = arith.constant 0 : i32
    %add3A_110 = arith.addi %mul3A_108, %add3A_109 : i32
    "tpu.region"() ({
      %run_scoped3A = tpu.sem_alloc : memref<!tpu.dma_semaphore, #tpu.memory_space<semaphore_mem>>
      %dma_start3A_726 = arith.constant 0 : i32
      %dma_start3A_727 = tpu.memref_slice %arg8[%add3A_110, %dma_start3A_726] : memref<50000x16xf32, #tpu.memory_space<vmem_shared>> -> memref<128x16xf32, #tpu.memory_space<vmem_shared>>
      %dma_start3A_728 = arith.constant 0 : i32
      %dma_start3A_729 = tpu.memref_slice %arg8[%add3A_110, %dma_start3A_728] : memref<50000x16xf32, #tpu.memory_space<vmem_shared>> -> memref<128x16xf32, #tpu.memory_space<vmem_shared>>
      tpu.enqueue_dma source(%arg14 : memref<128x16xf32, #tpu.memory_space<vmem>>) target(%dma_start3A_729 : memref<128x16xf32, #tpu.memory_space<vmem_shared>>) target_semaphore(%run_scoped3A : memref<!tpu.dma_semaphore, #tpu.memory_space<semaphore_mem>>)
      %dma_wait3A_730 = arith.constant 0 : i32
      %dma_wait3A_731 = tpu.memref_slice %arg8[%add3A_110, %dma_wait3A_730] : memref<50000x16xf32, #tpu.memory_space<vmem_shared>> -> memref<128x16xf32, #tpu.memory_space<vmem_shared>>
      %dma_wait3A_732 = arith.constant 0 : i32
      %dma_wait3A_733 = tpu.memref_slice %arg8[%add3A_110, %dma_wait3A_732] : memref<50000x16xf32, #tpu.memory_space<vmem_shared>> -> memref<128x16xf32, #tpu.memory_space<vmem_shared>>
      tpu.wait_dma2 semaphore(%run_scoped3A : memref<!tpu.dma_semaphore, #tpu.memory_space<semaphore_mem>>) src(%arg14 : memref<128x16xf32, #tpu.memory_space<vmem>>) dst(%dma_wait3A_733 : memref<128x16xf32, #tpu.memory_space<vmem_shared>>)
      tpu.yield
    }) : () -> ()
    %mul3A_111 = arith.constant 3125 : i32
    %mul3A_112 = arith.muli %arg1, %mul3A_111 : i32
    %add3A_113 = arith.constant 128 : i32
    %add3A_114 = arith.addi %mul3A_112, %add3A_113 : i32
    "tpu.region"() ({
      %run_scoped3A = tpu.sem_alloc : memref<!tpu.dma_semaphore, #tpu.memory_space<semaphore_mem>>
      %dma_start3A_726 = arith.constant 0 : i32
      %dma_start3A_727 = tpu.memref_slice %arg8[%add3A_114, %dma_start3A_726] : memref<50000x16xf32, #tpu.memory_space<vmem_shared>> -> memref<128x16xf32, #tpu.memory_space<vmem_shared>>
      %dma_start3A_728 = arith.constant 0 : i32
      %dma_start3A_729 = tpu.memref_slice %arg8[%add3A_114, %dma_start3A_728] : memref<50000x16xf32, #tpu.memory_space<vmem_shared>> -> memref<128x16xf32, #tpu.memory_space<vmem_shared>>
      tpu.enqueue_dma source(%arg14 : memref<128x16xf32, #tpu.memory_space<vmem>>) target(%dma_start3A_729 : memref<128x16xf32, #tpu.memory_space<vmem_shared>>) target_semaphore(%run_scoped3A : memref<!tpu.dma_semaphore, #tpu.memory_space<semaphore_mem>>)
      %dma_wait3A_730 = arith.constant 0 : i32
      %dma_wait3A_731 = tpu.memref_slice %arg8[%add3A_114, %dma_wait3A_730] : memref<50000x16xf32, #tpu.memory_space<vmem_shared>> -> memref<128x16xf32, #tpu.memory_space<vmem_shared>>
      %dma_wait3A_732 = arith.constant 0 : i32
      %dma_wait3A_733 = tpu.memref_slice %arg8[%add3A_114, %dma_wait3A_732] : memref<50000x16xf32, #tpu.memory_space<vmem_shared>> -> memref<128x16xf32, #tpu.memory_space<vmem_shared>>
      tpu.wait_dma2 semaphore(%run_scoped3A : memref<!tpu.dma_semaphore, #tpu.memory_space<semaphore_mem>>) src(%arg14 : memref<128x16xf32, #tpu.memory_space<vmem>>) dst(%dma_wait3A_733 : memref<128x16xf32, #tpu.memory_space<vmem_shared>>)
      tpu.yield
    }) : () -> ()
    %mul3A_115 = arith.constant 3125 : i32
    %mul3A_116 = arith.muli %arg1, %mul3A_115 : i32
    %add3A_117 = arith.constant 256 : i32
    %add3A_118 = arith.addi %mul3A_116, %add3A_117 : i32
    "tpu.region"() ({
      %run_scoped3A = tpu.sem_alloc : memref<!tpu.dma_semaphore, #tpu.memory_space<semaphore_mem>>
      %dma_start3A_726 = arith.constant 0 : i32
      %dma_start3A_727 = tpu.memref_slice %arg8[%add3A_118, %dma_start3A_726] : memref<50000x16xf32, #tpu.memory_space<vmem_shared>> -> memref<128x16xf32, #tpu.memory_space<vmem_shared>>
      %dma_start3A_728 = arith.constant 0 : i32
      %dma_start3A_729 = tpu.memref_slice %arg8[%add3A_118, %dma_start3A_728] : memref<50000x16xf32, #tpu.memory_space<vmem_shared>> -> memref<128x16xf32, #tpu.memory_space<vmem_shared>>
      tpu.enqueue_dma source(%arg14 : memref<128x16xf32, #tpu.memory_space<vmem>>) target(%dma_start3A_729 : memref<128x16xf32, #tpu.memory_space<vmem_shared>>) target_semaphore(%run_scoped3A : memref<!tpu.dma_semaphore, #tpu.memory_space<semaphore_mem>>)
      %dma_wait3A_730 = arith.constant 0 : i32
      %dma_wait3A_731 = tpu.memref_slice %arg8[%add3A_118, %dma_wait3A_730] : memref<50000x16xf32, #tpu.memory_space<vmem_shared>> -> memref<128x16xf32, #tpu.memory_space<vmem_shared>>
      %dma_wait3A_732 = arith.constant 0 : i32
      %dma_wait3A_733 = tpu.memref_slice %arg8[%add3A_118, %dma_wait3A_732] : memref<50000x16xf32, #tpu.memory_space<vmem_shared>> -> memref<128x16xf32, #tpu.memory_space<vmem_shared>>
      tpu.wait_dma2 semaphore(%run_scoped3A : memref<!tpu.dma_semaphore, #tpu.memory_space<semaphore_mem>>) src(%arg14 : memref<128x16xf32, #tpu.memory_space<vmem>>) dst(%dma_wait3A_733 : memref<128x16xf32, #tpu.memory_space<vmem_shared>>)
      tpu.yield
    }) : () -> ()
    %mul3A_119 = arith.constant 3125 : i32
    %mul3A_120 = arith.muli %arg1, %mul3A_119 : i32
    %add3A_121 = arith.constant 384 : i32
    %add3A_122 = arith.addi %mul3A_120, %add3A_121 : i32
    "tpu.region"() ({
      %run_scoped3A = tpu.sem_alloc : memref<!tpu.dma_semaphore, #tpu.memory_space<semaphore_mem>>
      %dma_start3A_726 = arith.constant 0 : i32
      %dma_start3A_727 = tpu.memref_slice %arg8[%add3A_122, %dma_start3A_726] : memref<50000x16xf32, #tpu.memory_space<vmem_shared>> -> memref<128x16xf32, #tpu.memory_space<vmem_shared>>
      %dma_start3A_728 = arith.constant 0 : i32
      %dma_start3A_729 = tpu.memref_slice %arg8[%add3A_122, %dma_start3A_728] : memref<50000x16xf32, #tpu.memory_space<vmem_shared>> -> memref<128x16xf32, #tpu.memory_space<vmem_shared>>
      tpu.enqueue_dma source(%arg14 : memref<128x16xf32, #tpu.memory_space<vmem>>) target(%dma_start3A_729 : memref<128x16xf32, #tpu.memory_space<vmem_shared>>) target_semaphore(%run_scoped3A : memref<!tpu.dma_semaphore, #tpu.memory_space<semaphore_mem>>)
      %dma_wait3A_730 = arith.constant 0 : i32
      %dma_wait3A_731 = tpu.memref_slice %arg8[%add3A_122, %dma_wait3A_730] : memref<50000x16xf32, #tpu.memory_space<vmem_shared>> -> memref<128x16xf32, #tpu.memory_space<vmem_shared>>
      %dma_wait3A_732 = arith.constant 0 : i32
      %dma_wait3A_733 = tpu.memref_slice %arg8[%add3A_122, %dma_wait3A_732] : memref<50000x16xf32, #tpu.memory_space<vmem_shared>> -> memref<128x16xf32, #tpu.memory_space<vmem_shared>>
      tpu.wait_dma2 semaphore(%run_scoped3A : memref<!tpu.dma_semaphore, #tpu.memory_space<semaphore_mem>>) src(%arg14 : memref<128x16xf32, #tpu.memory_space<vmem>>) dst(%dma_wait3A_733 : memref<128x16xf32, #tpu.memory_space<vmem_shared>>)
      tpu.yield
    }) : () -> ()
    %mul3A_123 = arith.constant 3125 : i32
    %mul3A_124 = arith.muli %arg1, %mul3A_123 : i32
    %add3A_125 = arith.constant 512 : i32
    %add3A_126 = arith.addi %mul3A_124, %add3A_125 : i32
    "tpu.region"() ({
      %run_scoped3A = tpu.sem_alloc : memref<!tpu.dma_semaphore, #tpu.memory_space<semaphore_mem>>
      %dma_start3A_726 = arith.constant 0 : i32
      %dma_start3A_727 = tpu.memref_slice %arg8[%add3A_126, %dma_start3A_726] : memref<50000x16xf32, #tpu.memory_space<vmem_shared>> -> memref<128x16xf32, #tpu.memory_space<vmem_shared>>
      %dma_start3A_728 = arith.constant 0 : i32
      %dma_start3A_729 = tpu.memref_slice %arg8[%add3A_126, %dma_start3A_728] : memref<50000x16xf32, #tpu.memory_space<vmem_shared>> -> memref<128x16xf32, #tpu.memory_space<vmem_shared>>
      tpu.enqueue_dma source(%arg14 : memref<128x16xf32, #tpu.memory_space<vmem>>) target(%dma_start3A_729 : memref<128x16xf32, #tpu.memory_space<vmem_shared>>) target_semaphore(%run_scoped3A : memref<!tpu.dma_semaphore, #tpu.memory_space<semaphore_mem>>)
      %dma_wait3A_730 = arith.constant 0 : i32
      %dma_wait3A_731 = tpu.memref_slice %arg8[%add3A_126, %dma_wait3A_730] : memref<50000x16xf32, #tpu.memory_space<vmem_shared>> -> memref<128x16xf32, #tpu.memory_space<vmem_shared>>
      %dma_wait3A_732 = arith.constant 0 : i32
      %dma_wait3A_733 = tpu.memref_slice %arg8[%add3A_126, %dma_wait3A_732] : memref<50000x16xf32, #tpu.memory_space<vmem_shared>> -> memref<128x16xf32, #tpu.memory_space<vmem_shared>>
      tpu.wait_dma2 semaphore(%run_scoped3A : memref<!tpu.dma_semaphore, #tpu.memory_space<semaphore_mem>>) src(%arg14 : memref<128x16xf32, #tpu.memory_space<vmem>>) dst(%dma_wait3A_733 : memref<128x16xf32, #tpu.memory_space<vmem_shared>>)
      tpu.yield
    }) : () -> ()
    %mul3A_127 = arith.constant 3125 : i32
    %mul3A_128 = arith.muli %arg1, %mul3A_127 : i32
    %add3A_129 = arith.constant 640 : i32
    %add3A_130 = arith.addi %mul3A_128, %add3A_129 : i32
    "tpu.region"() ({
      %run_scoped3A = tpu.sem_alloc : memref<!tpu.dma_semaphore, #tpu.memory_space<semaphore_mem>>
      %dma_start3A_726 = arith.constant 0 : i32
      %dma_start3A_727 = tpu.memref_slice %arg8[%add3A_130, %dma_start3A_726] : memref<50000x16xf32, #tpu.memory_space<vmem_shared>> -> memref<128x16xf32, #tpu.memory_space<vmem_shared>>
      %dma_start3A_728 = arith.constant 0 : i32
      %dma_start3A_729 = tpu.memref_slice %arg8[%add3A_130, %dma_start3A_728] : memref<50000x16xf32, #tpu.memory_space<vmem_shared>> -> memref<128x16xf32, #tpu.memory_space<vmem_shared>>
      tpu.enqueue_dma source(%arg14 : memref<128x16xf32, #tpu.memory_space<vmem>>) target(%dma_start3A_729 : memref<128x16xf32, #tpu.memory_space<vmem_shared>>) target_semaphore(%run_scoped3A : memref<!tpu.dma_semaphore, #tpu.memory_space<semaphore_mem>>)
      %dma_wait3A_730 = arith.constant 0 : i32
      %dma_wait3A_731 = tpu.memref_slice %arg8[%add3A_130, %dma_wait3A_730] : memref<50000x16xf32, #tpu.memory_space<vmem_shared>> -> memref<128x16xf32, #tpu.memory_space<vmem_shared>>
      %dma_wait3A_732 = arith.constant 0 : i32
      %dma_wait3A_733 = tpu.memref_slice %arg8[%add3A_130, %dma_wait3A_732] : memref<50000x16xf32, #tpu.memory_space<vmem_shared>> -> memref<128x16xf32, #tpu.memory_space<vmem_shared>>
      tpu.wait_dma2 semaphore(%run_scoped3A : memref<!tpu.dma_semaphore, #tpu.memory_space<semaphore_mem>>) src(%arg14 : memref<128x16xf32, #tpu.memory_space<vmem>>) dst(%dma_wait3A_733 : memref<128x16xf32, #tpu.memory_space<vmem_shared>>)
      tpu.yield
    }) : () -> ()
    %mul3A_131 = arith.constant 3125 : i32
    %mul3A_132 = arith.muli %arg1, %mul3A_131 : i32
    %add3A_133 = arith.constant 768 : i32
    %add3A_134 = arith.addi %mul3A_132, %add3A_133 : i32
    "tpu.region"() ({
      %run_scoped3A = tpu.sem_alloc : memref<!tpu.dma_semaphore, #tpu.memory_space<semaphore_mem>>
      %dma_start3A_726 = arith.constant 0 : i32
      %dma_start3A_727 = tpu.memref_slice %arg8[%add3A_134, %dma_start3A_726] : memref<50000x16xf32, #tpu.memory_space<vmem_shared>> -> memref<128x16xf32, #tpu.memory_space<vmem_shared>>
      %dma_start3A_728 = arith.constant 0 : i32
      %dma_start3A_729 = tpu.memref_slice %arg8[%add3A_134, %dma_start3A_728] : memref<50000x16xf32, #tpu.memory_space<vmem_shared>> -> memref<128x16xf32, #tpu.memory_space<vmem_shared>>
      tpu.enqueue_dma source(%arg14 : memref<128x16xf32, #tpu.memory_space<vmem>>) target(%dma_start3A_729 : memref<128x16xf32, #tpu.memory_space<vmem_shared>>) target_semaphore(%run_scoped3A : memref<!tpu.dma_semaphore, #tpu.memory_space<semaphore_mem>>)
      %dma_wait3A_730 = arith.constant 0 : i32
      %dma_wait3A_731 = tpu.memref_slice %arg8[%add3A_134, %dma_wait3A_730] : memref<50000x16xf32, #tpu.memory_space<vmem_shared>> -> memref<128x16xf32, #tpu.memory_space<vmem_shared>>
      %dma_wait3A_732 = arith.constant 0 : i32
      %dma_wait3A_733 = tpu.memref_slice %arg8[%add3A_134, %dma_wait3A_732] : memref<50000x16xf32, #tpu.memory_space<vmem_shared>> -> memref<128x16xf32, #tpu.memory_space<vmem_shared>>
      tpu.wait_dma2 semaphore(%run_scoped3A : memref<!tpu.dma_semaphore, #tpu.memory_space<semaphore_mem>>) src(%arg14 : memref<128x16xf32, #tpu.memory_space<vmem>>) dst(%dma_wait3A_733 : memref<128x16xf32, #tpu.memory_space<vmem_shared>>)
      tpu.yield
    }) : () -> ()
    %mul3A_135 = arith.constant 3125 : i32
    %mul3A_136 = arith.muli %arg1, %mul3A_135 : i32
    %add3A_137 = arith.constant 896 : i32
    %add3A_138 = arith.addi %mul3A_136, %add3A_137 : i32
    "tpu.region"() ({
      %run_scoped3A = tpu.sem_alloc : memref<!tpu.dma_semaphore, #tpu.memory_space<semaphore_mem>>
      %dma_start3A_726 = arith.constant 0 : i32
      %dma_start3A_727 = tpu.memref_slice %arg8[%add3A_138, %dma_start3A_726] : memref<50000x16xf32, #tpu.memory_space<vmem_shared>> -> memref<128x16xf32, #tpu.memory_space<vmem_shared>>
      %dma_start3A_728 = arith.constant 0 : i32
      %dma_start3A_729 = tpu.memref_slice %arg8[%add3A_138, %dma_start3A_728] : memref<50000x16xf32, #tpu.memory_space<vmem_shared>> -> memref<128x16xf32, #tpu.memory_space<vmem_shared>>
      tpu.enqueue_dma source(%arg14 : memref<128x16xf32, #tpu.memory_space<vmem>>) target(%dma_start3A_729 : memref<128x16xf32, #tpu.memory_space<vmem_shared>>) target_semaphore(%run_scoped3A : memref<!tpu.dma_semaphore, #tpu.memory_space<semaphore_mem>>)
      %dma_wait3A_730 = arith.constant 0 : i32
      %dma_wait3A_731 = tpu.memref_slice %arg8[%add3A_138, %dma_wait3A_730] : memref<50000x16xf32, #tpu.memory_space<vmem_shared>> -> memref<128x16xf32, #tpu.memory_space<vmem_shared>>
      %dma_wait3A_732 = arith.constant 0 : i32
      %dma_wait3A_733 = tpu.memref_slice %arg8[%add3A_138, %dma_wait3A_732] : memref<50000x16xf32, #tpu.memory_space<vmem_shared>> -> memref<128x16xf32, #tpu.memory_space<vmem_shared>>
      tpu.wait_dma2 semaphore(%run_scoped3A : memref<!tpu.dma_semaphore, #tpu.memory_space<semaphore_mem>>) src(%arg14 : memref<128x16xf32, #tpu.memory_space<vmem>>) dst(%dma_wait3A_733 : memref<128x16xf32, #tpu.memory_space<vmem_shared>>)
      tpu.yield
    }) : () -> ()
    %mul3A_139 = arith.constant 3125 : i32
    %mul3A_140 = arith.muli %arg1, %mul3A_139 : i32
    %add3A_141 = arith.constant 1024 : i32
    %add3A_142 = arith.addi %mul3A_140, %add3A_141 : i32
    "tpu.region"() ({
      %run_scoped3A = tpu.sem_alloc : memref<!tpu.dma_semaphore, #tpu.memory_space<semaphore_mem>>
      %dma_start3A_726 = arith.constant 0 : i32
      %dma_start3A_727 = tpu.memref_slice %arg8[%add3A_142, %dma_start3A_726] : memref<50000x16xf32, #tpu.memory_space<vmem_shared>> -> memref<128x16xf32, #tpu.memory_space<vmem_shared>>
      %dma_start3A_728 = arith.constant 0 : i32
      %dma_start3A_729 = tpu.memref_slice %arg8[%add3A_142, %dma_start3A_728] : memref<50000x16xf32, #tpu.memory_space<vmem_shared>> -> memref<128x16xf32, #tpu.memory_space<vmem_shared>>
      tpu.enqueue_dma source(%arg14 : memref<128x16xf32, #tpu.memory_space<vmem>>) target(%dma_start3A_729 : memref<128x16xf32, #tpu.memory_space<vmem_shared>>) target_semaphore(%run_scoped3A : memref<!tpu.dma_semaphore, #tpu.memory_space<semaphore_mem>>)
      %dma_wait3A_730 = arith.constant 0 : i32
      %dma_wait3A_731 = tpu.memref_slice %arg8[%add3A_142, %dma_wait3A_730] : memref<50000x16xf32, #tpu.memory_space<vmem_shared>> -> memref<128x16xf32, #tpu.memory_space<vmem_shared>>
      %dma_wait3A_732 = arith.constant 0 : i32
      %dma_wait3A_733 = tpu.memref_slice %arg8[%add3A_142, %dma_wait3A_732] : memref<50000x16xf32, #tpu.memory_space<vmem_shared>> -> memref<128x16xf32, #tpu.memory_space<vmem_shared>>
      tpu.wait_dma2 semaphore(%run_scoped3A : memref<!tpu.dma_semaphore, #tpu.memory_space<semaphore_mem>>) src(%arg14 : memref<128x16xf32, #tpu.memory_space<vmem>>) dst(%dma_wait3A_733 : memref<128x16xf32, #tpu.memory_space<vmem_shared>>)
      tpu.yield
    }) : () -> ()
    %mul3A_143 = arith.constant 3125 : i32
    %mul3A_144 = arith.muli %arg1, %mul3A_143 : i32
    %add3A_145 = arith.constant 1152 : i32
    %add3A_146 = arith.addi %mul3A_144, %add3A_145 : i32
    "tpu.region"() ({
      %run_scoped3A = tpu.sem_alloc : memref<!tpu.dma_semaphore, #tpu.memory_space<semaphore_mem>>
      %dma_start3A_726 = arith.constant 0 : i32
      %dma_start3A_727 = tpu.memref_slice %arg8[%add3A_146, %dma_start3A_726] : memref<50000x16xf32, #tpu.memory_space<vmem_shared>> -> memref<128x16xf32, #tpu.memory_space<vmem_shared>>
      %dma_start3A_728 = arith.constant 0 : i32
      %dma_start3A_729 = tpu.memref_slice %arg8[%add3A_146, %dma_start3A_728] : memref<50000x16xf32, #tpu.memory_space<vmem_shared>> -> memref<128x16xf32, #tpu.memory_space<vmem_shared>>
      tpu.enqueue_dma source(%arg14 : memref<128x16xf32, #tpu.memory_space<vmem>>) target(%dma_start3A_729 : memref<128x16xf32, #tpu.memory_space<vmem_shared>>) target_semaphore(%run_scoped3A : memref<!tpu.dma_semaphore, #tpu.memory_space<semaphore_mem>>)
      %dma_wait3A_730 = arith.constant 0 : i32
      %dma_wait3A_731 = tpu.memref_slice %arg8[%add3A_146, %dma_wait3A_730] : memref<50000x16xf32, #tpu.memory_space<vmem_shared>> -> memref<128x16xf32, #tpu.memory_space<vmem_shared>>
      %dma_wait3A_732 = arith.constant 0 : i32
      %dma_wait3A_733 = tpu.memref_slice %arg8[%add3A_146, %dma_wait3A_732] : memref<50000x16xf32, #tpu.memory_space<vmem_shared>> -> memref<128x16xf32, #tpu.memory_space<vmem_shared>>
      tpu.wait_dma2 semaphore(%run_scoped3A : memref<!tpu.dma_semaphore, #tpu.memory_space<semaphore_mem>>) src(%arg14 : memref<128x16xf32, #tpu.memory_space<vmem>>) dst(%dma_wait3A_733 : memref<128x16xf32, #tpu.memory_space<vmem_shared>>)
      tpu.yield
    }) : () -> ()
    %mul3A_147 = arith.constant 3125 : i32
    %mul3A_148 = arith.muli %arg1, %mul3A_147 : i32
    %add3A_149 = arith.constant 1280 : i32
    %add3A_150 = arith.addi %mul3A_148, %add3A_149 : i32
    "tpu.region"() ({
      %run_scoped3A = tpu.sem_alloc : memref<!tpu.dma_semaphore, #tpu.memory_space<semaphore_mem>>
      %dma_start3A_726 = arith.constant 0 : i32
      %dma_start3A_727 = tpu.memref_slice %arg8[%add3A_150, %dma_start3A_726] : memref<50000x16xf32, #tpu.memory_space<vmem_shared>> -> memref<128x16xf32, #tpu.memory_space<vmem_shared>>
      %dma_start3A_728 = arith.constant 0 : i32
      %dma_start3A_729 = tpu.memref_slice %arg8[%add3A_150, %dma_start3A_728] : memref<50000x16xf32, #tpu.memory_space<vmem_shared>> -> memref<128x16xf32, #tpu.memory_space<vmem_shared>>
      tpu.enqueue_dma source(%arg14 : memref<128x16xf32, #tpu.memory_space<vmem>>) target(%dma_start3A_729 : memref<128x16xf32, #tpu.memory_space<vmem_shared>>) target_semaphore(%run_scoped3A : memref<!tpu.dma_semaphore, #tpu.memory_space<semaphore_mem>>)
      %dma_wait3A_730 = arith.constant 0 : i32
      %dma_wait3A_731 = tpu.memref_slice %arg8[%add3A_150, %dma_wait3A_730] : memref<50000x16xf32, #tpu.memory_space<vmem_shared>> -> memref<128x16xf32, #tpu.memory_space<vmem_shared>>
      %dma_wait3A_732 = arith.constant 0 : i32
      %dma_wait3A_733 = tpu.memref_slice %arg8[%add3A_150, %dma_wait3A_732] : memref<50000x16xf32, #tpu.memory_space<vmem_shared>> -> memref<128x16xf32, #tpu.memory_space<vmem_shared>>
      tpu.wait_dma2 semaphore(%run_scoped3A : memref<!tpu.dma_semaphore, #tpu.memory_space<semaphore_mem>>) src(%arg14 : memref<128x16xf32, #tpu.memory_space<vmem>>) dst(%dma_wait3A_733 : memref<128x16xf32, #tpu.memory_space<vmem_shared>>)
      tpu.yield
    }) : () -> ()
    %mul3A_151 = arith.constant 3125 : i32
    %mul3A_152 = arith.muli %arg1, %mul3A_151 : i32
    %add3A_153 = arith.constant 1408 : i32
    %add3A_154 = arith.addi %mul3A_152, %add3A_153 : i32
    "tpu.region"() ({
      %run_scoped3A = tpu.sem_alloc : memref<!tpu.dma_semaphore, #tpu.memory_space<semaphore_mem>>
      %dma_start3A_726 = arith.constant 0 : i32
      %dma_start3A_727 = tpu.memref_slice %arg8[%add3A_154, %dma_start3A_726] : memref<50000x16xf32, #tpu.memory_space<vmem_shared>> -> memref<128x16xf32, #tpu.memory_space<vmem_shared>>
      %dma_start3A_728 = arith.constant 0 : i32
      %dma_start3A_729 = tpu.memref_slice %arg8[%add3A_154, %dma_start3A_728] : memref<50000x16xf32, #tpu.memory_space<vmem_shared>> -> memref<128x16xf32, #tpu.memory_space<vmem_shared>>
      tpu.enqueue_dma source(%arg14 : memref<128x16xf32, #tpu.memory_space<vmem>>) target(%dma_start3A_729 : memref<128x16xf32, #tpu.memory_space<vmem_shared>>) target_semaphore(%run_scoped3A : memref<!tpu.dma_semaphore, #tpu.memory_space<semaphore_mem>>)
      %dma_wait3A_730 = arith.constant 0 : i32
      %dma_wait3A_731 = tpu.memref_slice %arg8[%add3A_154, %dma_wait3A_730] : memref<50000x16xf32, #tpu.memory_space<vmem_shared>> -> memref<128x16xf32, #tpu.memory_space<vmem_shared>>
      %dma_wait3A_732 = arith.constant 0 : i32
      %dma_wait3A_733 = tpu.memref_slice %arg8[%add3A_154, %dma_wait3A_732] : memref<50000x16xf32, #tpu.memory_space<vmem_shared>> -> memref<128x16xf32, #tpu.memory_space<vmem_shared>>
      tpu.wait_dma2 semaphore(%run_scoped3A : memref<!tpu.dma_semaphore, #tpu.memory_space<semaphore_mem>>) src(%arg14 : memref<128x16xf32, #tpu.memory_space<vmem>>) dst(%dma_wait3A_733 : memref<128x16xf32, #tpu.memory_space<vmem_shared>>)
      tpu.yield
    }) : () -> ()
    %mul3A_155 = arith.constant 3125 : i32
    %mul3A_156 = arith.muli %arg1, %mul3A_155 : i32
    %add3A_157 = arith.constant 1536 : i32
    %add3A_158 = arith.addi %mul3A_156, %add3A_157 : i32
    "tpu.region"() ({
      %run_scoped3A = tpu.sem_alloc : memref<!tpu.dma_semaphore, #tpu.memory_space<semaphore_mem>>
      %dma_start3A_726 = arith.constant 0 : i32
      %dma_start3A_727 = tpu.memref_slice %arg8[%add3A_158, %dma_start3A_726] : memref<50000x16xf32, #tpu.memory_space<vmem_shared>> -> memref<128x16xf32, #tpu.memory_space<vmem_shared>>
      %dma_start3A_728 = arith.constant 0 : i32
      %dma_start3A_729 = tpu.memref_slice %arg8[%add3A_158, %dma_start3A_728] : memref<50000x16xf32, #tpu.memory_space<vmem_shared>> -> memref<128x16xf32, #tpu.memory_space<vmem_shared>>
      tpu.enqueue_dma source(%arg14 : memref<128x16xf32, #tpu.memory_space<vmem>>) target(%dma_start3A_729 : memref<128x16xf32, #tpu.memory_space<vmem_shared>>) target_semaphore(%run_scoped3A : memref<!tpu.dma_semaphore, #tpu.memory_space<semaphore_mem>>)
      %dma_wait3A_730 = arith.constant 0 : i32
      %dma_wait3A_731 = tpu.memref_slice %arg8[%add3A_158, %dma_wait3A_730] : memref<50000x16xf32, #tpu.memory_space<vmem_shared>> -> memref<128x16xf32, #tpu.memory_space<vmem_shared>>
      %dma_wait3A_732 = arith.constant 0 : i32
      %dma_wait3A_733 = tpu.memref_slice %arg8[%add3A_158, %dma_wait3A_732] : memref<50000x16xf32, #tpu.memory_space<vmem_shared>> -> memref<128x16xf32, #tpu.memory_space<vmem_shared>>
      tpu.wait_dma2 semaphore(%run_scoped3A : memref<!tpu.dma_semaphore, #tpu.memory_space<semaphore_mem>>) src(%arg14 : memref<128x16xf32, #tpu.memory_space<vmem>>) dst(%dma_wait3A_733 : memref<128x16xf32, #tpu.memory_space<vmem_shared>>)
      tpu.yield
    }) : () -> ()
    %mul3A_159 = arith.constant 3125 : i32
    %mul3A_160 = arith.muli %arg1, %mul3A_159 : i32
    %add3A_161 = arith.constant 1664 : i32
    %add3A_162 = arith.addi %mul3A_160, %add3A_161 : i32
    "tpu.region"() ({
      %run_scoped3A = tpu.sem_alloc : memref<!tpu.dma_semaphore, #tpu.memory_space<semaphore_mem>>
      %dma_start3A_726 = arith.constant 0 : i32
      %dma_start3A_727 = tpu.memref_slice %arg8[%add3A_162, %dma_start3A_726] : memref<50000x16xf32, #tpu.memory_space<vmem_shared>> -> memref<128x16xf32, #tpu.memory_space<vmem_shared>>
      %dma_start3A_728 = arith.constant 0 : i32
      %dma_start3A_729 = tpu.memref_slice %arg8[%add3A_162, %dma_start3A_728] : memref<50000x16xf32, #tpu.memory_space<vmem_shared>> -> memref<128x16xf32, #tpu.memory_space<vmem_shared>>
      tpu.enqueue_dma source(%arg14 : memref<128x16xf32, #tpu.memory_space<vmem>>) target(%dma_start3A_729 : memref<128x16xf32, #tpu.memory_space<vmem_shared>>) target_semaphore(%run_scoped3A : memref<!tpu.dma_semaphore, #tpu.memory_space<semaphore_mem>>)
      %dma_wait3A_730 = arith.constant 0 : i32
      %dma_wait3A_731 = tpu.memref_slice %arg8[%add3A_162, %dma_wait3A_730] : memref<50000x16xf32, #tpu.memory_space<vmem_shared>> -> memref<128x16xf32, #tpu.memory_space<vmem_shared>>
      %dma_wait3A_732 = arith.constant 0 : i32
      %dma_wait3A_733 = tpu.memref_slice %arg8[%add3A_162, %dma_wait3A_732] : memref<50000x16xf32, #tpu.memory_space<vmem_shared>> -> memref<128x16xf32, #tpu.memory_space<vmem_shared>>
      tpu.wait_dma2 semaphore(%run_scoped3A : memref<!tpu.dma_semaphore, #tpu.memory_space<semaphore_mem>>) src(%arg14 : memref<128x16xf32, #tpu.memory_space<vmem>>) dst(%dma_wait3A_733 : memref<128x16xf32, #tpu.memory_space<vmem_shared>>)
      tpu.yield
    }) : () -> ()
    %mul3A_163 = arith.constant 3125 : i32
    %mul3A_164 = arith.muli %arg1, %mul3A_163 : i32
    %add3A_165 = arith.constant 1792 : i32
    %add3A_166 = arith.addi %mul3A_164, %add3A_165 : i32
    "tpu.region"() ({
      %run_scoped3A = tpu.sem_alloc : memref<!tpu.dma_semaphore, #tpu.memory_space<semaphore_mem>>
      %dma_start3A_726 = arith.constant 0 : i32
      %dma_start3A_727 = tpu.memref_slice %arg8[%add3A_166, %dma_start3A_726] : memref<50000x16xf32, #tpu.memory_space<vmem_shared>> -> memref<128x16xf32, #tpu.memory_space<vmem_shared>>
      %dma_start3A_728 = arith.constant 0 : i32
      %dma_start3A_729 = tpu.memref_slice %arg8[%add3A_166, %dma_start3A_728] : memref<50000x16xf32, #tpu.memory_space<vmem_shared>> -> memref<128x16xf32, #tpu.memory_space<vmem_shared>>
      tpu.enqueue_dma source(%arg14 : memref<128x16xf32, #tpu.memory_space<vmem>>) target(%dma_start3A_729 : memref<128x16xf32, #tpu.memory_space<vmem_shared>>) target_semaphore(%run_scoped3A : memref<!tpu.dma_semaphore, #tpu.memory_space<semaphore_mem>>)
      %dma_wait3A_730 = arith.constant 0 : i32
      %dma_wait3A_731 = tpu.memref_slice %arg8[%add3A_166, %dma_wait3A_730] : memref<50000x16xf32, #tpu.memory_space<vmem_shared>> -> memref<128x16xf32, #tpu.memory_space<vmem_shared>>
      %dma_wait3A_732 = arith.constant 0 : i32
      %dma_wait3A_733 = tpu.memref_slice %arg8[%add3A_166, %dma_wait3A_732] : memref<50000x16xf32, #tpu.memory_space<vmem_shared>> -> memref<128x16xf32, #tpu.memory_space<vmem_shared>>
      tpu.wait_dma2 semaphore(%run_scoped3A : memref<!tpu.dma_semaphore, #tpu.memory_space<semaphore_mem>>) src(%arg14 : memref<128x16xf32, #tpu.memory_space<vmem>>) dst(%dma_wait3A_733 : memref<128x16xf32, #tpu.memory_space<vmem_shared>>)
      tpu.yield
    }) : () -> ()
    %mul3A_167 = arith.constant 3125 : i32
    %mul3A_168 = arith.muli %arg1, %mul3A_167 : i32
    %add3A_169 = arith.constant 1920 : i32
    %add3A_170 = arith.addi %mul3A_168, %add3A_169 : i32
    "tpu.region"() ({
      %run_scoped3A = tpu.sem_alloc : memref<!tpu.dma_semaphore, #tpu.memory_space<semaphore_mem>>
      %dma_start3A_726 = arith.constant 0 : i32
      %dma_start3A_727 = tpu.memref_slice %arg8[%add3A_170, %dma_start3A_726] : memref<50000x16xf32, #tpu.memory_space<vmem_shared>> -> memref<128x16xf32, #tpu.memory_space<vmem_shared>>
      %dma_start3A_728 = arith.constant 0 : i32
      %dma_start3A_729 = tpu.memref_slice %arg8[%add3A_170, %dma_start3A_728] : memref<50000x16xf32, #tpu.memory_space<vmem_shared>> -> memref<128x16xf32, #tpu.memory_space<vmem_shared>>
      tpu.enqueue_dma source(%arg14 : memref<128x16xf32, #tpu.memory_space<vmem>>) target(%dma_start3A_729 : memref<128x16xf32, #tpu.memory_space<vmem_shared>>) target_semaphore(%run_scoped3A : memref<!tpu.dma_semaphore, #tpu.memory_space<semaphore_mem>>)
      %dma_wait3A_730 = arith.constant 0 : i32
      %dma_wait3A_731 = tpu.memref_slice %arg8[%add3A_170, %dma_wait3A_730] : memref<50000x16xf32, #tpu.memory_space<vmem_shared>> -> memref<128x16xf32, #tpu.memory_space<vmem_shared>>
      %dma_wait3A_732 = arith.constant 0 : i32
      %dma_wait3A_733 = tpu.memref_slice %arg8[%add3A_170, %dma_wait3A_732] : memref<50000x16xf32, #tpu.memory_space<vmem_shared>> -> memref<128x16xf32, #tpu.memory_space<vmem_shared>>
      tpu.wait_dma2 semaphore(%run_scoped3A : memref<!tpu.dma_semaphore, #tpu.memory_space<semaphore_mem>>) src(%arg14 : memref<128x16xf32, #tpu.memory_space<vmem>>) dst(%dma_wait3A_733 : memref<128x16xf32, #tpu.memory_space<vmem_shared>>)
      tpu.yield
    }) : () -> ()
    %mul3A_171 = arith.constant 3125 : i32
    %mul3A_172 = arith.muli %arg1, %mul3A_171 : i32
    %add3A_173 = arith.constant 2048 : i32
    %add3A_174 = arith.addi %mul3A_172, %add3A_173 : i32
    "tpu.region"() ({
      %run_scoped3A = tpu.sem_alloc : memref<!tpu.dma_semaphore, #tpu.memory_space<semaphore_mem>>
      %dma_start3A_726 = arith.constant 0 : i32
      %dma_start3A_727 = tpu.memref_slice %arg8[%add3A_174, %dma_start3A_726] : memref<50000x16xf32, #tpu.memory_space<vmem_shared>> -> memref<128x16xf32, #tpu.memory_space<vmem_shared>>
      %dma_start3A_728 = arith.constant 0 : i32
      %dma_start3A_729 = tpu.memref_slice %arg8[%add3A_174, %dma_start3A_728] : memref<50000x16xf32, #tpu.memory_space<vmem_shared>> -> memref<128x16xf32, #tpu.memory_space<vmem_shared>>
      tpu.enqueue_dma source(%arg14 : memref<128x16xf32, #tpu.memory_space<vmem>>) target(%dma_start3A_729 : memref<128x16xf32, #tpu.memory_space<vmem_shared>>) target_semaphore(%run_scoped3A : memref<!tpu.dma_semaphore, #tpu.memory_space<semaphore_mem>>)
      %dma_wait3A_730 = arith.constant 0 : i32
      %dma_wait3A_731 = tpu.memref_slice %arg8[%add3A_174, %dma_wait3A_730] : memref<50000x16xf32, #tpu.memory_space<vmem_shared>> -> memref<128x16xf32, #tpu.memory_space<vmem_shared>>
      %dma_wait3A_732 = arith.constant 0 : i32
      %dma_wait3A_733 = tpu.memref_slice %arg8[%add3A_174, %dma_wait3A_732] : memref<50000x16xf32, #tpu.memory_space<vmem_shared>> -> memref<128x16xf32, #tpu.memory_space<vmem_shared>>
      tpu.wait_dma2 semaphore(%run_scoped3A : memref<!tpu.dma_semaphore, #tpu.memory_space<semaphore_mem>>) src(%arg14 : memref<128x16xf32, #tpu.memory_space<vmem>>) dst(%dma_wait3A_733 : memref<128x16xf32, #tpu.memory_space<vmem_shared>>)
      tpu.yield
    }) : () -> ()
    %mul3A_175 = arith.constant 3125 : i32
    %mul3A_176 = arith.muli %arg1, %mul3A_175 : i32
    %add3A_177 = arith.constant 2176 : i32
    %add3A_178 = arith.addi %mul3A_176, %add3A_177 : i32
    "tpu.region"() ({
      %run_scoped3A = tpu.sem_alloc : memref<!tpu.dma_semaphore, #tpu.memory_space<semaphore_mem>>
      %dma_start3A_726 = arith.constant 0 : i32
      %dma_start3A_727 = tpu.memref_slice %arg8[%add3A_178, %dma_start3A_726] : memref<50000x16xf32, #tpu.memory_space<vmem_shared>> -> memref<128x16xf32, #tpu.memory_space<vmem_shared>>
      %dma_start3A_728 = arith.constant 0 : i32
      %dma_start3A_729 = tpu.memref_slice %arg8[%add3A_178, %dma_start3A_728] : memref<50000x16xf32, #tpu.memory_space<vmem_shared>> -> memref<128x16xf32, #tpu.memory_space<vmem_shared>>
      tpu.enqueue_dma source(%arg14 : memref<128x16xf32, #tpu.memory_space<vmem>>) target(%dma_start3A_729 : memref<128x16xf32, #tpu.memory_space<vmem_shared>>) target_semaphore(%run_scoped3A : memref<!tpu.dma_semaphore, #tpu.memory_space<semaphore_mem>>)
      %dma_wait3A_730 = arith.constant 0 : i32
      %dma_wait3A_731 = tpu.memref_slice %arg8[%add3A_178, %dma_wait3A_730] : memref<50000x16xf32, #tpu.memory_space<vmem_shared>> -> memref<128x16xf32, #tpu.memory_space<vmem_shared>>
      %dma_wait3A_732 = arith.constant 0 : i32
      %dma_wait3A_733 = tpu.memref_slice %arg8[%add3A_178, %dma_wait3A_732] : memref<50000x16xf32, #tpu.memory_space<vmem_shared>> -> memref<128x16xf32, #tpu.memory_space<vmem_shared>>
      tpu.wait_dma2 semaphore(%run_scoped3A : memref<!tpu.dma_semaphore, #tpu.memory_space<semaphore_mem>>) src(%arg14 : memref<128x16xf32, #tpu.memory_space<vmem>>) dst(%dma_wait3A_733 : memref<128x16xf32, #tpu.memory_space<vmem_shared>>)
      tpu.yield
    }) : () -> ()
    %mul3A_179 = arith.constant 3125 : i32
    %mul3A_180 = arith.muli %arg1, %mul3A_179 : i32
    %add3A_181 = arith.constant 2304 : i32
    %add3A_182 = arith.addi %mul3A_180, %add3A_181 : i32
    "tpu.region"() ({
      %run_scoped3A = tpu.sem_alloc : memref<!tpu.dma_semaphore, #tpu.memory_space<semaphore_mem>>
      %dma_start3A_726 = arith.constant 0 : i32
      %dma_start3A_727 = tpu.memref_slice %arg8[%add3A_182, %dma_start3A_726] : memref<50000x16xf32, #tpu.memory_space<vmem_shared>> -> memref<128x16xf32, #tpu.memory_space<vmem_shared>>
      %dma_start3A_728 = arith.constant 0 : i32
      %dma_start3A_729 = tpu.memref_slice %arg8[%add3A_182, %dma_start3A_728] : memref<50000x16xf32, #tpu.memory_space<vmem_shared>> -> memref<128x16xf32, #tpu.memory_space<vmem_shared>>
      tpu.enqueue_dma source(%arg14 : memref<128x16xf32, #tpu.memory_space<vmem>>) target(%dma_start3A_729 : memref<128x16xf32, #tpu.memory_space<vmem_shared>>) target_semaphore(%run_scoped3A : memref<!tpu.dma_semaphore, #tpu.memory_space<semaphore_mem>>)
      %dma_wait3A_730 = arith.constant 0 : i32
      %dma_wait3A_731 = tpu.memref_slice %arg8[%add3A_182, %dma_wait3A_730] : memref<50000x16xf32, #tpu.memory_space<vmem_shared>> -> memref<128x16xf32, #tpu.memory_space<vmem_shared>>
      %dma_wait3A_732 = arith.constant 0 : i32
      %dma_wait3A_733 = tpu.memref_slice %arg8[%add3A_182, %dma_wait3A_732] : memref<50000x16xf32, #tpu.memory_space<vmem_shared>> -> memref<128x16xf32, #tpu.memory_space<vmem_shared>>
      tpu.wait_dma2 semaphore(%run_scoped3A : memref<!tpu.dma_semaphore, #tpu.memory_space<semaphore_mem>>) src(%arg14 : memref<128x16xf32, #tpu.memory_space<vmem>>) dst(%dma_wait3A_733 : memref<128x16xf32, #tpu.memory_space<vmem_shared>>)
      tpu.yield
    }) : () -> ()
    %mul3A_183 = arith.constant 3125 : i32
    %mul3A_184 = arith.muli %arg1, %mul3A_183 : i32
    %add3A_185 = arith.constant 2432 : i32
    %add3A_186 = arith.addi %mul3A_184, %add3A_185 : i32
    "tpu.region"() ({
      %run_scoped3A = tpu.sem_alloc : memref<!tpu.dma_semaphore, #tpu.memory_space<semaphore_mem>>
      %dma_start3A_726 = arith.constant 0 : i32
      %dma_start3A_727 = tpu.memref_slice %arg8[%add3A_186, %dma_start3A_726] : memref<50000x16xf32, #tpu.memory_space<vmem_shared>> -> memref<128x16xf32, #tpu.memory_space<vmem_shared>>
      %dma_start3A_728 = arith.constant 0 : i32
      %dma_start3A_729 = tpu.memref_slice %arg8[%add3A_186, %dma_start3A_728] : memref<50000x16xf32, #tpu.memory_space<vmem_shared>> -> memref<128x16xf32, #tpu.memory_space<vmem_shared>>
      tpu.enqueue_dma source(%arg14 : memref<128x16xf32, #tpu.memory_space<vmem>>) target(%dma_start3A_729 : memref<128x16xf32, #tpu.memory_space<vmem_shared>>) target_semaphore(%run_scoped3A : memref<!tpu.dma_semaphore, #tpu.memory_space<semaphore_mem>>)
      %dma_wait3A_730 = arith.constant 0 : i32
      %dma_wait3A_731 = tpu.memref_slice %arg8[%add3A_186, %dma_wait3A_730] : memref<50000x16xf32, #tpu.memory_space<vmem_shared>> -> memref<128x16xf32, #tpu.memory_space<vmem_shared>>
      %dma_wait3A_732 = arith.constant 0 : i32
      %dma_wait3A_733 = tpu.memref_slice %arg8[%add3A_186, %dma_wait3A_732] : memref<50000x16xf32, #tpu.memory_space<vmem_shared>> -> memref<128x16xf32, #tpu.memory_space<vmem_shared>>
      tpu.wait_dma2 semaphore(%run_scoped3A : memref<!tpu.dma_semaphore, #tpu.memory_space<semaphore_mem>>) src(%arg14 : memref<128x16xf32, #tpu.memory_space<vmem>>) dst(%dma_wait3A_733 : memref<128x16xf32, #tpu.memory_space<vmem_shared>>)
      tpu.yield
    }) : () -> ()
    %mul3A_187 = arith.constant 3125 : i32
    %mul3A_188 = arith.muli %arg1, %mul3A_187 : i32
    %add3A_189 = arith.constant 2560 : i32
    %add3A_190 = arith.addi %mul3A_188, %add3A_189 : i32
    "tpu.region"() ({
      %run_scoped3A = tpu.sem_alloc : memref<!tpu.dma_semaphore, #tpu.memory_space<semaphore_mem>>
      %dma_start3A_726 = arith.constant 0 : i32
      %dma_start3A_727 = tpu.memref_slice %arg8[%add3A_190, %dma_start3A_726] : memref<50000x16xf32, #tpu.memory_space<vmem_shared>> -> memref<128x16xf32, #tpu.memory_space<vmem_shared>>
      %dma_start3A_728 = arith.constant 0 : i32
      %dma_start3A_729 = tpu.memref_slice %arg8[%add3A_190, %dma_start3A_728] : memref<50000x16xf32, #tpu.memory_space<vmem_shared>> -> memref<128x16xf32, #tpu.memory_space<vmem_shared>>
      tpu.enqueue_dma source(%arg14 : memref<128x16xf32, #tpu.memory_space<vmem>>) target(%dma_start3A_729 : memref<128x16xf32, #tpu.memory_space<vmem_shared>>) target_semaphore(%run_scoped3A : memref<!tpu.dma_semaphore, #tpu.memory_space<semaphore_mem>>)
      %dma_wait3A_730 = arith.constant 0 : i32
      %dma_wait3A_731 = tpu.memref_slice %arg8[%add3A_190, %dma_wait3A_730] : memref<50000x16xf32, #tpu.memory_space<vmem_shared>> -> memref<128x16xf32, #tpu.memory_space<vmem_shared>>
      %dma_wait3A_732 = arith.constant 0 : i32
      %dma_wait3A_733 = tpu.memref_slice %arg8[%add3A_190, %dma_wait3A_732] : memref<50000x16xf32, #tpu.memory_space<vmem_shared>> -> memref<128x16xf32, #tpu.memory_space<vmem_shared>>
      tpu.wait_dma2 semaphore(%run_scoped3A : memref<!tpu.dma_semaphore, #tpu.memory_space<semaphore_mem>>) src(%arg14 : memref<128x16xf32, #tpu.memory_space<vmem>>) dst(%dma_wait3A_733 : memref<128x16xf32, #tpu.memory_space<vmem_shared>>)
      tpu.yield
    }) : () -> ()
    %mul3A_191 = arith.constant 3125 : i32
    %mul3A_192 = arith.muli %arg1, %mul3A_191 : i32
    %add3A_193 = arith.constant 2688 : i32
    %add3A_194 = arith.addi %mul3A_192, %add3A_193 : i32
    "tpu.region"() ({
      %run_scoped3A = tpu.sem_alloc : memref<!tpu.dma_semaphore, #tpu.memory_space<semaphore_mem>>
      %dma_start3A_726 = arith.constant 0 : i32
      %dma_start3A_727 = tpu.memref_slice %arg8[%add3A_194, %dma_start3A_726] : memref<50000x16xf32, #tpu.memory_space<vmem_shared>> -> memref<128x16xf32, #tpu.memory_space<vmem_shared>>
      %dma_start3A_728 = arith.constant 0 : i32
      %dma_start3A_729 = tpu.memref_slice %arg8[%add3A_194, %dma_start3A_728] : memref<50000x16xf32, #tpu.memory_space<vmem_shared>> -> memref<128x16xf32, #tpu.memory_space<vmem_shared>>
      tpu.enqueue_dma source(%arg14 : memref<128x16xf32, #tpu.memory_space<vmem>>) target(%dma_start3A_729 : memref<128x16xf32, #tpu.memory_space<vmem_shared>>) target_semaphore(%run_scoped3A : memref<!tpu.dma_semaphore, #tpu.memory_space<semaphore_mem>>)
      %dma_wait3A_730 = arith.constant 0 : i32
      %dma_wait3A_731 = tpu.memref_slice %arg8[%add3A_194, %dma_wait3A_730] : memref<50000x16xf32, #tpu.memory_space<vmem_shared>> -> memref<128x16xf32, #tpu.memory_space<vmem_shared>>
      %dma_wait3A_732 = arith.constant 0 : i32
      %dma_wait3A_733 = tpu.memref_slice %arg8[%add3A_194, %dma_wait3A_732] : memref<50000x16xf32, #tpu.memory_space<vmem_shared>> -> memref<128x16xf32, #tpu.memory_space<vmem_shared>>
      tpu.wait_dma2 semaphore(%run_scoped3A : memref<!tpu.dma_semaphore, #tpu.memory_space<semaphore_mem>>) src(%arg14 : memref<128x16xf32, #tpu.memory_space<vmem>>) dst(%dma_wait3A_733 : memref<128x16xf32, #tpu.memory_space<vmem_shared>>)
      tpu.yield
    }) : () -> ()
    %mul3A_195 = arith.constant 3125 : i32
    %mul3A_196 = arith.muli %arg1, %mul3A_195 : i32
    %add3A_197 = arith.constant 2816 : i32
    %add3A_198 = arith.addi %mul3A_196, %add3A_197 : i32
    "tpu.region"() ({
      %run_scoped3A = tpu.sem_alloc : memref<!tpu.dma_semaphore, #tpu.memory_space<semaphore_mem>>
      %dma_start3A_726 = arith.constant 0 : i32
      %dma_start3A_727 = tpu.memref_slice %arg8[%add3A_198, %dma_start3A_726] : memref<50000x16xf32, #tpu.memory_space<vmem_shared>> -> memref<128x16xf32, #tpu.memory_space<vmem_shared>>
      %dma_start3A_728 = arith.constant 0 : i32
      %dma_start3A_729 = tpu.memref_slice %arg8[%add3A_198, %dma_start3A_728] : memref<50000x16xf32, #tpu.memory_space<vmem_shared>> -> memref<128x16xf32, #tpu.memory_space<vmem_shared>>
      tpu.enqueue_dma source(%arg14 : memref<128x16xf32, #tpu.memory_space<vmem>>) target(%dma_start3A_729 : memref<128x16xf32, #tpu.memory_space<vmem_shared>>) target_semaphore(%run_scoped3A : memref<!tpu.dma_semaphore, #tpu.memory_space<semaphore_mem>>)
      %dma_wait3A_730 = arith.constant 0 : i32
      %dma_wait3A_731 = tpu.memref_slice %arg8[%add3A_198, %dma_wait3A_730] : memref<50000x16xf32, #tpu.memory_space<vmem_shared>> -> memref<128x16xf32, #tpu.memory_space<vmem_shared>>
      %dma_wait3A_732 = arith.constant 0 : i32
      %dma_wait3A_733 = tpu.memref_slice %arg8[%add3A_198, %dma_wait3A_732] : memref<50000x16xf32, #tpu.memory_space<vmem_shared>> -> memref<128x16xf32, #tpu.memory_space<vmem_shared>>
      tpu.wait_dma2 semaphore(%run_scoped3A : memref<!tpu.dma_semaphore, #tpu.memory_space<semaphore_mem>>) src(%arg14 : memref<128x16xf32, #tpu.memory_space<vmem>>) dst(%dma_wait3A_733 : memref<128x16xf32, #tpu.memory_space<vmem_shared>>)
      tpu.yield
    }) : () -> ()
    %mul3A_199 = arith.constant 3125 : i32
    %mul3A_200 = arith.muli %arg1, %mul3A_199 : i32
    %add3A_201 = arith.constant 2944 : i32
    %add3A_202 = arith.addi %mul3A_200, %add3A_201 : i32
    "tpu.region"() ({
      %run_scoped3A = tpu.sem_alloc : memref<!tpu.dma_semaphore, #tpu.memory_space<semaphore_mem>>
      %dma_start3A_726 = arith.constant 0 : i32
      %dma_start3A_727 = tpu.memref_slice %arg8[%add3A_202, %dma_start3A_726] : memref<50000x16xf32, #tpu.memory_space<vmem_shared>> -> memref<128x16xf32, #tpu.memory_space<vmem_shared>>
      %dma_start3A_728 = arith.constant 0 : i32
      %dma_start3A_729 = tpu.memref_slice %arg8[%add3A_202, %dma_start3A_728] : memref<50000x16xf32, #tpu.memory_space<vmem_shared>> -> memref<128x16xf32, #tpu.memory_space<vmem_shared>>
      tpu.enqueue_dma source(%arg14 : memref<128x16xf32, #tpu.memory_space<vmem>>) target(%dma_start3A_729 : memref<128x16xf32, #tpu.memory_space<vmem_shared>>) target_semaphore(%run_scoped3A : memref<!tpu.dma_semaphore, #tpu.memory_space<semaphore_mem>>)
      %dma_wait3A_730 = arith.constant 0 : i32
      %dma_wait3A_731 = tpu.memref_slice %arg8[%add3A_202, %dma_wait3A_730] : memref<50000x16xf32, #tpu.memory_space<vmem_shared>> -> memref<128x16xf32, #tpu.memory_space<vmem_shared>>
      %dma_wait3A_732 = arith.constant 0 : i32
      %dma_wait3A_733 = tpu.memref_slice %arg8[%add3A_202, %dma_wait3A_732] : memref<50000x16xf32, #tpu.memory_space<vmem_shared>> -> memref<128x16xf32, #tpu.memory_space<vmem_shared>>
      tpu.wait_dma2 semaphore(%run_scoped3A : memref<!tpu.dma_semaphore, #tpu.memory_space<semaphore_mem>>) src(%arg14 : memref<128x16xf32, #tpu.memory_space<vmem>>) dst(%dma_wait3A_733 : memref<128x16xf32, #tpu.memory_space<vmem_shared>>)
      tpu.yield
    }) : () -> ()
    %mul3A_203 = arith.constant 3125 : i32
    %mul3A_204 = arith.muli %arg1, %mul3A_203 : i32
    %add3A_205 = arith.constant 3072 : i32
    %add3A_206 = arith.addi %mul3A_204, %add3A_205 : i32
    "tpu.region"() ({
      %run_scoped3A = tpu.sem_alloc : memref<!tpu.dma_semaphore, #tpu.memory_space<semaphore_mem>>
      %dma_start3A_726 = arith.constant 0 : i32
      %dma_start3A_727 = arith.constant 0 : i32
      %dma_start3A_728 = tpu.memref_slice %arg14[%dma_start3A_726, %dma_start3A_727] : memref<128x16xf32, #tpu.memory_space<vmem>> -> memref<53x16xf32, #tpu.memory_space<vmem>>
      %dma_start3A_729 = arith.constant 0 : i32
      %dma_start3A_730 = tpu.memref_slice %arg8[%add3A_206, %dma_start3A_729] : memref<50000x16xf32, #tpu.memory_space<vmem_shared>> -> memref<53x16xf32, #tpu.memory_space<vmem_shared>>
      %dma_start3A_731 = arith.constant 0 : i32
      %dma_start3A_732 = tpu.memref_slice %arg8[%add3A_206, %dma_start3A_731] : memref<50000x16xf32, #tpu.memory_space<vmem_shared>> -> memref<53x16xf32, #tpu.memory_space<vmem_shared>>
      %dma_start3A_733 = arith.constant 0 : i32
      %dma_start3A_734 = arith.constant 0 : i32
      %dma_start3A_735 = tpu.memref_slice %arg14[%dma_start3A_733, %dma_start3A_734] : memref<128x16xf32, #tpu.memory_space<vmem>> -> memref<53x16xf32, #tpu.memory_space<vmem>>
      tpu.enqueue_dma source(%dma_start3A_735 : memref<53x16xf32, #tpu.memory_space<vmem>>) target(%dma_start3A_732 : memref<53x16xf32, #tpu.memory_space<vmem_shared>>) target_semaphore(%run_scoped3A : memref<!tpu.dma_semaphore, #tpu.memory_space<semaphore_mem>>)
      %dma_wait3A_736 = arith.constant 0 : i32
      %dma_wait3A_737 = arith.constant 0 : i32
      %dma_wait3A_738 = tpu.memref_slice %arg14[%dma_wait3A_736, %dma_wait3A_737] : memref<128x16xf32, #tpu.memory_space<vmem>> -> memref<53x16xf32, #tpu.memory_space<vmem>>
      %dma_wait3A_739 = arith.constant 0 : i32
      %dma_wait3A_740 = tpu.memref_slice %arg8[%add3A_206, %dma_wait3A_739] : memref<50000x16xf32, #tpu.memory_space<vmem_shared>> -> memref<53x16xf32, #tpu.memory_space<vmem_shared>>
      %dma_wait3A_741 = arith.constant 0 : i32
      %dma_wait3A_742 = tpu.memref_slice %arg8[%add3A_206, %dma_wait3A_741] : memref<50000x16xf32, #tpu.memory_space<vmem_shared>> -> memref<53x16xf32, #tpu.memory_space<vmem_shared>>
      %dma_wait3A_743 = arith.constant 0 : i32
      %dma_wait3A_744 = arith.constant 0 : i32
      %dma_wait3A_745 = tpu.memref_slice %arg14[%dma_wait3A_743, %dma_wait3A_744] : memref<128x16xf32, #tpu.memory_space<vmem>> -> memref<53x16xf32, #tpu.memory_space<vmem>>
      tpu.wait_dma2 semaphore(%run_scoped3A : memref<!tpu.dma_semaphore, #tpu.memory_space<semaphore_mem>>) src(%dma_wait3A_745 : memref<53x16xf32, #tpu.memory_space<vmem>>) dst(%dma_wait3A_742 : memref<53x16xf32, #tpu.memory_space<vmem_shared>>)
      tpu.yield
    }) : () -> ()
    %mul3A_207 = arith.constant 8 : i32
    %mul3A_208 = arith.muli %mul3A_207, %add3A : i32
    "tpu.region"() ({
      %run_scoped3A = tpu.sem_alloc : memref<!tpu.dma_semaphore, #tpu.memory_space<semaphore_mem>>
      %dma_start3A_726 = arith.constant 0 : i32
      %dma_start3A_727 = tpu.memref_slice %arg4[%mul3A_208, %dma_start3A_726] : memref<256x128xi32, #tpu.memory_space<hbm>> -> memref<8x128xi32, #tpu.memory_space<hbm>>
      %dma_start3A_728 = arith.constant 0 : i32
      %dma_start3A_729 = tpu.memref_slice %arg4[%mul3A_208, %dma_start3A_728] : memref<256x128xi32, #tpu.memory_space<hbm>> -> memref<8x128xi32, #tpu.memory_space<hbm>>
      tpu.enqueue_dma source(%dma_start3A_729 : memref<8x128xi32, #tpu.memory_space<hbm>>) target(%arg9 : memref<8x128xi32, #tpu.memory_space<vmem>>) target_semaphore(%run_scoped3A : memref<!tpu.dma_semaphore, #tpu.memory_space<semaphore_mem>>)
      %dma_wait3A_730 = arith.constant 0 : i32
      %dma_wait3A_731 = tpu.memref_slice %arg4[%mul3A_208, %dma_wait3A_730] : memref<256x128xi32, #tpu.memory_space<hbm>> -> memref<8x128xi32, #tpu.memory_space<hbm>>
      %dma_wait3A_732 = arith.constant 0 : i32
      %dma_wait3A_733 = tpu.memref_slice %arg4[%mul3A_208, %dma_wait3A_732] : memref<256x128xi32, #tpu.memory_space<hbm>> -> memref<8x128xi32, #tpu.memory_space<hbm>>
      tpu.wait_dma2 semaphore(%run_scoped3A : memref<!tpu.dma_semaphore, #tpu.memory_space<semaphore_mem>>) src(%dma_wait3A_733 : memref<8x128xi32, #tpu.memory_space<hbm>>) dst(%arg9 : memref<8x128xi32, #tpu.memory_space<vmem>>)
      tpu.yield
    }) : () -> ()
    %mul3A_209 = arith.constant 2 : i32
    %mul3A_210 = arith.muli %mul3A_209, %arg0 : i32
    %mul3A_211 = arith.constant 64 : i32
    %mul3A_212 = arith.muli %mul3A_210, %mul3A_211 : i32
    %mul3A_213 = arith.constant 4 : i32
    %mul3A_214 = arith.muli %mul3A_213, %arg1 : i32
    %add3A_215 = arith.addi %mul3A_212, %mul3A_214 : i32
    "tpu.region"() ({
      %run_scoped3A = tpu.sem_alloc : memref<!tpu.dma_semaphore, #tpu.memory_space<semaphore_mem>>
      %dma_start3A_726 = arith.constant 0 : i32
      %dma_start3A_727 = arith.constant 0 : i32
      %dma_start3A_728 = tpu.memref_slice %arg10[%dma_start3A_726, %dma_start3A_727] : memref<8x128xi32, #tpu.memory_space<vmem>> -> memref<4x128xi32, #tpu.memory_space<vmem>>
      %dma_start3A_729 = arith.constant 0 : i32
      %dma_start3A_730 = tpu.memref_slice %arg4[%add3A_215, %dma_start3A_729] : memref<256x128xi32, #tpu.memory_space<hbm>> -> memref<4x128xi32, #tpu.memory_space<hbm>>
      %dma_start3A_731 = arith.constant 0 : i32
      %dma_start3A_732 = arith.constant 0 : i32
      %dma_start3A_733 = tpu.memref_slice %arg10[%dma_start3A_731, %dma_start3A_732] : memref<8x128xi32, #tpu.memory_space<vmem>> -> memref<4x128xi32, #tpu.memory_space<vmem>>
      %dma_start3A_734 = arith.constant 0 : i32
      %dma_start3A_735 = tpu.memref_slice %arg4[%add3A_215, %dma_start3A_734] : memref<256x128xi32, #tpu.memory_space<hbm>> -> memref<4x128xi32, #tpu.memory_space<hbm>>
      tpu.enqueue_dma source(%dma_start3A_735 : memref<4x128xi32, #tpu.memory_space<hbm>>) target(%dma_start3A_733 : memref<4x128xi32, #tpu.memory_space<vmem>>) target_semaphore(%run_scoped3A : memref<!tpu.dma_semaphore, #tpu.memory_space<semaphore_mem>>)
      %dma_wait3A_736 = arith.constant 0 : i32
      %dma_wait3A_737 = arith.constant 0 : i32
      %dma_wait3A_738 = tpu.memref_slice %arg10[%dma_wait3A_736, %dma_wait3A_737] : memref<8x128xi32, #tpu.memory_space<vmem>> -> memref<4x128xi32, #tpu.memory_space<vmem>>
      %dma_wait3A_739 = arith.constant 0 : i32
      %dma_wait3A_740 = tpu.memref_slice %arg4[%add3A_215, %dma_wait3A_739] : memref<256x128xi32, #tpu.memory_space<hbm>> -> memref<4x128xi32, #tpu.memory_space<hbm>>
      %dma_wait3A_741 = arith.constant 0 : i32
      %dma_wait3A_742 = arith.constant 0 : i32
      %dma_wait3A_743 = tpu.memref_slice %arg10[%dma_wait3A_741, %dma_wait3A_742] : memref<8x128xi32, #tpu.memory_space<vmem>> -> memref<4x128xi32, #tpu.memory_space<vmem>>
      %dma_wait3A_744 = arith.constant 0 : i32
      %dma_wait3A_745 = tpu.memref_slice %arg4[%add3A_215, %dma_wait3A_744] : memref<256x128xi32, #tpu.memory_space<hbm>> -> memref<4x128xi32, #tpu.memory_space<hbm>>
      tpu.wait_dma2 semaphore(%run_scoped3A : memref<!tpu.dma_semaphore, #tpu.memory_space<semaphore_mem>>) src(%dma_wait3A_745 : memref<4x128xi32, #tpu.memory_space<hbm>>) dst(%dma_wait3A_743 : memref<4x128xi32, #tpu.memory_space<vmem>>)
      tpu.yield
    }) : () -> ()
    %mul3A_216 = arith.constant 2 : i32
    %mul3A_217 = arith.muli %mul3A_216, %arg0 : i32
    %add3A_218 = arith.constant 1 : i32
    %add3A_219 = arith.addi %mul3A_217, %add3A_218 : i32
    %mul3A_220 = arith.constant 64 : i32
    %mul3A_221 = arith.muli %add3A_219, %mul3A_220 : i32
    %mul3A_222 = arith.constant 4 : i32
    %mul3A_223 = arith.muli %mul3A_222, %arg1 : i32
    %add3A_224 = arith.addi %mul3A_221, %mul3A_223 : i32
    "tpu.region"() ({
      %run_scoped3A = tpu.sem_alloc : memref<!tpu.dma_semaphore, #tpu.memory_space<semaphore_mem>>
      %dma_start3A_726 = arith.constant 4 : i32
      %dma_start3A_727 = arith.constant 0 : i32
      %dma_start3A_728 = tpu.memref_slice %arg10[%dma_start3A_726, %dma_start3A_727] : memref<8x128xi32, #tpu.memory_space<vmem>> -> memref<4x128xi32, #tpu.memory_space<vmem>>
      %dma_start3A_729 = arith.constant 0 : i32
      %dma_start3A_730 = tpu.memref_slice %arg4[%add3A_224, %dma_start3A_729] : memref<256x128xi32, #tpu.memory_space<hbm>> -> memref<4x128xi32, #tpu.memory_space<hbm>>
      %dma_start3A_731 = arith.constant 4 : i32
      %dma_start3A_732 = arith.constant 0 : i32
      %dma_start3A_733 = tpu.memref_slice %arg10[%dma_start3A_731, %dma_start3A_732] : memref<8x128xi32, #tpu.memory_space<vmem>> -> memref<4x128xi32, #tpu.memory_space<vmem>>
      %dma_start3A_734 = arith.constant 0 : i32
      %dma_start3A_735 = tpu.memref_slice %arg4[%add3A_224, %dma_start3A_734] : memref<256x128xi32, #tpu.memory_space<hbm>> -> memref<4x128xi32, #tpu.memory_space<hbm>>
      tpu.enqueue_dma source(%dma_start3A_735 : memref<4x128xi32, #tpu.memory_space<hbm>>) target(%dma_start3A_733 : memref<4x128xi32, #tpu.memory_space<vmem>>) target_semaphore(%run_scoped3A : memref<!tpu.dma_semaphore, #tpu.memory_space<semaphore_mem>>)
      %dma_wait3A_736 = arith.constant 4 : i32
      %dma_wait3A_737 = arith.constant 0 : i32
      %dma_wait3A_738 = tpu.memref_slice %arg10[%dma_wait3A_736, %dma_wait3A_737] : memref<8x128xi32, #tpu.memory_space<vmem>> -> memref<4x128xi32, #tpu.memory_space<vmem>>
      %dma_wait3A_739 = arith.constant 0 : i32
      %dma_wait3A_740 = tpu.memref_slice %arg4[%add3A_224, %dma_wait3A_739] : memref<256x128xi32, #tpu.memory_space<hbm>> -> memref<4x128xi32, #tpu.memory_space<hbm>>
      %dma_wait3A_741 = arith.constant 4 : i32
      %dma_wait3A_742 = arith.constant 0 : i32
      %dma_wait3A_743 = tpu.memref_slice %arg10[%dma_wait3A_741, %dma_wait3A_742] : memref<8x128xi32, #tpu.memory_space<vmem>> -> memref<4x128xi32, #tpu.memory_space<vmem>>
      %dma_wait3A_744 = arith.constant 0 : i32
      %dma_wait3A_745 = tpu.memref_slice %arg4[%add3A_224, %dma_wait3A_744] : memref<256x128xi32, #tpu.memory_space<hbm>> -> memref<4x128xi32, #tpu.memory_space<hbm>>
      tpu.wait_dma2 semaphore(%run_scoped3A : memref<!tpu.dma_semaphore, #tpu.memory_space<semaphore_mem>>) src(%dma_wait3A_745 : memref<4x128xi32, #tpu.memory_space<hbm>>) dst(%dma_wait3A_743 : memref<4x128xi32, #tpu.memory_space<vmem>>)
      tpu.yield
    }) : () -> ()
    %mul3A_225 = arith.constant 2 : i32
    %mul3A_226 = arith.muli %mul3A_225, %arg0 : i32
    %add3A_227 = arith.constant 0 : i32
    %add3A_228 = arith.addi %mul3A_226, %add3A_227 : i32
    %mul3A_229 = arith.constant 8192 : i32
    %mul3A_230 = arith.muli %add3A_228, %mul3A_229 : i32
    %mul3A_231 = arith.constant 512 : i32
    %mul3A_232 = arith.muli %mul3A_231, %arg1 : i32
    %add3A_233 = arith.addi %mul3A_230, %mul3A_232 : i32
    "tpu.region"() ({
      %run_scoped3A = tpu.sem_alloc : memref<!tpu.dma_semaphore, #tpu.memory_space<semaphore_mem>>
      %dma_start3A_726 = arith.constant 0 : i32
      %dma_start3A_727 = tpu.memref_slice %arg2[%add3A_233, %dma_start3A_726] : memref<32768x128xf32, #tpu.memory_space<hbm>> -> memref<512x16xf32, #tpu.memory_space<hbm>>
      %dma_start3A_728 = arith.constant 0 : i32
      %dma_start3A_729 = tpu.memref_slice %arg2[%add3A_233, %dma_start3A_728] : memref<32768x128xf32, #tpu.memory_space<hbm>> -> memref<512x16xf32, #tpu.memory_space<hbm>>
      tpu.enqueue_dma source(%dma_start3A_729 : memref<512x16xf32, #tpu.memory_space<hbm>>) target(%arg12 : memref<512x16xf32, #tpu.memory_space<vmem>>) target_semaphore(%run_scoped3A : memref<!tpu.dma_semaphore, #tpu.memory_space<semaphore_mem>>)
      %dma_wait3A_730 = arith.constant 0 : i32
      %dma_wait3A_731 = tpu.memref_slice %arg2[%add3A_233, %dma_wait3A_730] : memref<32768x128xf32, #tpu.memory_space<hbm>> -> memref<512x16xf32, #tpu.memory_space<hbm>>
      %dma_wait3A_732 = arith.constant 0 : i32
      %dma_wait3A_733 = tpu.memref_slice %arg2[%add3A_233, %dma_wait3A_732] : memref<32768x128xf32, #tpu.memory_space<hbm>> -> memref<512x16xf32, #tpu.memory_space<hbm>>
      tpu.wait_dma2 semaphore(%run_scoped3A : memref<!tpu.dma_semaphore, #tpu.memory_space<semaphore_mem>>) src(%dma_wait3A_733 : memref<512x16xf32, #tpu.memory_space<hbm>>) dst(%arg12 : memref<512x16xf32, #tpu.memory_space<vmem>>)
      tpu.yield
    }) : () -> ()
    %barrier3A = arith.constant 0 : index
    tpu.barrier barrier_id(%barrier3A)
    %dma_start3A = arith.constant 0 : i32
    %dma_start3A_234 = arith.constant 0 : i32
    %dma_start3A_235 = arith.constant 0 : i32
    %dma_start3A_236 = tpu.memref_slice %arg12[%dma_start3A_234, %dma_start3A_235] : memref<512x16xf32, #tpu.memory_space<vmem>> -> memref<128x16xf32, #tpu.memory_space<vmem>>
    %dma_start3A_237 = arith.constant 0 : i32
    %dma_start3A_238 = tpu.memref_slice %arg10[%dma_start3A, %dma_start3A_237] : memref<8x128xi32, #tpu.memory_space<vmem>> -> memref<1x128xi32, #tpu.memory_space<vmem>>
    %dma_start3A_239 = tpu.memref_squeeze %dma_start3A_238 : memref<1x128xi32, #tpu.memory_space<vmem>> -> memref<128xi32, #tpu.memory_space<vmem>>
    %dma_start3A_240 = arith.constant 0 : i32
    %dma_start3A_241 = arith.constant 0 : i32
    %dma_start3A_242 = tpu.memref_slice %arg7[%dma_start3A_240, %dma_start3A_241] : memref<50000x16xf32, #tpu.memory_space<vmem_shared>> -> memref<50000x16xf32, #tpu.memory_space<vmem_shared>>
    tpu.enqueue_indirect_dma source(%dma_start3A_236 : memref<128x16xf32, #tpu.memory_space<vmem>>) target(%dma_start3A_242 : memref<50000x16xf32, #tpu.memory_space<vmem_shared>>) offsets(%dma_start3A_239 : memref<128xi32, #tpu.memory_space<vmem>>) semaphore(%arg15 : memref<!tpu.dma_semaphore, #tpu.memory_space<semaphore_mem>>) {add = true}
    %dma_start3A_243 = arith.constant 1 : i32
    %dma_start3A_244 = arith.constant 128 : i32
    %dma_start3A_245 = arith.constant 0 : i32
    %dma_start3A_246 = tpu.memref_slice %arg12[%dma_start3A_244, %dma_start3A_245] : memref<512x16xf32, #tpu.memory_space<vmem>> -> memref<128x16xf32, #tpu.memory_space<vmem>>
    %dma_start3A_247 = arith.constant 0 : i32
    %dma_start3A_248 = tpu.memref_slice %arg10[%dma_start3A_243, %dma_start3A_247] : memref<8x128xi32, #tpu.memory_space<vmem>> -> memref<1x128xi32, #tpu.memory_space<vmem>>
    %dma_start3A_249 = tpu.memref_squeeze %dma_start3A_248 : memref<1x128xi32, #tpu.memory_space<vmem>> -> memref<128xi32, #tpu.memory_space<vmem>>
    %dma_start3A_250 = arith.constant 0 : i32
    %dma_start3A_251 = arith.constant 0 : i32
    %dma_start3A_252 = tpu.memref_slice %arg7[%dma_start3A_250, %dma_start3A_251] : memref<50000x16xf32, #tpu.memory_space<vmem_shared>> -> memref<50000x16xf32, #tpu.memory_space<vmem_shared>>
    tpu.enqueue_indirect_dma source(%dma_start3A_246 : memref<128x16xf32, #tpu.memory_space<vmem>>) target(%dma_start3A_252 : memref<50000x16xf32, #tpu.memory_space<vmem_shared>>) offsets(%dma_start3A_249 : memref<128xi32, #tpu.memory_space<vmem>>) semaphore(%arg15 : memref<!tpu.dma_semaphore, #tpu.memory_space<semaphore_mem>>) {add = true}
    %dma_start3A_253 = arith.constant 2 : i32
    %dma_start3A_254 = arith.constant 256 : i32
    %dma_start3A_255 = arith.constant 0 : i32
    %dma_start3A_256 = tpu.memref_slice %arg12[%dma_start3A_254, %dma_start3A_255] : memref<512x16xf32, #tpu.memory_space<vmem>> -> memref<128x16xf32, #tpu.memory_space<vmem>>
    %dma_start3A_257 = arith.constant 0 : i32
    %dma_start3A_258 = tpu.memref_slice %arg10[%dma_start3A_253, %dma_start3A_257] : memref<8x128xi32, #tpu.memory_space<vmem>> -> memref<1x128xi32, #tpu.memory_space<vmem>>
    %dma_start3A_259 = tpu.memref_squeeze %dma_start3A_258 : memref<1x128xi32, #tpu.memory_space<vmem>> -> memref<128xi32, #tpu.memory_space<vmem>>
    %dma_start3A_260 = arith.constant 0 : i32
    %dma_start3A_261 = arith.constant 0 : i32
    %dma_start3A_262 = tpu.memref_slice %arg7[%dma_start3A_260, %dma_start3A_261] : memref<50000x16xf32, #tpu.memory_space<vmem_shared>> -> memref<50000x16xf32, #tpu.memory_space<vmem_shared>>
    tpu.enqueue_indirect_dma source(%dma_start3A_256 : memref<128x16xf32, #tpu.memory_space<vmem>>) target(%dma_start3A_262 : memref<50000x16xf32, #tpu.memory_space<vmem_shared>>) offsets(%dma_start3A_259 : memref<128xi32, #tpu.memory_space<vmem>>) semaphore(%arg15 : memref<!tpu.dma_semaphore, #tpu.memory_space<semaphore_mem>>) {add = true}
    %dma_start3A_263 = arith.constant 3 : i32
    %dma_start3A_264 = arith.constant 384 : i32
    %dma_start3A_265 = arith.constant 0 : i32
    %dma_start3A_266 = tpu.memref_slice %arg12[%dma_start3A_264, %dma_start3A_265] : memref<512x16xf32, #tpu.memory_space<vmem>> -> memref<128x16xf32, #tpu.memory_space<vmem>>
    %dma_start3A_267 = arith.constant 0 : i32
    %dma_start3A_268 = tpu.memref_slice %arg10[%dma_start3A_263, %dma_start3A_267] : memref<8x128xi32, #tpu.memory_space<vmem>> -> memref<1x128xi32, #tpu.memory_space<vmem>>
    %dma_start3A_269 = tpu.memref_squeeze %dma_start3A_268 : memref<1x128xi32, #tpu.memory_space<vmem>> -> memref<128xi32, #tpu.memory_space<vmem>>
    %dma_start3A_270 = arith.constant 0 : i32
    %dma_start3A_271 = arith.constant 0 : i32
    %dma_start3A_272 = tpu.memref_slice %arg7[%dma_start3A_270, %dma_start3A_271] : memref<50000x16xf32, #tpu.memory_space<vmem_shared>> -> memref<50000x16xf32, #tpu.memory_space<vmem_shared>>
    tpu.enqueue_indirect_dma source(%dma_start3A_266 : memref<128x16xf32, #tpu.memory_space<vmem>>) target(%dma_start3A_272 : memref<50000x16xf32, #tpu.memory_space<vmem_shared>>) offsets(%dma_start3A_269 : memref<128xi32, #tpu.memory_space<vmem>>) semaphore(%arg15 : memref<!tpu.dma_semaphore, #tpu.memory_space<semaphore_mem>>) {add = true}
    %dma_wait3A = arith.constant 0 : i32
    %dma_wait3A_273 = arith.constant 0 : i32
    %dma_wait3A_274 = arith.constant 0 : i32
    %dma_wait3A_275 = tpu.memref_slice %arg12[%dma_wait3A_273, %dma_wait3A_274] : memref<512x16xf32, #tpu.memory_space<vmem>> -> memref<128x16xf32, #tpu.memory_space<vmem>>
    %dma_wait3A_276 = arith.constant 0 : i32
    %dma_wait3A_277 = tpu.memref_slice %arg10[%dma_wait3A, %dma_wait3A_276] : memref<8x128xi32, #tpu.memory_space<vmem>> -> memref<1x128xi32, #tpu.memory_space<vmem>>
    %dma_wait3A_278 = tpu.memref_squeeze %dma_wait3A_277 : memref<1x128xi32, #tpu.memory_space<vmem>> -> memref<128xi32, #tpu.memory_space<vmem>>
    %dma_wait3A_279 = arith.constant 0 : i32
    %dma_wait3A_280 = arith.constant 0 : i32
    %dma_wait3A_281 = tpu.memref_slice %arg7[%dma_wait3A_279, %dma_wait3A_280] : memref<50000x16xf32, #tpu.memory_space<vmem_shared>> -> memref<50000x16xf32, #tpu.memory_space<vmem_shared>>
    tpu.wait_indirect_dma semaphore(%arg15 : memref<!tpu.dma_semaphore, #tpu.memory_space<semaphore_mem>>) src(%dma_wait3A_275 : memref<128x16xf32, #tpu.memory_space<vmem>>) dst(%dma_wait3A_281 : memref<50000x16xf32, #tpu.memory_space<vmem_shared>>)
    %dma_wait3A_282 = arith.constant 1 : i32
    %dma_wait3A_283 = arith.constant 128 : i32
    %dma_wait3A_284 = arith.constant 0 : i32
    %dma_wait3A_285 = tpu.memref_slice %arg12[%dma_wait3A_283, %dma_wait3A_284] : memref<512x16xf32, #tpu.memory_space<vmem>> -> memref<128x16xf32, #tpu.memory_space<vmem>>
    %dma_wait3A_286 = arith.constant 0 : i32
    %dma_wait3A_287 = tpu.memref_slice %arg10[%dma_wait3A_282, %dma_wait3A_286] : memref<8x128xi32, #tpu.memory_space<vmem>> -> memref<1x128xi32, #tpu.memory_space<vmem>>
    %dma_wait3A_288 = tpu.memref_squeeze %dma_wait3A_287 : memref<1x128xi32, #tpu.memory_space<vmem>> -> memref<128xi32, #tpu.memory_space<vmem>>
    %dma_wait3A_289 = arith.constant 0 : i32
    %dma_wait3A_290 = arith.constant 0 : i32
    %dma_wait3A_291 = tpu.memref_slice %arg7[%dma_wait3A_289, %dma_wait3A_290] : memref<50000x16xf32, #tpu.memory_space<vmem_shared>> -> memref<50000x16xf32, #tpu.memory_space<vmem_shared>>
    tpu.wait_indirect_dma semaphore(%arg15 : memref<!tpu.dma_semaphore, #tpu.memory_space<semaphore_mem>>) src(%dma_wait3A_285 : memref<128x16xf32, #tpu.memory_space<vmem>>) dst(%dma_wait3A_291 : memref<50000x16xf32, #tpu.memory_space<vmem_shared>>)
    %dma_wait3A_292 = arith.constant 2 : i32
    %dma_wait3A_293 = arith.constant 256 : i32
    %dma_wait3A_294 = arith.constant 0 : i32
    %dma_wait3A_295 = tpu.memref_slice %arg12[%dma_wait3A_293, %dma_wait3A_294] : memref<512x16xf32, #tpu.memory_space<vmem>> -> memref<128x16xf32, #tpu.memory_space<vmem>>
    %dma_wait3A_296 = arith.constant 0 : i32
    %dma_wait3A_297 = tpu.memref_slice %arg10[%dma_wait3A_292, %dma_wait3A_296] : memref<8x128xi32, #tpu.memory_space<vmem>> -> memref<1x128xi32, #tpu.memory_space<vmem>>
    %dma_wait3A_298 = tpu.memref_squeeze %dma_wait3A_297 : memref<1x128xi32, #tpu.memory_space<vmem>> -> memref<128xi32, #tpu.memory_space<vmem>>
    %dma_wait3A_299 = arith.constant 0 : i32
    %dma_wait3A_300 = arith.constant 0 : i32
    %dma_wait3A_301 = tpu.memref_slice %arg7[%dma_wait3A_299, %dma_wait3A_300] : memref<50000x16xf32, #tpu.memory_space<vmem_shared>> -> memref<50000x16xf32, #tpu.memory_space<vmem_shared>>
    tpu.wait_indirect_dma semaphore(%arg15 : memref<!tpu.dma_semaphore, #tpu.memory_space<semaphore_mem>>) src(%dma_wait3A_295 : memref<128x16xf32, #tpu.memory_space<vmem>>) dst(%dma_wait3A_301 : memref<50000x16xf32, #tpu.memory_space<vmem_shared>>)
    %dma_wait3A_302 = arith.constant 3 : i32
    %dma_wait3A_303 = arith.constant 384 : i32
    %dma_wait3A_304 = arith.constant 0 : i32
    %dma_wait3A_305 = tpu.memref_slice %arg12[%dma_wait3A_303, %dma_wait3A_304] : memref<512x16xf32, #tpu.memory_space<vmem>> -> memref<128x16xf32, #tpu.memory_space<vmem>>
    %dma_wait3A_306 = arith.constant 0 : i32
    %dma_wait3A_307 = tpu.memref_slice %arg10[%dma_wait3A_302, %dma_wait3A_306] : memref<8x128xi32, #tpu.memory_space<vmem>> -> memref<1x128xi32, #tpu.memory_space<vmem>>
    %dma_wait3A_308 = tpu.memref_squeeze %dma_wait3A_307 : memref<1x128xi32, #tpu.memory_space<vmem>> -> memref<128xi32, #tpu.memory_space<vmem>>
    %dma_wait3A_309 = arith.constant 0 : i32
    %dma_wait3A_310 = arith.constant 0 : i32
    %dma_wait3A_311 = tpu.memref_slice %arg7[%dma_wait3A_309, %dma_wait3A_310] : memref<50000x16xf32, #tpu.memory_space<vmem_shared>> -> memref<50000x16xf32, #tpu.memory_space<vmem_shared>>
    tpu.wait_indirect_dma semaphore(%arg15 : memref<!tpu.dma_semaphore, #tpu.memory_space<semaphore_mem>>) src(%dma_wait3A_305 : memref<128x16xf32, #tpu.memory_space<vmem>>) dst(%dma_wait3A_311 : memref<50000x16xf32, #tpu.memory_space<vmem_shared>>)
    %barrier3A_312 = arith.constant 0 : index
    tpu.barrier barrier_id(%barrier3A_312)
    %dma_start3A_313 = arith.constant 0 : i32
    %dma_start3A_314 = arith.constant 0 : i32
    %dma_start3A_315 = arith.constant 0 : i32
    %dma_start3A_316 = tpu.memref_slice %arg13[%dma_start3A_314, %dma_start3A_315] : memref<512x16xf32, #tpu.memory_space<vmem>> -> memref<128x16xf32, #tpu.memory_space<vmem>>
    %dma_start3A_317 = arith.constant 0 : i32
    %dma_start3A_318 = tpu.memref_slice %arg10[%dma_start3A_313, %dma_start3A_317] : memref<8x128xi32, #tpu.memory_space<vmem>> -> memref<1x128xi32, #tpu.memory_space<vmem>>
    %dma_start3A_319 = tpu.memref_squeeze %dma_start3A_318 : memref<1x128xi32, #tpu.memory_space<vmem>> -> memref<128xi32, #tpu.memory_space<vmem>>
    %dma_start3A_320 = arith.constant 0 : i32
    %dma_start3A_321 = arith.constant 0 : i32
    %dma_start3A_322 = tpu.memref_slice %arg7[%dma_start3A_320, %dma_start3A_321] : memref<50000x16xf32, #tpu.memory_space<vmem_shared>> -> memref<50000x16xf32, #tpu.memory_space<vmem_shared>>
    tpu.enqueue_indirect_dma source(%dma_start3A_322 : memref<50000x16xf32, #tpu.memory_space<vmem_shared>>) target(%dma_start3A_316 : memref<128x16xf32, #tpu.memory_space<vmem>>) offsets(%dma_start3A_319 : memref<128xi32, #tpu.memory_space<vmem>>) semaphore(%arg15 : memref<!tpu.dma_semaphore, #tpu.memory_space<semaphore_mem>>)
    %dma_start3A_323 = arith.constant 1 : i32
    %dma_start3A_324 = arith.constant 128 : i32
    %dma_start3A_325 = arith.constant 0 : i32
    %dma_start3A_326 = tpu.memref_slice %arg13[%dma_start3A_324, %dma_start3A_325] : memref<512x16xf32, #tpu.memory_space<vmem>> -> memref<128x16xf32, #tpu.memory_space<vmem>>
    %dma_start3A_327 = arith.constant 0 : i32
    %dma_start3A_328 = tpu.memref_slice %arg10[%dma_start3A_323, %dma_start3A_327] : memref<8x128xi32, #tpu.memory_space<vmem>> -> memref<1x128xi32, #tpu.memory_space<vmem>>
    %dma_start3A_329 = tpu.memref_squeeze %dma_start3A_328 : memref<1x128xi32, #tpu.memory_space<vmem>> -> memref<128xi32, #tpu.memory_space<vmem>>
    %dma_start3A_330 = arith.constant 0 : i32
    %dma_start3A_331 = arith.constant 0 : i32
    %dma_start3A_332 = tpu.memref_slice %arg7[%dma_start3A_330, %dma_start3A_331] : memref<50000x16xf32, #tpu.memory_space<vmem_shared>> -> memref<50000x16xf32, #tpu.memory_space<vmem_shared>>
    tpu.enqueue_indirect_dma source(%dma_start3A_332 : memref<50000x16xf32, #tpu.memory_space<vmem_shared>>) target(%dma_start3A_326 : memref<128x16xf32, #tpu.memory_space<vmem>>) offsets(%dma_start3A_329 : memref<128xi32, #tpu.memory_space<vmem>>) semaphore(%arg15 : memref<!tpu.dma_semaphore, #tpu.memory_space<semaphore_mem>>)
    %dma_start3A_333 = arith.constant 2 : i32
    %dma_start3A_334 = arith.constant 256 : i32
    %dma_start3A_335 = arith.constant 0 : i32
    %dma_start3A_336 = tpu.memref_slice %arg13[%dma_start3A_334, %dma_start3A_335] : memref<512x16xf32, #tpu.memory_space<vmem>> -> memref<128x16xf32, #tpu.memory_space<vmem>>
    %dma_start3A_337 = arith.constant 0 : i32
    %dma_start3A_338 = tpu.memref_slice %arg10[%dma_start3A_333, %dma_start3A_337] : memref<8x128xi32, #tpu.memory_space<vmem>> -> memref<1x128xi32, #tpu.memory_space<vmem>>
    %dma_start3A_339 = tpu.memref_squeeze %dma_start3A_338 : memref<1x128xi32, #tpu.memory_space<vmem>> -> memref<128xi32, #tpu.memory_space<vmem>>
    %dma_start3A_340 = arith.constant 0 : i32
    %dma_start3A_341 = arith.constant 0 : i32
    %dma_start3A_342 = tpu.memref_slice %arg7[%dma_start3A_340, %dma_start3A_341] : memref<50000x16xf32, #tpu.memory_space<vmem_shared>> -> memref<50000x16xf32, #tpu.memory_space<vmem_shared>>
    tpu.enqueue_indirect_dma source(%dma_start3A_342 : memref<50000x16xf32, #tpu.memory_space<vmem_shared>>) target(%dma_start3A_336 : memref<128x16xf32, #tpu.memory_space<vmem>>) offsets(%dma_start3A_339 : memref<128xi32, #tpu.memory_space<vmem>>) semaphore(%arg15 : memref<!tpu.dma_semaphore, #tpu.memory_space<semaphore_mem>>)
    %dma_start3A_343 = arith.constant 3 : i32
    %dma_start3A_344 = arith.constant 384 : i32
    %dma_start3A_345 = arith.constant 0 : i32
    %dma_start3A_346 = tpu.memref_slice %arg13[%dma_start3A_344, %dma_start3A_345] : memref<512x16xf32, #tpu.memory_space<vmem>> -> memref<128x16xf32, #tpu.memory_space<vmem>>
    %dma_start3A_347 = arith.constant 0 : i32
    %dma_start3A_348 = tpu.memref_slice %arg10[%dma_start3A_343, %dma_start3A_347] : memref<8x128xi32, #tpu.memory_space<vmem>> -> memref<1x128xi32, #tpu.memory_space<vmem>>
    %dma_start3A_349 = tpu.memref_squeeze %dma_start3A_348 : memref<1x128xi32, #tpu.memory_space<vmem>> -> memref<128xi32, #tpu.memory_space<vmem>>
    %dma_start3A_350 = arith.constant 0 : i32
    %dma_start3A_351 = arith.constant 0 : i32
    %dma_start3A_352 = tpu.memref_slice %arg7[%dma_start3A_350, %dma_start3A_351] : memref<50000x16xf32, #tpu.memory_space<vmem_shared>> -> memref<50000x16xf32, #tpu.memory_space<vmem_shared>>
    tpu.enqueue_indirect_dma source(%dma_start3A_352 : memref<50000x16xf32, #tpu.memory_space<vmem_shared>>) target(%dma_start3A_346 : memref<128x16xf32, #tpu.memory_space<vmem>>) offsets(%dma_start3A_349 : memref<128xi32, #tpu.memory_space<vmem>>) semaphore(%arg15 : memref<!tpu.dma_semaphore, #tpu.memory_space<semaphore_mem>>)
    %mul3A_353 = arith.constant 2 : i32
    %mul3A_354 = arith.muli %mul3A_353, %arg0 : i32
    %add3A_355 = arith.constant 0 : i32
    %add3A_356 = arith.addi %mul3A_354, %add3A_355 : i32
    %mul3A_357 = arith.constant 8192 : i32
    %mul3A_358 = arith.muli %add3A_356, %mul3A_357 : i32
    %mul3A_359 = arith.constant 512 : i32
    %mul3A_360 = arith.muli %mul3A_359, %arg1 : i32
    %add3A_361 = arith.addi %mul3A_358, %mul3A_360 : i32
    %dma_start3A_362 = arith.constant 16 : i32
    %dma_start3A_363 = tpu.memref_slice %arg2[%add3A_361, %dma_start3A_362] : memref<32768x128xf32, #tpu.memory_space<hbm>> -> memref<512x16xf32, #tpu.memory_space<hbm>>
    %dma_start3A_364 = arith.constant 16 : i32
    %dma_start3A_365 = tpu.memref_slice %arg2[%add3A_361, %dma_start3A_364] : memref<32768x128xf32, #tpu.memory_space<hbm>> -> memref<512x16xf32, #tpu.memory_space<hbm>>
    tpu.enqueue_dma source(%dma_start3A_365 : memref<512x16xf32, #tpu.memory_space<hbm>>) target(%arg12 : memref<512x16xf32, #tpu.memory_space<vmem>>) target_semaphore(%arg17 : memref<!tpu.dma_semaphore, #tpu.memory_space<semaphore_mem>>)
    %dma_wait3A_366 = arith.constant 0 : i32
    %dma_wait3A_367 = arith.constant 0 : i32
    %dma_wait3A_368 = arith.constant 0 : i32
    %dma_wait3A_369 = tpu.memref_slice %arg13[%dma_wait3A_367, %dma_wait3A_368] : memref<512x16xf32, #tpu.memory_space<vmem>> -> memref<128x16xf32, #tpu.memory_space<vmem>>
    %dma_wait3A_370 = arith.constant 0 : i32
    %dma_wait3A_371 = tpu.memref_slice %arg10[%dma_wait3A_366, %dma_wait3A_370] : memref<8x128xi32, #tpu.memory_space<vmem>> -> memref<1x128xi32, #tpu.memory_space<vmem>>
    %dma_wait3A_372 = tpu.memref_squeeze %dma_wait3A_371 : memref<1x128xi32, #tpu.memory_space<vmem>> -> memref<128xi32, #tpu.memory_space<vmem>>
    %dma_wait3A_373 = arith.constant 0 : i32
    %dma_wait3A_374 = arith.constant 0 : i32
    %dma_wait3A_375 = tpu.memref_slice %arg7[%dma_wait3A_373, %dma_wait3A_374] : memref<50000x16xf32, #tpu.memory_space<vmem_shared>> -> memref<50000x16xf32, #tpu.memory_space<vmem_shared>>
    tpu.wait_indirect_dma semaphore(%arg15 : memref<!tpu.dma_semaphore, #tpu.memory_space<semaphore_mem>>) src(%dma_wait3A_375 : memref<50000x16xf32, #tpu.memory_space<vmem_shared>>) dst(%dma_wait3A_369 : memref<128x16xf32, #tpu.memory_space<vmem>>)
    %dma_wait3A_376 = arith.constant 1 : i32
    %dma_wait3A_377 = arith.constant 128 : i32
    %dma_wait3A_378 = arith.constant 0 : i32
    %dma_wait3A_379 = tpu.memref_slice %arg13[%dma_wait3A_377, %dma_wait3A_378] : memref<512x16xf32, #tpu.memory_space<vmem>> -> memref<128x16xf32, #tpu.memory_space<vmem>>
    %dma_wait3A_380 = arith.constant 0 : i32
    %dma_wait3A_381 = tpu.memref_slice %arg10[%dma_wait3A_376, %dma_wait3A_380] : memref<8x128xi32, #tpu.memory_space<vmem>> -> memref<1x128xi32, #tpu.memory_space<vmem>>
    %dma_wait3A_382 = tpu.memref_squeeze %dma_wait3A_381 : memref<1x128xi32, #tpu.memory_space<vmem>> -> memref<128xi32, #tpu.memory_space<vmem>>
    %dma_wait3A_383 = arith.constant 0 : i32
    %dma_wait3A_384 = arith.constant 0 : i32
    %dma_wait3A_385 = tpu.memref_slice %arg7[%dma_wait3A_383, %dma_wait3A_384] : memref<50000x16xf32, #tpu.memory_space<vmem_shared>> -> memref<50000x16xf32, #tpu.memory_space<vmem_shared>>
    tpu.wait_indirect_dma semaphore(%arg15 : memref<!tpu.dma_semaphore, #tpu.memory_space<semaphore_mem>>) src(%dma_wait3A_385 : memref<50000x16xf32, #tpu.memory_space<vmem_shared>>) dst(%dma_wait3A_379 : memref<128x16xf32, #tpu.memory_space<vmem>>)
    %dma_wait3A_386 = arith.constant 2 : i32
    %dma_wait3A_387 = arith.constant 256 : i32
    %dma_wait3A_388 = arith.constant 0 : i32
    %dma_wait3A_389 = tpu.memref_slice %arg13[%dma_wait3A_387, %dma_wait3A_388] : memref<512x16xf32, #tpu.memory_space<vmem>> -> memref<128x16xf32, #tpu.memory_space<vmem>>
    %dma_wait3A_390 = arith.constant 0 : i32
    %dma_wait3A_391 = tpu.memref_slice %arg10[%dma_wait3A_386, %dma_wait3A_390] : memref<8x128xi32, #tpu.memory_space<vmem>> -> memref<1x128xi32, #tpu.memory_space<vmem>>
    %dma_wait3A_392 = tpu.memref_squeeze %dma_wait3A_391 : memref<1x128xi32, #tpu.memory_space<vmem>> -> memref<128xi32, #tpu.memory_space<vmem>>
    %dma_wait3A_393 = arith.constant 0 : i32
    %dma_wait3A_394 = arith.constant 0 : i32
    %dma_wait3A_395 = tpu.memref_slice %arg7[%dma_wait3A_393, %dma_wait3A_394] : memref<50000x16xf32, #tpu.memory_space<vmem_shared>> -> memref<50000x16xf32, #tpu.memory_space<vmem_shared>>
    tpu.wait_indirect_dma semaphore(%arg15 : memref<!tpu.dma_semaphore, #tpu.memory_space<semaphore_mem>>) src(%dma_wait3A_395 : memref<50000x16xf32, #tpu.memory_space<vmem_shared>>) dst(%dma_wait3A_389 : memref<128x16xf32, #tpu.memory_space<vmem>>)
    %dma_wait3A_396 = arith.constant 3 : i32
    %dma_wait3A_397 = arith.constant 384 : i32
    %dma_wait3A_398 = arith.constant 0 : i32
    %dma_wait3A_399 = tpu.memref_slice %arg13[%dma_wait3A_397, %dma_wait3A_398] : memref<512x16xf32, #tpu.memory_space<vmem>> -> memref<128x16xf32, #tpu.memory_space<vmem>>
    %dma_wait3A_400 = arith.constant 0 : i32
    %dma_wait3A_401 = tpu.memref_slice %arg10[%dma_wait3A_396, %dma_wait3A_400] : memref<8x128xi32, #tpu.memory_space<vmem>> -> memref<1x128xi32, #tpu.memory_space<vmem>>
    %dma_wait3A_402 = tpu.memref_squeeze %dma_wait3A_401 : memref<1x128xi32, #tpu.memory_space<vmem>> -> memref<128xi32, #tpu.memory_space<vmem>>
    %dma_wait3A_403 = arith.constant 0 : i32
    %dma_wait3A_404 = arith.constant 0 : i32
    %dma_wait3A_405 = tpu.memref_slice %arg7[%dma_wait3A_403, %dma_wait3A_404] : memref<50000x16xf32, #tpu.memory_space<vmem_shared>> -> memref<50000x16xf32, #tpu.memory_space<vmem_shared>>
    tpu.wait_indirect_dma semaphore(%arg15 : memref<!tpu.dma_semaphore, #tpu.memory_space<semaphore_mem>>) src(%dma_wait3A_405 : memref<50000x16xf32, #tpu.memory_space<vmem_shared>>) dst(%dma_wait3A_399 : memref<128x16xf32, #tpu.memory_space<vmem>>)
    %dma_wait3A_406 = arith.constant 16 : i32
    %dma_wait3A_407 = tpu.memref_slice %arg2[%add3A_361, %dma_wait3A_406] : memref<32768x128xf32, #tpu.memory_space<hbm>> -> memref<512x16xf32, #tpu.memory_space<hbm>>
    %dma_wait3A_408 = arith.constant 16 : i32
    %dma_wait3A_409 = tpu.memref_slice %arg2[%add3A_361, %dma_wait3A_408] : memref<32768x128xf32, #tpu.memory_space<hbm>> -> memref<512x16xf32, #tpu.memory_space<hbm>>
    tpu.wait_dma2 semaphore(%arg17 : memref<!tpu.dma_semaphore, #tpu.memory_space<semaphore_mem>>) src(%dma_wait3A_409 : memref<512x16xf32, #tpu.memory_space<hbm>>) dst(%arg12 : memref<512x16xf32, #tpu.memory_space<vmem>>)
    %barrier3A_410 = arith.constant 0 : index
    tpu.barrier barrier_id(%barrier3A_410)
    %scan3A_411 = arith.constant 0 : i32
    %scan3A_412 = arith.constant 0 : i32
    %scan3A_413 = arith.constant 7 : i32
    %scan3A_414 = arith.addi %scan3A_412, %scan3A_413 : i32
    %scan3A_415 = arith.constant 1 : i32
    %scan3A_416 = scf.for %scan3A_726 = %scan3A_412 to %scan3A_414 step %scan3A_415 iter_args(%scan3A_727 = %scan3A_411) -> (i32)  : i32 {
      %mul3A_728 = arith.constant 2 : i32
      %mul3A_729 = arith.muli %mul3A_728, %scan3A_726 : i32
      %add3A_730 = arith.constant 1 : i32
      %add3A_731 = arith.addi %mul3A_729, %add3A_730 : i32
      %jit3A = arith.constant 8 : i32
      %div3A = arith.divsi %add3A_731, %jit3A : i32
      %sign3A = arith.constant 0 : i32
      %sign3A_732 = arith.cmpi sgt, %add3A_731, %sign3A : i32
      %sign3A_733 = arith.extui %sign3A_732 : i1 to i32
      %sign3A_734 = arith.constant 0 : i32
      %sign3A_735 = arith.cmpi slt, %add3A_731, %sign3A_734 : i32
      %sign3A_736 = arith.extui %sign3A_735 : i1 to i32
      %sign3A_737 = arith.subi %sign3A_733, %sign3A_736 : i32
      %sign3A_738 = arith.constant 0 : i32
      %sign3A_739 = arith.cmpi sgt, %jit3A, %sign3A_738 : i32
      %sign3A_740 = arith.extui %sign3A_739 : i1 to i32
      %sign3A_741 = arith.constant 0 : i32
      %sign3A_742 = arith.cmpi slt, %jit3A, %sign3A_741 : i32
      %sign3A_743 = arith.extui %sign3A_742 : i1 to i32
      %sign3A_744 = arith.subi %sign3A_740, %sign3A_743 : i32
      %ne3A = arith.cmpi ne, %sign3A_737, %sign3A_744 : i32
      %rem3A = arith.remsi %add3A_731, %jit3A : i32
      %ne3A_745 = arith.constant 0 : i32
      %ne3A_746 = arith.cmpi ne, %rem3A, %ne3A_745 : i32
      %and3A = arith.andi %ne3A, %ne3A_746 : i1
      %sub3A = arith.constant 1 : i32
      %sub3A_747 = arith.subi %div3A, %sub3A : i32
      %select_n3A = arith.select %and3A, %sub3A_747, %div3A : i32
      %mul3A_748 = arith.constant 4 : i32
      %mul3A_749 = arith.muli %mul3A_748, %select_n3A : i32
      %add3A_750 = arith.constant 0 : i32
      %add3A_751 = arith.addi %mul3A_749, %add3A_750 : i32
      %dma_start3A_752 = arith.constant 0 : i32
      %dma_start3A_753 = arith.constant 0 : i32
      %dma_start3A_754 = tpu.memref_slice %arg12[%dma_start3A_752, %dma_start3A_753] : memref<512x16xf32, #tpu.memory_space<vmem>> -> memref<128x16xf32, #tpu.memory_space<vmem>>
      %dma_start3A_755 = arith.constant 0 : i32
      %dma_start3A_756 = tpu.memref_slice %arg10[%add3A_751, %dma_start3A_755] : memref<8x128xi32, #tpu.memory_space<vmem>> -> memref<1x128xi32, #tpu.memory_space<vmem>>
      %dma_start3A_757 = tpu.memref_squeeze %dma_start3A_756 : memref<1x128xi32, #tpu.memory_space<vmem>> -> memref<128xi32, #tpu.memory_space<vmem>>
      %dma_start3A_758 = arith.constant 0 : i32
      %dma_start3A_759 = arith.constant 0 : i32
      %dma_start3A_760 = tpu.memref_slice %arg8[%dma_start3A_758, %dma_start3A_759] : memref<50000x16xf32, #tpu.memory_space<vmem_shared>> -> memref<50000x16xf32, #tpu.memory_space<vmem_shared>>
      tpu.enqueue_indirect_dma source(%dma_start3A_754 : memref<128x16xf32, #tpu.memory_space<vmem>>) target(%dma_start3A_760 : memref<50000x16xf32, #tpu.memory_space<vmem_shared>>) offsets(%dma_start3A_757 : memref<128xi32, #tpu.memory_space<vmem>>) semaphore(%arg15 : memref<!tpu.dma_semaphore, #tpu.memory_space<semaphore_mem>>) {add = true}
      %jit3A_761 = arith.constant 8 : i32
      %div3A_762 = arith.divsi %add3A_731, %jit3A_761 : i32
      %sign3A_763 = arith.constant 0 : i32
      %sign3A_764 = arith.cmpi sgt, %add3A_731, %sign3A_763 : i32
      %sign3A_765 = arith.extui %sign3A_764 : i1 to i32
      %sign3A_766 = arith.constant 0 : i32
      %sign3A_767 = arith.cmpi slt, %add3A_731, %sign3A_766 : i32
      %sign3A_768 = arith.extui %sign3A_767 : i1 to i32
      %sign3A_769 = arith.subi %sign3A_765, %sign3A_768 : i32
      %sign3A_770 = arith.constant 0 : i32
      %sign3A_771 = arith.cmpi sgt, %jit3A_761, %sign3A_770 : i32
      %sign3A_772 = arith.extui %sign3A_771 : i1 to i32
      %sign3A_773 = arith.constant 0 : i32
      %sign3A_774 = arith.cmpi slt, %jit3A_761, %sign3A_773 : i32
      %sign3A_775 = arith.extui %sign3A_774 : i1 to i32
      %sign3A_776 = arith.subi %sign3A_772, %sign3A_775 : i32
      %ne3A_777 = arith.cmpi ne, %sign3A_769, %sign3A_776 : i32
      %rem3A_778 = arith.remsi %add3A_731, %jit3A_761 : i32
      %ne3A_779 = arith.constant 0 : i32
      %ne3A_780 = arith.cmpi ne, %rem3A_778, %ne3A_779 : i32
      %and3A_781 = arith.andi %ne3A_777, %ne3A_780 : i1
      %sub3A_782 = arith.constant 1 : i32
      %sub3A_783 = arith.subi %div3A_762, %sub3A_782 : i32
      %select_n3A_784 = arith.select %and3A_781, %sub3A_783, %div3A_762 : i32
      %mul3A_785 = arith.constant 4 : i32
      %mul3A_786 = arith.muli %mul3A_785, %select_n3A_784 : i32
      %add3A_787 = arith.constant 1 : i32
      %add3A_788 = arith.addi %mul3A_786, %add3A_787 : i32
      %dma_start3A_789 = arith.constant 128 : i32
      %dma_start3A_790 = arith.constant 0 : i32
      %dma_start3A_791 = tpu.memref_slice %arg12[%dma_start3A_789, %dma_start3A_790] : memref<512x16xf32, #tpu.memory_space<vmem>> -> memref<128x16xf32, #tpu.memory_space<vmem>>
      %dma_start3A_792 = arith.constant 0 : i32
      %dma_start3A_793 = tpu.memref_slice %arg10[%add3A_788, %dma_start3A_792] : memref<8x128xi32, #tpu.memory_space<vmem>> -> memref<1x128xi32, #tpu.memory_space<vmem>>
      %dma_start3A_794 = tpu.memref_squeeze %dma_start3A_793 : memref<1x128xi32, #tpu.memory_space<vmem>> -> memref<128xi32, #tpu.memory_space<vmem>>
      %dma_start3A_795 = arith.constant 0 : i32
      %dma_start3A_796 = arith.constant 0 : i32
      %dma_start3A_797 = tpu.memref_slice %arg8[%dma_start3A_795, %dma_start3A_796] : memref<50000x16xf32, #tpu.memory_space<vmem_shared>> -> memref<50000x16xf32, #tpu.memory_space<vmem_shared>>
      tpu.enqueue_indirect_dma source(%dma_start3A_791 : memref<128x16xf32, #tpu.memory_space<vmem>>) target(%dma_start3A_797 : memref<50000x16xf32, #tpu.memory_space<vmem_shared>>) offsets(%dma_start3A_794 : memref<128xi32, #tpu.memory_space<vmem>>) semaphore(%arg15 : memref<!tpu.dma_semaphore, #tpu.memory_space<semaphore_mem>>) {add = true}
      %jit3A_798 = arith.constant 8 : i32
      %div3A_799 = arith.divsi %add3A_731, %jit3A_798 : i32
      %sign3A_800 = arith.constant 0 : i32
      %sign3A_801 = arith.cmpi sgt, %add3A_731, %sign3A_800 : i32
      %sign3A_802 = arith.extui %sign3A_801 : i1 to i32
      %sign3A_803 = arith.constant 0 : i32
      %sign3A_804 = arith.cmpi slt, %add3A_731, %sign3A_803 : i32
      %sign3A_805 = arith.extui %sign3A_804 : i1 to i32
      %sign3A_806 = arith.subi %sign3A_802, %sign3A_805 : i32
      %sign3A_807 = arith.constant 0 : i32
      %sign3A_808 = arith.cmpi sgt, %jit3A_798, %sign3A_807 : i32
      %sign3A_809 = arith.extui %sign3A_808 : i1 to i32
      %sign3A_810 = arith.constant 0 : i32
      %sign3A_811 = arith.cmpi slt, %jit3A_798, %sign3A_810 : i32
      %sign3A_812 = arith.extui %sign3A_811 : i1 to i32
      %sign3A_813 = arith.subi %sign3A_809, %sign3A_812 : i32
      %ne3A_814 = arith.cmpi ne, %sign3A_806, %sign3A_813 : i32
      %rem3A_815 = arith.remsi %add3A_731, %jit3A_798 : i32
      %ne3A_816 = arith.constant 0 : i32
      %ne3A_817 = arith.cmpi ne, %rem3A_815, %ne3A_816 : i32
      %and3A_818 = arith.andi %ne3A_814, %ne3A_817 : i1
      %sub3A_819 = arith.constant 1 : i32
      %sub3A_820 = arith.subi %div3A_799, %sub3A_819 : i32
      %select_n3A_821 = arith.select %and3A_818, %sub3A_820, %div3A_799 : i32
      %mul3A_822 = arith.constant 4 : i32
      %mul3A_823 = arith.muli %mul3A_822, %select_n3A_821 : i32
      %add3A_824 = arith.constant 2 : i32
      %add3A_825 = arith.addi %mul3A_823, %add3A_824 : i32
      %dma_start3A_826 = arith.constant 256 : i32
      %dma_start3A_827 = arith.constant 0 : i32
      %dma_start3A_828 = tpu.memref_slice %arg12[%dma_start3A_826, %dma_start3A_827] : memref<512x16xf32, #tpu.memory_space<vmem>> -> memref<128x16xf32, #tpu.memory_space<vmem>>
      %dma_start3A_829 = arith.constant 0 : i32
      %dma_start3A_830 = tpu.memref_slice %arg10[%add3A_825, %dma_start3A_829] : memref<8x128xi32, #tpu.memory_space<vmem>> -> memref<1x128xi32, #tpu.memory_space<vmem>>
      %dma_start3A_831 = tpu.memref_squeeze %dma_start3A_830 : memref<1x128xi32, #tpu.memory_space<vmem>> -> memref<128xi32, #tpu.memory_space<vmem>>
      %dma_start3A_832 = arith.constant 0 : i32
      %dma_start3A_833 = arith.constant 0 : i32
      %dma_start3A_834 = tpu.memref_slice %arg8[%dma_start3A_832, %dma_start3A_833] : memref<50000x16xf32, #tpu.memory_space<vmem_shared>> -> memref<50000x16xf32, #tpu.memory_space<vmem_shared>>
      tpu.enqueue_indirect_dma source(%dma_start3A_828 : memref<128x16xf32, #tpu.memory_space<vmem>>) target(%dma_start3A_834 : memref<50000x16xf32, #tpu.memory_space<vmem_shared>>) offsets(%dma_start3A_831 : memref<128xi32, #tpu.memory_space<vmem>>) semaphore(%arg15 : memref<!tpu.dma_semaphore, #tpu.memory_space<semaphore_mem>>) {add = true}
      %jit3A_835 = arith.constant 8 : i32
      %div3A_836 = arith.divsi %add3A_731, %jit3A_835 : i32
      %sign3A_837 = arith.constant 0 : i32
      %sign3A_838 = arith.cmpi sgt, %add3A_731, %sign3A_837 : i32
      %sign3A_839 = arith.extui %sign3A_838 : i1 to i32
      %sign3A_840 = arith.constant 0 : i32
      %sign3A_841 = arith.cmpi slt, %add3A_731, %sign3A_840 : i32
      %sign3A_842 = arith.extui %sign3A_841 : i1 to i32
      %sign3A_843 = arith.subi %sign3A_839, %sign3A_842 : i32
      %sign3A_844 = arith.constant 0 : i32
      %sign3A_845 = arith.cmpi sgt, %jit3A_835, %sign3A_844 : i32
      %sign3A_846 = arith.extui %sign3A_845 : i1 to i32
      %sign3A_847 = arith.constant 0 : i32
      %sign3A_848 = arith.cmpi slt, %jit3A_835, %sign3A_847 : i32
      %sign3A_849 = arith.extui %sign3A_848 : i1 to i32
      %sign3A_850 = arith.subi %sign3A_846, %sign3A_849 : i32
      %ne3A_851 = arith.cmpi ne, %sign3A_843, %sign3A_850 : i32
      %rem3A_852 = arith.remsi %add3A_731, %jit3A_835 : i32
      %ne3A_853 = arith.constant 0 : i32
      %ne3A_854 = arith.cmpi ne, %rem3A_852, %ne3A_853 : i32
      %and3A_855 = arith.andi %ne3A_851, %ne3A_854 : i1
      %sub3A_856 = arith.constant 1 : i32
      %sub3A_857 = arith.subi %div3A_836, %sub3A_856 : i32
      %select_n3A_858 = arith.select %and3A_855, %sub3A_857, %div3A_836 : i32
      %mul3A_859 = arith.constant 4 : i32
      %mul3A_860 = arith.muli %mul3A_859, %select_n3A_858 : i32
      %add3A_861 = arith.constant 3 : i32
      %add3A_862 = arith.addi %mul3A_860, %add3A_861 : i32
      %dma_start3A_863 = arith.constant 384 : i32
      %dma_start3A_864 = arith.constant 0 : i32
      %dma_start3A_865 = tpu.memref_slice %arg12[%dma_start3A_863, %dma_start3A_864] : memref<512x16xf32, #tpu.memory_space<vmem>> -> memref<128x16xf32, #tpu.memory_space<vmem>>
      %dma_start3A_866 = arith.constant 0 : i32
      %dma_start3A_867 = tpu.memref_slice %arg10[%add3A_862, %dma_start3A_866] : memref<8x128xi32, #tpu.memory_space<vmem>> -> memref<1x128xi32, #tpu.memory_space<vmem>>
      %dma_start3A_868 = tpu.memref_squeeze %dma_start3A_867 : memref<1x128xi32, #tpu.memory_space<vmem>> -> memref<128xi32, #tpu.memory_space<vmem>>
      %dma_start3A_869 = arith.constant 0 : i32
      %dma_start3A_870 = arith.constant 0 : i32
      %dma_start3A_871 = tpu.memref_slice %arg8[%dma_start3A_869, %dma_start3A_870] : memref<50000x16xf32, #tpu.memory_space<vmem_shared>> -> memref<50000x16xf32, #tpu.memory_space<vmem_shared>>
      tpu.enqueue_indirect_dma source(%dma_start3A_865 : memref<128x16xf32, #tpu.memory_space<vmem>>) target(%dma_start3A_871 : memref<50000x16xf32, #tpu.memory_space<vmem_shared>>) offsets(%dma_start3A_868 : memref<128xi32, #tpu.memory_space<vmem>>) semaphore(%arg15 : memref<!tpu.dma_semaphore, #tpu.memory_space<semaphore_mem>>) {add = true}
      %sub3A_872 = arith.constant 1 : i32
      %sub3A_873 = arith.subi %add3A_731, %sub3A_872 : i32
      %jit3A_874 = arith.constant 8 : i32
      %div3A_875 = arith.divsi %sub3A_873, %jit3A_874 : i32
      %sign3A_876 = arith.constant 0 : i32
      %sign3A_877 = arith.cmpi sgt, %sub3A_873, %sign3A_876 : i32
      %sign3A_878 = arith.extui %sign3A_877 : i1 to i32
      %sign3A_879 = arith.constant 0 : i32
      %sign3A_880 = arith.cmpi slt, %sub3A_873, %sign3A_879 : i32
      %sign3A_881 = arith.extui %sign3A_880 : i1 to i32
      %sign3A_882 = arith.subi %sign3A_878, %sign3A_881 : i32
      %sign3A_883 = arith.constant 0 : i32
      %sign3A_884 = arith.cmpi sgt, %jit3A_874, %sign3A_883 : i32
      %sign3A_885 = arith.extui %sign3A_884 : i1 to i32
      %sign3A_886 = arith.constant 0 : i32
      %sign3A_887 = arith.cmpi slt, %jit3A_874, %sign3A_886 : i32
      %sign3A_888 = arith.extui %sign3A_887 : i1 to i32
      %sign3A_889 = arith.subi %sign3A_885, %sign3A_888 : i32
      %ne3A_890 = arith.cmpi ne, %sign3A_882, %sign3A_889 : i32
      %rem3A_891 = arith.remsi %sub3A_873, %jit3A_874 : i32
      %ne3A_892 = arith.constant 0 : i32
      %ne3A_893 = arith.cmpi ne, %rem3A_891, %ne3A_892 : i32
      %and3A_894 = arith.andi %ne3A_890, %ne3A_893 : i1
      %sub3A_895 = arith.constant 1 : i32
      %sub3A_896 = arith.subi %div3A_875, %sub3A_895 : i32
      %select_n3A_897 = arith.select %and3A_894, %sub3A_896, %div3A_875 : i32
      %mul3A_898 = arith.constant 4 : i32
      %mul3A_899 = arith.muli %mul3A_898, %select_n3A_897 : i32
      %add3A_900 = arith.constant 0 : i32
      %add3A_901 = arith.addi %mul3A_899, %add3A_900 : i32
      %dma_start3A_902 = arith.constant 0 : i32
      %dma_start3A_903 = tpu.memref_slice %arg10[%add3A_901, %dma_start3A_902] : memref<8x128xi32, #tpu.memory_space<vmem>> -> memref<1x128xi32, #tpu.memory_space<vmem>>
      %dma_start3A_904 = tpu.memref_squeeze %dma_start3A_903 : memref<1x128xi32, #tpu.memory_space<vmem>> -> memref<128xi32, #tpu.memory_space<vmem>>
      %dma_start3A_905 = arith.constant 0 : i32
      %dma_start3A_906 = arith.constant 0 : i32
      %dma_start3A_907 = tpu.memref_slice %arg7[%dma_start3A_905, %dma_start3A_906] : memref<50000x16xf32, #tpu.memory_space<vmem_shared>> -> memref<50000x16xf32, #tpu.memory_space<vmem_shared>>
      tpu.enqueue_indirect_dma source(%arg14 : memref<128x16xf32, #tpu.memory_space<vmem>>) target(%dma_start3A_907 : memref<50000x16xf32, #tpu.memory_space<vmem_shared>>) offsets(%dma_start3A_904 : memref<128xi32, #tpu.memory_space<vmem>>) semaphore(%arg16 : memref<!tpu.dma_semaphore, #tpu.memory_space<semaphore_mem>>)
      %sub3A_908 = arith.constant 1 : i32
      %sub3A_909 = arith.subi %add3A_731, %sub3A_908 : i32
      %jit3A_910 = arith.constant 8 : i32
      %div3A_911 = arith.divsi %sub3A_909, %jit3A_910 : i32
      %sign3A_912 = arith.constant 0 : i32
      %sign3A_913 = arith.cmpi sgt, %sub3A_909, %sign3A_912 : i32
      %sign3A_914 = arith.extui %sign3A_913 : i1 to i32
      %sign3A_915 = arith.constant 0 : i32
      %sign3A_916 = arith.cmpi slt, %sub3A_909, %sign3A_915 : i32
      %sign3A_917 = arith.extui %sign3A_916 : i1 to i32
      %sign3A_918 = arith.subi %sign3A_914, %sign3A_917 : i32
      %sign3A_919 = arith.constant 0 : i32
      %sign3A_920 = arith.cmpi sgt, %jit3A_910, %sign3A_919 : i32
      %sign3A_921 = arith.extui %sign3A_920 : i1 to i32
      %sign3A_922 = arith.constant 0 : i32
      %sign3A_923 = arith.cmpi slt, %jit3A_910, %sign3A_922 : i32
      %sign3A_924 = arith.extui %sign3A_923 : i1 to i32
      %sign3A_925 = arith.subi %sign3A_921, %sign3A_924 : i32
      %ne3A_926 = arith.cmpi ne, %sign3A_918, %sign3A_925 : i32
      %rem3A_927 = arith.remsi %sub3A_909, %jit3A_910 : i32
      %ne3A_928 = arith.constant 0 : i32
      %ne3A_929 = arith.cmpi ne, %rem3A_927, %ne3A_928 : i32
      %and3A_930 = arith.andi %ne3A_926, %ne3A_929 : i1
      %sub3A_931 = arith.constant 1 : i32
      %sub3A_932 = arith.subi %div3A_911, %sub3A_931 : i32
      %select_n3A_933 = arith.select %and3A_930, %sub3A_932, %div3A_911 : i32
      %mul3A_934 = arith.constant 4 : i32
      %mul3A_935 = arith.muli %mul3A_934, %select_n3A_933 : i32
      %add3A_936 = arith.constant 1 : i32
      %add3A_937 = arith.addi %mul3A_935, %add3A_936 : i32
      %dma_start3A_938 = arith.constant 0 : i32
      %dma_start3A_939 = tpu.memref_slice %arg10[%add3A_937, %dma_start3A_938] : memref<8x128xi32, #tpu.memory_space<vmem>> -> memref<1x128xi32, #tpu.memory_space<vmem>>
      %dma_start3A_940 = tpu.memref_squeeze %dma_start3A_939 : memref<1x128xi32, #tpu.memory_space<vmem>> -> memref<128xi32, #tpu.memory_space<vmem>>
      %dma_start3A_941 = arith.constant 0 : i32
      %dma_start3A_942 = arith.constant 0 : i32
      %dma_start3A_943 = tpu.memref_slice %arg7[%dma_start3A_941, %dma_start3A_942] : memref<50000x16xf32, #tpu.memory_space<vmem_shared>> -> memref<50000x16xf32, #tpu.memory_space<vmem_shared>>
      tpu.enqueue_indirect_dma source(%arg14 : memref<128x16xf32, #tpu.memory_space<vmem>>) target(%dma_start3A_943 : memref<50000x16xf32, #tpu.memory_space<vmem_shared>>) offsets(%dma_start3A_940 : memref<128xi32, #tpu.memory_space<vmem>>) semaphore(%arg16 : memref<!tpu.dma_semaphore, #tpu.memory_space<semaphore_mem>>)
      %sub3A_944 = arith.constant 1 : i32
      %sub3A_945 = arith.subi %add3A_731, %sub3A_944 : i32
      %jit3A_946 = arith.constant 8 : i32
      %div3A_947 = arith.divsi %sub3A_945, %jit3A_946 : i32
      %sign3A_948 = arith.constant 0 : i32
      %sign3A_949 = arith.cmpi sgt, %sub3A_945, %sign3A_948 : i32
      %sign3A_950 = arith.extui %sign3A_949 : i1 to i32
      %sign3A_951 = arith.constant 0 : i32
      %sign3A_952 = arith.cmpi slt, %sub3A_945, %sign3A_951 : i32
      %sign3A_953 = arith.extui %sign3A_952 : i1 to i32
      %sign3A_954 = arith.subi %sign3A_950, %sign3A_953 : i32
      %sign3A_955 = arith.constant 0 : i32
      %sign3A_956 = arith.cmpi sgt, %jit3A_946, %sign3A_955 : i32
      %sign3A_957 = arith.extui %sign3A_956 : i1 to i32
      %sign3A_958 = arith.constant 0 : i32
      %sign3A_959 = arith.cmpi slt, %jit3A_946, %sign3A_958 : i32
      %sign3A_960 = arith.extui %sign3A_959 : i1 to i32
      %sign3A_961 = arith.subi %sign3A_957, %sign3A_960 : i32
      %ne3A_962 = arith.cmpi ne, %sign3A_954, %sign3A_961 : i32
      %rem3A_963 = arith.remsi %sub3A_945, %jit3A_946 : i32
      %ne3A_964 = arith.constant 0 : i32
      %ne3A_965 = arith.cmpi ne, %rem3A_963, %ne3A_964 : i32
      %and3A_966 = arith.andi %ne3A_962, %ne3A_965 : i1
      %sub3A_967 = arith.constant 1 : i32
      %sub3A_968 = arith.subi %div3A_947, %sub3A_967 : i32
      %select_n3A_969 = arith.select %and3A_966, %sub3A_968, %div3A_947 : i32
      %mul3A_970 = arith.constant 4 : i32
      %mul3A_971 = arith.muli %mul3A_970, %select_n3A_969 : i32
      %add3A_972 = arith.constant 2 : i32
      %add3A_973 = arith.addi %mul3A_971, %add3A_972 : i32
      %dma_start3A_974 = arith.constant 0 : i32
      %dma_start3A_975 = tpu.memref_slice %arg10[%add3A_973, %dma_start3A_974] : memref<8x128xi32, #tpu.memory_space<vmem>> -> memref<1x128xi32, #tpu.memory_space<vmem>>
      %dma_start3A_976 = tpu.memref_squeeze %dma_start3A_975 : memref<1x128xi32, #tpu.memory_space<vmem>> -> memref<128xi32, #tpu.memory_space<vmem>>
      %dma_start3A_977 = arith.constant 0 : i32
      %dma_start3A_978 = arith.constant 0 : i32
      %dma_start3A_979 = tpu.memref_slice %arg7[%dma_start3A_977, %dma_start3A_978] : memref<50000x16xf32, #tpu.memory_space<vmem_shared>> -> memref<50000x16xf32, #tpu.memory_space<vmem_shared>>
      tpu.enqueue_indirect_dma source(%arg14 : memref<128x16xf32, #tpu.memory_space<vmem>>) target(%dma_start3A_979 : memref<50000x16xf32, #tpu.memory_space<vmem_shared>>) offsets(%dma_start3A_976 : memref<128xi32, #tpu.memory_space<vmem>>) semaphore(%arg16 : memref<!tpu.dma_semaphore, #tpu.memory_space<semaphore_mem>>)
      %sub3A_980 = arith.constant 1 : i32
      %sub3A_981 = arith.subi %add3A_731, %sub3A_980 : i32
      %jit3A_982 = arith.constant 8 : i32
      %div3A_983 = arith.divsi %sub3A_981, %jit3A_982 : i32
      %sign3A_984 = arith.constant 0 : i32
      %sign3A_985 = arith.cmpi sgt, %sub3A_981, %sign3A_984 : i32
      %sign3A_986 = arith.extui %sign3A_985 : i1 to i32
      %sign3A_987 = arith.constant 0 : i32
      %sign3A_988 = arith.cmpi slt, %sub3A_981, %sign3A_987 : i32
      %sign3A_989 = arith.extui %sign3A_988 : i1 to i32
      %sign3A_990 = arith.subi %sign3A_986, %sign3A_989 : i32
      %sign3A_991 = arith.constant 0 : i32
      %sign3A_992 = arith.cmpi sgt, %jit3A_982, %sign3A_991 : i32
      %sign3A_993 = arith.extui %sign3A_992 : i1 to i32
      %sign3A_994 = arith.constant 0 : i32
      %sign3A_995 = arith.cmpi slt, %jit3A_982, %sign3A_994 : i32
      %sign3A_996 = arith.extui %sign3A_995 : i1 to i32
      %sign3A_997 = arith.subi %sign3A_993, %sign3A_996 : i32
      %ne3A_998 = arith.cmpi ne, %sign3A_990, %sign3A_997 : i32
      %rem3A_999 = arith.remsi %sub3A_981, %jit3A_982 : i32
      %ne3A_1000 = arith.constant 0 : i32
      %ne3A_1001 = arith.cmpi ne, %rem3A_999, %ne3A_1000 : i32
      %and3A_1002 = arith.andi %ne3A_998, %ne3A_1001 : i1
      %sub3A_1003 = arith.constant 1 : i32
      %sub3A_1004 = arith.subi %div3A_983, %sub3A_1003 : i32
      %select_n3A_1005 = arith.select %and3A_1002, %sub3A_1004, %div3A_983 : i32
      %mul3A_1006 = arith.constant 4 : i32
      %mul3A_1007 = arith.muli %mul3A_1006, %select_n3A_1005 : i32
      %add3A_1008 = arith.constant 3 : i32
      %add3A_1009 = arith.addi %mul3A_1007, %add3A_1008 : i32
      %dma_start3A_1010 = arith.constant 0 : i32
      %dma_start3A_1011 = tpu.memref_slice %arg10[%add3A_1009, %dma_start3A_1010] : memref<8x128xi32, #tpu.memory_space<vmem>> -> memref<1x128xi32, #tpu.memory_space<vmem>>
      %dma_start3A_1012 = tpu.memref_squeeze %dma_start3A_1011 : memref<1x128xi32, #tpu.memory_space<vmem>> -> memref<128xi32, #tpu.memory_space<vmem>>
      %dma_start3A_1013 = arith.constant 0 : i32
      %dma_start3A_1014 = arith.constant 0 : i32
      %dma_start3A_1015 = tpu.memref_slice %arg7[%dma_start3A_1013, %dma_start3A_1014] : memref<50000x16xf32, #tpu.memory_space<vmem_shared>> -> memref<50000x16xf32, #tpu.memory_space<vmem_shared>>
      tpu.enqueue_indirect_dma source(%arg14 : memref<128x16xf32, #tpu.memory_space<vmem>>) target(%dma_start3A_1015 : memref<50000x16xf32, #tpu.memory_space<vmem_shared>>) offsets(%dma_start3A_1012 : memref<128xi32, #tpu.memory_space<vmem>>) semaphore(%arg16 : memref<!tpu.dma_semaphore, #tpu.memory_space<semaphore_mem>>)
      %sub3A_1016 = arith.constant 1 : i32
      %sub3A_1017 = arith.subi %add3A_731, %sub3A_1016 : i32
      %mul3A_1018 = arith.constant 2 : i32
      %mul3A_1019 = arith.muli %mul3A_1018, %arg0 : i32
      %jit3A_1020 = arith.constant 8 : i32
      %div3A_1021 = arith.divsi %sub3A_1017, %jit3A_1020 : i32
      %sign3A_1022 = arith.constant 0 : i32
      %sign3A_1023 = arith.cmpi sgt, %sub3A_1017, %sign3A_1022 : i32
      %sign3A_1024 = arith.extui %sign3A_1023 : i1 to i32
      %sign3A_1025 = arith.constant 0 : i32
      %sign3A_1026 = arith.cmpi slt, %sub3A_1017, %sign3A_1025 : i32
      %sign3A_1027 = arith.extui %sign3A_1026 : i1 to i32
      %sign3A_1028 = arith.subi %sign3A_1024, %sign3A_1027 : i32
      %sign3A_1029 = arith.constant 0 : i32
      %sign3A_1030 = arith.cmpi sgt, %jit3A_1020, %sign3A_1029 : i32
      %sign3A_1031 = arith.extui %sign3A_1030 : i1 to i32
      %sign3A_1032 = arith.constant 0 : i32
      %sign3A_1033 = arith.cmpi slt, %jit3A_1020, %sign3A_1032 : i32
      %sign3A_1034 = arith.extui %sign3A_1033 : i1 to i32
      %sign3A_1035 = arith.subi %sign3A_1031, %sign3A_1034 : i32
      %ne3A_1036 = arith.cmpi ne, %sign3A_1028, %sign3A_1035 : i32
      %rem3A_1037 = arith.remsi %sub3A_1017, %jit3A_1020 : i32
      %ne3A_1038 = arith.constant 0 : i32
      %ne3A_1039 = arith.cmpi ne, %rem3A_1037, %ne3A_1038 : i32
      %and3A_1040 = arith.andi %ne3A_1036, %ne3A_1039 : i1
      %sub3A_1041 = arith.constant 1 : i32
      %sub3A_1042 = arith.subi %div3A_1021, %sub3A_1041 : i32
      %select_n3A_1043 = arith.select %and3A_1040, %sub3A_1042, %div3A_1021 : i32
      %add3A_1044 = arith.addi %mul3A_1019, %select_n3A_1043 : i32
      %mul3A_1045 = arith.constant 8192 : i32
      %mul3A_1046 = arith.muli %add3A_1044, %mul3A_1045 : i32
      %mul3A_1047 = arith.constant 512 : i32
      %mul3A_1048 = arith.muli %mul3A_1047, %arg1 : i32
      %add3A_1049 = arith.addi %mul3A_1046, %mul3A_1048 : i32
      %jit3A_1050 = arith.constant 8 : i32
      %eq3A = arith.constant 0 : i32
      %eq3A_1051 = arith.cmpi eq, %jit3A_1050, %eq3A : i32
      %jit3A_1052 = arith.constant 1 : i32
      %select_n3A_1053 = arith.select %eq3A_1051, %jit3A_1052, %jit3A_1050 : i32
      %rem3A_1054 = arith.remsi %sub3A_1017, %select_n3A_1053 : i32
      %ne3A_1055 = arith.constant 0 : i32
      %ne3A_1056 = arith.cmpi ne, %rem3A_1054, %ne3A_1055 : i32
      %lt3A = arith.constant 0 : i32
      %lt3A_1057 = arith.cmpi slt, %rem3A_1054, %lt3A : i32
      %lt3A_1058 = arith.constant 0 : i32
      %lt3A_1059 = arith.cmpi slt, %select_n3A_1053, %lt3A_1058 : i32
      %ne3A_1060 = arith.xori %lt3A_1057, %lt3A_1059 : i1
      %and3A_1061 = arith.andi %ne3A_1060, %ne3A_1056 : i1
      %add3A_1062 = arith.addi %rem3A_1054, %select_n3A_1053 : i32
      %select_n3A_1063 = arith.select %and3A_1061, %add3A_1062, %rem3A_1054 : i32
      %mul3A_1064 = arith.constant 16 : i32
      %mul3A_1065 = arith.muli %mul3A_1064, %select_n3A_1063 : i32
      %dma_start3A_1066 = tpu.memref_slice %arg6[%add3A_1049, %mul3A_1065] : memref<32768x128xf32, #tpu.memory_space<hbm>> -> memref<512x16xf32, #tpu.memory_space<hbm>>
      %dma_start3A_1067 = tpu.memref_slice %arg6[%add3A_1049, %mul3A_1065] : memref<32768x128xf32, #tpu.memory_space<hbm>> -> memref<512x16xf32, #tpu.memory_space<hbm>>
      tpu.enqueue_dma source(%arg13 : memref<512x16xf32, #tpu.memory_space<vmem>>) target(%dma_start3A_1067 : memref<512x16xf32, #tpu.memory_space<hbm>>) target_semaphore(%arg17 : memref<!tpu.dma_semaphore, #tpu.memory_space<semaphore_mem>>)
      %dma_wait3A_1068 = arith.constant 0 : i32
      %dma_wait3A_1069 = tpu.memref_slice %arg10[%add3A_901, %dma_wait3A_1068] : memref<8x128xi32, #tpu.memory_space<vmem>> -> memref<1x128xi32, #tpu.memory_space<vmem>>
      %dma_wait3A_1070 = tpu.memref_squeeze %dma_wait3A_1069 : memref<1x128xi32, #tpu.memory_space<vmem>> -> memref<128xi32, #tpu.memory_space<vmem>>
      %dma_wait3A_1071 = arith.constant 0 : i32
      %dma_wait3A_1072 = arith.constant 0 : i32
      %dma_wait3A_1073 = tpu.memref_slice %arg7[%dma_wait3A_1071, %dma_wait3A_1072] : memref<50000x16xf32, #tpu.memory_space<vmem_shared>> -> memref<50000x16xf32, #tpu.memory_space<vmem_shared>>
      tpu.wait_indirect_dma semaphore(%arg16 : memref<!tpu.dma_semaphore, #tpu.memory_space<semaphore_mem>>) src(%arg14 : memref<128x16xf32, #tpu.memory_space<vmem>>) dst(%dma_wait3A_1073 : memref<50000x16xf32, #tpu.memory_space<vmem_shared>>)
      %dma_wait3A_1074 = arith.constant 0 : i32
      %dma_wait3A_1075 = tpu.memref_slice %arg10[%add3A_937, %dma_wait3A_1074] : memref<8x128xi32, #tpu.memory_space<vmem>> -> memref<1x128xi32, #tpu.memory_space<vmem>>
      %dma_wait3A_1076 = tpu.memref_squeeze %dma_wait3A_1075 : memref<1x128xi32, #tpu.memory_space<vmem>> -> memref<128xi32, #tpu.memory_space<vmem>>
      %dma_wait3A_1077 = arith.constant 0 : i32
      %dma_wait3A_1078 = arith.constant 0 : i32
      %dma_wait3A_1079 = tpu.memref_slice %arg7[%dma_wait3A_1077, %dma_wait3A_1078] : memref<50000x16xf32, #tpu.memory_space<vmem_shared>> -> memref<50000x16xf32, #tpu.memory_space<vmem_shared>>
      tpu.wait_indirect_dma semaphore(%arg16 : memref<!tpu.dma_semaphore, #tpu.memory_space<semaphore_mem>>) src(%arg14 : memref<128x16xf32, #tpu.memory_space<vmem>>) dst(%dma_wait3A_1079 : memref<50000x16xf32, #tpu.memory_space<vmem_shared>>)
      %dma_wait3A_1080 = arith.constant 0 : i32
      %dma_wait3A_1081 = tpu.memref_slice %arg10[%add3A_973, %dma_wait3A_1080] : memref<8x128xi32, #tpu.memory_space<vmem>> -> memref<1x128xi32, #tpu.memory_space<vmem>>
      %dma_wait3A_1082 = tpu.memref_squeeze %dma_wait3A_1081 : memref<1x128xi32, #tpu.memory_space<vmem>> -> memref<128xi32, #tpu.memory_space<vmem>>
      %dma_wait3A_1083 = arith.constant 0 : i32
      %dma_wait3A_1084 = arith.constant 0 : i32
      %dma_wait3A_1085 = tpu.memref_slice %arg7[%dma_wait3A_1083, %dma_wait3A_1084] : memref<50000x16xf32, #tpu.memory_space<vmem_shared>> -> memref<50000x16xf32, #tpu.memory_space<vmem_shared>>
      tpu.wait_indirect_dma semaphore(%arg16 : memref<!tpu.dma_semaphore, #tpu.memory_space<semaphore_mem>>) src(%arg14 : memref<128x16xf32, #tpu.memory_space<vmem>>) dst(%dma_wait3A_1085 : memref<50000x16xf32, #tpu.memory_space<vmem_shared>>)
      %dma_wait3A_1086 = arith.constant 0 : i32
      %dma_wait3A_1087 = tpu.memref_slice %arg10[%add3A_1009, %dma_wait3A_1086] : memref<8x128xi32, #tpu.memory_space<vmem>> -> memref<1x128xi32, #tpu.memory_space<vmem>>
      %dma_wait3A_1088 = tpu.memref_squeeze %dma_wait3A_1087 : memref<1x128xi32, #tpu.memory_space<vmem>> -> memref<128xi32, #tpu.memory_space<vmem>>
      %dma_wait3A_1089 = arith.constant 0 : i32
      %dma_wait3A_1090 = arith.constant 0 : i32
      %dma_wait3A_1091 = tpu.memref_slice %arg7[%dma_wait3A_1089, %dma_wait3A_1090] : memref<50000x16xf32, #tpu.memory_space<vmem_shared>> -> memref<50000x16xf32, #tpu.memory_space<vmem_shared>>
      tpu.wait_indirect_dma semaphore(%arg16 : memref<!tpu.dma_semaphore, #tpu.memory_space<semaphore_mem>>) src(%arg14 : memref<128x16xf32, #tpu.memory_space<vmem>>) dst(%dma_wait3A_1091 : memref<50000x16xf32, #tpu.memory_space<vmem_shared>>)
      %dma_wait3A_1092 = tpu.memref_slice %arg6[%add3A_1049, %mul3A_1065] : memref<32768x128xf32, #tpu.memory_space<hbm>> -> memref<512x16xf32, #tpu.memory_space<hbm>>
      %dma_wait3A_1093 = tpu.memref_slice %arg6[%add3A_1049, %mul3A_1065] : memref<32768x128xf32, #tpu.memory_space<hbm>> -> memref<512x16xf32, #tpu.memory_space<hbm>>
      tpu.wait_dma2 semaphore(%arg17 : memref<!tpu.dma_semaphore, #tpu.memory_space<semaphore_mem>>) src(%arg13 : memref<512x16xf32, #tpu.memory_space<vmem>>) dst(%dma_wait3A_1093 : memref<512x16xf32, #tpu.memory_space<hbm>>)
      %dma_wait3A_1094 = arith.constant 0 : i32
      %dma_wait3A_1095 = arith.constant 0 : i32
      %dma_wait3A_1096 = tpu.memref_slice %arg12[%dma_wait3A_1094, %dma_wait3A_1095] : memref<512x16xf32, #tpu.memory_space<vmem>> -> memref<128x16xf32, #tpu.memory_space<vmem>>
      %dma_wait3A_1097 = arith.constant 0 : i32
      %dma_wait3A_1098 = tpu.memref_slice %arg10[%add3A_751, %dma_wait3A_1097] : memref<8x128xi32, #tpu.memory_space<vmem>> -> memref<1x128xi32, #tpu.memory_space<vmem>>
      %dma_wait3A_1099 = tpu.memref_squeeze %dma_wait3A_1098 : memref<1x128xi32, #tpu.memory_space<vmem>> -> memref<128xi32, #tpu.memory_space<vmem>>
      %dma_wait3A_1100 = arith.constant 0 : i32
      %dma_wait3A_1101 = arith.constant 0 : i32
      %dma_wait3A_1102 = tpu.memref_slice %arg8[%dma_wait3A_1100, %dma_wait3A_1101] : memref<50000x16xf32, #tpu.memory_space<vmem_shared>> -> memref<50000x16xf32, #tpu.memory_space<vmem_shared>>
      tpu.wait_indirect_dma semaphore(%arg15 : memref<!tpu.dma_semaphore, #tpu.memory_space<semaphore_mem>>) src(%dma_wait3A_1096 : memref<128x16xf32, #tpu.memory_space<vmem>>) dst(%dma_wait3A_1102 : memref<50000x16xf32, #tpu.memory_space<vmem_shared>>)
      %dma_wait3A_1103 = arith.constant 128 : i32
      %dma_wait3A_1104 = arith.constant 0 : i32
      %dma_wait3A_1105 = tpu.memref_slice %arg12[%dma_wait3A_1103, %dma_wait3A_1104] : memref<512x16xf32, #tpu.memory_space<vmem>> -> memref<128x16xf32, #tpu.memory_space<vmem>>
      %dma_wait3A_1106 = arith.constant 0 : i32
      %dma_wait3A_1107 = tpu.memref_slice %arg10[%add3A_788, %dma_wait3A_1106] : memref<8x128xi32, #tpu.memory_space<vmem>> -> memref<1x128xi32, #tpu.memory_space<vmem>>
      %dma_wait3A_1108 = tpu.memref_squeeze %dma_wait3A_1107 : memref<1x128xi32, #tpu.memory_space<vmem>> -> memref<128xi32, #tpu.memory_space<vmem>>
      %dma_wait3A_1109 = arith.constant 0 : i32
      %dma_wait3A_1110 = arith.constant 0 : i32
      %dma_wait3A_1111 = tpu.memref_slice %arg8[%dma_wait3A_1109, %dma_wait3A_1110] : memref<50000x16xf32, #tpu.memory_space<vmem_shared>> -> memref<50000x16xf32, #tpu.memory_space<vmem_shared>>
      tpu.wait_indirect_dma semaphore(%arg15 : memref<!tpu.dma_semaphore, #tpu.memory_space<semaphore_mem>>) src(%dma_wait3A_1105 : memref<128x16xf32, #tpu.memory_space<vmem>>) dst(%dma_wait3A_1111 : memref<50000x16xf32, #tpu.memory_space<vmem_shared>>)
      %dma_wait3A_1112 = arith.constant 256 : i32
      %dma_wait3A_1113 = arith.constant 0 : i32
      %dma_wait3A_1114 = tpu.memref_slice %arg12[%dma_wait3A_1112, %dma_wait3A_1113] : memref<512x16xf32, #tpu.memory_space<vmem>> -> memref<128x16xf32, #tpu.memory_space<vmem>>
      %dma_wait3A_1115 = arith.constant 0 : i32
      %dma_wait3A_1116 = tpu.memref_slice %arg10[%add3A_825, %dma_wait3A_1115] : memref<8x128xi32, #tpu.memory_space<vmem>> -> memref<1x128xi32, #tpu.memory_space<vmem>>
      %dma_wait3A_1117 = tpu.memref_squeeze %dma_wait3A_1116 : memref<1x128xi32, #tpu.memory_space<vmem>> -> memref<128xi32, #tpu.memory_space<vmem>>
      %dma_wait3A_1118 = arith.constant 0 : i32
      %dma_wait3A_1119 = arith.constant 0 : i32
      %dma_wait3A_1120 = tpu.memref_slice %arg8[%dma_wait3A_1118, %dma_wait3A_1119] : memref<50000x16xf32, #tpu.memory_space<vmem_shared>> -> memref<50000x16xf32, #tpu.memory_space<vmem_shared>>
      tpu.wait_indirect_dma semaphore(%arg15 : memref<!tpu.dma_semaphore, #tpu.memory_space<semaphore_mem>>) src(%dma_wait3A_1114 : memref<128x16xf32, #tpu.memory_space<vmem>>) dst(%dma_wait3A_1120 : memref<50000x16xf32, #tpu.memory_space<vmem_shared>>)
      %dma_wait3A_1121 = arith.constant 384 : i32
      %dma_wait3A_1122 = arith.constant 0 : i32
      %dma_wait3A_1123 = tpu.memref_slice %arg12[%dma_wait3A_1121, %dma_wait3A_1122] : memref<512x16xf32, #tpu.memory_space<vmem>> -> memref<128x16xf32, #tpu.memory_space<vmem>>
      %dma_wait3A_1124 = arith.constant 0 : i32
      %dma_wait3A_1125 = tpu.memref_slice %arg10[%add3A_862, %dma_wait3A_1124] : memref<8x128xi32, #tpu.memory_space<vmem>> -> memref<1x128xi32, #tpu.memory_space<vmem>>
      %dma_wait3A_1126 = tpu.memref_squeeze %dma_wait3A_1125 : memref<1x128xi32, #tpu.memory_space<vmem>> -> memref<128xi32, #tpu.memory_space<vmem>>
      %dma_wait3A_1127 = arith.constant 0 : i32
      %dma_wait3A_1128 = arith.constant 0 : i32
      %dma_wait3A_1129 = tpu.memref_slice %arg8[%dma_wait3A_1127, %dma_wait3A_1128] : memref<50000x16xf32, #tpu.memory_space<vmem_shared>> -> memref<50000x16xf32, #tpu.memory_space<vmem_shared>>
      tpu.wait_indirect_dma semaphore(%arg15 : memref<!tpu.dma_semaphore, #tpu.memory_space<semaphore_mem>>) src(%dma_wait3A_1123 : memref<128x16xf32, #tpu.memory_space<vmem>>) dst(%dma_wait3A_1129 : memref<50000x16xf32, #tpu.memory_space<vmem_shared>>)
      %barrier3A_1130 = arith.constant 0 : index
      tpu.barrier barrier_id(%barrier3A_1130)
      %jit3A_1131 = arith.constant 8 : i32
      %div3A_1132 = arith.divsi %add3A_731, %jit3A_1131 : i32
      %sign3A_1133 = arith.constant 0 : i32
      %sign3A_1134 = arith.cmpi sgt, %add3A_731, %sign3A_1133 : i32
      %sign3A_1135 = arith.extui %sign3A_1134 : i1 to i32
      %sign3A_1136 = arith.constant 0 : i32
      %sign3A_1137 = arith.cmpi slt, %add3A_731, %sign3A_1136 : i32
      %sign3A_1138 = arith.extui %sign3A_1137 : i1 to i32
      %sign3A_1139 = arith.subi %sign3A_1135, %sign3A_1138 : i32
      %sign3A_1140 = arith.constant 0 : i32
      %sign3A_1141 = arith.cmpi sgt, %jit3A_1131, %sign3A_1140 : i32
      %sign3A_1142 = arith.extui %sign3A_1141 : i1 to i32
      %sign3A_1143 = arith.constant 0 : i32
      %sign3A_1144 = arith.cmpi slt, %jit3A_1131, %sign3A_1143 : i32
      %sign3A_1145 = arith.extui %sign3A_1144 : i1 to i32
      %sign3A_1146 = arith.subi %sign3A_1142, %sign3A_1145 : i32
      %ne3A_1147 = arith.cmpi ne, %sign3A_1139, %sign3A_1146 : i32
      %rem3A_1148 = arith.remsi %add3A_731, %jit3A_1131 : i32
      %ne3A_1149 = arith.constant 0 : i32
      %ne3A_1150 = arith.cmpi ne, %rem3A_1148, %ne3A_1149 : i32
      %and3A_1151 = arith.andi %ne3A_1147, %ne3A_1150 : i1
      %sub3A_1152 = arith.constant 1 : i32
      %sub3A_1153 = arith.subi %div3A_1132, %sub3A_1152 : i32
      %select_n3A_1154 = arith.select %and3A_1151, %sub3A_1153, %div3A_1132 : i32
      %mul3A_1155 = arith.constant 4 : i32
      %mul3A_1156 = arith.muli %mul3A_1155, %select_n3A_1154 : i32
      %add3A_1157 = arith.constant 0 : i32
      %add3A_1158 = arith.addi %mul3A_1156, %add3A_1157 : i32
      %dma_start3A_1159 = arith.constant 0 : i32
      %dma_start3A_1160 = arith.constant 0 : i32
      %dma_start3A_1161 = tpu.memref_slice %arg13[%dma_start3A_1159, %dma_start3A_1160] : memref<512x16xf32, #tpu.memory_space<vmem>> -> memref<128x16xf32, #tpu.memory_space<vmem>>
      %dma_start3A_1162 = arith.constant 0 : i32
      %dma_start3A_1163 = tpu.memref_slice %arg10[%add3A_1158, %dma_start3A_1162] : memref<8x128xi32, #tpu.memory_space<vmem>> -> memref<1x128xi32, #tpu.memory_space<vmem>>
      %dma_start3A_1164 = tpu.memref_squeeze %dma_start3A_1163 : memref<1x128xi32, #tpu.memory_space<vmem>> -> memref<128xi32, #tpu.memory_space<vmem>>
      %dma_start3A_1165 = arith.constant 0 : i32
      %dma_start3A_1166 = arith.constant 0 : i32
      %dma_start3A_1167 = tpu.memref_slice %arg8[%dma_start3A_1165, %dma_start3A_1166] : memref<50000x16xf32, #tpu.memory_space<vmem_shared>> -> memref<50000x16xf32, #tpu.memory_space<vmem_shared>>
      tpu.enqueue_indirect_dma source(%dma_start3A_1167 : memref<50000x16xf32, #tpu.memory_space<vmem_shared>>) target(%dma_start3A_1161 : memref<128x16xf32, #tpu.memory_space<vmem>>) offsets(%dma_start3A_1164 : memref<128xi32, #tpu.memory_space<vmem>>) semaphore(%arg15 : memref<!tpu.dma_semaphore, #tpu.memory_space<semaphore_mem>>)
      %jit3A_1168 = arith.constant 8 : i32
      %div3A_1169 = arith.divsi %add3A_731, %jit3A_1168 : i32
      %sign3A_1170 = arith.constant 0 : i32
      %sign3A_1171 = arith.cmpi sgt, %add3A_731, %sign3A_1170 : i32
      %sign3A_1172 = arith.extui %sign3A_1171 : i1 to i32
      %sign3A_1173 = arith.constant 0 : i32
      %sign3A_1174 = arith.cmpi slt, %add3A_731, %sign3A_1173 : i32
      %sign3A_1175 = arith.extui %sign3A_1174 : i1 to i32
      %sign3A_1176 = arith.subi %sign3A_1172, %sign3A_1175 : i32
      %sign3A_1177 = arith.constant 0 : i32
      %sign3A_1178 = arith.cmpi sgt, %jit3A_1168, %sign3A_1177 : i32
      %sign3A_1179 = arith.extui %sign3A_1178 : i1 to i32
      %sign3A_1180 = arith.constant 0 : i32
      %sign3A_1181 = arith.cmpi slt, %jit3A_1168, %sign3A_1180 : i32
      %sign3A_1182 = arith.extui %sign3A_1181 : i1 to i32
      %sign3A_1183 = arith.subi %sign3A_1179, %sign3A_1182 : i32
      %ne3A_1184 = arith.cmpi ne, %sign3A_1176, %sign3A_1183 : i32
      %rem3A_1185 = arith.remsi %add3A_731, %jit3A_1168 : i32
      %ne3A_1186 = arith.constant 0 : i32
      %ne3A_1187 = arith.cmpi ne, %rem3A_1185, %ne3A_1186 : i32
      %and3A_1188 = arith.andi %ne3A_1184, %ne3A_1187 : i1
      %sub3A_1189 = arith.constant 1 : i32
      %sub3A_1190 = arith.subi %div3A_1169, %sub3A_1189 : i32
      %select_n3A_1191 = arith.select %and3A_1188, %sub3A_1190, %div3A_1169 : i32
      %mul3A_1192 = arith.constant 4 : i32
      %mul3A_1193 = arith.muli %mul3A_1192, %select_n3A_1191 : i32
      %add3A_1194 = arith.constant 1 : i32
      %add3A_1195 = arith.addi %mul3A_1193, %add3A_1194 : i32
      %dma_start3A_1196 = arith.constant 128 : i32
      %dma_start3A_1197 = arith.constant 0 : i32
      %dma_start3A_1198 = tpu.memref_slice %arg13[%dma_start3A_1196, %dma_start3A_1197] : memref<512x16xf32, #tpu.memory_space<vmem>> -> memref<128x16xf32, #tpu.memory_space<vmem>>
      %dma_start3A_1199 = arith.constant 0 : i32
      %dma_start3A_1200 = tpu.memref_slice %arg10[%add3A_1195, %dma_start3A_1199] : memref<8x128xi32, #tpu.memory_space<vmem>> -> memref<1x128xi32, #tpu.memory_space<vmem>>
      %dma_start3A_1201 = tpu.memref_squeeze %dma_start3A_1200 : memref<1x128xi32, #tpu.memory_space<vmem>> -> memref<128xi32, #tpu.memory_space<vmem>>
      %dma_start3A_1202 = arith.constant 0 : i32
      %dma_start3A_1203 = arith.constant 0 : i32
      %dma_start3A_1204 = tpu.memref_slice %arg8[%dma_start3A_1202, %dma_start3A_1203] : memref<50000x16xf32, #tpu.memory_space<vmem_shared>> -> memref<50000x16xf32, #tpu.memory_space<vmem_shared>>
      tpu.enqueue_indirect_dma source(%dma_start3A_1204 : memref<50000x16xf32, #tpu.memory_space<vmem_shared>>) target(%dma_start3A_1198 : memref<128x16xf32, #tpu.memory_space<vmem>>) offsets(%dma_start3A_1201 : memref<128xi32, #tpu.memory_space<vmem>>) semaphore(%arg15 : memref<!tpu.dma_semaphore, #tpu.memory_space<semaphore_mem>>)
      %jit3A_1205 = arith.constant 8 : i32
      %div3A_1206 = arith.divsi %add3A_731, %jit3A_1205 : i32
      %sign3A_1207 = arith.constant 0 : i32
      %sign3A_1208 = arith.cmpi sgt, %add3A_731, %sign3A_1207 : i32
      %sign3A_1209 = arith.extui %sign3A_1208 : i1 to i32
      %sign3A_1210 = arith.constant 0 : i32
      %sign3A_1211 = arith.cmpi slt, %add3A_731, %sign3A_1210 : i32
      %sign3A_1212 = arith.extui %sign3A_1211 : i1 to i32
      %sign3A_1213 = arith.subi %sign3A_1209, %sign3A_1212 : i32
      %sign3A_1214 = arith.constant 0 : i32
      %sign3A_1215 = arith.cmpi sgt, %jit3A_1205, %sign3A_1214 : i32
      %sign3A_1216 = arith.extui %sign3A_1215 : i1 to i32
      %sign3A_1217 = arith.constant 0 : i32
      %sign3A_1218 = arith.cmpi slt, %jit3A_1205, %sign3A_1217 : i32
      %sign3A_1219 = arith.extui %sign3A_1218 : i1 to i32
      %sign3A_1220 = arith.subi %sign3A_1216, %sign3A_1219 : i32
      %ne3A_1221 = arith.cmpi ne, %sign3A_1213, %sign3A_1220 : i32
      %rem3A_1222 = arith.remsi %add3A_731, %jit3A_1205 : i32
      %ne3A_1223 = arith.constant 0 : i32
      %ne3A_1224 = arith.cmpi ne, %rem3A_1222, %ne3A_1223 : i32
      %and3A_1225 = arith.andi %ne3A_1221, %ne3A_1224 : i1
      %sub3A_1226 = arith.constant 1 : i32
      %sub3A_1227 = arith.subi %div3A_1206, %sub3A_1226 : i32
      %select_n3A_1228 = arith.select %and3A_1225, %sub3A_1227, %div3A_1206 : i32
      %mul3A_1229 = arith.constant 4 : i32
      %mul3A_1230 = arith.muli %mul3A_1229, %select_n3A_1228 : i32
      %add3A_1231 = arith.constant 2 : i32
      %add3A_1232 = arith.addi %mul3A_1230, %add3A_1231 : i32
      %dma_start3A_1233 = arith.constant 256 : i32
      %dma_start3A_1234 = arith.constant 0 : i32
      %dma_start3A_1235 = tpu.memref_slice %arg13[%dma_start3A_1233, %dma_start3A_1234] : memref<512x16xf32, #tpu.memory_space<vmem>> -> memref<128x16xf32, #tpu.memory_space<vmem>>
      %dma_start3A_1236 = arith.constant 0 : i32
      %dma_start3A_1237 = tpu.memref_slice %arg10[%add3A_1232, %dma_start3A_1236] : memref<8x128xi32, #tpu.memory_space<vmem>> -> memref<1x128xi32, #tpu.memory_space<vmem>>
      %dma_start3A_1238 = tpu.memref_squeeze %dma_start3A_1237 : memref<1x128xi32, #tpu.memory_space<vmem>> -> memref<128xi32, #tpu.memory_space<vmem>>
      %dma_start3A_1239 = arith.constant 0 : i32
      %dma_start3A_1240 = arith.constant 0 : i32
      %dma_start3A_1241 = tpu.memref_slice %arg8[%dma_start3A_1239, %dma_start3A_1240] : memref<50000x16xf32, #tpu.memory_space<vmem_shared>> -> memref<50000x16xf32, #tpu.memory_space<vmem_shared>>
      tpu.enqueue_indirect_dma source(%dma_start3A_1241 : memref<50000x16xf32, #tpu.memory_space<vmem_shared>>) target(%dma_start3A_1235 : memref<128x16xf32, #tpu.memory_space<vmem>>) offsets(%dma_start3A_1238 : memref<128xi32, #tpu.memory_space<vmem>>) semaphore(%arg15 : memref<!tpu.dma_semaphore, #tpu.memory_space<semaphore_mem>>)
      %jit3A_1242 = arith.constant 8 : i32
      %div3A_1243 = arith.divsi %add3A_731, %jit3A_1242 : i32
      %sign3A_1244 = arith.constant 0 : i32
      %sign3A_1245 = arith.cmpi sgt, %add3A_731, %sign3A_1244 : i32
      %sign3A_1246 = arith.extui %sign3A_1245 : i1 to i32
      %sign3A_1247 = arith.constant 0 : i32
      %sign3A_1248 = arith.cmpi slt, %add3A_731, %sign3A_1247 : i32
      %sign3A_1249 = arith.extui %sign3A_1248 : i1 to i32
      %sign3A_1250 = arith.subi %sign3A_1246, %sign3A_1249 : i32
      %sign3A_1251 = arith.constant 0 : i32
      %sign3A_1252 = arith.cmpi sgt, %jit3A_1242, %sign3A_1251 : i32
      %sign3A_1253 = arith.extui %sign3A_1252 : i1 to i32
      %sign3A_1254 = arith.constant 0 : i32
      %sign3A_1255 = arith.cmpi slt, %jit3A_1242, %sign3A_1254 : i32
      %sign3A_1256 = arith.extui %sign3A_1255 : i1 to i32
      %sign3A_1257 = arith.subi %sign3A_1253, %sign3A_1256 : i32
      %ne3A_1258 = arith.cmpi ne, %sign3A_1250, %sign3A_1257 : i32
      %rem3A_1259 = arith.remsi %add3A_731, %jit3A_1242 : i32
      %ne3A_1260 = arith.constant 0 : i32
      %ne3A_1261 = arith.cmpi ne, %rem3A_1259, %ne3A_1260 : i32
      %and3A_1262 = arith.andi %ne3A_1258, %ne3A_1261 : i1
      %sub3A_1263 = arith.constant 1 : i32
      %sub3A_1264 = arith.subi %div3A_1243, %sub3A_1263 : i32
      %select_n3A_1265 = arith.select %and3A_1262, %sub3A_1264, %div3A_1243 : i32
      %mul3A_1266 = arith.constant 4 : i32
      %mul3A_1267 = arith.muli %mul3A_1266, %select_n3A_1265 : i32
      %add3A_1268 = arith.constant 3 : i32
      %add3A_1269 = arith.addi %mul3A_1267, %add3A_1268 : i32
      %dma_start3A_1270 = arith.constant 384 : i32
      %dma_start3A_1271 = arith.constant 0 : i32
      %dma_start3A_1272 = tpu.memref_slice %arg13[%dma_start3A_1270, %dma_start3A_1271] : memref<512x16xf32, #tpu.memory_space<vmem>> -> memref<128x16xf32, #tpu.memory_space<vmem>>
      %dma_start3A_1273 = arith.constant 0 : i32
      %dma_start3A_1274 = tpu.memref_slice %arg10[%add3A_1269, %dma_start3A_1273] : memref<8x128xi32, #tpu.memory_space<vmem>> -> memref<1x128xi32, #tpu.memory_space<vmem>>
      %dma_start3A_1275 = tpu.memref_squeeze %dma_start3A_1274 : memref<1x128xi32, #tpu.memory_space<vmem>> -> memref<128xi32, #tpu.memory_space<vmem>>
      %dma_start3A_1276 = arith.constant 0 : i32
      %dma_start3A_1277 = arith.constant 0 : i32
      %dma_start3A_1278 = tpu.memref_slice %arg8[%dma_start3A_1276, %dma_start3A_1277] : memref<50000x16xf32, #tpu.memory_space<vmem_shared>> -> memref<50000x16xf32, #tpu.memory_space<vmem_shared>>
      tpu.enqueue_indirect_dma source(%dma_start3A_1278 : memref<50000x16xf32, #tpu.memory_space<vmem_shared>>) target(%dma_start3A_1272 : memref<128x16xf32, #tpu.memory_space<vmem>>) offsets(%dma_start3A_1275 : memref<128xi32, #tpu.memory_space<vmem>>) semaphore(%arg15 : memref<!tpu.dma_semaphore, #tpu.memory_space<semaphore_mem>>)
      %add3A_1279 = arith.constant 1 : i32
      %add3A_1280 = arith.addi %add3A_731, %add3A_1279 : i32
      %mul3A_1281 = arith.constant 2 : i32
      %mul3A_1282 = arith.muli %mul3A_1281, %arg0 : i32
      %jit3A_1283 = arith.constant 8 : i32
      %div3A_1284 = arith.divsi %add3A_1280, %jit3A_1283 : i32
      %sign3A_1285 = arith.constant 0 : i32
      %sign3A_1286 = arith.cmpi sgt, %add3A_1280, %sign3A_1285 : i32
      %sign3A_1287 = arith.extui %sign3A_1286 : i1 to i32
      %sign3A_1288 = arith.constant 0 : i32
      %sign3A_1289 = arith.cmpi slt, %add3A_1280, %sign3A_1288 : i32
      %sign3A_1290 = arith.extui %sign3A_1289 : i1 to i32
      %sign3A_1291 = arith.subi %sign3A_1287, %sign3A_1290 : i32
      %sign3A_1292 = arith.constant 0 : i32
      %sign3A_1293 = arith.cmpi sgt, %jit3A_1283, %sign3A_1292 : i32
      %sign3A_1294 = arith.extui %sign3A_1293 : i1 to i32
      %sign3A_1295 = arith.constant 0 : i32
      %sign3A_1296 = arith.cmpi slt, %jit3A_1283, %sign3A_1295 : i32
      %sign3A_1297 = arith.extui %sign3A_1296 : i1 to i32
      %sign3A_1298 = arith.subi %sign3A_1294, %sign3A_1297 : i32
      %ne3A_1299 = arith.cmpi ne, %sign3A_1291, %sign3A_1298 : i32
      %rem3A_1300 = arith.remsi %add3A_1280, %jit3A_1283 : i32
      %ne3A_1301 = arith.constant 0 : i32
      %ne3A_1302 = arith.cmpi ne, %rem3A_1300, %ne3A_1301 : i32
      %and3A_1303 = arith.andi %ne3A_1299, %ne3A_1302 : i1
      %sub3A_1304 = arith.constant 1 : i32
      %sub3A_1305 = arith.subi %div3A_1284, %sub3A_1304 : i32
      %select_n3A_1306 = arith.select %and3A_1303, %sub3A_1305, %div3A_1284 : i32
      %add3A_1307 = arith.addi %mul3A_1282, %select_n3A_1306 : i32
      %mul3A_1308 = arith.constant 8192 : i32
      %mul3A_1309 = arith.muli %add3A_1307, %mul3A_1308 : i32
      %mul3A_1310 = arith.constant 512 : i32
      %mul3A_1311 = arith.muli %mul3A_1310, %arg1 : i32
      %add3A_1312 = arith.addi %mul3A_1309, %mul3A_1311 : i32
      %jit3A_1313 = arith.constant 8 : i32
      %eq3A_1314 = arith.constant 0 : i32
      %eq3A_1315 = arith.cmpi eq, %jit3A_1313, %eq3A_1314 : i32
      %jit3A_1316 = arith.constant 1 : i32
      %select_n3A_1317 = arith.select %eq3A_1315, %jit3A_1316, %jit3A_1313 : i32
      %rem3A_1318 = arith.remsi %add3A_1280, %select_n3A_1317 : i32
      %ne3A_1319 = arith.constant 0 : i32
      %ne3A_1320 = arith.cmpi ne, %rem3A_1318, %ne3A_1319 : i32
      %lt3A_1321 = arith.constant 0 : i32
      %lt3A_1322 = arith.cmpi slt, %rem3A_1318, %lt3A_1321 : i32
      %lt3A_1323 = arith.constant 0 : i32
      %lt3A_1324 = arith.cmpi slt, %select_n3A_1317, %lt3A_1323 : i32
      %ne3A_1325 = arith.xori %lt3A_1322, %lt3A_1324 : i1
      %and3A_1326 = arith.andi %ne3A_1325, %ne3A_1320 : i1
      %add3A_1327 = arith.addi %rem3A_1318, %select_n3A_1317 : i32
      %select_n3A_1328 = arith.select %and3A_1326, %add3A_1327, %rem3A_1318 : i32
      %mul3A_1329 = arith.constant 16 : i32
      %mul3A_1330 = arith.muli %mul3A_1329, %select_n3A_1328 : i32
      %dma_start3A_1331 = tpu.memref_slice %arg2[%add3A_1312, %mul3A_1330] : memref<32768x128xf32, #tpu.memory_space<hbm>> -> memref<512x16xf32, #tpu.memory_space<hbm>>
      %dma_start3A_1332 = tpu.memref_slice %arg2[%add3A_1312, %mul3A_1330] : memref<32768x128xf32, #tpu.memory_space<hbm>> -> memref<512x16xf32, #tpu.memory_space<hbm>>
      tpu.enqueue_dma source(%dma_start3A_1332 : memref<512x16xf32, #tpu.memory_space<hbm>>) target(%arg12 : memref<512x16xf32, #tpu.memory_space<vmem>>) target_semaphore(%arg17 : memref<!tpu.dma_semaphore, #tpu.memory_space<semaphore_mem>>)
      %dma_start3A_1333 = arith.constant 0 : i32
      %dma_start3A_1334 = tpu.memref_slice %arg9[%scan3A_726, %dma_start3A_1333] : memref<8x128xi32, #tpu.memory_space<vmem>> -> memref<1x64xi32, #tpu.memory_space<vmem>>
      %dma_start3A_1335 = tpu.memref_squeeze %dma_start3A_1334 : memref<1x64xi32, #tpu.memory_space<vmem>> -> memref<64xi32, #tpu.memory_space<vmem>>
      %dma_start3A_1336 = arith.constant 0 : i32
      %dma_start3A_1337 = arith.constant 0 : i32
      %dma_start3A_1338 = tpu.memref_slice %arg3[%dma_start3A_1336, %dma_start3A_1337] : memref<50000x128xf32, #tpu.memory_space<hbm>> -> memref<50000x128xf32, #tpu.memory_space<hbm>>
      tpu.enqueue_indirect_dma source(%dma_start3A_1338 : memref<50000x128xf32, #tpu.memory_space<hbm>>) target(%arg11 : memref<64x128xf32, #tpu.memory_space<vmem>>) offsets(%dma_start3A_1335 : memref<64xi32, #tpu.memory_space<vmem>>) semaphore(%arg16 : memref<!tpu.dma_semaphore, #tpu.memory_space<semaphore_mem>>)
      %dma_wait3A_1339 = arith.constant 0 : i32
      %dma_wait3A_1340 = tpu.memref_slice %arg9[%scan3A_726, %dma_wait3A_1339] : memref<8x128xi32, #tpu.memory_space<vmem>> -> memref<1x64xi32, #tpu.memory_space<vmem>>
      %dma_wait3A_1341 = tpu.memref_squeeze %dma_wait3A_1340 : memref<1x64xi32, #tpu.memory_space<vmem>> -> memref<64xi32, #tpu.memory_space<vmem>>
      %dma_wait3A_1342 = arith.constant 0 : i32
      %dma_wait3A_1343 = arith.constant 0 : i32
      %dma_wait3A_1344 = tpu.memref_slice %arg3[%dma_wait3A_1342, %dma_wait3A_1343] : memref<50000x128xf32, #tpu.memory_space<hbm>> -> memref<50000x128xf32, #tpu.memory_space<hbm>>
      tpu.wait_indirect_dma semaphore(%arg16 : memref<!tpu.dma_semaphore, #tpu.memory_space<semaphore_mem>>) src(%dma_wait3A_1344 : memref<50000x128xf32, #tpu.memory_space<hbm>>) dst(%arg11 : memref<64x128xf32, #tpu.memory_space<vmem>>)
      %mul3A_1345 = arith.constant 1024 : i32
      %mul3A_1346 = arith.muli %mul3A_1345, %add3A : i32
      %mul3A_1347 = arith.constant 128 : i32
      %mul3A_1348 = arith.muli %mul3A_1347, %scan3A_726 : i32
      %add3A_1349 = arith.addi %mul3A_1346, %mul3A_1348 : i32
      %add3A_1350 = arith.constant 0 : i32
      %add3A_1351 = arith.addi %add3A_1349, %add3A_1350 : i32
      %dma_start3A_1352 = arith.constant 0 : i32
      %dma_start3A_1353 = tpu.memref_slice %arg5[%add3A_1351, %dma_start3A_1352] : memref<32768x128xf32, #tpu.memory_space<hbm>> -> memref<64x128xf32, #tpu.memory_space<hbm>>
      %dma_start3A_1354 = arith.constant 0 : i32
      %dma_start3A_1355 = tpu.memref_slice %arg5[%add3A_1351, %dma_start3A_1354] : memref<32768x128xf32, #tpu.memory_space<hbm>> -> memref<64x128xf32, #tpu.memory_space<hbm>>
      tpu.enqueue_dma source(%arg11 : memref<64x128xf32, #tpu.memory_space<vmem>>) target(%dma_start3A_1355 : memref<64x128xf32, #tpu.memory_space<hbm>>) target_semaphore(%arg16 : memref<!tpu.dma_semaphore, #tpu.memory_space<semaphore_mem>>)
      %dma_wait3A_1356 = arith.constant 0 : i32
      %dma_wait3A_1357 = tpu.memref_slice %arg5[%add3A_1351, %dma_wait3A_1356] : memref<32768x128xf32, #tpu.memory_space<hbm>> -> memref<64x128xf32, #tpu.memory_space<hbm>>
      %dma_wait3A_1358 = arith.constant 0 : i32
      %dma_wait3A_1359 = tpu.memref_slice %arg5[%add3A_1351, %dma_wait3A_1358] : memref<32768x128xf32, #tpu.memory_space<hbm>> -> memref<64x128xf32, #tpu.memory_space<hbm>>
      tpu.wait_dma2 semaphore(%arg16 : memref<!tpu.dma_semaphore, #tpu.memory_space<semaphore_mem>>) src(%arg11 : memref<64x128xf32, #tpu.memory_space<vmem>>) dst(%dma_wait3A_1359 : memref<64x128xf32, #tpu.memory_space<hbm>>)
      %dma_start3A_1360 = arith.constant 64 : i32
      %dma_start3A_1361 = tpu.memref_slice %arg9[%scan3A_726, %dma_start3A_1360] : memref<8x128xi32, #tpu.memory_space<vmem>> -> memref<1x64xi32, #tpu.memory_space<vmem>>
      %dma_start3A_1362 = tpu.memref_squeeze %dma_start3A_1361 : memref<1x64xi32, #tpu.memory_space<vmem>> -> memref<64xi32, #tpu.memory_space<vmem>>
      %dma_start3A_1363 = arith.constant 0 : i32
      %dma_start3A_1364 = arith.constant 0 : i32
      %dma_start3A_1365 = tpu.memref_slice %arg3[%dma_start3A_1363, %dma_start3A_1364] : memref<50000x128xf32, #tpu.memory_space<hbm>> -> memref<50000x128xf32, #tpu.memory_space<hbm>>
      tpu.enqueue_indirect_dma source(%dma_start3A_1365 : memref<50000x128xf32, #tpu.memory_space<hbm>>) target(%arg11 : memref<64x128xf32, #tpu.memory_space<vmem>>) offsets(%dma_start3A_1362 : memref<64xi32, #tpu.memory_space<vmem>>) semaphore(%arg16 : memref<!tpu.dma_semaphore, #tpu.memory_space<semaphore_mem>>)
      %dma_wait3A_1366 = arith.constant 64 : i32
      %dma_wait3A_1367 = tpu.memref_slice %arg9[%scan3A_726, %dma_wait3A_1366] : memref<8x128xi32, #tpu.memory_space<vmem>> -> memref<1x64xi32, #tpu.memory_space<vmem>>
      %dma_wait3A_1368 = tpu.memref_squeeze %dma_wait3A_1367 : memref<1x64xi32, #tpu.memory_space<vmem>> -> memref<64xi32, #tpu.memory_space<vmem>>
      %dma_wait3A_1369 = arith.constant 0 : i32
      %dma_wait3A_1370 = arith.constant 0 : i32
      %dma_wait3A_1371 = tpu.memref_slice %arg3[%dma_wait3A_1369, %dma_wait3A_1370] : memref<50000x128xf32, #tpu.memory_space<hbm>> -> memref<50000x128xf32, #tpu.memory_space<hbm>>
      tpu.wait_indirect_dma semaphore(%arg16 : memref<!tpu.dma_semaphore, #tpu.memory_space<semaphore_mem>>) src(%dma_wait3A_1371 : memref<50000x128xf32, #tpu.memory_space<hbm>>) dst(%arg11 : memref<64x128xf32, #tpu.memory_space<vmem>>)
      %mul3A_1372 = arith.constant 1024 : i32
      %mul3A_1373 = arith.muli %mul3A_1372, %add3A : i32
      %mul3A_1374 = arith.constant 128 : i32
      %mul3A_1375 = arith.muli %mul3A_1374, %scan3A_726 : i32
      %add3A_1376 = arith.addi %mul3A_1373, %mul3A_1375 : i32
      %add3A_1377 = arith.constant 64 : i32
      %add3A_1378 = arith.addi %add3A_1376, %add3A_1377 : i32
      %dma_start3A_1379 = arith.constant 0 : i32
      %dma_start3A_1380 = tpu.memref_slice %arg5[%add3A_1378, %dma_start3A_1379] : memref<32768x128xf32, #tpu.memory_space<hbm>> -> memref<64x128xf32, #tpu.memory_space<hbm>>
      %dma_start3A_1381 = arith.constant 0 : i32
      %dma_start3A_1382 = tpu.memref_slice %arg5[%add3A_1378, %dma_start3A_1381] : memref<32768x128xf32, #tpu.memory_space<hbm>> -> memref<64x128xf32, #tpu.memory_space<hbm>>
      tpu.enqueue_dma source(%arg11 : memref<64x128xf32, #tpu.memory_space<vmem>>) target(%dma_start3A_1382 : memref<64x128xf32, #tpu.memory_space<hbm>>) target_semaphore(%arg16 : memref<!tpu.dma_semaphore, #tpu.memory_space<semaphore_mem>>)
      %dma_wait3A_1383 = arith.constant 0 : i32
      %dma_wait3A_1384 = tpu.memref_slice %arg5[%add3A_1378, %dma_wait3A_1383] : memref<32768x128xf32, #tpu.memory_space<hbm>> -> memref<64x128xf32, #tpu.memory_space<hbm>>
      %dma_wait3A_1385 = arith.constant 0 : i32
      %dma_wait3A_1386 = tpu.memref_slice %arg5[%add3A_1378, %dma_wait3A_1385] : memref<32768x128xf32, #tpu.memory_space<hbm>> -> memref<64x128xf32, #tpu.memory_space<hbm>>
      tpu.wait_dma2 semaphore(%arg16 : memref<!tpu.dma_semaphore, #tpu.memory_space<semaphore_mem>>) src(%arg11 : memref<64x128xf32, #tpu.memory_space<vmem>>) dst(%dma_wait3A_1386 : memref<64x128xf32, #tpu.memory_space<hbm>>)
      %dma_wait3A_1387 = arith.constant 0 : i32
      %dma_wait3A_1388 = arith.constant 0 : i32
      %dma_wait3A_1389 = tpu.memref_slice %arg13[%dma_wait3A_1387, %dma_wait3A_1388] : memref<512x16xf32, #tpu.memory_space<vmem>> -> memref<128x16xf32, #tpu.memory_space<vmem>>
      %dma_wait3A_1390 = arith.constant 0 : i32
      %dma_wait3A_1391 = tpu.memref_slice %arg10[%add3A_1158, %dma_wait3A_1390] : memref<8x128xi32, #tpu.memory_space<vmem>> -> memref<1x128xi32, #tpu.memory_space<vmem>>
      %dma_wait3A_1392 = tpu.memref_squeeze %dma_wait3A_1391 : memref<1x128xi32, #tpu.memory_space<vmem>> -> memref<128xi32, #tpu.memory_space<vmem>>
      %dma_wait3A_1393 = arith.constant 0 : i32
      %dma_wait3A_1394 = arith.constant 0 : i32
      %dma_wait3A_1395 = tpu.memref_slice %arg8[%dma_wait3A_1393, %dma_wait3A_1394] : memref<50000x16xf32, #tpu.memory_space<vmem_shared>> -> memref<50000x16xf32, #tpu.memory_space<vmem_shared>>
      tpu.wait_indirect_dma semaphore(%arg15 : memref<!tpu.dma_semaphore, #tpu.memory_space<semaphore_mem>>) src(%dma_wait3A_1395 : memref<50000x16xf32, #tpu.memory_space<vmem_shared>>) dst(%dma_wait3A_1389 : memref<128x16xf32, #tpu.memory_space<vmem>>)
      %dma_wait3A_1396 = arith.constant 128 : i32
      %dma_wait3A_1397 = arith.constant 0 : i32
      %dma_wait3A_1398 = tpu.memref_slice %arg13[%dma_wait3A_1396, %dma_wait3A_1397] : memref<512x16xf32, #tpu.memory_space<vmem>> -> memref<128x16xf32, #tpu.memory_space<vmem>>
      %dma_wait3A_1399 = arith.constant 0 : i32
      %dma_wait3A_1400 = tpu.memref_slice %arg10[%add3A_1195, %dma_wait3A_1399] : memref<8x128xi32, #tpu.memory_space<vmem>> -> memref<1x128xi32, #tpu.memory_space<vmem>>
      %dma_wait3A_1401 = tpu.memref_squeeze %dma_wait3A_1400 : memref<1x128xi32, #tpu.memory_space<vmem>> -> memref<128xi32, #tpu.memory_space<vmem>>
      %dma_wait3A_1402 = arith.constant 0 : i32
      %dma_wait3A_1403 = arith.constant 0 : i32
      %dma_wait3A_1404 = tpu.memref_slice %arg8[%dma_wait3A_1402, %dma_wait3A_1403] : memref<50000x16xf32, #tpu.memory_space<vmem_shared>> -> memref<50000x16xf32, #tpu.memory_space<vmem_shared>>
      tpu.wait_indirect_dma semaphore(%arg15 : memref<!tpu.dma_semaphore, #tpu.memory_space<semaphore_mem>>) src(%dma_wait3A_1404 : memref<50000x16xf32, #tpu.memory_space<vmem_shared>>) dst(%dma_wait3A_1398 : memref<128x16xf32, #tpu.memory_space<vmem>>)
      %dma_wait3A_1405 = arith.constant 256 : i32
      %dma_wait3A_1406 = arith.constant 0 : i32
      %dma_wait3A_1407 = tpu.memref_slice %arg13[%dma_wait3A_1405, %dma_wait3A_1406] : memref<512x16xf32, #tpu.memory_space<vmem>> -> memref<128x16xf32, #tpu.memory_space<vmem>>
      %dma_wait3A_1408 = arith.constant 0 : i32
      %dma_wait3A_1409 = tpu.memref_slice %arg10[%add3A_1232, %dma_wait3A_1408] : memref<8x128xi32, #tpu.memory_space<vmem>> -> memref<1x128xi32, #tpu.memory_space<vmem>>
      %dma_wait3A_1410 = tpu.memref_squeeze %dma_wait3A_1409 : memref<1x128xi32, #tpu.memory_space<vmem>> -> memref<128xi32, #tpu.memory_space<vmem>>
      %dma_wait3A_1411 = arith.constant 0 : i32
      %dma_wait3A_1412 = arith.constant 0 : i32
      %dma_wait3A_1413 = tpu.memref_slice %arg8[%dma_wait3A_1411, %dma_wait3A_1412] : memref<50000x16xf32, #tpu.memory_space<vmem_shared>> -> memref<50000x16xf32, #tpu.memory_space<vmem_shared>>
      tpu.wait_indirect_dma semaphore(%arg15 : memref<!tpu.dma_semaphore, #tpu.memory_space<semaphore_mem>>) src(%dma_wait3A_1413 : memref<50000x16xf32, #tpu.memory_space<vmem_shared>>) dst(%dma_wait3A_1407 : memref<128x16xf32, #tpu.memory_space<vmem>>)
      %dma_wait3A_1414 = arith.constant 384 : i32
      %dma_wait3A_1415 = arith.constant 0 : i32
      %dma_wait3A_1416 = tpu.memref_slice %arg13[%dma_wait3A_1414, %dma_wait3A_1415] : memref<512x16xf32, #tpu.memory_space<vmem>> -> memref<128x16xf32, #tpu.memory_space<vmem>>
      %dma_wait3A_1417 = arith.constant 0 : i32
      %dma_wait3A_1418 = tpu.memref_slice %arg10[%add3A_1269, %dma_wait3A_1417] : memref<8x128xi32, #tpu.memory_space<vmem>> -> memref<1x128xi32, #tpu.memory_space<vmem>>
      %dma_wait3A_1419 = tpu.memref_squeeze %dma_wait3A_1418 : memref<1x128xi32, #tpu.memory_space<vmem>> -> memref<128xi32, #tpu.memory_space<vmem>>
      %dma_wait3A_1420 = arith.constant 0 : i32
      %dma_wait3A_1421 = arith.constant 0 : i32
      %dma_wait3A_1422 = tpu.memref_slice %arg8[%dma_wait3A_1420, %dma_wait3A_1421] : memref<50000x16xf32, #tpu.memory_space<vmem_shared>> -> memref<50000x16xf32, #tpu.memory_space<vmem_shared>>
      tpu.wait_indirect_dma semaphore(%arg15 : memref<!tpu.dma_semaphore, #tpu.memory_space<semaphore_mem>>) src(%dma_wait3A_1422 : memref<50000x16xf32, #tpu.memory_space<vmem_shared>>) dst(%dma_wait3A_1416 : memref<128x16xf32, #tpu.memory_space<vmem>>)
      %dma_wait3A_1423 = tpu.memref_slice %arg2[%add3A_1312, %mul3A_1330] : memref<32768x128xf32, #tpu.memory_space<hbm>> -> memref<512x16xf32, #tpu.memory_space<hbm>>
      %dma_wait3A_1424 = tpu.memref_slice %arg2[%add3A_1312, %mul3A_1330] : memref<32768x128xf32, #tpu.memory_space<hbm>> -> memref<512x16xf32, #tpu.memory_space<hbm>>
      tpu.wait_dma2 semaphore(%arg17 : memref<!tpu.dma_semaphore, #tpu.memory_space<semaphore_mem>>) src(%dma_wait3A_1424 : memref<512x16xf32, #tpu.memory_space<hbm>>) dst(%arg12 : memref<512x16xf32, #tpu.memory_space<vmem>>)
      %barrier3A_1425 = arith.constant 0 : index
      tpu.barrier barrier_id(%barrier3A_1425)
      %mul3A_1426 = arith.constant 2 : i32
      %mul3A_1427 = arith.muli %mul3A_1426, %scan3A_726 : i32
      %add3A_1428 = arith.constant 2 : i32
      %add3A_1429 = arith.addi %mul3A_1427, %add3A_1428 : i32
      %jit3A_1430 = arith.constant 8 : i32
      %div3A_1431 = arith.divsi %add3A_1429, %jit3A_1430 : i32
      %sign3A_1432 = arith.constant 0 : i32
      %sign3A_1433 = arith.cmpi sgt, %add3A_1429, %sign3A_1432 : i32
      %sign3A_1434 = arith.extui %sign3A_1433 : i1 to i32
      %sign3A_1435 = arith.constant 0 : i32
      %sign3A_1436 = arith.cmpi slt, %add3A_1429, %sign3A_1435 : i32
      %sign3A_1437 = arith.extui %sign3A_1436 : i1 to i32
      %sign3A_1438 = arith.subi %sign3A_1434, %sign3A_1437 : i32
      %sign3A_1439 = arith.constant 0 : i32
      %sign3A_1440 = arith.cmpi sgt, %jit3A_1430, %sign3A_1439 : i32
      %sign3A_1441 = arith.extui %sign3A_1440 : i1 to i32
      %sign3A_1442 = arith.constant 0 : i32
      %sign3A_1443 = arith.cmpi slt, %jit3A_1430, %sign3A_1442 : i32
      %sign3A_1444 = arith.extui %sign3A_1443 : i1 to i32
      %sign3A_1445 = arith.subi %sign3A_1441, %sign3A_1444 : i32
      %ne3A_1446 = arith.cmpi ne, %sign3A_1438, %sign3A_1445 : i32
      %rem3A_1447 = arith.remsi %add3A_1429, %jit3A_1430 : i32
      %ne3A_1448 = arith.constant 0 : i32
      %ne3A_1449 = arith.cmpi ne, %rem3A_1447, %ne3A_1448 : i32
      %and3A_1450 = arith.andi %ne3A_1446, %ne3A_1449 : i1
      %sub3A_1451 = arith.constant 1 : i32
      %sub3A_1452 = arith.subi %div3A_1431, %sub3A_1451 : i32
      %select_n3A_1453 = arith.select %and3A_1450, %sub3A_1452, %div3A_1431 : i32
      %mul3A_1454 = arith.constant 4 : i32
      %mul3A_1455 = arith.muli %mul3A_1454, %select_n3A_1453 : i32
      %add3A_1456 = arith.constant 0 : i32
      %add3A_1457 = arith.addi %mul3A_1455, %add3A_1456 : i32
      %dma_start3A_1458 = arith.constant 0 : i32
      %dma_start3A_1459 = arith.constant 0 : i32
      %dma_start3A_1460 = tpu.memref_slice %arg12[%dma_start3A_1458, %dma_start3A_1459] : memref<512x16xf32, #tpu.memory_space<vmem>> -> memref<128x16xf32, #tpu.memory_space<vmem>>
      %dma_start3A_1461 = arith.constant 0 : i32
      %dma_start3A_1462 = tpu.memref_slice %arg10[%add3A_1457, %dma_start3A_1461] : memref<8x128xi32, #tpu.memory_space<vmem>> -> memref<1x128xi32, #tpu.memory_space<vmem>>
      %dma_start3A_1463 = tpu.memref_squeeze %dma_start3A_1462 : memref<1x128xi32, #tpu.memory_space<vmem>> -> memref<128xi32, #tpu.memory_space<vmem>>
      %dma_start3A_1464 = arith.constant 0 : i32
      %dma_start3A_1465 = arith.constant 0 : i32
      %dma_start3A_1466 = tpu.memref_slice %arg7[%dma_start3A_1464, %dma_start3A_1465] : memref<50000x16xf32, #tpu.memory_space<vmem_shared>> -> memref<50000x16xf32, #tpu.memory_space<vmem_shared>>
      tpu.enqueue_indirect_dma source(%dma_start3A_1460 : memref<128x16xf32, #tpu.memory_space<vmem>>) target(%dma_start3A_1466 : memref<50000x16xf32, #tpu.memory_space<vmem_shared>>) offsets(%dma_start3A_1463 : memref<128xi32, #tpu.memory_space<vmem>>) semaphore(%arg15 : memref<!tpu.dma_semaphore, #tpu.memory_space<semaphore_mem>>) {add = true}
      %jit3A_1467 = arith.constant 8 : i32
      %div3A_1468 = arith.divsi %add3A_1429, %jit3A_1467 : i32
      %sign3A_1469 = arith.constant 0 : i32
      %sign3A_1470 = arith.cmpi sgt, %add3A_1429, %sign3A_1469 : i32
      %sign3A_1471 = arith.extui %sign3A_1470 : i1 to i32
      %sign3A_1472 = arith.constant 0 : i32
      %sign3A_1473 = arith.cmpi slt, %add3A_1429, %sign3A_1472 : i32
      %sign3A_1474 = arith.extui %sign3A_1473 : i1 to i32
      %sign3A_1475 = arith.subi %sign3A_1471, %sign3A_1474 : i32
      %sign3A_1476 = arith.constant 0 : i32
      %sign3A_1477 = arith.cmpi sgt, %jit3A_1467, %sign3A_1476 : i32
      %sign3A_1478 = arith.extui %sign3A_1477 : i1 to i32
      %sign3A_1479 = arith.constant 0 : i32
      %sign3A_1480 = arith.cmpi slt, %jit3A_1467, %sign3A_1479 : i32
      %sign3A_1481 = arith.extui %sign3A_1480 : i1 to i32
      %sign3A_1482 = arith.subi %sign3A_1478, %sign3A_1481 : i32
      %ne3A_1483 = arith.cmpi ne, %sign3A_1475, %sign3A_1482 : i32
      %rem3A_1484 = arith.remsi %add3A_1429, %jit3A_1467 : i32
      %ne3A_1485 = arith.constant 0 : i32
      %ne3A_1486 = arith.cmpi ne, %rem3A_1484, %ne3A_1485 : i32
      %and3A_1487 = arith.andi %ne3A_1483, %ne3A_1486 : i1
      %sub3A_1488 = arith.constant 1 : i32
      %sub3A_1489 = arith.subi %div3A_1468, %sub3A_1488 : i32
      %select_n3A_1490 = arith.select %and3A_1487, %sub3A_1489, %div3A_1468 : i32
      %mul3A_1491 = arith.constant 4 : i32
      %mul3A_1492 = arith.muli %mul3A_1491, %select_n3A_1490 : i32
      %add3A_1493 = arith.constant 1 : i32
      %add3A_1494 = arith.addi %mul3A_1492, %add3A_1493 : i32
      %dma_start3A_1495 = arith.constant 128 : i32
      %dma_start3A_1496 = arith.constant 0 : i32
      %dma_start3A_1497 = tpu.memref_slice %arg12[%dma_start3A_1495, %dma_start3A_1496] : memref<512x16xf32, #tpu.memory_space<vmem>> -> memref<128x16xf32, #tpu.memory_space<vmem>>
      %dma_start3A_1498 = arith.constant 0 : i32
      %dma_start3A_1499 = tpu.memref_slice %arg10[%add3A_1494, %dma_start3A_1498] : memref<8x128xi32, #tpu.memory_space<vmem>> -> memref<1x128xi32, #tpu.memory_space<vmem>>
      %dma_start3A_1500 = tpu.memref_squeeze %dma_start3A_1499 : memref<1x128xi32, #tpu.memory_space<vmem>> -> memref<128xi32, #tpu.memory_space<vmem>>
      %dma_start3A_1501 = arith.constant 0 : i32
      %dma_start3A_1502 = arith.constant 0 : i32
      %dma_start3A_1503 = tpu.memref_slice %arg7[%dma_start3A_1501, %dma_start3A_1502] : memref<50000x16xf32, #tpu.memory_space<vmem_shared>> -> memref<50000x16xf32, #tpu.memory_space<vmem_shared>>
      tpu.enqueue_indirect_dma source(%dma_start3A_1497 : memref<128x16xf32, #tpu.memory_space<vmem>>) target(%dma_start3A_1503 : memref<50000x16xf32, #tpu.memory_space<vmem_shared>>) offsets(%dma_start3A_1500 : memref<128xi32, #tpu.memory_space<vmem>>) semaphore(%arg15 : memref<!tpu.dma_semaphore, #tpu.memory_space<semaphore_mem>>) {add = true}
      %jit3A_1504 = arith.constant 8 : i32
      %div3A_1505 = arith.divsi %add3A_1429, %jit3A_1504 : i32
      %sign3A_1506 = arith.constant 0 : i32
      %sign3A_1507 = arith.cmpi sgt, %add3A_1429, %sign3A_1506 : i32
      %sign3A_1508 = arith.extui %sign3A_1507 : i1 to i32
      %sign3A_1509 = arith.constant 0 : i32
      %sign3A_1510 = arith.cmpi slt, %add3A_1429, %sign3A_1509 : i32
      %sign3A_1511 = arith.extui %sign3A_1510 : i1 to i32
      %sign3A_1512 = arith.subi %sign3A_1508, %sign3A_1511 : i32
      %sign3A_1513 = arith.constant 0 : i32
      %sign3A_1514 = arith.cmpi sgt, %jit3A_1504, %sign3A_1513 : i32
      %sign3A_1515 = arith.extui %sign3A_1514 : i1 to i32
      %sign3A_1516 = arith.constant 0 : i32
      %sign3A_1517 = arith.cmpi slt, %jit3A_1504, %sign3A_1516 : i32
      %sign3A_1518 = arith.extui %sign3A_1517 : i1 to i32
      %sign3A_1519 = arith.subi %sign3A_1515, %sign3A_1518 : i32
      %ne3A_1520 = arith.cmpi ne, %sign3A_1512, %sign3A_1519 : i32
      %rem3A_1521 = arith.remsi %add3A_1429, %jit3A_1504 : i32
      %ne3A_1522 = arith.constant 0 : i32
      %ne3A_1523 = arith.cmpi ne, %rem3A_1521, %ne3A_1522 : i32
      %and3A_1524 = arith.andi %ne3A_1520, %ne3A_1523 : i1
      %sub3A_1525 = arith.constant 1 : i32
      %sub3A_1526 = arith.subi %div3A_1505, %sub3A_1525 : i32
      %select_n3A_1527 = arith.select %and3A_1524, %sub3A_1526, %div3A_1505 : i32
      %mul3A_1528 = arith.constant 4 : i32
      %mul3A_1529 = arith.muli %mul3A_1528, %select_n3A_1527 : i32
      %add3A_1530 = arith.constant 2 : i32
      %add3A_1531 = arith.addi %mul3A_1529, %add3A_1530 : i32
      %dma_start3A_1532 = arith.constant 256 : i32
      %dma_start3A_1533 = arith.constant 0 : i32
      %dma_start3A_1534 = tpu.memref_slice %arg12[%dma_start3A_1532, %dma_start3A_1533] : memref<512x16xf32, #tpu.memory_space<vmem>> -> memref<128x16xf32, #tpu.memory_space<vmem>>
      %dma_start3A_1535 = arith.constant 0 : i32
      %dma_start3A_1536 = tpu.memref_slice %arg10[%add3A_1531, %dma_start3A_1535] : memref<8x128xi32, #tpu.memory_space<vmem>> -> memref<1x128xi32, #tpu.memory_space<vmem>>
      %dma_start3A_1537 = tpu.memref_squeeze %dma_start3A_1536 : memref<1x128xi32, #tpu.memory_space<vmem>> -> memref<128xi32, #tpu.memory_space<vmem>>
      %dma_start3A_1538 = arith.constant 0 : i32
      %dma_start3A_1539 = arith.constant 0 : i32
      %dma_start3A_1540 = tpu.memref_slice %arg7[%dma_start3A_1538, %dma_start3A_1539] : memref<50000x16xf32, #tpu.memory_space<vmem_shared>> -> memref<50000x16xf32, #tpu.memory_space<vmem_shared>>
      tpu.enqueue_indirect_dma source(%dma_start3A_1534 : memref<128x16xf32, #tpu.memory_space<vmem>>) target(%dma_start3A_1540 : memref<50000x16xf32, #tpu.memory_space<vmem_shared>>) offsets(%dma_start3A_1537 : memref<128xi32, #tpu.memory_space<vmem>>) semaphore(%arg15 : memref<!tpu.dma_semaphore, #tpu.memory_space<semaphore_mem>>) {add = true}
      %jit3A_1541 = arith.constant 8 : i32
      %div3A_1542 = arith.divsi %add3A_1429, %jit3A_1541 : i32
      %sign3A_1543 = arith.constant 0 : i32
      %sign3A_1544 = arith.cmpi sgt, %add3A_1429, %sign3A_1543 : i32
      %sign3A_1545 = arith.extui %sign3A_1544 : i1 to i32
      %sign3A_1546 = arith.constant 0 : i32
      %sign3A_1547 = arith.cmpi slt, %add3A_1429, %sign3A_1546 : i32
      %sign3A_1548 = arith.extui %sign3A_1547 : i1 to i32
      %sign3A_1549 = arith.subi %sign3A_1545, %sign3A_1548 : i32
      %sign3A_1550 = arith.constant 0 : i32
      %sign3A_1551 = arith.cmpi sgt, %jit3A_1541, %sign3A_1550 : i32
      %sign3A_1552 = arith.extui %sign3A_1551 : i1 to i32
      %sign3A_1553 = arith.constant 0 : i32
      %sign3A_1554 = arith.cmpi slt, %jit3A_1541, %sign3A_1553 : i32
      %sign3A_1555 = arith.extui %sign3A_1554 : i1 to i32
      %sign3A_1556 = arith.subi %sign3A_1552, %sign3A_1555 : i32
      %ne3A_1557 = arith.cmpi ne, %sign3A_1549, %sign3A_1556 : i32
      %rem3A_1558 = arith.remsi %add3A_1429, %jit3A_1541 : i32
      %ne3A_1559 = arith.constant 0 : i32
      %ne3A_1560 = arith.cmpi ne, %rem3A_1558, %ne3A_1559 : i32
      %and3A_1561 = arith.andi %ne3A_1557, %ne3A_1560 : i1
      %sub3A_1562 = arith.constant 1 : i32
      %sub3A_1563 = arith.subi %div3A_1542, %sub3A_1562 : i32
      %select_n3A_1564 = arith.select %and3A_1561, %sub3A_1563, %div3A_1542 : i32
      %mul3A_1565 = arith.constant 4 : i32
      %mul3A_1566 = arith.muli %mul3A_1565, %select_n3A_1564 : i32
      %add3A_1567 = arith.constant 3 : i32
      %add3A_1568 = arith.addi %mul3A_1566, %add3A_1567 : i32
      %dma_start3A_1569 = arith.constant 384 : i32
      %dma_start3A_1570 = arith.constant 0 : i32
      %dma_start3A_1571 = tpu.memref_slice %arg12[%dma_start3A_1569, %dma_start3A_1570] : memref<512x16xf32, #tpu.memory_space<vmem>> -> memref<128x16xf32, #tpu.memory_space<vmem>>
      %dma_start3A_1572 = arith.constant 0 : i32
      %dma_start3A_1573 = tpu.memref_slice %arg10[%add3A_1568, %dma_start3A_1572] : memref<8x128xi32, #tpu.memory_space<vmem>> -> memref<1x128xi32, #tpu.memory_space<vmem>>
      %dma_start3A_1574 = tpu.memref_squeeze %dma_start3A_1573 : memref<1x128xi32, #tpu.memory_space<vmem>> -> memref<128xi32, #tpu.memory_space<vmem>>
      %dma_start3A_1575 = arith.constant 0 : i32
      %dma_start3A_1576 = arith.constant 0 : i32
      %dma_start3A_1577 = tpu.memref_slice %arg7[%dma_start3A_1575, %dma_start3A_1576] : memref<50000x16xf32, #tpu.memory_space<vmem_shared>> -> memref<50000x16xf32, #tpu.memory_space<vmem_shared>>
      tpu.enqueue_indirect_dma source(%dma_start3A_1571 : memref<128x16xf32, #tpu.memory_space<vmem>>) target(%dma_start3A_1577 : memref<50000x16xf32, #tpu.memory_space<vmem_shared>>) offsets(%dma_start3A_1574 : memref<128xi32, #tpu.memory_space<vmem>>) semaphore(%arg15 : memref<!tpu.dma_semaphore, #tpu.memory_space<semaphore_mem>>) {add = true}
      %sub3A_1578 = arith.constant 1 : i32
      %sub3A_1579 = arith.subi %add3A_1429, %sub3A_1578 : i32
      %jit3A_1580 = arith.constant 8 : i32
      %div3A_1581 = arith.divsi %sub3A_1579, %jit3A_1580 : i32
      %sign3A_1582 = arith.constant 0 : i32
      %sign3A_1583 = arith.cmpi sgt, %sub3A_1579, %sign3A_1582 : i32
      %sign3A_1584 = arith.extui %sign3A_1583 : i1 to i32
      %sign3A_1585 = arith.constant 0 : i32
      %sign3A_1586 = arith.cmpi slt, %sub3A_1579, %sign3A_1585 : i32
      %sign3A_1587 = arith.extui %sign3A_1586 : i1 to i32
      %sign3A_1588 = arith.subi %sign3A_1584, %sign3A_1587 : i32
      %sign3A_1589 = arith.constant 0 : i32
      %sign3A_1590 = arith.cmpi sgt, %jit3A_1580, %sign3A_1589 : i32
      %sign3A_1591 = arith.extui %sign3A_1590 : i1 to i32
      %sign3A_1592 = arith.constant 0 : i32
      %sign3A_1593 = arith.cmpi slt, %jit3A_1580, %sign3A_1592 : i32
      %sign3A_1594 = arith.extui %sign3A_1593 : i1 to i32
      %sign3A_1595 = arith.subi %sign3A_1591, %sign3A_1594 : i32
      %ne3A_1596 = arith.cmpi ne, %sign3A_1588, %sign3A_1595 : i32
      %rem3A_1597 = arith.remsi %sub3A_1579, %jit3A_1580 : i32
      %ne3A_1598 = arith.constant 0 : i32
      %ne3A_1599 = arith.cmpi ne, %rem3A_1597, %ne3A_1598 : i32
      %and3A_1600 = arith.andi %ne3A_1596, %ne3A_1599 : i1
      %sub3A_1601 = arith.constant 1 : i32
      %sub3A_1602 = arith.subi %div3A_1581, %sub3A_1601 : i32
      %select_n3A_1603 = arith.select %and3A_1600, %sub3A_1602, %div3A_1581 : i32
      %mul3A_1604 = arith.constant 4 : i32
      %mul3A_1605 = arith.muli %mul3A_1604, %select_n3A_1603 : i32
      %add3A_1606 = arith.constant 0 : i32
      %add3A_1607 = arith.addi %mul3A_1605, %add3A_1606 : i32
      %dma_start3A_1608 = arith.constant 0 : i32
      %dma_start3A_1609 = tpu.memref_slice %arg10[%add3A_1607, %dma_start3A_1608] : memref<8x128xi32, #tpu.memory_space<vmem>> -> memref<1x128xi32, #tpu.memory_space<vmem>>
      %dma_start3A_1610 = tpu.memref_squeeze %dma_start3A_1609 : memref<1x128xi32, #tpu.memory_space<vmem>> -> memref<128xi32, #tpu.memory_space<vmem>>
      %dma_start3A_1611 = arith.constant 0 : i32
      %dma_start3A_1612 = arith.constant 0 : i32
      %dma_start3A_1613 = tpu.memref_slice %arg8[%dma_start3A_1611, %dma_start3A_1612] : memref<50000x16xf32, #tpu.memory_space<vmem_shared>> -> memref<50000x16xf32, #tpu.memory_space<vmem_shared>>
      tpu.enqueue_indirect_dma source(%arg14 : memref<128x16xf32, #tpu.memory_space<vmem>>) target(%dma_start3A_1613 : memref<50000x16xf32, #tpu.memory_space<vmem_shared>>) offsets(%dma_start3A_1610 : memref<128xi32, #tpu.memory_space<vmem>>) semaphore(%arg16 : memref<!tpu.dma_semaphore, #tpu.memory_space<semaphore_mem>>)
      %sub3A_1614 = arith.constant 1 : i32
      %sub3A_1615 = arith.subi %add3A_1429, %sub3A_1614 : i32
      %jit3A_1616 = arith.constant 8 : i32
      %div3A_1617 = arith.divsi %sub3A_1615, %jit3A_1616 : i32
      %sign3A_1618 = arith.constant 0 : i32
      %sign3A_1619 = arith.cmpi sgt, %sub3A_1615, %sign3A_1618 : i32
      %sign3A_1620 = arith.extui %sign3A_1619 : i1 to i32
      %sign3A_1621 = arith.constant 0 : i32
      %sign3A_1622 = arith.cmpi slt, %sub3A_1615, %sign3A_1621 : i32
      %sign3A_1623 = arith.extui %sign3A_1622 : i1 to i32
      %sign3A_1624 = arith.subi %sign3A_1620, %sign3A_1623 : i32
      %sign3A_1625 = arith.constant 0 : i32
      %sign3A_1626 = arith.cmpi sgt, %jit3A_1616, %sign3A_1625 : i32
      %sign3A_1627 = arith.extui %sign3A_1626 : i1 to i32
      %sign3A_1628 = arith.constant 0 : i32
      %sign3A_1629 = arith.cmpi slt, %jit3A_1616, %sign3A_1628 : i32
      %sign3A_1630 = arith.extui %sign3A_1629 : i1 to i32
      %sign3A_1631 = arith.subi %sign3A_1627, %sign3A_1630 : i32
      %ne3A_1632 = arith.cmpi ne, %sign3A_1624, %sign3A_1631 : i32
      %rem3A_1633 = arith.remsi %sub3A_1615, %jit3A_1616 : i32
      %ne3A_1634 = arith.constant 0 : i32
      %ne3A_1635 = arith.cmpi ne, %rem3A_1633, %ne3A_1634 : i32
      %and3A_1636 = arith.andi %ne3A_1632, %ne3A_1635 : i1
      %sub3A_1637 = arith.constant 1 : i32
      %sub3A_1638 = arith.subi %div3A_1617, %sub3A_1637 : i32
      %select_n3A_1639 = arith.select %and3A_1636, %sub3A_1638, %div3A_1617 : i32
      %mul3A_1640 = arith.constant 4 : i32
      %mul3A_1641 = arith.muli %mul3A_1640, %select_n3A_1639 : i32
      %add3A_1642 = arith.constant 1 : i32
      %add3A_1643 = arith.addi %mul3A_1641, %add3A_1642 : i32
      %dma_start3A_1644 = arith.constant 0 : i32
      %dma_start3A_1645 = tpu.memref_slice %arg10[%add3A_1643, %dma_start3A_1644] : memref<8x128xi32, #tpu.memory_space<vmem>> -> memref<1x128xi32, #tpu.memory_space<vmem>>
      %dma_start3A_1646 = tpu.memref_squeeze %dma_start3A_1645 : memref<1x128xi32, #tpu.memory_space<vmem>> -> memref<128xi32, #tpu.memory_space<vmem>>
      %dma_start3A_1647 = arith.constant 0 : i32
      %dma_start3A_1648 = arith.constant 0 : i32
      %dma_start3A_1649 = tpu.memref_slice %arg8[%dma_start3A_1647, %dma_start3A_1648] : memref<50000x16xf32, #tpu.memory_space<vmem_shared>> -> memref<50000x16xf32, #tpu.memory_space<vmem_shared>>
      tpu.enqueue_indirect_dma source(%arg14 : memref<128x16xf32, #tpu.memory_space<vmem>>) target(%dma_start3A_1649 : memref<50000x16xf32, #tpu.memory_space<vmem_shared>>) offsets(%dma_start3A_1646 : memref<128xi32, #tpu.memory_space<vmem>>) semaphore(%arg16 : memref<!tpu.dma_semaphore, #tpu.memory_space<semaphore_mem>>)
      %sub3A_1650 = arith.constant 1 : i32
      %sub3A_1651 = arith.subi %add3A_1429, %sub3A_1650 : i32
      %jit3A_1652 = arith.constant 8 : i32
      %div3A_1653 = arith.divsi %sub3A_1651, %jit3A_1652 : i32
      %sign3A_1654 = arith.constant 0 : i32
      %sign3A_1655 = arith.cmpi sgt, %sub3A_1651, %sign3A_1654 : i32
      %sign3A_1656 = arith.extui %sign3A_1655 : i1 to i32
      %sign3A_1657 = arith.constant 0 : i32
      %sign3A_1658 = arith.cmpi slt, %sub3A_1651, %sign3A_1657 : i32
      %sign3A_1659 = arith.extui %sign3A_1658 : i1 to i32
      %sign3A_1660 = arith.subi %sign3A_1656, %sign3A_1659 : i32
      %sign3A_1661 = arith.constant 0 : i32
      %sign3A_1662 = arith.cmpi sgt, %jit3A_1652, %sign3A_1661 : i32
      %sign3A_1663 = arith.extui %sign3A_1662 : i1 to i32
      %sign3A_1664 = arith.constant 0 : i32
      %sign3A_1665 = arith.cmpi slt, %jit3A_1652, %sign3A_1664 : i32
      %sign3A_1666 = arith.extui %sign3A_1665 : i1 to i32
      %sign3A_1667 = arith.subi %sign3A_1663, %sign3A_1666 : i32
      %ne3A_1668 = arith.cmpi ne, %sign3A_1660, %sign3A_1667 : i32
      %rem3A_1669 = arith.remsi %sub3A_1651, %jit3A_1652 : i32
      %ne3A_1670 = arith.constant 0 : i32
      %ne3A_1671 = arith.cmpi ne, %rem3A_1669, %ne3A_1670 : i32
      %and3A_1672 = arith.andi %ne3A_1668, %ne3A_1671 : i1
      %sub3A_1673 = arith.constant 1 : i32
      %sub3A_1674 = arith.subi %div3A_1653, %sub3A_1673 : i32
      %select_n3A_1675 = arith.select %and3A_1672, %sub3A_1674, %div3A_1653 : i32
      %mul3A_1676 = arith.constant 4 : i32
      %mul3A_1677 = arith.muli %mul3A_1676, %select_n3A_1675 : i32
      %add3A_1678 = arith.constant 2 : i32
      %add3A_1679 = arith.addi %mul3A_1677, %add3A_1678 : i32
      %dma_start3A_1680 = arith.constant 0 : i32
      %dma_start3A_1681 = tpu.memref_slice %arg10[%add3A_1679, %dma_start3A_1680] : memref<8x128xi32, #tpu.memory_space<vmem>> -> memref<1x128xi32, #tpu.memory_space<vmem>>
      %dma_start3A_1682 = tpu.memref_squeeze %dma_start3A_1681 : memref<1x128xi32, #tpu.memory_space<vmem>> -> memref<128xi32, #tpu.memory_space<vmem>>
      %dma_start3A_1683 = arith.constant 0 : i32
      %dma_start3A_1684 = arith.constant 0 : i32
      %dma_start3A_1685 = tpu.memref_slice %arg8[%dma_start3A_1683, %dma_start3A_1684] : memref<50000x16xf32, #tpu.memory_space<vmem_shared>> -> memref<50000x16xf32, #tpu.memory_space<vmem_shared>>
      tpu.enqueue_indirect_dma source(%arg14 : memref<128x16xf32, #tpu.memory_space<vmem>>) target(%dma_start3A_1685 : memref<50000x16xf32, #tpu.memory_space<vmem_shared>>) offsets(%dma_start3A_1682 : memref<128xi32, #tpu.memory_space<vmem>>) semaphore(%arg16 : memref<!tpu.dma_semaphore, #tpu.memory_space<semaphore_mem>>)
      %sub3A_1686 = arith.constant 1 : i32
      %sub3A_1687 = arith.subi %add3A_1429, %sub3A_1686 : i32
      %jit3A_1688 = arith.constant 8 : i32
      %div3A_1689 = arith.divsi %sub3A_1687, %jit3A_1688 : i32
      %sign3A_1690 = arith.constant 0 : i32
      %sign3A_1691 = arith.cmpi sgt, %sub3A_1687, %sign3A_1690 : i32
      %sign3A_1692 = arith.extui %sign3A_1691 : i1 to i32
      %sign3A_1693 = arith.constant 0 : i32
      %sign3A_1694 = arith.cmpi slt, %sub3A_1687, %sign3A_1693 : i32
      %sign3A_1695 = arith.extui %sign3A_1694 : i1 to i32
      %sign3A_1696 = arith.subi %sign3A_1692, %sign3A_1695 : i32
      %sign3A_1697 = arith.constant 0 : i32
      %sign3A_1698 = arith.cmpi sgt, %jit3A_1688, %sign3A_1697 : i32
      %sign3A_1699 = arith.extui %sign3A_1698 : i1 to i32
      %sign3A_1700 = arith.constant 0 : i32
      %sign3A_1701 = arith.cmpi slt, %jit3A_1688, %sign3A_1700 : i32
      %sign3A_1702 = arith.extui %sign3A_1701 : i1 to i32
      %sign3A_1703 = arith.subi %sign3A_1699, %sign3A_1702 : i32
      %ne3A_1704 = arith.cmpi ne, %sign3A_1696, %sign3A_1703 : i32
      %rem3A_1705 = arith.remsi %sub3A_1687, %jit3A_1688 : i32
      %ne3A_1706 = arith.constant 0 : i32
      %ne3A_1707 = arith.cmpi ne, %rem3A_1705, %ne3A_1706 : i32
      %and3A_1708 = arith.andi %ne3A_1704, %ne3A_1707 : i1
      %sub3A_1709 = arith.constant 1 : i32
      %sub3A_1710 = arith.subi %div3A_1689, %sub3A_1709 : i32
      %select_n3A_1711 = arith.select %and3A_1708, %sub3A_1710, %div3A_1689 : i32
      %mul3A_1712 = arith.constant 4 : i32
      %mul3A_1713 = arith.muli %mul3A_1712, %select_n3A_1711 : i32
      %add3A_1714 = arith.constant 3 : i32
      %add3A_1715 = arith.addi %mul3A_1713, %add3A_1714 : i32
      %dma_start3A_1716 = arith.constant 0 : i32
      %dma_start3A_1717 = tpu.memref_slice %arg10[%add3A_1715, %dma_start3A_1716] : memref<8x128xi32, #tpu.memory_space<vmem>> -> memref<1x128xi32, #tpu.memory_space<vmem>>
      %dma_start3A_1718 = tpu.memref_squeeze %dma_start3A_1717 : memref<1x128xi32, #tpu.memory_space<vmem>> -> memref<128xi32, #tpu.memory_space<vmem>>
      %dma_start3A_1719 = arith.constant 0 : i32
      %dma_start3A_1720 = arith.constant 0 : i32
      %dma_start3A_1721 = tpu.memref_slice %arg8[%dma_start3A_1719, %dma_start3A_1720] : memref<50000x16xf32, #tpu.memory_space<vmem_shared>> -> memref<50000x16xf32, #tpu.memory_space<vmem_shared>>
      tpu.enqueue_indirect_dma source(%arg14 : memref<128x16xf32, #tpu.memory_space<vmem>>) target(%dma_start3A_1721 : memref<50000x16xf32, #tpu.memory_space<vmem_shared>>) offsets(%dma_start3A_1718 : memref<128xi32, #tpu.memory_space<vmem>>) semaphore(%arg16 : memref<!tpu.dma_semaphore, #tpu.memory_space<semaphore_mem>>)
      %sub3A_1722 = arith.constant 1 : i32
      %sub3A_1723 = arith.subi %add3A_1429, %sub3A_1722 : i32
      %mul3A_1724 = arith.constant 2 : i32
      %mul3A_1725 = arith.muli %mul3A_1724, %arg0 : i32
      %jit3A_1726 = arith.constant 8 : i32
      %div3A_1727 = arith.divsi %sub3A_1723, %jit3A_1726 : i32
      %sign3A_1728 = arith.constant 0 : i32
      %sign3A_1729 = arith.cmpi sgt, %sub3A_1723, %sign3A_1728 : i32
      %sign3A_1730 = arith.extui %sign3A_1729 : i1 to i32
      %sign3A_1731 = arith.constant 0 : i32
      %sign3A_1732 = arith.cmpi slt, %sub3A_1723, %sign3A_1731 : i32
      %sign3A_1733 = arith.extui %sign3A_1732 : i1 to i32
      %sign3A_1734 = arith.subi %sign3A_1730, %sign3A_1733 : i32
      %sign3A_1735 = arith.constant 0 : i32
      %sign3A_1736 = arith.cmpi sgt, %jit3A_1726, %sign3A_1735 : i32
      %sign3A_1737 = arith.extui %sign3A_1736 : i1 to i32
      %sign3A_1738 = arith.constant 0 : i32
      %sign3A_1739 = arith.cmpi slt, %jit3A_1726, %sign3A_1738 : i32
      %sign3A_1740 = arith.extui %sign3A_1739 : i1 to i32
      %sign3A_1741 = arith.subi %sign3A_1737, %sign3A_1740 : i32
      %ne3A_1742 = arith.cmpi ne, %sign3A_1734, %sign3A_1741 : i32
      %rem3A_1743 = arith.remsi %sub3A_1723, %jit3A_1726 : i32
      %ne3A_1744 = arith.constant 0 : i32
      %ne3A_1745 = arith.cmpi ne, %rem3A_1743, %ne3A_1744 : i32
      %and3A_1746 = arith.andi %ne3A_1742, %ne3A_1745 : i1
      %sub3A_1747 = arith.constant 1 : i32
      %sub3A_1748 = arith.subi %div3A_1727, %sub3A_1747 : i32
      %select_n3A_1749 = arith.select %and3A_1746, %sub3A_1748, %div3A_1727 : i32
      %add3A_1750 = arith.addi %mul3A_1725, %select_n3A_1749 : i32
      %mul3A_1751 = arith.constant 8192 : i32
      %mul3A_1752 = arith.muli %add3A_1750, %mul3A_1751 : i32
      %mul3A_1753 = arith.constant 512 : i32
      %mul3A_1754 = arith.muli %mul3A_1753, %arg1 : i32
      %add3A_1755 = arith.addi %mul3A_1752, %mul3A_1754 : i32
      %jit3A_1756 = arith.constant 8 : i32
      %eq3A_1757 = arith.constant 0 : i32
      %eq3A_1758 = arith.cmpi eq, %jit3A_1756, %eq3A_1757 : i32
      %jit3A_1759 = arith.constant 1 : i32
      %select_n3A_1760 = arith.select %eq3A_1758, %jit3A_1759, %jit3A_1756 : i32
      %rem3A_1761 = arith.remsi %sub3A_1723, %select_n3A_1760 : i32
      %ne3A_1762 = arith.constant 0 : i32
      %ne3A_1763 = arith.cmpi ne, %rem3A_1761, %ne3A_1762 : i32
      %lt3A_1764 = arith.constant 0 : i32
      %lt3A_1765 = arith.cmpi slt, %rem3A_1761, %lt3A_1764 : i32
      %lt3A_1766 = arith.constant 0 : i32
      %lt3A_1767 = arith.cmpi slt, %select_n3A_1760, %lt3A_1766 : i32
      %ne3A_1768 = arith.xori %lt3A_1765, %lt3A_1767 : i1
      %and3A_1769 = arith.andi %ne3A_1768, %ne3A_1763 : i1
      %add3A_1770 = arith.addi %rem3A_1761, %select_n3A_1760 : i32
      %select_n3A_1771 = arith.select %and3A_1769, %add3A_1770, %rem3A_1761 : i32
      %mul3A_1772 = arith.constant 16 : i32
      %mul3A_1773 = arith.muli %mul3A_1772, %select_n3A_1771 : i32
      %dma_start3A_1774 = tpu.memref_slice %arg6[%add3A_1755, %mul3A_1773] : memref<32768x128xf32, #tpu.memory_space<hbm>> -> memref<512x16xf32, #tpu.memory_space<hbm>>
      %dma_start3A_1775 = tpu.memref_slice %arg6[%add3A_1755, %mul3A_1773] : memref<32768x128xf32, #tpu.memory_space<hbm>> -> memref<512x16xf32, #tpu.memory_space<hbm>>
      tpu.enqueue_dma source(%arg13 : memref<512x16xf32, #tpu.memory_space<vmem>>) target(%dma_start3A_1775 : memref<512x16xf32, #tpu.memory_space<hbm>>) target_semaphore(%arg17 : memref<!tpu.dma_semaphore, #tpu.memory_space<semaphore_mem>>)
      %dma_wait3A_1776 = arith.constant 0 : i32
      %dma_wait3A_1777 = tpu.memref_slice %arg10[%add3A_1607, %dma_wait3A_1776] : memref<8x128xi32, #tpu.memory_space<vmem>> -> memref<1x128xi32, #tpu.memory_space<vmem>>
      %dma_wait3A_1778 = tpu.memref_squeeze %dma_wait3A_1777 : memref<1x128xi32, #tpu.memory_space<vmem>> -> memref<128xi32, #tpu.memory_space<vmem>>
      %dma_wait3A_1779 = arith.constant 0 : i32
      %dma_wait3A_1780 = arith.constant 0 : i32
      %dma_wait3A_1781 = tpu.memref_slice %arg8[%dma_wait3A_1779, %dma_wait3A_1780] : memref<50000x16xf32, #tpu.memory_space<vmem_shared>> -> memref<50000x16xf32, #tpu.memory_space<vmem_shared>>
      tpu.wait_indirect_dma semaphore(%arg16 : memref<!tpu.dma_semaphore, #tpu.memory_space<semaphore_mem>>) src(%arg14 : memref<128x16xf32, #tpu.memory_space<vmem>>) dst(%dma_wait3A_1781 : memref<50000x16xf32, #tpu.memory_space<vmem_shared>>)
      %dma_wait3A_1782 = arith.constant 0 : i32
      %dma_wait3A_1783 = tpu.memref_slice %arg10[%add3A_1643, %dma_wait3A_1782] : memref<8x128xi32, #tpu.memory_space<vmem>> -> memref<1x128xi32, #tpu.memory_space<vmem>>
      %dma_wait3A_1784 = tpu.memref_squeeze %dma_wait3A_1783 : memref<1x128xi32, #tpu.memory_space<vmem>> -> memref<128xi32, #tpu.memory_space<vmem>>
      %dma_wait3A_1785 = arith.constant 0 : i32
      %dma_wait3A_1786 = arith.constant 0 : i32
      %dma_wait3A_1787 = tpu.memref_slice %arg8[%dma_wait3A_1785, %dma_wait3A_1786] : memref<50000x16xf32, #tpu.memory_space<vmem_shared>> -> memref<50000x16xf32, #tpu.memory_space<vmem_shared>>
      tpu.wait_indirect_dma semaphore(%arg16 : memref<!tpu.dma_semaphore, #tpu.memory_space<semaphore_mem>>) src(%arg14 : memref<128x16xf32, #tpu.memory_space<vmem>>) dst(%dma_wait3A_1787 : memref<50000x16xf32, #tpu.memory_space<vmem_shared>>)
      %dma_wait3A_1788 = arith.constant 0 : i32
      %dma_wait3A_1789 = tpu.memref_slice %arg10[%add3A_1679, %dma_wait3A_1788] : memref<8x128xi32, #tpu.memory_space<vmem>> -> memref<1x128xi32, #tpu.memory_space<vmem>>
      %dma_wait3A_1790 = tpu.memref_squeeze %dma_wait3A_1789 : memref<1x128xi32, #tpu.memory_space<vmem>> -> memref<128xi32, #tpu.memory_space<vmem>>
      %dma_wait3A_1791 = arith.constant 0 : i32
      %dma_wait3A_1792 = arith.constant 0 : i32
      %dma_wait3A_1793 = tpu.memref_slice %arg8[%dma_wait3A_1791, %dma_wait3A_1792] : memref<50000x16xf32, #tpu.memory_space<vmem_shared>> -> memref<50000x16xf32, #tpu.memory_space<vmem_shared>>
      tpu.wait_indirect_dma semaphore(%arg16 : memref<!tpu.dma_semaphore, #tpu.memory_space<semaphore_mem>>) src(%arg14 : memref<128x16xf32, #tpu.memory_space<vmem>>) dst(%dma_wait3A_1793 : memref<50000x16xf32, #tpu.memory_space<vmem_shared>>)
      %dma_wait3A_1794 = arith.constant 0 : i32
      %dma_wait3A_1795 = tpu.memref_slice %arg10[%add3A_1715, %dma_wait3A_1794] : memref<8x128xi32, #tpu.memory_space<vmem>> -> memref<1x128xi32, #tpu.memory_space<vmem>>
      %dma_wait3A_1796 = tpu.memref_squeeze %dma_wait3A_1795 : memref<1x128xi32, #tpu.memory_space<vmem>> -> memref<128xi32, #tpu.memory_space<vmem>>
      %dma_wait3A_1797 = arith.constant 0 : i32
      %dma_wait3A_1798 = arith.constant 0 : i32
      %dma_wait3A_1799 = tpu.memref_slice %arg8[%dma_wait3A_1797, %dma_wait3A_1798] : memref<50000x16xf32, #tpu.memory_space<vmem_shared>> -> memref<50000x16xf32, #tpu.memory_space<vmem_shared>>
      tpu.wait_indirect_dma semaphore(%arg16 : memref<!tpu.dma_semaphore, #tpu.memory_space<semaphore_mem>>) src(%arg14 : memref<128x16xf32, #tpu.memory_space<vmem>>) dst(%dma_wait3A_1799 : memref<50000x16xf32, #tpu.memory_space<vmem_shared>>)
      %dma_wait3A_1800 = tpu.memref_slice %arg6[%add3A_1755, %mul3A_1773] : memref<32768x128xf32, #tpu.memory_space<hbm>> -> memref<512x16xf32, #tpu.memory_space<hbm>>
      %dma_wait3A_1801 = tpu.memref_slice %arg6[%add3A_1755, %mul3A_1773] : memref<32768x128xf32, #tpu.memory_space<hbm>> -> memref<512x16xf32, #tpu.memory_space<hbm>>
      tpu.wait_dma2 semaphore(%arg17 : memref<!tpu.dma_semaphore, #tpu.memory_space<semaphore_mem>>) src(%arg13 : memref<512x16xf32, #tpu.memory_space<vmem>>) dst(%dma_wait3A_1801 : memref<512x16xf32, #tpu.memory_space<hbm>>)
      %dma_wait3A_1802 = arith.constant 0 : i32
      %dma_wait3A_1803 = arith.constant 0 : i32
      %dma_wait3A_1804 = tpu.memref_slice %arg12[%dma_wait3A_1802, %dma_wait3A_1803] : memref<512x16xf32, #tpu.memory_space<vmem>> -> memref<128x16xf32, #tpu.memory_space<vmem>>
      %dma_wait3A_1805 = arith.constant 0 : i32
      %dma_wait3A_1806 = tpu.memref_slice %arg10[%add3A_1457, %dma_wait3A_1805] : memref<8x128xi32, #tpu.memory_space<vmem>> -> memref<1x128xi32, #tpu.memory_space<vmem>>
      %dma_wait3A_1807 = tpu.memref_squeeze %dma_wait3A_1806 : memref<1x128xi32, #tpu.memory_space<vmem>> -> memref<128xi32, #tpu.memory_space<vmem>>
      %dma_wait3A_1808 = arith.constant 0 : i32
      %dma_wait3A_1809 = arith.constant 0 : i32
      %dma_wait3A_1810 = tpu.memref_slice %arg7[%dma_wait3A_1808, %dma_wait3A_1809] : memref<50000x16xf32, #tpu.memory_space<vmem_shared>> -> memref<50000x16xf32, #tpu.memory_space<vmem_shared>>
      tpu.wait_indirect_dma semaphore(%arg15 : memref<!tpu.dma_semaphore, #tpu.memory_space<semaphore_mem>>) src(%dma_wait3A_1804 : memref<128x16xf32, #tpu.memory_space<vmem>>) dst(%dma_wait3A_1810 : memref<50000x16xf32, #tpu.memory_space<vmem_shared>>)
      %dma_wait3A_1811 = arith.constant 128 : i32
      %dma_wait3A_1812 = arith.constant 0 : i32
      %dma_wait3A_1813 = tpu.memref_slice %arg12[%dma_wait3A_1811, %dma_wait3A_1812] : memref<512x16xf32, #tpu.memory_space<vmem>> -> memref<128x16xf32, #tpu.memory_space<vmem>>
      %dma_wait3A_1814 = arith.constant 0 : i32
      %dma_wait3A_1815 = tpu.memref_slice %arg10[%add3A_1494, %dma_wait3A_1814] : memref<8x128xi32, #tpu.memory_space<vmem>> -> memref<1x128xi32, #tpu.memory_space<vmem>>
      %dma_wait3A_1816 = tpu.memref_squeeze %dma_wait3A_1815 : memref<1x128xi32, #tpu.memory_space<vmem>> -> memref<128xi32, #tpu.memory_space<vmem>>
      %dma_wait3A_1817 = arith.constant 0 : i32
      %dma_wait3A_1818 = arith.constant 0 : i32
      %dma_wait3A_1819 = tpu.memref_slice %arg7[%dma_wait3A_1817, %dma_wait3A_1818] : memref<50000x16xf32, #tpu.memory_space<vmem_shared>> -> memref<50000x16xf32, #tpu.memory_space<vmem_shared>>
      tpu.wait_indirect_dma semaphore(%arg15 : memref<!tpu.dma_semaphore, #tpu.memory_space<semaphore_mem>>) src(%dma_wait3A_1813 : memref<128x16xf32, #tpu.memory_space<vmem>>) dst(%dma_wait3A_1819 : memref<50000x16xf32, #tpu.memory_space<vmem_shared>>)
      %dma_wait3A_1820 = arith.constant 256 : i32
      %dma_wait3A_1821 = arith.constant 0 : i32
      %dma_wait3A_1822 = tpu.memref_slice %arg12[%dma_wait3A_1820, %dma_wait3A_1821] : memref<512x16xf32, #tpu.memory_space<vmem>> -> memref<128x16xf32, #tpu.memory_space<vmem>>
      %dma_wait3A_1823 = arith.constant 0 : i32
      %dma_wait3A_1824 = tpu.memref_slice %arg10[%add3A_1531, %dma_wait3A_1823] : memref<8x128xi32, #tpu.memory_space<vmem>> -> memref<1x128xi32, #tpu.memory_space<vmem>>
      %dma_wait3A_1825 = tpu.memref_squeeze %dma_wait3A_1824 : memref<1x128xi32, #tpu.memory_space<vmem>> -> memref<128xi32, #tpu.memory_space<vmem>>
      %dma_wait3A_1826 = arith.constant 0 : i32
      %dma_wait3A_1827 = arith.constant 0 : i32
      %dma_wait3A_1828 = tpu.memref_slice %arg7[%dma_wait3A_1826, %dma_wait3A_1827] : memref<50000x16xf32, #tpu.memory_space<vmem_shared>> -> memref<50000x16xf32, #tpu.memory_space<vmem_shared>>
      tpu.wait_indirect_dma semaphore(%arg15 : memref<!tpu.dma_semaphore, #tpu.memory_space<semaphore_mem>>) src(%dma_wait3A_1822 : memref<128x16xf32, #tpu.memory_space<vmem>>) dst(%dma_wait3A_1828 : memref<50000x16xf32, #tpu.memory_space<vmem_shared>>)
      %dma_wait3A_1829 = arith.constant 384 : i32
      %dma_wait3A_1830 = arith.constant 0 : i32
      %dma_wait3A_1831 = tpu.memref_slice %arg12[%dma_wait3A_1829, %dma_wait3A_1830] : memref<512x16xf32, #tpu.memory_space<vmem>> -> memref<128x16xf32, #tpu.memory_space<vmem>>
      %dma_wait3A_1832 = arith.constant 0 : i32
      %dma_wait3A_1833 = tpu.memref_slice %arg10[%add3A_1568, %dma_wait3A_1832] : memref<8x128xi32, #tpu.memory_space<vmem>> -> memref<1x128xi32, #tpu.memory_space<vmem>>
      %dma_wait3A_1834 = tpu.memref_squeeze %dma_wait3A_1833 : memref<1x128xi32, #tpu.memory_space<vmem>> -> memref<128xi32, #tpu.memory_space<vmem>>
      %dma_wait3A_1835 = arith.constant 0 : i32
      %dma_wait3A_1836 = arith.constant 0 : i32
      %dma_wait3A_1837 = tpu.memref_slice %arg7[%dma_wait3A_1835, %dma_wait3A_1836] : memref<50000x16xf32, #tpu.memory_space<vmem_shared>> -> memref<50000x16xf32, #tpu.memory_space<vmem_shared>>
      tpu.wait_indirect_dma semaphore(%arg15 : memref<!tpu.dma_semaphore, #tpu.memory_space<semaphore_mem>>) src(%dma_wait3A_1831 : memref<128x16xf32, #tpu.memory_space<vmem>>) dst(%dma_wait3A_1837 : memref<50000x16xf32, #tpu.memory_space<vmem_shared>>)
      %barrier3A_1838 = arith.constant 0 : index
      tpu.barrier barrier_id(%barrier3A_1838)
      %jit3A_1839 = arith.constant 8 : i32
      %div3A_1840 = arith.divsi %add3A_1429, %jit3A_1839 : i32
      %sign3A_1841 = arith.constant 0 : i32
      %sign3A_1842 = arith.cmpi sgt, %add3A_1429, %sign3A_1841 : i32
      %sign3A_1843 = arith.extui %sign3A_1842 : i1 to i32
      %sign3A_1844 = arith.constant 0 : i32
      %sign3A_1845 = arith.cmpi slt, %add3A_1429, %sign3A_1844 : i32
      %sign3A_1846 = arith.extui %sign3A_1845 : i1 to i32
      %sign3A_1847 = arith.subi %sign3A_1843, %sign3A_1846 : i32
      %sign3A_1848 = arith.constant 0 : i32
      %sign3A_1849 = arith.cmpi sgt, %jit3A_1839, %sign3A_1848 : i32
      %sign3A_1850 = arith.extui %sign3A_1849 : i1 to i32
      %sign3A_1851 = arith.constant 0 : i32
      %sign3A_1852 = arith.cmpi slt, %jit3A_1839, %sign3A_1851 : i32
      %sign3A_1853 = arith.extui %sign3A_1852 : i1 to i32
      %sign3A_1854 = arith.subi %sign3A_1850, %sign3A_1853 : i32
      %ne3A_1855 = arith.cmpi ne, %sign3A_1847, %sign3A_1854 : i32
      %rem3A_1856 = arith.remsi %add3A_1429, %jit3A_1839 : i32
      %ne3A_1857 = arith.constant 0 : i32
      %ne3A_1858 = arith.cmpi ne, %rem3A_1856, %ne3A_1857 : i32
      %and3A_1859 = arith.andi %ne3A_1855, %ne3A_1858 : i1
      %sub3A_1860 = arith.constant 1 : i32
      %sub3A_1861 = arith.subi %div3A_1840, %sub3A_1860 : i32
      %select_n3A_1862 = arith.select %and3A_1859, %sub3A_1861, %div3A_1840 : i32
      %mul3A_1863 = arith.constant 4 : i32
      %mul3A_1864 = arith.muli %mul3A_1863, %select_n3A_1862 : i32
      %add3A_1865 = arith.constant 0 : i32
      %add3A_1866 = arith.addi %mul3A_1864, %add3A_1865 : i32
      %dma_start3A_1867 = arith.constant 0 : i32
      %dma_start3A_1868 = arith.constant 0 : i32
      %dma_start3A_1869 = tpu.memref_slice %arg13[%dma_start3A_1867, %dma_start3A_1868] : memref<512x16xf32, #tpu.memory_space<vmem>> -> memref<128x16xf32, #tpu.memory_space<vmem>>
      %dma_start3A_1870 = arith.constant 0 : i32
      %dma_start3A_1871 = tpu.memref_slice %arg10[%add3A_1866, %dma_start3A_1870] : memref<8x128xi32, #tpu.memory_space<vmem>> -> memref<1x128xi32, #tpu.memory_space<vmem>>
      %dma_start3A_1872 = tpu.memref_squeeze %dma_start3A_1871 : memref<1x128xi32, #tpu.memory_space<vmem>> -> memref<128xi32, #tpu.memory_space<vmem>>
      %dma_start3A_1873 = arith.constant 0 : i32
      %dma_start3A_1874 = arith.constant 0 : i32
      %dma_start3A_1875 = tpu.memref_slice %arg7[%dma_start3A_1873, %dma_start3A_1874] : memref<50000x16xf32, #tpu.memory_space<vmem_shared>> -> memref<50000x16xf32, #tpu.memory_space<vmem_shared>>
      tpu.enqueue_indirect_dma source(%dma_start3A_1875 : memref<50000x16xf32, #tpu.memory_space<vmem_shared>>) target(%dma_start3A_1869 : memref<128x16xf32, #tpu.memory_space<vmem>>) offsets(%dma_start3A_1872 : memref<128xi32, #tpu.memory_space<vmem>>) semaphore(%arg15 : memref<!tpu.dma_semaphore, #tpu.memory_space<semaphore_mem>>)
      %jit3A_1876 = arith.constant 8 : i32
      %div3A_1877 = arith.divsi %add3A_1429, %jit3A_1876 : i32
      %sign3A_1878 = arith.constant 0 : i32
      %sign3A_1879 = arith.cmpi sgt, %add3A_1429, %sign3A_1878 : i32
      %sign3A_1880 = arith.extui %sign3A_1879 : i1 to i32
      %sign3A_1881 = arith.constant 0 : i32
      %sign3A_1882 = arith.cmpi slt, %add3A_1429, %sign3A_1881 : i32
      %sign3A_1883 = arith.extui %sign3A_1882 : i1 to i32
      %sign3A_1884 = arith.subi %sign3A_1880, %sign3A_1883 : i32
      %sign3A_1885 = arith.constant 0 : i32
      %sign3A_1886 = arith.cmpi sgt, %jit3A_1876, %sign3A_1885 : i32
      %sign3A_1887 = arith.extui %sign3A_1886 : i1 to i32
      %sign3A_1888 = arith.constant 0 : i32
      %sign3A_1889 = arith.cmpi slt, %jit3A_1876, %sign3A_1888 : i32
      %sign3A_1890 = arith.extui %sign3A_1889 : i1 to i32
      %sign3A_1891 = arith.subi %sign3A_1887, %sign3A_1890 : i32
      %ne3A_1892 = arith.cmpi ne, %sign3A_1884, %sign3A_1891 : i32
      %rem3A_1893 = arith.remsi %add3A_1429, %jit3A_1876 : i32
      %ne3A_1894 = arith.constant 0 : i32
      %ne3A_1895 = arith.cmpi ne, %rem3A_1893, %ne3A_1894 : i32
      %and3A_1896 = arith.andi %ne3A_1892, %ne3A_1895 : i1
      %sub3A_1897 = arith.constant 1 : i32
      %sub3A_1898 = arith.subi %div3A_1877, %sub3A_1897 : i32
      %select_n3A_1899 = arith.select %and3A_1896, %sub3A_1898, %div3A_1877 : i32
      %mul3A_1900 = arith.constant 4 : i32
      %mul3A_1901 = arith.muli %mul3A_1900, %select_n3A_1899 : i32
      %add3A_1902 = arith.constant 1 : i32
      %add3A_1903 = arith.addi %mul3A_1901, %add3A_1902 : i32
      %dma_start3A_1904 = arith.constant 128 : i32
      %dma_start3A_1905 = arith.constant 0 : i32
      %dma_start3A_1906 = tpu.memref_slice %arg13[%dma_start3A_1904, %dma_start3A_1905] : memref<512x16xf32, #tpu.memory_space<vmem>> -> memref<128x16xf32, #tpu.memory_space<vmem>>
      %dma_start3A_1907 = arith.constant 0 : i32
      %dma_start3A_1908 = tpu.memref_slice %arg10[%add3A_1903, %dma_start3A_1907] : memref<8x128xi32, #tpu.memory_space<vmem>> -> memref<1x128xi32, #tpu.memory_space<vmem>>
      %dma_start3A_1909 = tpu.memref_squeeze %dma_start3A_1908 : memref<1x128xi32, #tpu.memory_space<vmem>> -> memref<128xi32, #tpu.memory_space<vmem>>
      %dma_start3A_1910 = arith.constant 0 : i32
      %dma_start3A_1911 = arith.constant 0 : i32
      %dma_start3A_1912 = tpu.memref_slice %arg7[%dma_start3A_1910, %dma_start3A_1911] : memref<50000x16xf32, #tpu.memory_space<vmem_shared>> -> memref<50000x16xf32, #tpu.memory_space<vmem_shared>>
      tpu.enqueue_indirect_dma source(%dma_start3A_1912 : memref<50000x16xf32, #tpu.memory_space<vmem_shared>>) target(%dma_start3A_1906 : memref<128x16xf32, #tpu.memory_space<vmem>>) offsets(%dma_start3A_1909 : memref<128xi32, #tpu.memory_space<vmem>>) semaphore(%arg15 : memref<!tpu.dma_semaphore, #tpu.memory_space<semaphore_mem>>)
      %jit3A_1913 = arith.constant 8 : i32
      %div3A_1914 = arith.divsi %add3A_1429, %jit3A_1913 : i32
      %sign3A_1915 = arith.constant 0 : i32
      %sign3A_1916 = arith.cmpi sgt, %add3A_1429, %sign3A_1915 : i32
      %sign3A_1917 = arith.extui %sign3A_1916 : i1 to i32
      %sign3A_1918 = arith.constant 0 : i32
      %sign3A_1919 = arith.cmpi slt, %add3A_1429, %sign3A_1918 : i32
      %sign3A_1920 = arith.extui %sign3A_1919 : i1 to i32
      %sign3A_1921 = arith.subi %sign3A_1917, %sign3A_1920 : i32
      %sign3A_1922 = arith.constant 0 : i32
      %sign3A_1923 = arith.cmpi sgt, %jit3A_1913, %sign3A_1922 : i32
      %sign3A_1924 = arith.extui %sign3A_1923 : i1 to i32
      %sign3A_1925 = arith.constant 0 : i32
      %sign3A_1926 = arith.cmpi slt, %jit3A_1913, %sign3A_1925 : i32
      %sign3A_1927 = arith.extui %sign3A_1926 : i1 to i32
      %sign3A_1928 = arith.subi %sign3A_1924, %sign3A_1927 : i32
      %ne3A_1929 = arith.cmpi ne, %sign3A_1921, %sign3A_1928 : i32
      %rem3A_1930 = arith.remsi %add3A_1429, %jit3A_1913 : i32
      %ne3A_1931 = arith.constant 0 : i32
      %ne3A_1932 = arith.cmpi ne, %rem3A_1930, %ne3A_1931 : i32
      %and3A_1933 = arith.andi %ne3A_1929, %ne3A_1932 : i1
      %sub3A_1934 = arith.constant 1 : i32
      %sub3A_1935 = arith.subi %div3A_1914, %sub3A_1934 : i32
      %select_n3A_1936 = arith.select %and3A_1933, %sub3A_1935, %div3A_1914 : i32
      %mul3A_1937 = arith.constant 4 : i32
      %mul3A_1938 = arith.muli %mul3A_1937, %select_n3A_1936 : i32
      %add3A_1939 = arith.constant 2 : i32
      %add3A_1940 = arith.addi %mul3A_1938, %add3A_1939 : i32
      %dma_start3A_1941 = arith.constant 256 : i32
      %dma_start3A_1942 = arith.constant 0 : i32
      %dma_start3A_1943 = tpu.memref_slice %arg13[%dma_start3A_1941, %dma_start3A_1942] : memref<512x16xf32, #tpu.memory_space<vmem>> -> memref<128x16xf32, #tpu.memory_space<vmem>>
      %dma_start3A_1944 = arith.constant 0 : i32
      %dma_start3A_1945 = tpu.memref_slice %arg10[%add3A_1940, %dma_start3A_1944] : memref<8x128xi32, #tpu.memory_space<vmem>> -> memref<1x128xi32, #tpu.memory_space<vmem>>
      %dma_start3A_1946 = tpu.memref_squeeze %dma_start3A_1945 : memref<1x128xi32, #tpu.memory_space<vmem>> -> memref<128xi32, #tpu.memory_space<vmem>>
      %dma_start3A_1947 = arith.constant 0 : i32
      %dma_start3A_1948 = arith.constant 0 : i32
      %dma_start3A_1949 = tpu.memref_slice %arg7[%dma_start3A_1947, %dma_start3A_1948] : memref<50000x16xf32, #tpu.memory_space<vmem_shared>> -> memref<50000x16xf32, #tpu.memory_space<vmem_shared>>
      tpu.enqueue_indirect_dma source(%dma_start3A_1949 : memref<50000x16xf32, #tpu.memory_space<vmem_shared>>) target(%dma_start3A_1943 : memref<128x16xf32, #tpu.memory_space<vmem>>) offsets(%dma_start3A_1946 : memref<128xi32, #tpu.memory_space<vmem>>) semaphore(%arg15 : memref<!tpu.dma_semaphore, #tpu.memory_space<semaphore_mem>>)
      %jit3A_1950 = arith.constant 8 : i32
      %div3A_1951 = arith.divsi %add3A_1429, %jit3A_1950 : i32
      %sign3A_1952 = arith.constant 0 : i32
      %sign3A_1953 = arith.cmpi sgt, %add3A_1429, %sign3A_1952 : i32
      %sign3A_1954 = arith.extui %sign3A_1953 : i1 to i32
      %sign3A_1955 = arith.constant 0 : i32
      %sign3A_1956 = arith.cmpi slt, %add3A_1429, %sign3A_1955 : i32
      %sign3A_1957 = arith.extui %sign3A_1956 : i1 to i32
      %sign3A_1958 = arith.subi %sign3A_1954, %sign3A_1957 : i32
      %sign3A_1959 = arith.constant 0 : i32
      %sign3A_1960 = arith.cmpi sgt, %jit3A_1950, %sign3A_1959 : i32
      %sign3A_1961 = arith.extui %sign3A_1960 : i1 to i32
      %sign3A_1962 = arith.constant 0 : i32
      %sign3A_1963 = arith.cmpi slt, %jit3A_1950, %sign3A_1962 : i32
      %sign3A_1964 = arith.extui %sign3A_1963 : i1 to i32
      %sign3A_1965 = arith.subi %sign3A_1961, %sign3A_1964 : i32
      %ne3A_1966 = arith.cmpi ne, %sign3A_1958, %sign3A_1965 : i32
      %rem3A_1967 = arith.remsi %add3A_1429, %jit3A_1950 : i32
      %ne3A_1968 = arith.constant 0 : i32
      %ne3A_1969 = arith.cmpi ne, %rem3A_1967, %ne3A_1968 : i32
      %and3A_1970 = arith.andi %ne3A_1966, %ne3A_1969 : i1
      %sub3A_1971 = arith.constant 1 : i32
      %sub3A_1972 = arith.subi %div3A_1951, %sub3A_1971 : i32
      %select_n3A_1973 = arith.select %and3A_1970, %sub3A_1972, %div3A_1951 : i32
      %mul3A_1974 = arith.constant 4 : i32
      %mul3A_1975 = arith.muli %mul3A_1974, %select_n3A_1973 : i32
      %add3A_1976 = arith.constant 3 : i32
      %add3A_1977 = arith.addi %mul3A_1975, %add3A_1976 : i32
      %dma_start3A_1978 = arith.constant 384 : i32
      %dma_start3A_1979 = arith.constant 0 : i32
      %dma_start3A_1980 = tpu.memref_slice %arg13[%dma_start3A_1978, %dma_start3A_1979] : memref<512x16xf32, #tpu.memory_space<vmem>> -> memref<128x16xf32, #tpu.memory_space<vmem>>
      %dma_start3A_1981 = arith.constant 0 : i32
      %dma_start3A_1982 = tpu.memref_slice %arg10[%add3A_1977, %dma_start3A_1981] : memref<8x128xi32, #tpu.memory_space<vmem>> -> memref<1x128xi32, #tpu.memory_space<vmem>>
      %dma_start3A_1983 = tpu.memref_squeeze %dma_start3A_1982 : memref<1x128xi32, #tpu.memory_space<vmem>> -> memref<128xi32, #tpu.memory_space<vmem>>
      %dma_start3A_1984 = arith.constant 0 : i32
      %dma_start3A_1985 = arith.constant 0 : i32
      %dma_start3A_1986 = tpu.memref_slice %arg7[%dma_start3A_1984, %dma_start3A_1985] : memref<50000x16xf32, #tpu.memory_space<vmem_shared>> -> memref<50000x16xf32, #tpu.memory_space<vmem_shared>>
      tpu.enqueue_indirect_dma source(%dma_start3A_1986 : memref<50000x16xf32, #tpu.memory_space<vmem_shared>>) target(%dma_start3A_1980 : memref<128x16xf32, #tpu.memory_space<vmem>>) offsets(%dma_start3A_1983 : memref<128xi32, #tpu.memory_space<vmem>>) semaphore(%arg15 : memref<!tpu.dma_semaphore, #tpu.memory_space<semaphore_mem>>)
      %add3A_1987 = arith.constant 1 : i32
      %add3A_1988 = arith.addi %add3A_1429, %add3A_1987 : i32
      %mul3A_1989 = arith.constant 2 : i32
      %mul3A_1990 = arith.muli %mul3A_1989, %arg0 : i32
      %jit3A_1991 = arith.constant 8 : i32
      %div3A_1992 = arith.divsi %add3A_1988, %jit3A_1991 : i32
      %sign3A_1993 = arith.constant 0 : i32
      %sign3A_1994 = arith.cmpi sgt, %add3A_1988, %sign3A_1993 : i32
      %sign3A_1995 = arith.extui %sign3A_1994 : i1 to i32
      %sign3A_1996 = arith.constant 0 : i32
      %sign3A_1997 = arith.cmpi slt, %add3A_1988, %sign3A_1996 : i32
      %sign3A_1998 = arith.extui %sign3A_1997 : i1 to i32
      %sign3A_1999 = arith.subi %sign3A_1995, %sign3A_1998 : i32
      %sign3A_2000 = arith.constant 0 : i32
      %sign3A_2001 = arith.cmpi sgt, %jit3A_1991, %sign3A_2000 : i32
      %sign3A_2002 = arith.extui %sign3A_2001 : i1 to i32
      %sign3A_2003 = arith.constant 0 : i32
      %sign3A_2004 = arith.cmpi slt, %jit3A_1991, %sign3A_2003 : i32
      %sign3A_2005 = arith.extui %sign3A_2004 : i1 to i32
      %sign3A_2006 = arith.subi %sign3A_2002, %sign3A_2005 : i32
      %ne3A_2007 = arith.cmpi ne, %sign3A_1999, %sign3A_2006 : i32
      %rem3A_2008 = arith.remsi %add3A_1988, %jit3A_1991 : i32
      %ne3A_2009 = arith.constant 0 : i32
      %ne3A_2010 = arith.cmpi ne, %rem3A_2008, %ne3A_2009 : i32
      %and3A_2011 = arith.andi %ne3A_2007, %ne3A_2010 : i1
      %sub3A_2012 = arith.constant 1 : i32
      %sub3A_2013 = arith.subi %div3A_1992, %sub3A_2012 : i32
      %select_n3A_2014 = arith.select %and3A_2011, %sub3A_2013, %div3A_1992 : i32
      %add3A_2015 = arith.addi %mul3A_1990, %select_n3A_2014 : i32
      %mul3A_2016 = arith.constant 8192 : i32
      %mul3A_2017 = arith.muli %add3A_2015, %mul3A_2016 : i32
      %mul3A_2018 = arith.constant 512 : i32
      %mul3A_2019 = arith.muli %mul3A_2018, %arg1 : i32
      %add3A_2020 = arith.addi %mul3A_2017, %mul3A_2019 : i32
      %jit3A_2021 = arith.constant 8 : i32
      %eq3A_2022 = arith.constant 0 : i32
      %eq3A_2023 = arith.cmpi eq, %jit3A_2021, %eq3A_2022 : i32
      %jit3A_2024 = arith.constant 1 : i32
      %select_n3A_2025 = arith.select %eq3A_2023, %jit3A_2024, %jit3A_2021 : i32
      %rem3A_2026 = arith.remsi %add3A_1988, %select_n3A_2025 : i32
      %ne3A_2027 = arith.constant 0 : i32
      %ne3A_2028 = arith.cmpi ne, %rem3A_2026, %ne3A_2027 : i32
      %lt3A_2029 = arith.constant 0 : i32
      %lt3A_2030 = arith.cmpi slt, %rem3A_2026, %lt3A_2029 : i32
      %lt3A_2031 = arith.constant 0 : i32
      %lt3A_2032 = arith.cmpi slt, %select_n3A_2025, %lt3A_2031 : i32
      %ne3A_2033 = arith.xori %lt3A_2030, %lt3A_2032 : i1
      %and3A_2034 = arith.andi %ne3A_2033, %ne3A_2028 : i1
      %add3A_2035 = arith.addi %rem3A_2026, %select_n3A_2025 : i32
      %select_n3A_2036 = arith.select %and3A_2034, %add3A_2035, %rem3A_2026 : i32
      %mul3A_2037 = arith.constant 16 : i32
      %mul3A_2038 = arith.muli %mul3A_2037, %select_n3A_2036 : i32
      %dma_start3A_2039 = tpu.memref_slice %arg2[%add3A_2020, %mul3A_2038] : memref<32768x128xf32, #tpu.memory_space<hbm>> -> memref<512x16xf32, #tpu.memory_space<hbm>>
      %dma_start3A_2040 = tpu.memref_slice %arg2[%add3A_2020, %mul3A_2038] : memref<32768x128xf32, #tpu.memory_space<hbm>> -> memref<512x16xf32, #tpu.memory_space<hbm>>
      tpu.enqueue_dma source(%dma_start3A_2040 : memref<512x16xf32, #tpu.memory_space<hbm>>) target(%arg12 : memref<512x16xf32, #tpu.memory_space<vmem>>) target_semaphore(%arg17 : memref<!tpu.dma_semaphore, #tpu.memory_space<semaphore_mem>>)
      %dma_wait3A_2041 = arith.constant 0 : i32
      %dma_wait3A_2042 = arith.constant 0 : i32
      %dma_wait3A_2043 = tpu.memref_slice %arg13[%dma_wait3A_2041, %dma_wait3A_2042] : memref<512x16xf32, #tpu.memory_space<vmem>> -> memref<128x16xf32, #tpu.memory_space<vmem>>
      %dma_wait3A_2044 = arith.constant 0 : i32
      %dma_wait3A_2045 = tpu.memref_slice %arg10[%add3A_1866, %dma_wait3A_2044] : memref<8x128xi32, #tpu.memory_space<vmem>> -> memref<1x128xi32, #tpu.memory_space<vmem>>
      %dma_wait3A_2046 = tpu.memref_squeeze %dma_wait3A_2045 : memref<1x128xi32, #tpu.memory_space<vmem>> -> memref<128xi32, #tpu.memory_space<vmem>>
      %dma_wait3A_2047 = arith.constant 0 : i32
      %dma_wait3A_2048 = arith.constant 0 : i32
      %dma_wait3A_2049 = tpu.memref_slice %arg7[%dma_wait3A_2047, %dma_wait3A_2048] : memref<50000x16xf32, #tpu.memory_space<vmem_shared>> -> memref<50000x16xf32, #tpu.memory_space<vmem_shared>>
      tpu.wait_indirect_dma semaphore(%arg15 : memref<!tpu.dma_semaphore, #tpu.memory_space<semaphore_mem>>) src(%dma_wait3A_2049 : memref<50000x16xf32, #tpu.memory_space<vmem_shared>>) dst(%dma_wait3A_2043 : memref<128x16xf32, #tpu.memory_space<vmem>>)
      %dma_wait3A_2050 = arith.constant 128 : i32
      %dma_wait3A_2051 = arith.constant 0 : i32
      %dma_wait3A_2052 = tpu.memref_slice %arg13[%dma_wait3A_2050, %dma_wait3A_2051] : memref<512x16xf32, #tpu.memory_space<vmem>> -> memref<128x16xf32, #tpu.memory_space<vmem>>
      %dma_wait3A_2053 = arith.constant 0 : i32
      %dma_wait3A_2054 = tpu.memref_slice %arg10[%add3A_1903, %dma_wait3A_2053] : memref<8x128xi32, #tpu.memory_space<vmem>> -> memref<1x128xi32, #tpu.memory_space<vmem>>
      %dma_wait3A_2055 = tpu.memref_squeeze %dma_wait3A_2054 : memref<1x128xi32, #tpu.memory_space<vmem>> -> memref<128xi32, #tpu.memory_space<vmem>>
      %dma_wait3A_2056 = arith.constant 0 : i32
      %dma_wait3A_2057 = arith.constant 0 : i32
      %dma_wait3A_2058 = tpu.memref_slice %arg7[%dma_wait3A_2056, %dma_wait3A_2057] : memref<50000x16xf32, #tpu.memory_space<vmem_shared>> -> memref<50000x16xf32, #tpu.memory_space<vmem_shared>>
      tpu.wait_indirect_dma semaphore(%arg15 : memref<!tpu.dma_semaphore, #tpu.memory_space<semaphore_mem>>) src(%dma_wait3A_2058 : memref<50000x16xf32, #tpu.memory_space<vmem_shared>>) dst(%dma_wait3A_2052 : memref<128x16xf32, #tpu.memory_space<vmem>>)
      %dma_wait3A_2059 = arith.constant 256 : i32
      %dma_wait3A_2060 = arith.constant 0 : i32
      %dma_wait3A_2061 = tpu.memref_slice %arg13[%dma_wait3A_2059, %dma_wait3A_2060] : memref<512x16xf32, #tpu.memory_space<vmem>> -> memref<128x16xf32, #tpu.memory_space<vmem>>
      %dma_wait3A_2062 = arith.constant 0 : i32
      %dma_wait3A_2063 = tpu.memref_slice %arg10[%add3A_1940, %dma_wait3A_2062] : memref<8x128xi32, #tpu.memory_space<vmem>> -> memref<1x128xi32, #tpu.memory_space<vmem>>
      %dma_wait3A_2064 = tpu.memref_squeeze %dma_wait3A_2063 : memref<1x128xi32, #tpu.memory_space<vmem>> -> memref<128xi32, #tpu.memory_space<vmem>>
      %dma_wait3A_2065 = arith.constant 0 : i32
      %dma_wait3A_2066 = arith.constant 0 : i32
      %dma_wait3A_2067 = tpu.memref_slice %arg7[%dma_wait3A_2065, %dma_wait3A_2066] : memref<50000x16xf32, #tpu.memory_space<vmem_shared>> -> memref<50000x16xf32, #tpu.memory_space<vmem_shared>>
      tpu.wait_indirect_dma semaphore(%arg15 : memref<!tpu.dma_semaphore, #tpu.memory_space<semaphore_mem>>) src(%dma_wait3A_2067 : memref<50000x16xf32, #tpu.memory_space<vmem_shared>>) dst(%dma_wait3A_2061 : memref<128x16xf32, #tpu.memory_space<vmem>>)
      %dma_wait3A_2068 = arith.constant 384 : i32
      %dma_wait3A_2069 = arith.constant 0 : i32
      %dma_wait3A_2070 = tpu.memref_slice %arg13[%dma_wait3A_2068, %dma_wait3A_2069] : memref<512x16xf32, #tpu.memory_space<vmem>> -> memref<128x16xf32, #tpu.memory_space<vmem>>
      %dma_wait3A_2071 = arith.constant 0 : i32
      %dma_wait3A_2072 = tpu.memref_slice %arg10[%add3A_1977, %dma_wait3A_2071] : memref<8x128xi32, #tpu.memory_space<vmem>> -> memref<1x128xi32, #tpu.memory_space<vmem>>
      %dma_wait3A_2073 = tpu.memref_squeeze %dma_wait3A_2072 : memref<1x128xi32, #tpu.memory_space<vmem>> -> memref<128xi32, #tpu.memory_space<vmem>>
      %dma_wait3A_2074 = arith.constant 0 : i32
      %dma_wait3A_2075 = arith.constant 0 : i32
      %dma_wait3A_2076 = tpu.memref_slice %arg7[%dma_wait3A_2074, %dma_wait3A_2075] : memref<50000x16xf32, #tpu.memory_space<vmem_shared>> -> memref<50000x16xf32, #tpu.memory_space<vmem_shared>>
      tpu.wait_indirect_dma semaphore(%arg15 : memref<!tpu.dma_semaphore, #tpu.memory_space<semaphore_mem>>) src(%dma_wait3A_2076 : memref<50000x16xf32, #tpu.memory_space<vmem_shared>>) dst(%dma_wait3A_2070 : memref<128x16xf32, #tpu.memory_space<vmem>>)
      %dma_wait3A_2077 = tpu.memref_slice %arg2[%add3A_2020, %mul3A_2038] : memref<32768x128xf32, #tpu.memory_space<hbm>> -> memref<512x16xf32, #tpu.memory_space<hbm>>
      %dma_wait3A_2078 = tpu.memref_slice %arg2[%add3A_2020, %mul3A_2038] : memref<32768x128xf32, #tpu.memory_space<hbm>> -> memref<512x16xf32, #tpu.memory_space<hbm>>
      tpu.wait_dma2 semaphore(%arg17 : memref<!tpu.dma_semaphore, #tpu.memory_space<semaphore_mem>>) src(%dma_wait3A_2078 : memref<512x16xf32, #tpu.memory_space<hbm>>) dst(%arg12 : memref<512x16xf32, #tpu.memory_space<vmem>>)
      %barrier3A_2079 = arith.constant 0 : index
      tpu.barrier barrier_id(%barrier3A_2079)
      %scan3A_2080 = arith.constant 0 : i32
      scf.yield %scan3A_2080 : i32
    }
    %scan3A_417 = arith.constant 7 : i32
    %dma_start3A_418 = arith.constant 4 : i32
    %dma_start3A_419 = arith.constant 0 : i32
    %dma_start3A_420 = arith.constant 0 : i32
    %dma_start3A_421 = tpu.memref_slice %arg12[%dma_start3A_419, %dma_start3A_420] : memref<512x16xf32, #tpu.memory_space<vmem>> -> memref<128x16xf32, #tpu.memory_space<vmem>>
    %dma_start3A_422 = arith.constant 0 : i32
    %dma_start3A_423 = tpu.memref_slice %arg10[%dma_start3A_418, %dma_start3A_422] : memref<8x128xi32, #tpu.memory_space<vmem>> -> memref<1x128xi32, #tpu.memory_space<vmem>>
    %dma_start3A_424 = tpu.memref_squeeze %dma_start3A_423 : memref<1x128xi32, #tpu.memory_space<vmem>> -> memref<128xi32, #tpu.memory_space<vmem>>
    %dma_start3A_425 = arith.constant 0 : i32
    %dma_start3A_426 = arith.constant 0 : i32
    %dma_start3A_427 = tpu.memref_slice %arg8[%dma_start3A_425, %dma_start3A_426] : memref<50000x16xf32, #tpu.memory_space<vmem_shared>> -> memref<50000x16xf32, #tpu.memory_space<vmem_shared>>
    tpu.enqueue_indirect_dma source(%dma_start3A_421 : memref<128x16xf32, #tpu.memory_space<vmem>>) target(%dma_start3A_427 : memref<50000x16xf32, #tpu.memory_space<vmem_shared>>) offsets(%dma_start3A_424 : memref<128xi32, #tpu.memory_space<vmem>>) semaphore(%arg15 : memref<!tpu.dma_semaphore, #tpu.memory_space<semaphore_mem>>) {add = true}
    %dma_start3A_428 = arith.constant 5 : i32
    %dma_start3A_429 = arith.constant 128 : i32
    %dma_start3A_430 = arith.constant 0 : i32
    %dma_start3A_431 = tpu.memref_slice %arg12[%dma_start3A_429, %dma_start3A_430] : memref<512x16xf32, #tpu.memory_space<vmem>> -> memref<128x16xf32, #tpu.memory_space<vmem>>
    %dma_start3A_432 = arith.constant 0 : i32
    %dma_start3A_433 = tpu.memref_slice %arg10[%dma_start3A_428, %dma_start3A_432] : memref<8x128xi32, #tpu.memory_space<vmem>> -> memref<1x128xi32, #tpu.memory_space<vmem>>
    %dma_start3A_434 = tpu.memref_squeeze %dma_start3A_433 : memref<1x128xi32, #tpu.memory_space<vmem>> -> memref<128xi32, #tpu.memory_space<vmem>>
    %dma_start3A_435 = arith.constant 0 : i32
    %dma_start3A_436 = arith.constant 0 : i32
    %dma_start3A_437 = tpu.memref_slice %arg8[%dma_start3A_435, %dma_start3A_436] : memref<50000x16xf32, #tpu.memory_space<vmem_shared>> -> memref<50000x16xf32, #tpu.memory_space<vmem_shared>>
    tpu.enqueue_indirect_dma source(%dma_start3A_431 : memref<128x16xf32, #tpu.memory_space<vmem>>) target(%dma_start3A_437 : memref<50000x16xf32, #tpu.memory_space<vmem_shared>>) offsets(%dma_start3A_434 : memref<128xi32, #tpu.memory_space<vmem>>) semaphore(%arg15 : memref<!tpu.dma_semaphore, #tpu.memory_space<semaphore_mem>>) {add = true}
    %dma_start3A_438 = arith.constant 6 : i32
    %dma_start3A_439 = arith.constant 256 : i32
    %dma_start3A_440 = arith.constant 0 : i32
    %dma_start3A_441 = tpu.memref_slice %arg12[%dma_start3A_439, %dma_start3A_440] : memref<512x16xf32, #tpu.memory_space<vmem>> -> memref<128x16xf32, #tpu.memory_space<vmem>>
    %dma_start3A_442 = arith.constant 0 : i32
    %dma_start3A_443 = tpu.memref_slice %arg10[%dma_start3A_438, %dma_start3A_442] : memref<8x128xi32, #tpu.memory_space<vmem>> -> memref<1x128xi32, #tpu.memory_space<vmem>>
    %dma_start3A_444 = tpu.memref_squeeze %dma_start3A_443 : memref<1x128xi32, #tpu.memory_space<vmem>> -> memref<128xi32, #tpu.memory_space<vmem>>
    %dma_start3A_445 = arith.constant 0 : i32
    %dma_start3A_446 = arith.constant 0 : i32
    %dma_start3A_447 = tpu.memref_slice %arg8[%dma_start3A_445, %dma_start3A_446] : memref<50000x16xf32, #tpu.memory_space<vmem_shared>> -> memref<50000x16xf32, #tpu.memory_space<vmem_shared>>
    tpu.enqueue_indirect_dma source(%dma_start3A_441 : memref<128x16xf32, #tpu.memory_space<vmem>>) target(%dma_start3A_447 : memref<50000x16xf32, #tpu.memory_space<vmem_shared>>) offsets(%dma_start3A_444 : memref<128xi32, #tpu.memory_space<vmem>>) semaphore(%arg15 : memref<!tpu.dma_semaphore, #tpu.memory_space<semaphore_mem>>) {add = true}
    %dma_start3A_448 = arith.constant 7 : i32
    %dma_start3A_449 = arith.constant 384 : i32
    %dma_start3A_450 = arith.constant 0 : i32
    %dma_start3A_451 = tpu.memref_slice %arg12[%dma_start3A_449, %dma_start3A_450] : memref<512x16xf32, #tpu.memory_space<vmem>> -> memref<128x16xf32, #tpu.memory_space<vmem>>
    %dma_start3A_452 = arith.constant 0 : i32
    %dma_start3A_453 = tpu.memref_slice %arg10[%dma_start3A_448, %dma_start3A_452] : memref<8x128xi32, #tpu.memory_space<vmem>> -> memref<1x128xi32, #tpu.memory_space<vmem>>
    %dma_start3A_454 = tpu.memref_squeeze %dma_start3A_453 : memref<1x128xi32, #tpu.memory_space<vmem>> -> memref<128xi32, #tpu.memory_space<vmem>>
    %dma_start3A_455 = arith.constant 0 : i32
    %dma_start3A_456 = arith.constant 0 : i32
    %dma_start3A_457 = tpu.memref_slice %arg8[%dma_start3A_455, %dma_start3A_456] : memref<50000x16xf32, #tpu.memory_space<vmem_shared>> -> memref<50000x16xf32, #tpu.memory_space<vmem_shared>>
    tpu.enqueue_indirect_dma source(%dma_start3A_451 : memref<128x16xf32, #tpu.memory_space<vmem>>) target(%dma_start3A_457 : memref<50000x16xf32, #tpu.memory_space<vmem_shared>>) offsets(%dma_start3A_454 : memref<128xi32, #tpu.memory_space<vmem>>) semaphore(%arg15 : memref<!tpu.dma_semaphore, #tpu.memory_space<semaphore_mem>>) {add = true}
    %dma_start3A_458 = arith.constant 4 : i32
    %dma_start3A_459 = arith.constant 0 : i32
    %dma_start3A_460 = tpu.memref_slice %arg10[%dma_start3A_458, %dma_start3A_459] : memref<8x128xi32, #tpu.memory_space<vmem>> -> memref<1x128xi32, #tpu.memory_space<vmem>>
    %dma_start3A_461 = tpu.memref_squeeze %dma_start3A_460 : memref<1x128xi32, #tpu.memory_space<vmem>> -> memref<128xi32, #tpu.memory_space<vmem>>
    %dma_start3A_462 = arith.constant 0 : i32
    %dma_start3A_463 = arith.constant 0 : i32
    %dma_start3A_464 = tpu.memref_slice %arg7[%dma_start3A_462, %dma_start3A_463] : memref<50000x16xf32, #tpu.memory_space<vmem_shared>> -> memref<50000x16xf32, #tpu.memory_space<vmem_shared>>
    tpu.enqueue_indirect_dma source(%arg14 : memref<128x16xf32, #tpu.memory_space<vmem>>) target(%dma_start3A_464 : memref<50000x16xf32, #tpu.memory_space<vmem_shared>>) offsets(%dma_start3A_461 : memref<128xi32, #tpu.memory_space<vmem>>) semaphore(%arg16 : memref<!tpu.dma_semaphore, #tpu.memory_space<semaphore_mem>>)
    %dma_start3A_465 = arith.constant 5 : i32
    %dma_start3A_466 = arith.constant 0 : i32
    %dma_start3A_467 = tpu.memref_slice %arg10[%dma_start3A_465, %dma_start3A_466] : memref<8x128xi32, #tpu.memory_space<vmem>> -> memref<1x128xi32, #tpu.memory_space<vmem>>
    %dma_start3A_468 = tpu.memref_squeeze %dma_start3A_467 : memref<1x128xi32, #tpu.memory_space<vmem>> -> memref<128xi32, #tpu.memory_space<vmem>>
    %dma_start3A_469 = arith.constant 0 : i32
    %dma_start3A_470 = arith.constant 0 : i32
    %dma_start3A_471 = tpu.memref_slice %arg7[%dma_start3A_469, %dma_start3A_470] : memref<50000x16xf32, #tpu.memory_space<vmem_shared>> -> memref<50000x16xf32, #tpu.memory_space<vmem_shared>>
    tpu.enqueue_indirect_dma source(%arg14 : memref<128x16xf32, #tpu.memory_space<vmem>>) target(%dma_start3A_471 : memref<50000x16xf32, #tpu.memory_space<vmem_shared>>) offsets(%dma_start3A_468 : memref<128xi32, #tpu.memory_space<vmem>>) semaphore(%arg16 : memref<!tpu.dma_semaphore, #tpu.memory_space<semaphore_mem>>)
    %dma_start3A_472 = arith.constant 6 : i32
    %dma_start3A_473 = arith.constant 0 : i32
    %dma_start3A_474 = tpu.memref_slice %arg10[%dma_start3A_472, %dma_start3A_473] : memref<8x128xi32, #tpu.memory_space<vmem>> -> memref<1x128xi32, #tpu.memory_space<vmem>>
    %dma_start3A_475 = tpu.memref_squeeze %dma_start3A_474 : memref<1x128xi32, #tpu.memory_space<vmem>> -> memref<128xi32, #tpu.memory_space<vmem>>
    %dma_start3A_476 = arith.constant 0 : i32
    %dma_start3A_477 = arith.constant 0 : i32
    %dma_start3A_478 = tpu.memref_slice %arg7[%dma_start3A_476, %dma_start3A_477] : memref<50000x16xf32, #tpu.memory_space<vmem_shared>> -> memref<50000x16xf32, #tpu.memory_space<vmem_shared>>
    tpu.enqueue_indirect_dma source(%arg14 : memref<128x16xf32, #tpu.memory_space<vmem>>) target(%dma_start3A_478 : memref<50000x16xf32, #tpu.memory_space<vmem_shared>>) offsets(%dma_start3A_475 : memref<128xi32, #tpu.memory_space<vmem>>) semaphore(%arg16 : memref<!tpu.dma_semaphore, #tpu.memory_space<semaphore_mem>>)
    %dma_start3A_479 = arith.constant 7 : i32
    %dma_start3A_480 = arith.constant 0 : i32
    %dma_start3A_481 = tpu.memref_slice %arg10[%dma_start3A_479, %dma_start3A_480] : memref<8x128xi32, #tpu.memory_space<vmem>> -> memref<1x128xi32, #tpu.memory_space<vmem>>
    %dma_start3A_482 = tpu.memref_squeeze %dma_start3A_481 : memref<1x128xi32, #tpu.memory_space<vmem>> -> memref<128xi32, #tpu.memory_space<vmem>>
    %dma_start3A_483 = arith.constant 0 : i32
    %dma_start3A_484 = arith.constant 0 : i32
    %dma_start3A_485 = tpu.memref_slice %arg7[%dma_start3A_483, %dma_start3A_484] : memref<50000x16xf32, #tpu.memory_space<vmem_shared>> -> memref<50000x16xf32, #tpu.memory_space<vmem_shared>>
    tpu.enqueue_indirect_dma source(%arg14 : memref<128x16xf32, #tpu.memory_space<vmem>>) target(%dma_start3A_485 : memref<50000x16xf32, #tpu.memory_space<vmem_shared>>) offsets(%dma_start3A_482 : memref<128xi32, #tpu.memory_space<vmem>>) semaphore(%arg16 : memref<!tpu.dma_semaphore, #tpu.memory_space<semaphore_mem>>)
    %mul3A_486 = arith.constant 2 : i32
    %mul3A_487 = arith.muli %mul3A_486, %arg0 : i32
    %add3A_488 = arith.constant 1 : i32
    %add3A_489 = arith.addi %mul3A_487, %add3A_488 : i32
    %mul3A_490 = arith.constant 8192 : i32
    %mul3A_491 = arith.muli %add3A_489, %mul3A_490 : i32
    %mul3A_492 = arith.constant 512 : i32
    %mul3A_493 = arith.muli %mul3A_492, %arg1 : i32
    %add3A_494 = arith.addi %mul3A_491, %mul3A_493 : i32
    %dma_start3A_495 = arith.constant 96 : i32
    %dma_start3A_496 = tpu.memref_slice %arg6[%add3A_494, %dma_start3A_495] : memref<32768x128xf32, #tpu.memory_space<hbm>> -> memref<512x16xf32, #tpu.memory_space<hbm>>
    %dma_start3A_497 = arith.constant 96 : i32
    %dma_start3A_498 = tpu.memref_slice %arg6[%add3A_494, %dma_start3A_497] : memref<32768x128xf32, #tpu.memory_space<hbm>> -> memref<512x16xf32, #tpu.memory_space<hbm>>
    tpu.enqueue_dma source(%arg13 : memref<512x16xf32, #tpu.memory_space<vmem>>) target(%dma_start3A_498 : memref<512x16xf32, #tpu.memory_space<hbm>>) target_semaphore(%arg17 : memref<!tpu.dma_semaphore, #tpu.memory_space<semaphore_mem>>)
    %dma_wait3A_499 = arith.constant 4 : i32
    %dma_wait3A_500 = arith.constant 0 : i32
    %dma_wait3A_501 = tpu.memref_slice %arg10[%dma_wait3A_499, %dma_wait3A_500] : memref<8x128xi32, #tpu.memory_space<vmem>> -> memref<1x128xi32, #tpu.memory_space<vmem>>
    %dma_wait3A_502 = tpu.memref_squeeze %dma_wait3A_501 : memref<1x128xi32, #tpu.memory_space<vmem>> -> memref<128xi32, #tpu.memory_space<vmem>>
    %dma_wait3A_503 = arith.constant 0 : i32
    %dma_wait3A_504 = arith.constant 0 : i32
    %dma_wait3A_505 = tpu.memref_slice %arg7[%dma_wait3A_503, %dma_wait3A_504] : memref<50000x16xf32, #tpu.memory_space<vmem_shared>> -> memref<50000x16xf32, #tpu.memory_space<vmem_shared>>
    tpu.wait_indirect_dma semaphore(%arg16 : memref<!tpu.dma_semaphore, #tpu.memory_space<semaphore_mem>>) src(%arg14 : memref<128x16xf32, #tpu.memory_space<vmem>>) dst(%dma_wait3A_505 : memref<50000x16xf32, #tpu.memory_space<vmem_shared>>)
    %dma_wait3A_506 = arith.constant 5 : i32
    %dma_wait3A_507 = arith.constant 0 : i32
    %dma_wait3A_508 = tpu.memref_slice %arg10[%dma_wait3A_506, %dma_wait3A_507] : memref<8x128xi32, #tpu.memory_space<vmem>> -> memref<1x128xi32, #tpu.memory_space<vmem>>
    %dma_wait3A_509 = tpu.memref_squeeze %dma_wait3A_508 : memref<1x128xi32, #tpu.memory_space<vmem>> -> memref<128xi32, #tpu.memory_space<vmem>>
    %dma_wait3A_510 = arith.constant 0 : i32
    %dma_wait3A_511 = arith.constant 0 : i32
    %dma_wait3A_512 = tpu.memref_slice %arg7[%dma_wait3A_510, %dma_wait3A_511] : memref<50000x16xf32, #tpu.memory_space<vmem_shared>> -> memref<50000x16xf32, #tpu.memory_space<vmem_shared>>
    tpu.wait_indirect_dma semaphore(%arg16 : memref<!tpu.dma_semaphore, #tpu.memory_space<semaphore_mem>>) src(%arg14 : memref<128x16xf32, #tpu.memory_space<vmem>>) dst(%dma_wait3A_512 : memref<50000x16xf32, #tpu.memory_space<vmem_shared>>)
    %dma_wait3A_513 = arith.constant 6 : i32
    %dma_wait3A_514 = arith.constant 0 : i32
    %dma_wait3A_515 = tpu.memref_slice %arg10[%dma_wait3A_513, %dma_wait3A_514] : memref<8x128xi32, #tpu.memory_space<vmem>> -> memref<1x128xi32, #tpu.memory_space<vmem>>
    %dma_wait3A_516 = tpu.memref_squeeze %dma_wait3A_515 : memref<1x128xi32, #tpu.memory_space<vmem>> -> memref<128xi32, #tpu.memory_space<vmem>>
    %dma_wait3A_517 = arith.constant 0 : i32
    %dma_wait3A_518 = arith.constant 0 : i32
    %dma_wait3A_519 = tpu.memref_slice %arg7[%dma_wait3A_517, %dma_wait3A_518] : memref<50000x16xf32, #tpu.memory_space<vmem_shared>> -> memref<50000x16xf32, #tpu.memory_space<vmem_shared>>
    tpu.wait_indirect_dma semaphore(%arg16 : memref<!tpu.dma_semaphore, #tpu.memory_space<semaphore_mem>>) src(%arg14 : memref<128x16xf32, #tpu.memory_space<vmem>>) dst(%dma_wait3A_519 : memref<50000x16xf32, #tpu.memory_space<vmem_shared>>)
    %dma_wait3A_520 = arith.constant 7 : i32
    %dma_wait3A_521 = arith.constant 0 : i32
    %dma_wait3A_522 = tpu.memref_slice %arg10[%dma_wait3A_520, %dma_wait3A_521] : memref<8x128xi32, #tpu.memory_space<vmem>> -> memref<1x128xi32, #tpu.memory_space<vmem>>
    %dma_wait3A_523 = tpu.memref_squeeze %dma_wait3A_522 : memref<1x128xi32, #tpu.memory_space<vmem>> -> memref<128xi32, #tpu.memory_space<vmem>>
    %dma_wait3A_524 = arith.constant 0 : i32
    %dma_wait3A_525 = arith.constant 0 : i32
    %dma_wait3A_526 = tpu.memref_slice %arg7[%dma_wait3A_524, %dma_wait3A_525] : memref<50000x16xf32, #tpu.memory_space<vmem_shared>> -> memref<50000x16xf32, #tpu.memory_space<vmem_shared>>
    tpu.wait_indirect_dma semaphore(%arg16 : memref<!tpu.dma_semaphore, #tpu.memory_space<semaphore_mem>>) src(%arg14 : memref<128x16xf32, #tpu.memory_space<vmem>>) dst(%dma_wait3A_526 : memref<50000x16xf32, #tpu.memory_space<vmem_shared>>)
    %dma_wait3A_527 = arith.constant 96 : i32
    %dma_wait3A_528 = tpu.memref_slice %arg6[%add3A_494, %dma_wait3A_527] : memref<32768x128xf32, #tpu.memory_space<hbm>> -> memref<512x16xf32, #tpu.memory_space<hbm>>
    %dma_wait3A_529 = arith.constant 96 : i32
    %dma_wait3A_530 = tpu.memref_slice %arg6[%add3A_494, %dma_wait3A_529] : memref<32768x128xf32, #tpu.memory_space<hbm>> -> memref<512x16xf32, #tpu.memory_space<hbm>>
    tpu.wait_dma2 semaphore(%arg17 : memref<!tpu.dma_semaphore, #tpu.memory_space<semaphore_mem>>) src(%arg13 : memref<512x16xf32, #tpu.memory_space<vmem>>) dst(%dma_wait3A_530 : memref<512x16xf32, #tpu.memory_space<hbm>>)
    %dma_wait3A_531 = arith.constant 4 : i32
    %dma_wait3A_532 = arith.constant 0 : i32
    %dma_wait3A_533 = arith.constant 0 : i32
    %dma_wait3A_534 = tpu.memref_slice %arg12[%dma_wait3A_532, %dma_wait3A_533] : memref<512x16xf32, #tpu.memory_space<vmem>> -> memref<128x16xf32, #tpu.memory_space<vmem>>
    %dma_wait3A_535 = arith.constant 0 : i32
    %dma_wait3A_536 = tpu.memref_slice %arg10[%dma_wait3A_531, %dma_wait3A_535] : memref<8x128xi32, #tpu.memory_space<vmem>> -> memref<1x128xi32, #tpu.memory_space<vmem>>
    %dma_wait3A_537 = tpu.memref_squeeze %dma_wait3A_536 : memref<1x128xi32, #tpu.memory_space<vmem>> -> memref<128xi32, #tpu.memory_space<vmem>>
    %dma_wait3A_538 = arith.constant 0 : i32
    %dma_wait3A_539 = arith.constant 0 : i32
    %dma_wait3A_540 = tpu.memref_slice %arg8[%dma_wait3A_538, %dma_wait3A_539] : memref<50000x16xf32, #tpu.memory_space<vmem_shared>> -> memref<50000x16xf32, #tpu.memory_space<vmem_shared>>
    tpu.wait_indirect_dma semaphore(%arg15 : memref<!tpu.dma_semaphore, #tpu.memory_space<semaphore_mem>>) src(%dma_wait3A_534 : memref<128x16xf32, #tpu.memory_space<vmem>>) dst(%dma_wait3A_540 : memref<50000x16xf32, #tpu.memory_space<vmem_shared>>)
    %dma_wait3A_541 = arith.constant 5 : i32
    %dma_wait3A_542 = arith.constant 128 : i32
    %dma_wait3A_543 = arith.constant 0 : i32
    %dma_wait3A_544 = tpu.memref_slice %arg12[%dma_wait3A_542, %dma_wait3A_543] : memref<512x16xf32, #tpu.memory_space<vmem>> -> memref<128x16xf32, #tpu.memory_space<vmem>>
    %dma_wait3A_545 = arith.constant 0 : i32
    %dma_wait3A_546 = tpu.memref_slice %arg10[%dma_wait3A_541, %dma_wait3A_545] : memref<8x128xi32, #tpu.memory_space<vmem>> -> memref<1x128xi32, #tpu.memory_space<vmem>>
    %dma_wait3A_547 = tpu.memref_squeeze %dma_wait3A_546 : memref<1x128xi32, #tpu.memory_space<vmem>> -> memref<128xi32, #tpu.memory_space<vmem>>
    %dma_wait3A_548 = arith.constant 0 : i32
    %dma_wait3A_549 = arith.constant 0 : i32
    %dma_wait3A_550 = tpu.memref_slice %arg8[%dma_wait3A_548, %dma_wait3A_549] : memref<50000x16xf32, #tpu.memory_space<vmem_shared>> -> memref<50000x16xf32, #tpu.memory_space<vmem_shared>>
    tpu.wait_indirect_dma semaphore(%arg15 : memref<!tpu.dma_semaphore, #tpu.memory_space<semaphore_mem>>) src(%dma_wait3A_544 : memref<128x16xf32, #tpu.memory_space<vmem>>) dst(%dma_wait3A_550 : memref<50000x16xf32, #tpu.memory_space<vmem_shared>>)
    %dma_wait3A_551 = arith.constant 6 : i32
    %dma_wait3A_552 = arith.constant 256 : i32
    %dma_wait3A_553 = arith.constant 0 : i32
    %dma_wait3A_554 = tpu.memref_slice %arg12[%dma_wait3A_552, %dma_wait3A_553] : memref<512x16xf32, #tpu.memory_space<vmem>> -> memref<128x16xf32, #tpu.memory_space<vmem>>
    %dma_wait3A_555 = arith.constant 0 : i32
    %dma_wait3A_556 = tpu.memref_slice %arg10[%dma_wait3A_551, %dma_wait3A_555] : memref<8x128xi32, #tpu.memory_space<vmem>> -> memref<1x128xi32, #tpu.memory_space<vmem>>
    %dma_wait3A_557 = tpu.memref_squeeze %dma_wait3A_556 : memref<1x128xi32, #tpu.memory_space<vmem>> -> memref<128xi32, #tpu.memory_space<vmem>>
    %dma_wait3A_558 = arith.constant 0 : i32
    %dma_wait3A_559 = arith.constant 0 : i32
    %dma_wait3A_560 = tpu.memref_slice %arg8[%dma_wait3A_558, %dma_wait3A_559] : memref<50000x16xf32, #tpu.memory_space<vmem_shared>> -> memref<50000x16xf32, #tpu.memory_space<vmem_shared>>
    tpu.wait_indirect_dma semaphore(%arg15 : memref<!tpu.dma_semaphore, #tpu.memory_space<semaphore_mem>>) src(%dma_wait3A_554 : memref<128x16xf32, #tpu.memory_space<vmem>>) dst(%dma_wait3A_560 : memref<50000x16xf32, #tpu.memory_space<vmem_shared>>)
    %dma_wait3A_561 = arith.constant 7 : i32
    %dma_wait3A_562 = arith.constant 384 : i32
    %dma_wait3A_563 = arith.constant 0 : i32
    %dma_wait3A_564 = tpu.memref_slice %arg12[%dma_wait3A_562, %dma_wait3A_563] : memref<512x16xf32, #tpu.memory_space<vmem>> -> memref<128x16xf32, #tpu.memory_space<vmem>>
    %dma_wait3A_565 = arith.constant 0 : i32
    %dma_wait3A_566 = tpu.memref_slice %arg10[%dma_wait3A_561, %dma_wait3A_565] : memref<8x128xi32, #tpu.memory_space<vmem>> -> memref<1x128xi32, #tpu.memory_space<vmem>>
    %dma_wait3A_567 = tpu.memref_squeeze %dma_wait3A_566 : memref<1x128xi32, #tpu.memory_space<vmem>> -> memref<128xi32, #tpu.memory_space<vmem>>
    %dma_wait3A_568 = arith.constant 0 : i32
    %dma_wait3A_569 = arith.constant 0 : i32
    %dma_wait3A_570 = tpu.memref_slice %arg8[%dma_wait3A_568, %dma_wait3A_569] : memref<50000x16xf32, #tpu.memory_space<vmem_shared>> -> memref<50000x16xf32, #tpu.memory_space<vmem_shared>>
    tpu.wait_indirect_dma semaphore(%arg15 : memref<!tpu.dma_semaphore, #tpu.memory_space<semaphore_mem>>) src(%dma_wait3A_564 : memref<128x16xf32, #tpu.memory_space<vmem>>) dst(%dma_wait3A_570 : memref<50000x16xf32, #tpu.memory_space<vmem_shared>>)
    %barrier3A_571 = arith.constant 0 : index
    tpu.barrier barrier_id(%barrier3A_571)
    %dma_start3A_572 = arith.constant 4 : i32
    %dma_start3A_573 = arith.constant 0 : i32
    %dma_start3A_574 = arith.constant 0 : i32
    %dma_start3A_575 = tpu.memref_slice %arg13[%dma_start3A_573, %dma_start3A_574] : memref<512x16xf32, #tpu.memory_space<vmem>> -> memref<128x16xf32, #tpu.memory_space<vmem>>
    %dma_start3A_576 = arith.constant 0 : i32
    %dma_start3A_577 = tpu.memref_slice %arg10[%dma_start3A_572, %dma_start3A_576] : memref<8x128xi32, #tpu.memory_space<vmem>> -> memref<1x128xi32, #tpu.memory_space<vmem>>
    %dma_start3A_578 = tpu.memref_squeeze %dma_start3A_577 : memref<1x128xi32, #tpu.memory_space<vmem>> -> memref<128xi32, #tpu.memory_space<vmem>>
    %dma_start3A_579 = arith.constant 0 : i32
    %dma_start3A_580 = arith.constant 0 : i32
    %dma_start3A_581 = tpu.memref_slice %arg8[%dma_start3A_579, %dma_start3A_580] : memref<50000x16xf32, #tpu.memory_space<vmem_shared>> -> memref<50000x16xf32, #tpu.memory_space<vmem_shared>>
    tpu.enqueue_indirect_dma source(%dma_start3A_581 : memref<50000x16xf32, #tpu.memory_space<vmem_shared>>) target(%dma_start3A_575 : memref<128x16xf32, #tpu.memory_space<vmem>>) offsets(%dma_start3A_578 : memref<128xi32, #tpu.memory_space<vmem>>) semaphore(%arg15 : memref<!tpu.dma_semaphore, #tpu.memory_space<semaphore_mem>>)
    %dma_start3A_582 = arith.constant 5 : i32
    %dma_start3A_583 = arith.constant 128 : i32
    %dma_start3A_584 = arith.constant 0 : i32
    %dma_start3A_585 = tpu.memref_slice %arg13[%dma_start3A_583, %dma_start3A_584] : memref<512x16xf32, #tpu.memory_space<vmem>> -> memref<128x16xf32, #tpu.memory_space<vmem>>
    %dma_start3A_586 = arith.constant 0 : i32
    %dma_start3A_587 = tpu.memref_slice %arg10[%dma_start3A_582, %dma_start3A_586] : memref<8x128xi32, #tpu.memory_space<vmem>> -> memref<1x128xi32, #tpu.memory_space<vmem>>
    %dma_start3A_588 = tpu.memref_squeeze %dma_start3A_587 : memref<1x128xi32, #tpu.memory_space<vmem>> -> memref<128xi32, #tpu.memory_space<vmem>>
    %dma_start3A_589 = arith.constant 0 : i32
    %dma_start3A_590 = arith.constant 0 : i32
    %dma_start3A_591 = tpu.memref_slice %arg8[%dma_start3A_589, %dma_start3A_590] : memref<50000x16xf32, #tpu.memory_space<vmem_shared>> -> memref<50000x16xf32, #tpu.memory_space<vmem_shared>>
    tpu.enqueue_indirect_dma source(%dma_start3A_591 : memref<50000x16xf32, #tpu.memory_space<vmem_shared>>) target(%dma_start3A_585 : memref<128x16xf32, #tpu.memory_space<vmem>>) offsets(%dma_start3A_588 : memref<128xi32, #tpu.memory_space<vmem>>) semaphore(%arg15 : memref<!tpu.dma_semaphore, #tpu.memory_space<semaphore_mem>>)
    %dma_start3A_592 = arith.constant 6 : i32
    %dma_start3A_593 = arith.constant 256 : i32
    %dma_start3A_594 = arith.constant 0 : i32
    %dma_start3A_595 = tpu.memref_slice %arg13[%dma_start3A_593, %dma_start3A_594] : memref<512x16xf32, #tpu.memory_space<vmem>> -> memref<128x16xf32, #tpu.memory_space<vmem>>
    %dma_start3A_596 = arith.constant 0 : i32
    %dma_start3A_597 = tpu.memref_slice %arg10[%dma_start3A_592, %dma_start3A_596] : memref<8x128xi32, #tpu.memory_space<vmem>> -> memref<1x128xi32, #tpu.memory_space<vmem>>
    %dma_start3A_598 = tpu.memref_squeeze %dma_start3A_597 : memref<1x128xi32, #tpu.memory_space<vmem>> -> memref<128xi32, #tpu.memory_space<vmem>>
    %dma_start3A_599 = arith.constant 0 : i32
    %dma_start3A_600 = arith.constant 0 : i32
    %dma_start3A_601 = tpu.memref_slice %arg8[%dma_start3A_599, %dma_start3A_600] : memref<50000x16xf32, #tpu.memory_space<vmem_shared>> -> memref<50000x16xf32, #tpu.memory_space<vmem_shared>>
    tpu.enqueue_indirect_dma source(%dma_start3A_601 : memref<50000x16xf32, #tpu.memory_space<vmem_shared>>) target(%dma_start3A_595 : memref<128x16xf32, #tpu.memory_space<vmem>>) offsets(%dma_start3A_598 : memref<128xi32, #tpu.memory_space<vmem>>) semaphore(%arg15 : memref<!tpu.dma_semaphore, #tpu.memory_space<semaphore_mem>>)
    %dma_start3A_602 = arith.constant 7 : i32
    %dma_start3A_603 = arith.constant 384 : i32
    %dma_start3A_604 = arith.constant 0 : i32
    %dma_start3A_605 = tpu.memref_slice %arg13[%dma_start3A_603, %dma_start3A_604] : memref<512x16xf32, #tpu.memory_space<vmem>> -> memref<128x16xf32, #tpu.memory_space<vmem>>
    %dma_start3A_606 = arith.constant 0 : i32
    %dma_start3A_607 = tpu.memref_slice %arg10[%dma_start3A_602, %dma_start3A_606] : memref<8x128xi32, #tpu.memory_space<vmem>> -> memref<1x128xi32, #tpu.memory_space<vmem>>
    %dma_start3A_608 = tpu.memref_squeeze %dma_start3A_607 : memref<1x128xi32, #tpu.memory_space<vmem>> -> memref<128xi32, #tpu.memory_space<vmem>>
    %dma_start3A_609 = arith.constant 0 : i32
    %dma_start3A_610 = arith.constant 0 : i32
    %dma_start3A_611 = tpu.memref_slice %arg8[%dma_start3A_609, %dma_start3A_610] : memref<50000x16xf32, #tpu.memory_space<vmem_shared>> -> memref<50000x16xf32, #tpu.memory_space<vmem_shared>>
    tpu.enqueue_indirect_dma source(%dma_start3A_611 : memref<50000x16xf32, #tpu.memory_space<vmem_shared>>) target(%dma_start3A_605 : memref<128x16xf32, #tpu.memory_space<vmem>>) offsets(%dma_start3A_608 : memref<128xi32, #tpu.memory_space<vmem>>) semaphore(%arg15 : memref<!tpu.dma_semaphore, #tpu.memory_space<semaphore_mem>>)
    %dma_start3A_612 = arith.constant 7 : i32
    %dma_start3A_613 = arith.constant 0 : i32
    %dma_start3A_614 = tpu.memref_slice %arg9[%dma_start3A_612, %dma_start3A_613] : memref<8x128xi32, #tpu.memory_space<vmem>> -> memref<1x64xi32, #tpu.memory_space<vmem>>
    %dma_start3A_615 = tpu.memref_squeeze %dma_start3A_614 : memref<1x64xi32, #tpu.memory_space<vmem>> -> memref<64xi32, #tpu.memory_space<vmem>>
    %dma_start3A_616 = arith.constant 0 : i32
    %dma_start3A_617 = arith.constant 0 : i32
    %dma_start3A_618 = tpu.memref_slice %arg3[%dma_start3A_616, %dma_start3A_617] : memref<50000x128xf32, #tpu.memory_space<hbm>> -> memref<50000x128xf32, #tpu.memory_space<hbm>>
    tpu.enqueue_indirect_dma source(%dma_start3A_618 : memref<50000x128xf32, #tpu.memory_space<hbm>>) target(%arg11 : memref<64x128xf32, #tpu.memory_space<vmem>>) offsets(%dma_start3A_615 : memref<64xi32, #tpu.memory_space<vmem>>) semaphore(%arg16 : memref<!tpu.dma_semaphore, #tpu.memory_space<semaphore_mem>>)
    %dma_wait3A_619 = arith.constant 7 : i32
    %dma_wait3A_620 = arith.constant 0 : i32
    %dma_wait3A_621 = tpu.memref_slice %arg9[%dma_wait3A_619, %dma_wait3A_620] : memref<8x128xi32, #tpu.memory_space<vmem>> -> memref<1x64xi32, #tpu.memory_space<vmem>>
    %dma_wait3A_622 = tpu.memref_squeeze %dma_wait3A_621 : memref<1x64xi32, #tpu.memory_space<vmem>> -> memref<64xi32, #tpu.memory_space<vmem>>
    %dma_wait3A_623 = arith.constant 0 : i32
    %dma_wait3A_624 = arith.constant 0 : i32
    %dma_wait3A_625 = tpu.memref_slice %arg3[%dma_wait3A_623, %dma_wait3A_624] : memref<50000x128xf32, #tpu.memory_space<hbm>> -> memref<50000x128xf32, #tpu.memory_space<hbm>>
    tpu.wait_indirect_dma semaphore(%arg16 : memref<!tpu.dma_semaphore, #tpu.memory_space<semaphore_mem>>) src(%dma_wait3A_625 : memref<50000x128xf32, #tpu.memory_space<hbm>>) dst(%arg11 : memref<64x128xf32, #tpu.memory_space<vmem>>)
    %mul3A_626 = arith.constant 1024 : i32
    %mul3A_627 = arith.muli %mul3A_626, %add3A : i32
    %add3A_628 = arith.constant 896 : i32
    %add3A_629 = arith.addi %mul3A_627, %add3A_628 : i32
    %add3A_630 = arith.constant 0 : i32
    %add3A_631 = arith.addi %add3A_629, %add3A_630 : i32
    %dma_start3A_632 = arith.constant 0 : i32
    %dma_start3A_633 = tpu.memref_slice %arg5[%add3A_631, %dma_start3A_632] : memref<32768x128xf32, #tpu.memory_space<hbm>> -> memref<64x128xf32, #tpu.memory_space<hbm>>
    %dma_start3A_634 = arith.constant 0 : i32
    %dma_start3A_635 = tpu.memref_slice %arg5[%add3A_631, %dma_start3A_634] : memref<32768x128xf32, #tpu.memory_space<hbm>> -> memref<64x128xf32, #tpu.memory_space<hbm>>
    tpu.enqueue_dma source(%arg11 : memref<64x128xf32, #tpu.memory_space<vmem>>) target(%dma_start3A_635 : memref<64x128xf32, #tpu.memory_space<hbm>>) target_semaphore(%arg16 : memref<!tpu.dma_semaphore, #tpu.memory_space<semaphore_mem>>)
    %dma_wait3A_636 = arith.constant 0 : i32
    %dma_wait3A_637 = tpu.memref_slice %arg5[%add3A_631, %dma_wait3A_636] : memref<32768x128xf32, #tpu.memory_space<hbm>> -> memref<64x128xf32, #tpu.memory_space<hbm>>
    %dma_wait3A_638 = arith.constant 0 : i32
    %dma_wait3A_639 = tpu.memref_slice %arg5[%add3A_631, %dma_wait3A_638] : memref<32768x128xf32, #tpu.memory_space<hbm>> -> memref<64x128xf32, #tpu.memory_space<hbm>>
    tpu.wait_dma2 semaphore(%arg16 : memref<!tpu.dma_semaphore, #tpu.memory_space<semaphore_mem>>) src(%arg11 : memref<64x128xf32, #tpu.memory_space<vmem>>) dst(%dma_wait3A_639 : memref<64x128xf32, #tpu.memory_space<hbm>>)
    %dma_start3A_640 = arith.constant 7 : i32
    %dma_start3A_641 = arith.constant 64 : i32
    %dma_start3A_642 = tpu.memref_slice %arg9[%dma_start3A_640, %dma_start3A_641] : memref<8x128xi32, #tpu.memory_space<vmem>> -> memref<1x64xi32, #tpu.memory_space<vmem>>
    %dma_start3A_643 = tpu.memref_squeeze %dma_start3A_642 : memref<1x64xi32, #tpu.memory_space<vmem>> -> memref<64xi32, #tpu.memory_space<vmem>>
    %dma_start3A_644 = arith.constant 0 : i32
    %dma_start3A_645 = arith.constant 0 : i32
    %dma_start3A_646 = tpu.memref_slice %arg3[%dma_start3A_644, %dma_start3A_645] : memref<50000x128xf32, #tpu.memory_space<hbm>> -> memref<50000x128xf32, #tpu.memory_space<hbm>>
    tpu.enqueue_indirect_dma source(%dma_start3A_646 : memref<50000x128xf32, #tpu.memory_space<hbm>>) target(%arg11 : memref<64x128xf32, #tpu.memory_space<vmem>>) offsets(%dma_start3A_643 : memref<64xi32, #tpu.memory_space<vmem>>) semaphore(%arg16 : memref<!tpu.dma_semaphore, #tpu.memory_space<semaphore_mem>>)
    %dma_wait3A_647 = arith.constant 7 : i32
    %dma_wait3A_648 = arith.constant 64 : i32
    %dma_wait3A_649 = tpu.memref_slice %arg9[%dma_wait3A_647, %dma_wait3A_648] : memref<8x128xi32, #tpu.memory_space<vmem>> -> memref<1x64xi32, #tpu.memory_space<vmem>>
    %dma_wait3A_650 = tpu.memref_squeeze %dma_wait3A_649 : memref<1x64xi32, #tpu.memory_space<vmem>> -> memref<64xi32, #tpu.memory_space<vmem>>
    %dma_wait3A_651 = arith.constant 0 : i32
    %dma_wait3A_652 = arith.constant 0 : i32
    %dma_wait3A_653 = tpu.memref_slice %arg3[%dma_wait3A_651, %dma_wait3A_652] : memref<50000x128xf32, #tpu.memory_space<hbm>> -> memref<50000x128xf32, #tpu.memory_space<hbm>>
    tpu.wait_indirect_dma semaphore(%arg16 : memref<!tpu.dma_semaphore, #tpu.memory_space<semaphore_mem>>) src(%dma_wait3A_653 : memref<50000x128xf32, #tpu.memory_space<hbm>>) dst(%arg11 : memref<64x128xf32, #tpu.memory_space<vmem>>)
    %mul3A_654 = arith.constant 1024 : i32
    %mul3A_655 = arith.muli %mul3A_654, %add3A : i32
    %add3A_656 = arith.constant 896 : i32
    %add3A_657 = arith.addi %mul3A_655, %add3A_656 : i32
    %add3A_658 = arith.constant 64 : i32
    %add3A_659 = arith.addi %add3A_657, %add3A_658 : i32
    %dma_start3A_660 = arith.constant 0 : i32
    %dma_start3A_661 = tpu.memref_slice %arg5[%add3A_659, %dma_start3A_660] : memref<32768x128xf32, #tpu.memory_space<hbm>> -> memref<64x128xf32, #tpu.memory_space<hbm>>
    %dma_start3A_662 = arith.constant 0 : i32
    %dma_start3A_663 = tpu.memref_slice %arg5[%add3A_659, %dma_start3A_662] : memref<32768x128xf32, #tpu.memory_space<hbm>> -> memref<64x128xf32, #tpu.memory_space<hbm>>
    tpu.enqueue_dma source(%arg11 : memref<64x128xf32, #tpu.memory_space<vmem>>) target(%dma_start3A_663 : memref<64x128xf32, #tpu.memory_space<hbm>>) target_semaphore(%arg16 : memref<!tpu.dma_semaphore, #tpu.memory_space<semaphore_mem>>)
    %dma_wait3A_664 = arith.constant 0 : i32
    %dma_wait3A_665 = tpu.memref_slice %arg5[%add3A_659, %dma_wait3A_664] : memref<32768x128xf32, #tpu.memory_space<hbm>> -> memref<64x128xf32, #tpu.memory_space<hbm>>
    %dma_wait3A_666 = arith.constant 0 : i32
    %dma_wait3A_667 = tpu.memref_slice %arg5[%add3A_659, %dma_wait3A_666] : memref<32768x128xf32, #tpu.memory_space<hbm>> -> memref<64x128xf32, #tpu.memory_space<hbm>>
    tpu.wait_dma2 semaphore(%arg16 : memref<!tpu.dma_semaphore, #tpu.memory_space<semaphore_mem>>) src(%arg11 : memref<64x128xf32, #tpu.memory_space<vmem>>) dst(%dma_wait3A_667 : memref<64x128xf32, #tpu.memory_space<hbm>>)
    %dma_wait3A_668 = arith.constant 4 : i32
    %dma_wait3A_669 = arith.constant 0 : i32
    %dma_wait3A_670 = arith.constant 0 : i32
    %dma_wait3A_671 = tpu.memref_slice %arg13[%dma_wait3A_669, %dma_wait3A_670] : memref<512x16xf32, #tpu.memory_space<vmem>> -> memref<128x16xf32, #tpu.memory_space<vmem>>
    %dma_wait3A_672 = arith.constant 0 : i32
    %dma_wait3A_673 = tpu.memref_slice %arg10[%dma_wait3A_668, %dma_wait3A_672] : memref<8x128xi32, #tpu.memory_space<vmem>> -> memref<1x128xi32, #tpu.memory_space<vmem>>
    %dma_wait3A_674 = tpu.memref_squeeze %dma_wait3A_673 : memref<1x128xi32, #tpu.memory_space<vmem>> -> memref<128xi32, #tpu.memory_space<vmem>>
    %dma_wait3A_675 = arith.constant 0 : i32
    %dma_wait3A_676 = arith.constant 0 : i32
    %dma_wait3A_677 = tpu.memref_slice %arg8[%dma_wait3A_675, %dma_wait3A_676] : memref<50000x16xf32, #tpu.memory_space<vmem_shared>> -> memref<50000x16xf32, #tpu.memory_space<vmem_shared>>
    tpu.wait_indirect_dma semaphore(%arg15 : memref<!tpu.dma_semaphore, #tpu.memory_space<semaphore_mem>>) src(%dma_wait3A_677 : memref<50000x16xf32, #tpu.memory_space<vmem_shared>>) dst(%dma_wait3A_671 : memref<128x16xf32, #tpu.memory_space<vmem>>)
    %dma_wait3A_678 = arith.constant 5 : i32
    %dma_wait3A_679 = arith.constant 128 : i32
    %dma_wait3A_680 = arith.constant 0 : i32
    %dma_wait3A_681 = tpu.memref_slice %arg13[%dma_wait3A_679, %dma_wait3A_680] : memref<512x16xf32, #tpu.memory_space<vmem>> -> memref<128x16xf32, #tpu.memory_space<vmem>>
    %dma_wait3A_682 = arith.constant 0 : i32
    %dma_wait3A_683 = tpu.memref_slice %arg10[%dma_wait3A_678, %dma_wait3A_682] : memref<8x128xi32, #tpu.memory_space<vmem>> -> memref<1x128xi32, #tpu.memory_space<vmem>>
    %dma_wait3A_684 = tpu.memref_squeeze %dma_wait3A_683 : memref<1x128xi32, #tpu.memory_space<vmem>> -> memref<128xi32, #tpu.memory_space<vmem>>
    %dma_wait3A_685 = arith.constant 0 : i32
    %dma_wait3A_686 = arith.constant 0 : i32
    %dma_wait3A_687 = tpu.memref_slice %arg8[%dma_wait3A_685, %dma_wait3A_686] : memref<50000x16xf32, #tpu.memory_space<vmem_shared>> -> memref<50000x16xf32, #tpu.memory_space<vmem_shared>>
    tpu.wait_indirect_dma semaphore(%arg15 : memref<!tpu.dma_semaphore, #tpu.memory_space<semaphore_mem>>) src(%dma_wait3A_687 : memref<50000x16xf32, #tpu.memory_space<vmem_shared>>) dst(%dma_wait3A_681 : memref<128x16xf32, #tpu.memory_space<vmem>>)
    %dma_wait3A_688 = arith.constant 6 : i32
    %dma_wait3A_689 = arith.constant 256 : i32
    %dma_wait3A_690 = arith.constant 0 : i32
    %dma_wait3A_691 = tpu.memref_slice %arg13[%dma_wait3A_689, %dma_wait3A_690] : memref<512x16xf32, #tpu.memory_space<vmem>> -> memref<128x16xf32, #tpu.memory_space<vmem>>
    %dma_wait3A_692 = arith.constant 0 : i32
    %dma_wait3A_693 = tpu.memref_slice %arg10[%dma_wait3A_688, %dma_wait3A_692] : memref<8x128xi32, #tpu.memory_space<vmem>> -> memref<1x128xi32, #tpu.memory_space<vmem>>
    %dma_wait3A_694 = tpu.memref_squeeze %dma_wait3A_693 : memref<1x128xi32, #tpu.memory_space<vmem>> -> memref<128xi32, #tpu.memory_space<vmem>>
    %dma_wait3A_695 = arith.constant 0 : i32
    %dma_wait3A_696 = arith.constant 0 : i32
    %dma_wait3A_697 = tpu.memref_slice %arg8[%dma_wait3A_695, %dma_wait3A_696] : memref<50000x16xf32, #tpu.memory_space<vmem_shared>> -> memref<50000x16xf32, #tpu.memory_space<vmem_shared>>
    tpu.wait_indirect_dma semaphore(%arg15 : memref<!tpu.dma_semaphore, #tpu.memory_space<semaphore_mem>>) src(%dma_wait3A_697 : memref<50000x16xf32, #tpu.memory_space<vmem_shared>>) dst(%dma_wait3A_691 : memref<128x16xf32, #tpu.memory_space<vmem>>)
    %dma_wait3A_698 = arith.constant 7 : i32
    %dma_wait3A_699 = arith.constant 384 : i32
    %dma_wait3A_700 = arith.constant 0 : i32
    %dma_wait3A_701 = tpu.memref_slice %arg13[%dma_wait3A_699, %dma_wait3A_700] : memref<512x16xf32, #tpu.memory_space<vmem>> -> memref<128x16xf32, #tpu.memory_space<vmem>>
    %dma_wait3A_702 = arith.constant 0 : i32
    %dma_wait3A_703 = tpu.memref_slice %arg10[%dma_wait3A_698, %dma_wait3A_702] : memref<8x128xi32, #tpu.memory_space<vmem>> -> memref<1x128xi32, #tpu.memory_space<vmem>>
    %dma_wait3A_704 = tpu.memref_squeeze %dma_wait3A_703 : memref<1x128xi32, #tpu.memory_space<vmem>> -> memref<128xi32, #tpu.memory_space<vmem>>
    %dma_wait3A_705 = arith.constant 0 : i32
    %dma_wait3A_706 = arith.constant 0 : i32
    %dma_wait3A_707 = tpu.memref_slice %arg8[%dma_wait3A_705, %dma_wait3A_706] : memref<50000x16xf32, #tpu.memory_space<vmem_shared>> -> memref<50000x16xf32, #tpu.memory_space<vmem_shared>>
    tpu.wait_indirect_dma semaphore(%arg15 : memref<!tpu.dma_semaphore, #tpu.memory_space<semaphore_mem>>) src(%dma_wait3A_707 : memref<50000x16xf32, #tpu.memory_space<vmem_shared>>) dst(%dma_wait3A_701 : memref<128x16xf32, #tpu.memory_space<vmem>>)
    %barrier3A_708 = arith.constant 0 : index
    tpu.barrier barrier_id(%barrier3A_708)
    %mul3A_709 = arith.constant 2 : i32
    %mul3A_710 = arith.muli %mul3A_709, %arg0 : i32
    %add3A_711 = arith.constant 1 : i32
    %add3A_712 = arith.addi %mul3A_710, %add3A_711 : i32
    %mul3A_713 = arith.constant 8192 : i32
    %mul3A_714 = arith.muli %add3A_712, %mul3A_713 : i32
    %mul3A_715 = arith.constant 512 : i32
    %mul3A_716 = arith.muli %mul3A_715, %arg1 : i32
    %add3A_717 = arith.addi %mul3A_714, %mul3A_716 : i32
    %dma_start3A_718 = arith.constant 112 : i32
    %dma_start3A_719 = tpu.memref_slice %arg6[%add3A_717, %dma_start3A_718] : memref<32768x128xf32, #tpu.memory_space<hbm>> -> memref<512x16xf32, #tpu.memory_space<hbm>>
    %dma_start3A_720 = arith.constant 112 : i32
    %dma_start3A_721 = tpu.memref_slice %arg6[%add3A_717, %dma_start3A_720] : memref<32768x128xf32, #tpu.memory_space<hbm>> -> memref<512x16xf32, #tpu.memory_space<hbm>>
    tpu.enqueue_dma source(%arg13 : memref<512x16xf32, #tpu.memory_space<vmem>>) target(%dma_start3A_721 : memref<512x16xf32, #tpu.memory_space<hbm>>) target_semaphore(%arg17 : memref<!tpu.dma_semaphore, #tpu.memory_space<semaphore_mem>>)
    %dma_wait3A_722 = arith.constant 112 : i32
    %dma_wait3A_723 = tpu.memref_slice %arg6[%add3A_717, %dma_wait3A_722] : memref<32768x128xf32, #tpu.memory_space<hbm>> -> memref<512x16xf32, #tpu.memory_space<hbm>>
    %dma_wait3A_724 = arith.constant 112 : i32
    %dma_wait3A_725 = tpu.memref_slice %arg6[%add3A_717, %dma_wait3A_724] : memref<32768x128xf32, #tpu.memory_space<hbm>> -> memref<512x16xf32, #tpu.memory_space<hbm>>
    tpu.wait_dma2 semaphore(%arg17 : memref<!tpu.dma_semaphore, #tpu.memory_space<semaphore_mem>>) src(%arg13 : memref<512x16xf32, #tpu.memory_space<vmem>>) dst(%dma_wait3A_725 : memref<512x16xf32, #tpu.memory_space<hbm>>)
    return
  }
}

module attributes {stable_mosaic.version = 14 : i64} {
  func.func @_tc_body(%arg0: i32, %arg1: memref<4096x128xf32, #tpu.memory_space<vmem>>, %arg2: memref<4096x128xf32, #tpu.memory_space<vmem>>, %arg3: memref<128x256xf32, #tpu.memory_space<vmem>>, %arg4: memref<1x256xf32, #tpu.memory_space<vmem>>, %arg5: memref<256x128xf32, #tpu.memory_space<vmem>>, %arg6: memref<1x128xf32, #tpu.memory_space<vmem>>, %arg7: memref<1x128xf32, #tpu.memory_space<vmem>>, %arg8: memref<1x128xf32, #tpu.memory_space<vmem>>, %arg9: memref<1x128xf32, #tpu.memory_space<vmem>>, %arg10: memref<1x128xf32, #tpu.memory_space<vmem>>, %arg11: memref<128x256xf32, #tpu.memory_space<vmem>>, %arg12: memref<1x256xf32, #tpu.memory_space<vmem>>, %arg13: memref<256x128xf32, #tpu.memory_space<vmem>>, %arg14: memref<1x128xf32, #tpu.memory_space<vmem>>, %arg15: memref<4096x128xf32, #tpu.memory_space<vmem>>) attributes {dimension_semantics = [#tpu.dimension_semantics<arbitrary>], iteration_bounds = array<i64: 8>, scalar_prefetch = 0 : i64, scratch_operands = 0 : i64, tpu.core_type = #tpu.core_type<tc>, window_params = [{transform_indices = @transform_0, window_bounds = array<i64: 4096, 128>}, {transform_indices = @transform_1, window_bounds = array<i64: 4096, 128>}, {pipeline_mode = #tpu.pipeline_mode<synchronous>, transform_indices = @transform_2, window_bounds = array<i64: 128, 256>}, {pipeline_mode = #tpu.pipeline_mode<synchronous>, transform_indices = @transform_3, window_bounds = array<i64: 1, 256>}, {pipeline_mode = #tpu.pipeline_mode<synchronous>, transform_indices = @transform_4, window_bounds = array<i64: 256, 128>}, {pipeline_mode = #tpu.pipeline_mode<synchronous>, transform_indices = @transform_5, window_bounds = array<i64: 1, 128>}, {pipeline_mode = #tpu.pipeline_mode<synchronous>, transform_indices = @transform_6, window_bounds = array<i64: 1, 128>}, {pipeline_mode = #tpu.pipeline_mode<synchronous>, transform_indices = @transform_7, window_bounds = array<i64: 1, 128>}, {pipeline_mode = #tpu.pipeline_mode<synchronous>, transform_indices = @transform_8, window_bounds = array<i64: 1, 128>}, {pipeline_mode = #tpu.pipeline_mode<synchronous>, transform_indices = @transform_9, window_bounds = array<i64: 1, 128>}, {pipeline_mode = #tpu.pipeline_mode<synchronous>, transform_indices = @transform_10, window_bounds = array<i64: 128, 256>}, {pipeline_mode = #tpu.pipeline_mode<synchronous>, transform_indices = @transform_11, window_bounds = array<i64: 1, 256>}, {pipeline_mode = #tpu.pipeline_mode<synchronous>, transform_indices = @transform_12, window_bounds = array<i64: 256, 128>}, {pipeline_mode = #tpu.pipeline_mode<synchronous>, transform_indices = @transform_13, window_bounds = array<i64: 1, 128>}, {transform_indices = @transform_14, window_bounds = array<i64: 4096, 128>}]} {
    %get3A = arith.constant 0 : index
    %get3A_0 = arith.constant 0 : index
    %get3A_1 = vector.load %arg1[%get3A, %get3A_0] : memref<4096x128xf32, #tpu.memory_space<vmem>>, vector<4096x128xf32>
    %get3A_2 = arith.constant 0 : index
    %get3A_3 = arith.constant 0 : index
    %get3A_4 = vector.load %arg2[%get3A_2, %get3A_3] : memref<4096x128xf32, #tpu.memory_space<vmem>>, vector<4096x128xf32>
    %add3A = arith.addf %get3A_1, %get3A_4 : vector<4096x128xf32>
    %get3A_5 = arith.constant 0 : index
    %get3A_6 = arith.constant 0 : index
    %get3A_7 = vector.load %arg7[%get3A_5, %get3A_6] : memref<1x128xf32, #tpu.memory_space<vmem>>, vector<1x128xf32>
    %get3A_8 = arith.constant 0 : index
    %get3A_9 = arith.constant 0 : index
    %get3A_10 = vector.load %arg8[%get3A_8, %get3A_9] : memref<1x128xf32, #tpu.memory_space<vmem>>, vector<1x128xf32>
    %reduce_sum3A = arith.constant dense<0.000000e+00> : vector<4096xf32>
    %reduce_sum3A_11 = vector.multi_reduction <add>, %add3A, %reduce_sum3A [1] : vector<4096x128xf32> to vector<4096xf32>
    %broadcast_in_dim3A = vector.shape_cast %reduce_sum3A_11 : vector<4096xf32> to vector<4096x1xf32>
    %div3A = arith.constant 1.280000e+02 : f32
    %div3A_12 = vector.broadcast %div3A : f32 to vector<4096x1xf32>
    %div3A_13 = arith.divf %broadcast_in_dim3A, %div3A_12 : vector<4096x1xf32>
    %sub3A = vector.broadcast %div3A_13 : vector<4096x1xf32> to vector<4096x128xf32>
    %sub3A_14 = arith.subf %add3A, %sub3A : vector<4096x128xf32>
    %integer_pow3A = arith.mulf %sub3A_14, %sub3A_14 : vector<4096x128xf32>
    %reduce_sum3A_15 = arith.constant dense<0.000000e+00> : vector<4096xf32>
    %reduce_sum3A_16 = vector.multi_reduction <add>, %integer_pow3A, %reduce_sum3A_15 [1] : vector<4096x128xf32> to vector<4096xf32>
    %broadcast_in_dim3A_17 = vector.shape_cast %reduce_sum3A_16 : vector<4096xf32> to vector<4096x1xf32>
    %div3A_18 = arith.constant 1.280000e+02 : f32
    %div3A_19 = vector.broadcast %div3A_18 : f32 to vector<4096x1xf32>
    %div3A_20 = arith.divf %broadcast_in_dim3A_17, %div3A_19 : vector<4096x1xf32>
    %sub3A_21 = vector.broadcast %div3A_13 : vector<4096x1xf32> to vector<4096x128xf32>
    %sub3A_22 = arith.subf %add3A, %sub3A_21 : vector<4096x128xf32>
    %add3A_23 = arith.constant 9.99999974E-6 : f32
    %add3A_24 = vector.broadcast %add3A_23 : f32 to vector<4096x1xf32>
    %add3A_25 = arith.addf %div3A_20, %add3A_24 : vector<4096x1xf32>
    %rsqrt3A = math.rsqrt %add3A_25 : vector<4096x1xf32>
    %mul3A = vector.broadcast %rsqrt3A : vector<4096x1xf32> to vector<4096x128xf32>
    %mul3A_26 = arith.mulf %sub3A_22, %mul3A : vector<4096x128xf32>
    %mul3A_27 = vector.broadcast %get3A_7 : vector<1x128xf32> to vector<4096x128xf32>
    %mul3A_28 = arith.mulf %mul3A_26, %mul3A_27 : vector<4096x128xf32>
    %add3A_29 = vector.broadcast %get3A_10 : vector<1x128xf32> to vector<4096x128xf32>
    %add3A_30 = arith.addf %mul3A_28, %add3A_29 : vector<4096x128xf32>
    %get3A_31 = arith.constant 0 : index
    %get3A_32 = arith.constant 0 : index
    %get3A_33 = vector.load %arg3[%get3A_31, %get3A_32] : memref<128x256xf32, #tpu.memory_space<vmem>>, vector<128x256xf32>
    %dot_general3A = arith.constant dense<0.000000e+00> : vector<4096x256xf32>
    %dot_general3A_34 = tpu.matmul %add3A_30, %get3A_33, %dot_general3A {dimension_numbers = #tpu.dot_dimension_numbers<[1], [0], [0], [1], [0, 0, 1, 1], [], []>, transpose_lhs_hint = false} : vector<4096x128xf32>, vector<128x256xf32>, vector<4096x256xf32> -> vector<4096x256xf32>
    %get3A_35 = arith.constant 0 : index
    %get3A_36 = arith.constant 0 : index
    %get3A_37 = vector.load %arg4[%get3A_35, %get3A_36] : memref<1x256xf32, #tpu.memory_space<vmem>>, vector<1x256xf32>
    %add3A_38 = vector.broadcast %get3A_37 : vector<1x256xf32> to vector<4096x256xf32>
    %add3A_39 = arith.addf %dot_general3A_34, %add3A_38 : vector<4096x256xf32>
    %mul3A_40 = arith.constant 5.000000e-01 : f32
    %mul3A_41 = vector.broadcast %mul3A_40 : f32 to vector<4096x256xf32>
    %mul3A_42 = arith.mulf %mul3A_41, %add3A_39 : vector<4096x256xf32>
    %mul3A_43 = arith.constant 0.707106769 : f32
    %mul3A_44 = vector.broadcast %mul3A_43 : f32 to vector<4096x256xf32>
    %mul3A_45 = arith.mulf %add3A_39, %mul3A_44 : vector<4096x256xf32>
    %erf3A = math.erf %mul3A_45 : vector<4096x256xf32>
    %add3A_46 = arith.constant 1.000000e+00 : f32
    %add3A_47 = vector.broadcast %add3A_46 : f32 to vector<4096x256xf32>
    %add3A_48 = arith.addf %add3A_47, %erf3A : vector<4096x256xf32>
    %mul3A_49 = arith.mulf %mul3A_42, %add3A_48 : vector<4096x256xf32>
    %get3A_50 = arith.constant 0 : index
    %get3A_51 = arith.constant 0 : index
    %get3A_52 = vector.load %arg5[%get3A_50, %get3A_51] : memref<256x128xf32, #tpu.memory_space<vmem>>, vector<256x128xf32>
    %dot_general3A_53 = arith.constant dense<0.000000e+00> : vector<4096x128xf32>
    %dot_general3A_54 = tpu.matmul %mul3A_49, %get3A_52, %dot_general3A_53 {dimension_numbers = #tpu.dot_dimension_numbers<[1], [0], [0], [1], [0, 0, 1, 1], [], []>, transpose_lhs_hint = false} : vector<4096x256xf32>, vector<256x128xf32>, vector<4096x128xf32> -> vector<4096x128xf32>
    %get3A_55 = arith.constant 0 : index
    %get3A_56 = arith.constant 0 : index
    %get3A_57 = vector.load %arg6[%get3A_55, %get3A_56] : memref<1x128xf32, #tpu.memory_space<vmem>>, vector<1x128xf32>
    %add3A_58 = vector.broadcast %get3A_57 : vector<1x128xf32> to vector<4096x128xf32>
    %add3A_59 = arith.addf %dot_general3A_54, %add3A_58 : vector<4096x128xf32>
    %get3A_60 = arith.constant 0 : index
    %get3A_61 = arith.constant 0 : index
    %get3A_62 = vector.load %arg9[%get3A_60, %get3A_61] : memref<1x128xf32, #tpu.memory_space<vmem>>, vector<1x128xf32>
    %get3A_63 = arith.constant 0 : index
    %get3A_64 = arith.constant 0 : index
    %get3A_65 = vector.load %arg10[%get3A_63, %get3A_64] : memref<1x128xf32, #tpu.memory_space<vmem>>, vector<1x128xf32>
    %reduce_sum3A_66 = arith.constant dense<0.000000e+00> : vector<4096xf32>
    %reduce_sum3A_67 = vector.multi_reduction <add>, %add3A_59, %reduce_sum3A_66 [1] : vector<4096x128xf32> to vector<4096xf32>
    %broadcast_in_dim3A_68 = vector.shape_cast %reduce_sum3A_67 : vector<4096xf32> to vector<4096x1xf32>
    %div3A_69 = arith.constant 1.280000e+02 : f32
    %div3A_70 = vector.broadcast %div3A_69 : f32 to vector<4096x1xf32>
    %div3A_71 = arith.divf %broadcast_in_dim3A_68, %div3A_70 : vector<4096x1xf32>
    %sub3A_72 = vector.broadcast %div3A_71 : vector<4096x1xf32> to vector<4096x128xf32>
    %sub3A_73 = arith.subf %add3A_59, %sub3A_72 : vector<4096x128xf32>
    %integer_pow3A_74 = arith.mulf %sub3A_73, %sub3A_73 : vector<4096x128xf32>
    %reduce_sum3A_75 = arith.constant dense<0.000000e+00> : vector<4096xf32>
    %reduce_sum3A_76 = vector.multi_reduction <add>, %integer_pow3A_74, %reduce_sum3A_75 [1] : vector<4096x128xf32> to vector<4096xf32>
    %broadcast_in_dim3A_77 = vector.shape_cast %reduce_sum3A_76 : vector<4096xf32> to vector<4096x1xf32>
    %div3A_78 = arith.constant 1.280000e+02 : f32
    %div3A_79 = vector.broadcast %div3A_78 : f32 to vector<4096x1xf32>
    %div3A_80 = arith.divf %broadcast_in_dim3A_77, %div3A_79 : vector<4096x1xf32>
    %sub3A_81 = vector.broadcast %div3A_71 : vector<4096x1xf32> to vector<4096x128xf32>
    %sub3A_82 = arith.subf %add3A_59, %sub3A_81 : vector<4096x128xf32>
    %add3A_83 = arith.constant 9.99999974E-6 : f32
    %add3A_84 = vector.broadcast %add3A_83 : f32 to vector<4096x1xf32>
    %add3A_85 = arith.addf %div3A_80, %add3A_84 : vector<4096x1xf32>
    %rsqrt3A_86 = math.rsqrt %add3A_85 : vector<4096x1xf32>
    %mul3A_87 = vector.broadcast %rsqrt3A_86 : vector<4096x1xf32> to vector<4096x128xf32>
    %mul3A_88 = arith.mulf %sub3A_82, %mul3A_87 : vector<4096x128xf32>
    %mul3A_89 = vector.broadcast %get3A_62 : vector<1x128xf32> to vector<4096x128xf32>
    %mul3A_90 = arith.mulf %mul3A_88, %mul3A_89 : vector<4096x128xf32>
    %add3A_91 = vector.broadcast %get3A_65 : vector<1x128xf32> to vector<4096x128xf32>
    %add3A_92 = arith.addf %mul3A_90, %add3A_91 : vector<4096x128xf32>
    %get3A_93 = arith.constant 0 : index
    %get3A_94 = arith.constant 0 : index
    %get3A_95 = vector.load %arg11[%get3A_93, %get3A_94] : memref<128x256xf32, #tpu.memory_space<vmem>>, vector<128x256xf32>
    %dot_general3A_96 = arith.constant dense<0.000000e+00> : vector<4096x256xf32>
    %dot_general3A_97 = tpu.matmul %add3A_92, %get3A_95, %dot_general3A_96 {dimension_numbers = #tpu.dot_dimension_numbers<[1], [0], [0], [1], [0, 0, 1, 1], [], []>, transpose_lhs_hint = false} : vector<4096x128xf32>, vector<128x256xf32>, vector<4096x256xf32> -> vector<4096x256xf32>
    %get3A_98 = arith.constant 0 : index
    %get3A_99 = arith.constant 0 : index
    %get3A_100 = vector.load %arg12[%get3A_98, %get3A_99] : memref<1x256xf32, #tpu.memory_space<vmem>>, vector<1x256xf32>
    %add3A_101 = vector.broadcast %get3A_100 : vector<1x256xf32> to vector<4096x256xf32>
    %add3A_102 = arith.addf %dot_general3A_97, %add3A_101 : vector<4096x256xf32>
    %mul3A_103 = arith.constant 5.000000e-01 : f32
    %mul3A_104 = vector.broadcast %mul3A_103 : f32 to vector<4096x256xf32>
    %mul3A_105 = arith.mulf %mul3A_104, %add3A_102 : vector<4096x256xf32>
    %mul3A_106 = arith.constant 0.707106769 : f32
    %mul3A_107 = vector.broadcast %mul3A_106 : f32 to vector<4096x256xf32>
    %mul3A_108 = arith.mulf %add3A_102, %mul3A_107 : vector<4096x256xf32>
    %erf3A_109 = math.erf %mul3A_108 : vector<4096x256xf32>
    %add3A_110 = arith.constant 1.000000e+00 : f32
    %add3A_111 = vector.broadcast %add3A_110 : f32 to vector<4096x256xf32>
    %add3A_112 = arith.addf %add3A_111, %erf3A_109 : vector<4096x256xf32>
    %mul3A_113 = arith.mulf %mul3A_105, %add3A_112 : vector<4096x256xf32>
    %get3A_114 = arith.constant 0 : index
    %get3A_115 = arith.constant 0 : index
    %get3A_116 = vector.load %arg13[%get3A_114, %get3A_115] : memref<256x128xf32, #tpu.memory_space<vmem>>, vector<256x128xf32>
    %dot_general3A_117 = arith.constant dense<0.000000e+00> : vector<4096x128xf32>
    %dot_general3A_118 = tpu.matmul %mul3A_113, %get3A_116, %dot_general3A_117 {dimension_numbers = #tpu.dot_dimension_numbers<[1], [0], [0], [1], [0, 0, 1, 1], [], []>, transpose_lhs_hint = false} : vector<4096x256xf32>, vector<256x128xf32>, vector<4096x128xf32> -> vector<4096x128xf32>
    %get3A_119 = arith.constant 0 : index
    %get3A_120 = arith.constant 0 : index
    %get3A_121 = vector.load %arg14[%get3A_119, %get3A_120] : memref<1x128xf32, #tpu.memory_space<vmem>>, vector<1x128xf32>
    %add3A_122 = vector.broadcast %get3A_121 : vector<1x128xf32> to vector<4096x128xf32>
    %add3A_123 = arith.addf %dot_general3A_118, %add3A_122 : vector<4096x128xf32>
    %swap3A = arith.constant 0 : index
    %swap3A_124 = arith.constant 0 : index
    %swap3A_125 = vector.load %arg15[%swap3A, %swap3A_124] : memref<4096x128xf32, #tpu.memory_space<vmem>>, vector<4096x128xf32>
    tpu.vector_store %arg15[%swap3A, %swap3A_124], %add3A_123 {strides = array<i32>} : memref<4096x128xf32, #tpu.memory_space<vmem>>, vector<4096x128xf32>,
    return
  }
  func.func @transform_0(%arg0: i32) -> (i32, i32) {
    %c0_i32 = arith.constant 0 : i32
    %c0_i32_0 = arith.constant 0 : i32
    return %arg0, %c0_i32 : i32, i32
  }
  func.func @transform_1(%arg0: i32) -> (i32, i32) {
    %c0_i32 = arith.constant 0 : i32
    %c0_i32_0 = arith.constant 0 : i32
    return %arg0, %c0_i32 : i32, i32
  }
  func.func @transform_2(%arg0: i32) -> (i32, i32) {
    %c0_i32 = arith.constant 0 : i32
    %c0_i32_0 = arith.constant 0 : i32
    %c0_i32_1 = arith.constant 0 : i32
    return %c0_i32, %c0_i32_0 : i32, i32
  }
  func.func @transform_3(%arg0: i32) -> (i32, i32) {
    %c0_i32 = arith.constant 0 : i32
    %c0_i32_0 = arith.constant 0 : i32
    %c0_i32_1 = arith.constant 0 : i32
    return %c0_i32, %c0_i32_0 : i32, i32
  }
  func.func @transform_4(%arg0: i32) -> (i32, i32) {
    %c0_i32 = arith.constant 0 : i32
    %c0_i32_0 = arith.constant 0 : i32
    %c0_i32_1 = arith.constant 0 : i32
    return %c0_i32, %c0_i32_0 : i32, i32
  }
  func.func @transform_5(%arg0: i32) -> (i32, i32) {
    %c0_i32 = arith.constant 0 : i32
    %c0_i32_0 = arith.constant 0 : i32
    %c0_i32_1 = arith.constant 0 : i32
    return %c0_i32, %c0_i32_0 : i32, i32
  }
  func.func @transform_6(%arg0: i32) -> (i32, i32) {
    %c0_i32 = arith.constant 0 : i32
    %c0_i32_0 = arith.constant 0 : i32
    %c0_i32_1 = arith.constant 0 : i32
    return %c0_i32, %c0_i32_0 : i32, i32
  }
  func.func @transform_7(%arg0: i32) -> (i32, i32) {
    %c0_i32 = arith.constant 0 : i32
    %c0_i32_0 = arith.constant 0 : i32
    %c0_i32_1 = arith.constant 0 : i32
    return %c0_i32, %c0_i32_0 : i32, i32
  }
  func.func @transform_8(%arg0: i32) -> (i32, i32) {
    %c0_i32 = arith.constant 0 : i32
    %c0_i32_0 = arith.constant 0 : i32
    %c0_i32_1 = arith.constant 0 : i32
    return %c0_i32, %c0_i32_0 : i32, i32
  }
  func.func @transform_9(%arg0: i32) -> (i32, i32) {
    %c0_i32 = arith.constant 0 : i32
    %c0_i32_0 = arith.constant 0 : i32
    %c0_i32_1 = arith.constant 0 : i32
    return %c0_i32, %c0_i32_0 : i32, i32
  }
  func.func @transform_10(%arg0: i32) -> (i32, i32) {
    %c0_i32 = arith.constant 0 : i32
    %c0_i32_0 = arith.constant 0 : i32
    %c0_i32_1 = arith.constant 0 : i32
    return %c0_i32, %c0_i32_0 : i32, i32
  }
  func.func @transform_11(%arg0: i32) -> (i32, i32) {
    %c0_i32 = arith.constant 0 : i32
    %c0_i32_0 = arith.constant 0 : i32
    %c0_i32_1 = arith.constant 0 : i32
    return %c0_i32, %c0_i32_0 : i32, i32
  }
  func.func @transform_12(%arg0: i32) -> (i32, i32) {
    %c0_i32 = arith.constant 0 : i32
    %c0_i32_0 = arith.constant 0 : i32
    %c0_i32_1 = arith.constant 0 : i32
    return %c0_i32, %c0_i32_0 : i32, i32
  }
  func.func @transform_13(%arg0: i32) -> (i32, i32) {
    %c0_i32 = arith.constant 0 : i32
    %c0_i32_0 = arith.constant 0 : i32
    %c0_i32_1 = arith.constant 0 : i32
    return %c0_i32, %c0_i32_0 : i32, i32
  }
  func.func @transform_14(%arg0: i32) -> (i32, i32) {
    %c0_i32 = arith.constant 0 : i32
    %c0_i32_0 = arith.constant 0 : i32
    return %arg0, %c0_i32 : i32, i32
  }
}

</mosaic_0001>

<sc_bundles>
// kernel: kernel.4.cloned.1.call-start
scs
__scs_entry_jumppad:
0x0: {  	(pc) =	sbr.rel $0x88, $3  }
0x1: {  	(tag) =	ssettag $0x0;
	lr =	simm.s32 $0x1  }
0x2: {  	[smem:$0x3F92] =	sst lr;
	_ =	strace $0xD0000000  }
0x3: {  	_ = 	snop  }
0x4: {  	_ = 	snop  }
0x5: {  	_ = 	snop  }
0x6: {  	_ = 	snop  }
0x7: {  	_ = 	snop  }
__scs_overlays_trampoline_lowered:
0x8: {  	[smem:$0x3FA1] =	sst s0  }
0x9: {  	[smem:$0x3FA2] =	sst s1  }
0xa: {  	[smem:$0x3FA3] =	sst s2  }
0xb: {  	[smem:$0x3FA4] =	sst s3  }
0xc: {  	[smem:$0x3FA5] =	sst s4  }
0xd: {  	[smem:$0x3FA6] =	sst s5  }
0xe: {  	[smem:$0x3FA7] =	sst s6  }
0xf: {  	[smem:$0x3FA8] =	sst s7  }
0x10: {  	[smem:$0x3FA9] =	sst s8  }
0x11: {  	[smem:$0x3FAA] =	sst s9;
	s0 =	simm.s32 @!p0 $0x0  }
0x12: {  	s1 =	sld [smem:$0x3F90];
	s0 =	simm.s32 @p0 $0x1  }
0x13: {  	[smem:$0x3FAB] =	sst s0;
	s0 =	simm.s32 @!p1 $0x0  }
0x14: {  	s2 =	sld [smem:$0x3F8F];
	s0 =	simm.s32 @p1 $0x1  }
0x15: {  	[smem:$0x3FAC] =	sst s0;
	s0 =	simm.s32 @!p2 $0x0  }
0x16: {  	s3 =	sld [smem:$0x3FDB];
	s0 =	simm.s32 @p2 $0x1  }
0x17: {  	s4 =	simm.s32 $0x1BF5;
	[smem:$0x3FAE] =	sst s0  }
0x18: {  	s0 =	sld [smem:$0x3F91];
	_ =	swait.ge [sflag:s4], $0x0  }
0x19: {  	s7 =	sld [smem:$0x3F92]  }
0x1a: {  	s8 =	sadd.s32 $0xFFFFE003, lr  }
0x1b: {  	s9 =	sadd.s32 $0xFFFFFEF7, lr;
	s5 =	simm.s32 $0xFFFFFFFF;
	p2 =	slt.u32 s8, $0xFFFFF086  }
0x1c: {  	p1 =	slt.u32 s9, $0xF7A;
	s5 =	simm.s32 @!p2 $0x0  }
0x1d: {  	s5 =	simm.s32 @p1 $0x1;
	p0 =	seq.s32 s7, s2  }
0x1e: {  	s7 =	smul.u32 @!p0 $0xF7A, s2;
	p2 =	seq.s32 @!p0 s5, $0x0  }
0x1f: {  	s9 =	smul.u32 $0xF7A, s1;
	s8 =	simm.s32 @!p0 $0x1BF5;
	p2 =	por !p2, p0  }
0x20: {  	[sflag:s8] =	ssyncset.s32 @!p0 $0xFFFFF086;
	s6 =	sadd.s32 @!p0 s3, s7;
	s7 =	simm.s32 @!p0 $0x108  }
0x21: {  	s3 =	sadd.s32 s3, s9;
	s6 =	sadd.s32 @!p0 $0x88, s6;
	s7 =	simm.s32 @p2 $0x1082  }
0x22: {  	[simem:s7], [sflag:s8] =	dma.local @!p0 [hbm:s6], $0xF7A  }
0x23: {  	s9 =	sor.u32 $0xD0000000, s2;
	s6 =	simm.s32 $0x108;
	_ =	swait.ge @!p0 [sflag:s8], $0x0  }
0x24: {  	s3 =	sadd.s32 $0x88, s3;
	s6 =	simm.s32 @!p1 $0x1082;
	[sflag:s4] =	ssyncset.s32 $0xFFFFF086  }
0x25: {  	[simem:s6], [sflag:s4] =	dma.local [hbm:s3], $0xF7A  }
0x26: {  	[smem:$0x3F92] =	sst s1;
	(tag) =	ssettag s2;
	_ =	strace s9  }
0x27: {  	s1 =	sld [smem:$0x3FA2]  }
0x28: {  	s2 =	sld [smem:$0x3FA3]  }
0x29: {  	s4 =	sld [smem:$0x3FA5]  }
0x2a: {  	p0 =	seq.s32 s5, $0x0;
	s5 =	sld [smem:$0x3FA6]  }
0x2b: {  	s6 =	sld [smem:$0x3FA7]  }
0x2c: {  	s7 =	sld [smem:$0x3FA8]  }
0x2d: {  	s3 =	simm.s32 $0x108;
	s8 =	sld [smem:$0x3FA9]  }
0x2e: {  	s3 =	simm.s32 @!p0 $0x1082;
	s9 =	sld [smem:$0x3FAA]  }
0x2f: {  	lr =	sadd.s32 s0, s3;
	s0 =	sld [smem:$0x3FA1]  }
0x30: {  	s3 =	sld [smem:$0x3FA4]  }
0x31: {  	[smem:$0x3FAD] =	sst s10  }
0x32: {  	s10 =	sld [smem:$0x3FAB];
	_ =	sdelay $0x3  }
0x33: {  	p0 =	seq.s32 s10, $0x1;
	s10 =	sld [smem:$0x3FAD];
	_ =	sdelay $0x3  }
0x34: {  	[smem:$0x3FAD] =	sst s10  }
0x35: {  	s10 =	sld [smem:$0x3FAC];
	_ =	sdelay $0x3  }
0x36: {  	p1 =	seq.s32 s10, $0x1;
	s10 =	sld [smem:$0x3FAD];
	_ =	sdelay $0x3  }
0x37: {  	[smem:$0x3FAD] =	sst s10  }
0x38: {  	s10 =	sld [smem:$0x3FAE]  }
0x39: {  	_ = 	snop;
	(pc) =	sbr.ind lr, $3  }
0x3a: {  	_ = 	snop  }
0x3b: {  	_ = 	snop  }
0x3c: {  	p2 =	seq.s32 s10, $0x1;
	s10 =	sld [smem:$0x3FAD]  }
0x3d: {  	_ =	shalt  }
0x3e: {  	_ =	shalt  }
0x3f: {  	_ =	shalt  }
0x40: {  	_ =	shalt  }
0x41: {  	_ =	shalt  }
0x42: {  	_ =	shalt  }
0x43: {  	_ =	shalt  }
0x44: {  	_ =	shalt  }
0x45: {  	_ =	shalt  }
0x46: {  	_ =	shalt  }
0x47: {  	_ =	shalt  }
0x48: {  	_ =	shalt  }
0x49: {  	_ =	shalt  }
0x4a: {  	_ =	shalt  }
0x4b: {  	_ =	shalt  }
0x4c: {  	_ =	shalt  }
0x4d: {  	_ =	shalt  }
0x4e: {  	_ =	shalt  }
0x4f: {  	_ =	shalt  }
0x50: {  	_ =	shalt  }
0x51: {  	_ =	shalt  }
0x52: {  	_ =	shalt  }
0x53: {  	_ =	shalt  }
0x54: {  	_ =	shalt  }
0x55: {  	_ =	shalt  }
0x56: {  	_ =	shalt  }
0x57: {  	_ =	shalt  }
0x58: {  	_ =	shalt  }
0x59: {  	_ =	shalt  }
0x5a: {  	_ =	shalt  }
0x5b: {  	_ =	shalt  }
0x5c: {  	_ =	shalt  }
0x5d: {  	_ =	shalt  }
0x5e: {  	_ =	shalt  }
0x5f: {  	_ =	shalt  }
0x60: {  	_ =	shalt  }
0x61: {  	_ =	shalt  }
0x62: {  	_ =	shalt  }
0x63: {  	_ =	shalt  }
0x64: {  	_ =	shalt  }
0x65: {  	_ =	shalt  }
0x66: {  	_ =	shalt  }
0x67: {  	_ =	shalt  }
0x68: {  	_ =	shalt  }
0x69: {  	_ =	shalt  }
0x6a: {  	_ =	shalt  }
0x6b: {  	_ =	shalt  }
0x6c: {  	_ =	shalt  }
0x6d: {  	_ =	shalt  }
0x6e: {  	_ =	shalt  }
0x6f: {  	_ =	shalt  }
0x70: {  	_ =	shalt  }
0x71: {  	_ =	shalt  }
0x72: {  	_ =	shalt  }
0x73: {  	_ =	shalt  }
0x74: {  	_ =	shalt  }
0x75: {  	_ =	shalt  }
0x76: {  	_ =	shalt  }
0x77: {  	_ =	shalt  }
0x78: {  	_ =	shalt  }
0x79: {  	_ =	shalt  }
0x7a: {  	_ =	shalt  }
0x7b: {  	_ =	shalt  }
0x7c: {  	_ =	shalt  }
0x7d: {  	_ =	shalt  }
0x7e: {  	_ =	shalt  }
0x7f: {  	_ =	shalt  }
0x80: {  	_ =	shalt  }
0x81: {  	_ =	shalt  }
0x82: {  	_ =	shalt  }
0x83: {  	_ =	shalt  }
0x84: {  	_ =	shalt  }
0x85: {  	_ =	shalt  }
0x86: {  	_ =	shalt  }
0x87: {  	_ =	shalt  }
.Lfunc_end0:
.L_simem_size_0:
called_computation_lowered:
.L_overlay_start_0:
0x88: {  	s2 =	sld [smem:$0x3FD9]  }
0x89: {  	s3 =	sld [smem:$0x3FFE];
	_ =	sdelay $0x1  }
0x8a: {  	s1 =	srdreg.scid  }
0x8b: {  	s0 =	sand.u32 $0x1, s1  }
0x8c: {  	s17 =	sshll.u32 s0, $0xA;
	s2 =	sadd.s32 s3, s2  }
0x8d: {  	s2 =	sadd.s32 s2, s17  }
0x8e: {  	[smem:$0x3FB9] =	sst s2  }
0x8f: {  	_ = 	snop  }
0x90: {  	s2 =	sld [smem:$0x3FC9]  }
0x91: {  	s18 =	sld [smem:$0x3FC8]  }
0x92: {  	s4 =	sld [smem:$0x3FD0];
	(tm) =	ssettm $0x1  }
0x93: {  	s5 =	sld [smem:$0x3FFB];
	_ =	sdelay $0x3  }
0x94: {  	_ =	strace s5  }
0x95: {  	s5 =	sld [smem:$0x3FFC];
	_ =	sdelay $0x3  }
0x96: {  	_ =	strace s5  }
0x97: {  	s5 =	sld [smem:$0x3FFD];
	_ =	sdelay $0x3  }
0x98: {  	_ =	strace s5  }
0x99: {  	_ =	strace $0x8FFFFFFF  }
0x9a: {  	s19 =	sld [smem:$0x3FDB];
	_ =	sdelay $0x1  }
0x9b: {  	s6 =	simm.s32 $_scs_section_size  }
0x9c: {  	s7 =	simm.s32 $_size__tile_overlayer_lowered;
	s8 =	simm.s32 $_tile_overlayer_lowered  }
0x9d: {  	s22 =	simm.s32 $0x1BFF;
	s21 =	sshll.u32 s8, $0x1;
	s5 =	sadd.s32 s6, s19  }
0x9e: {  	s9 =	simm.s32 $0x0;
	s20 =	sshll.u32 s7, $0x1;
	s7 =	sadd.s32 s21, s5  }
0x9f: {  	[timem:s9], [sflag:s22] =	dma.local [hbm:s7], s20  }
0xa0: {  	_ =	swait.ge [sflag:s22], s20  }
0xa1: {  	s6 =	ssub.s32 $0x0, s20;
	[sflag:s22] =	ssyncset.done $0x0  }
0xa2: {  	[sflag:s22] =	ssyncadd.s32 s6;
	_ =	sdelay $0x1  }
0xa3: {  	s23 =	simm.s32 $0x1B8B  }
0xa4: {  	_ =	swait.ge [sflag:s23], $0x1  }
0xa5: {  	[sflag:s23] =	ssyncset.done $0x0  }
0xa6: {  	s25 =	simm.s32 $0x1B8E;
	s24 =	sld [smem:$0x3FFE];
	[sflag:s23] =	ssyncadd.s32 $0xFFFFFFFF  }
0xa7: {  	s26 =	simm.s32 $execute0_lowered;
	[smem:$0x3FD2] =	sst s25  }
0xa8: {  	s7 =	sshll.u32 s26, $0x1;
	_ =	strace $0x80000046;
	[dreg:$0x1] =	wrdreg $0xFFFFFFFF  }
0xa9: {  	s28 =	simm.s32 $_size_execute0_lowered;
	s5 =	sadd.s32 s5, s7;
	[dreg:$0x0] =	wrdreg $0x0  }
0xaa: {  	s7 =	sshll.u32 s28, $0x1;
	[dreg:$0x2] =	wrdreg s5  }
0xab: {  	[dreg:$0x3] =	wrdreg s7  }
0xac: {  	[dreg:$0x4] =	wrdreg $0xC0  }
0xad: {  	_ =	task [dreg:s9], $0x5FFFF  }
0xae: {  	[dreg:$0x1] =	wrdreg $0xFFFFFFFF  }
0xaf: {  	[dreg:$0x0] =	wrdreg $0x60  }
0xb0: {  	[dreg:$0x2] =	wrdreg s2  }
0xb1: {  	[dreg:$0x3] =	wrdreg s18  }
0xb2: {  	[dreg:$0x4] =	wrdreg s24  }
0xb3: {  	[dreg:$0x5] =	wrdreg s4  }
0xb4: {  	[dreg:$0x6] =	wrdreg $0x0  }
0xb5: {  	[dreg:$0x7] =	wrdreg $0xC3500  }
0xb6: {  	[dreg:$0x8] =	wrdreg $0x9  }
0xb7: {  	_ =	task.clear_ibuf [dreg:s9], $0x9FFFF;
	_ =	strace $0x90000046  }
0xb8: {  	s29 =	simm.s32 $0x9;
	_ =	strace $0x80000048  }
0xb9: {  	_ =	swait.ge [sflag:s29], $0x1  }
0xba: {  	[sflag:s29] =	ssyncadd.s32 $0xFFFFFFFF  }
0xbb: {  	_ =	strace $0x90000048  }
0xbc: {  	_ =	sfence  }
0xbd: {  	s30 =	sld [smem:$0x0];
	_ =	sdelay $0x2  }
0xbe: {  	s31 =	sshll.u32 s1, $0xD;
	s1 =	sshrl.u32 s1, $0x2  }
0xbf: {  	s3 =	sand.u32 $0x4000, s31;
	s1 =	sadd.s32 s1, s30  }
0xc0: {  	s0 =	sor.u32 s3, s0;
	s1 =	sshll.u32 s1, $0x11  }
0xc1: {  	s0 =	sor.u32 s1, s0  }
0xc2: {  	s0 =	sadd.s32 $0x8F2B, s0  }
0xc3: {  	[sflag:s0] =	ssyncadd.remote.s32 $0x1  }
0xc4: {  	_ =	sfence.sel $0xFFFF  }
0xc5: {  	[dreg:$0x0] =	wrdreg $0xFFFFFFFF;
	(pc) =	sbr.abs _section_cstart, $3  }
0xc6: {  	[dreg:$0x1] =	wrdreg $0xFFFFFFFF  }
0xc7: {  	_ =	task.clear_ibuf [dreg:s9], $0x2FFFF;
	_ =	strace $0x9FFFFFFF  }
0xc8: {  	(tm) =	ssettm $0x7FFFFFFF  }
0xc9: {  	_ =	shalt  }
tec
execute0_lowered:
.L_overlay_start_1:
0x0: {  	(tag) =	ssettag $0x1  }
0x1: {  	s1 =	rddreg [dreg:$0x2]  }
0x2: {  	s6 =	rddreg [dreg:$0x3]  }
0x3: {  	s25 =	rddreg [dreg:$0x4]  }
0x4: {  	s3 =	rddreg [dreg:$0x5];
	s0 =	simm.s32 $0x0;
	s4 =	srdreg.scid  }
0x5: {  	s2 =	stileid.u32;
	[smem:$0x7FF] =	sst s0;
	s4 =	sand.u32 $0x1, s4  }
0x6: {  	s5 =	sadd.s32 $0x2200, s1;
	s8 =	smul.u32 $0xC350, s2;
	s23 =	sadd.s32 $0x3200, s1  }
0x7: {  	s14 =	sshll.u32 s2, $0x9;
	s1 =	stileid.u32;
	_ =	strace $0x80000047  }
0x8: {  	s7 =	ssub.s32 $0x2, s4;
	[dreg:$0x7] =	wrdreg s23;
	s9 =	sshll.u32 s4, $0x4  }
0x9: {  	s16 =	sshll.u32 s4, $0xE;
	s21 =	sshll.u32 s4, $0x15;
	s22 =	sshll.u32 s1, $0x10  }
0xa: {  	s24 =	sshrl.u32 s7, $0x1;
	s31 =	sor.u32 s2, s9;
	s15 =	sadd.s32 s8, s25  }
0xb: {  	s10 =	sadd.s32 $0x800, s8;
	s11 =	sadd.s32 $0x1000, s8;
	s12 =	sadd.s32 $0x1800, s8  }
0xc: {  	s13 =	sadd.s32 $0x2000, s8;
	s9 =	sor.u32 s14, s16;
	s16 =	sshllo.u32 s4, $0x1  }
0xd: {  	s2 =	sshll.u32 s4, $0x12;
	s28 =	sadd.s32 $0x9000, s8;
	s29 =	sadd.s32 $0x9800, s8  }
0xe: {  	s30 =	sadd.s32 $0xA000, s8;
	s0 =	sadd.s32 $0xB000, s8;
	s26 =	ssub.s32 s7, s24  }
0xf: {  	[dreg:$0xc] =	wrdreg s15;
	s15 =	sadd.s32 $0x2800, s8;
	s17 =	sshll.u32 s31, $0x7  }
0x10: {  	s9 =	sshrl.u32 s9, $0x3;
	s18 =	sshll.u32 s16, $0xD;
	s24 =	sshll.u32 s16, $0x14  }
0x11: {  	s16 =	sadd.s32 $0x3000, s8;
	[smem:$0x7F9] =	sst s26;
	s17 =	sadd.s32 s5, s17  }
0x12: {  	s19 =	sadd.s32 s5, s9;
	s20 =	sor.u32 s14, s18;
	s26 =	sshll.u32 s31, $0xE  }
0x13: {  	s31 =	sor.u32 s22, s24;
	s14 =	sadd.s32 $0x3800, s8;
	[dreg:$0xd] =	wrdreg s17  }
0x14: {  	s18 =	sadd.s32 $0x4800, s8;
	s24 =	sadd.s32 $0x7800, s8;
	[dreg:$0xe] =	wrdreg s19  }
0x15: {  	s9 =	sshrl.u32 s20, $0x3;
	[smem:$0x7F4] =	sst s31;
	s7 =	sadd.s32 s26, s6  }
0x16: {  	s6 =	sadd.s32 s2, s6;
	s17 =	sadd.s32 $0x4000, s8;
	s19 =	sadd.s32 $0x5000, s8  }
0x17: {  	s20 =	sadd.s32 $0x5800, s8;
	s2 =	sadd.s32 $0x8000, s8;
	s26 =	sadd.s32 $0x8800, s8  }
0x18: {  	s31 =	sadd.s32 $0xA800, s8;
	s23 =	sadd.s32 s5, s9;
	s9 =	sor.u32 s22, s21  }
0x19: {  	s5 =	sshll.u32 s1, $0xE;
	s21 =	sadd.s32 $0x6000, s8;
	s22 =	sadd.s32 $0x6800, s8  }
0x1a: {  	s1 =	sadd.s32 $0xB800, s8;
	[dreg:$0xf] =	wrdreg s23;
	s6 =	sadd.s32 s5, s6  }
0x1b: {  	s23 =	sadd.s32 $0x7000, s8;
	s5 =	sadd.s32 $0xC000, s8;
	s8 =	sadd.s32 s8, s3  }
0x1c: {  	[dreg:$0x10] =	wrdreg s8;
	s8 =	sadd.s32 s10, s25  }
0x1d: {  	s10 =	sadd.s32 s10, s3;
	[dreg:$0x11] =	wrdreg s8  }
0x1e: {  	[dreg:$0x12] =	wrdreg s10;
	s10 =	sadd.s32 s11, s25  }
0x1f: {  	s8 =	sadd.s32 s5, s25;
	[dreg:$0x13] =	wrdreg s10  }
0x20: {  	s10 =	sadd.s32 s11, s3;
	[smem:$0x7F2] =	sst s8  }
0x21: {  	s11 =	sadd.s32 s12, s25;
	[dreg:$0x14] =	wrdreg s10  }
0x22: {  	[dreg:$0x15] =	wrdreg s11;
	s10 =	sadd.s32 s12, s3  }
0x23: {  	s11 =	sadd.s32 s13, s25;
	[dreg:$0x16] =	wrdreg s10  }
0x24: {  	s12 =	sadd.s32 s13, s3;
	[dreg:$0x17] =	wrdreg s11  }
0x25: {  	s13 =	sadd.s32 s15, s25;
	[dreg:$0x18] =	wrdreg s12  }
0x26: {  	[dreg:$0x19] =	wrdreg s13;
	s10 =	sadd.s32 s15, s3  }
0x27: {  	s11 =	sadd.s32 s16, s25;
	[dreg:$0x1a] =	wrdreg s10  }
0x28: {  	s12 =	sadd.s32 s16, s3;
	[dreg:$0x1b] =	wrdreg s11  }
0x29: {  	s13 =	sadd.s32 s14, s25;
	[dreg:$0x1c] =	wrdreg s12  }
0x2a: {  	s14 =	sadd.s32 s14, s3;
	[dreg:$0x1d] =	wrdreg s13  }
0x2b: {  	s15 =	sadd.s32 s17, s25;
	[dreg:$0x1e] =	wrdreg s14  }
0x2c: {  	s16 =	sadd.s32 s17, s3;
	[dreg:$0x1f] =	wrdreg s15  }
0x2d: {  	s17 =	sadd.s32 s18, s25;
	[smem:$0x7D3] =	sst s16  }
0x2e: {  	[smem:$0x7D4] =	sst s17;
	s10 =	sadd.s32 s18, s3  }
0x2f: {  	s11 =	sadd.s32 s19, s25;
	s12 =	sadd.s32 s19, s3;
	s19 =	rddreg [dreg:$0x7]  }
0x30: {  	[smem:$0x7D5] =	sst s10  }
0x31: {  	[smem:$0x7D6] =	sst s11  }
0x32: {  	s13 =	sadd.s32 s20, s25;
	[smem:$0x7D7] =	sst s12  }
0x33: {  	s14 =	sadd.s32 s20, s3;
	[smem:$0x7D8] =	sst s13  }
0x34: {  	[smem:$0x7D9] =	sst s14  }
0x35: {  	s15 =	sadd.s32 s21, s25;
	s11 =	rddreg [dreg:$0x1]  }
0x36: {  	s16 =	sadd.s32 s21, s3;
	[smem:$0x7DA] =	sst s15  }
0x37: {  	s18 =	sadd.s32 s22, s25;
	[smem:$0x7DB] =	sst s16  }
0x38: {  	s20 =	sadd.s32 s22, s3;
	[smem:$0x7DC] =	sst s18  }
0x39: {  	s21 =	sadd.s32 s23, s25;
	[smem:$0x7DD] =	sst s20  }
0x3a: {  	s22 =	sadd.s32 s23, s3;
	[smem:$0x7DE] =	sst s21  }
0x3b: {  	s23 =	sadd.s32 s24, s25;
	[smem:$0x7DF] =	sst s22  }
0x3c: {  	s24 =	sadd.s32 s24, s3;
	[smem:$0x7E0] =	sst s23  }
0x3d: {  	[smem:$0x7E1] =	sst s24;
	s10 =	sadd.s32 s2, s25;
	s13 =	sadd.s32 s26, s25  }
0x3e: {  	s14 =	sadd.s32 s26, s3;
	s15 =	sadd.s32 s28, s25;
	s18 =	sadd.s32 s29, s25  }
0x3f: {  	s21 =	sadd.s32 s30, s25;
	s23 =	sadd.s32 s31, s25;
	s24 =	sadd.s32 s31, s3  }
0x40: {  	s26 =	sadd.s32 s0, s25;
	s31 =	sadd.s32 s1, s25;
	s25 =	sld [smem:$0x7F9]  }
0x41: {  	s12 =	sadd.s32 s2, s3;
	[smem:$0x7E2] =	sst s10  }
0x42: {  	[smem:$0x7E3] =	sst s12  }
0x43: {  	[smem:$0x7E4] =	sst s13  }
0x44: {  	[smem:$0x7E5] =	sst s14  }
0x45: {  	s16 =	sadd.s32 s28, s3;
	[smem:$0x7E6] =	sst s15  }
0x46: {  	[smem:$0x7E7] =	sst s16  }
0x47: {  	s20 =	sadd.s32 s29, s3;
	[smem:$0x7E8] =	sst s18  }
0x48: {  	[smem:$0x7E9] =	sst s20  }
0x49: {  	s22 =	sadd.s32 s30, s3;
	[smem:$0x7EA] =	sst s21  }
0x4a: {  	[smem:$0x7EB] =	sst s22  }
0x4b: {  	[smem:$0x7EC] =	sst s23  }
0x4c: {  	[smem:$0x7ED] =	sst s24  }
0x4d: {  	s8 =	simm.s32 $0x18EA0;
	s0 =	sadd.s32 s0, s3;
	[smem:$0x7EE] =	sst s26  }
0x4e: {  	s17 =	simm.s32 $0x0;
	s2 =	sadd.s32 s1, s3;
	[smem:$0x7EF] =	sst s0  }
0x4f: {  	s29 =	simm.s32 $0x1D6A0;
	s28 =	simm.s32 $0x1E6A0;
	[smem:$0x7F0] =	sst s31  }
0x50: {  	s30 =	simm.s32 $0x40;
	s1 =	simm.s32 $0x0;
	[smem:$0x7F1] =	sst s2  }
0x51: {  	s10 =	sadd.s32 s5, s3;
	s18 =	sshll.u32 s4, $0x1;
	s14 =	rddreg [dreg:$0x0]  }
0x52: {  	s12 =	sshrl.u32 s9, $0x3;
	s13 =	stileid.u32;
	s21 =	sld [smem:$0x7F4]  }
0x53: {  	s22 =	sadd.s32 $0x3800, s7;
	s23 =	sadd.s32 $0x3C00, s7;
	[smem:$0x7F3] =	sst s10  }
0x54: {  	s26 =	sadd.s32 $0x400, s6;
	s2 =	simm.s32 $0x1EEA0;
	[smem:$0x7F5] =	sst s22  }
0x55: {  	s7 =	simm.s32 $0x1AEA0;
	s4 =	simm.s32 $0x1;
	[smem:$0x7F6] =	sst s23  }
0x56: {  	s20 =	sshll.u32 s13, $0xD;
	s15 =	sadd.s32 s14, s12;
	[smem:$0x7FB] =	sst s26  }
0x57: {  	s10 =	simm.s32 $0x18CA0;
	s22 =	simm.s32 $0x1B6A0;
	[dreg:$0xa] =	wrdreg s18  }
0x58: {  	s12 =	simm.s32 $0x1BEA0;
	s26 =	simm.s32 $0x1DEA0;
	[smem:$0x7FC] =	sst s15  }
0x59: {  	s31 =	sadd.s32 $0x2, s15;
	[dreg:$0x8] =	wrdreg s20;
	s0 =	sshrl.u32 s21, $0x3  }
0x5a: {  	s16 =	sadd.s32 s14, s20;
	[smem:$0x7FD] =	sst s31;
	s0 =	sadd.s32 s0, s19  }
0x5b: {  	s13 =	simm.s32 $0x2;
	[dreg:$0x9] =	wrdreg s16;
	s24 =	sadd.s32 $0xC, s0  }
0x5c: {  	s14 =	simm.s32 $0x1C6A0;
	s0 =	sadd.s32 $0xE, s0;
	[smem:$0x7F7] =	sst s24  }
0x5d: {  	s15 =	simm.s32 $0x1CEA0;
	[smem:$0x7F8] =	sst s0;
	s0 =	smax.u32 s25, $0x1  }
0x5e: {  	v0 =	vimm.f32 $0.0e+00;
	s21 =	simm.s32 $0x10;
	s24 =	simm.s32 $0x80;
	[smem:$0x7FA] =	sst s0  }
.LBB2_1:
0x5f: {  	[smem:$0x7D2] =	sst s1;
	s0 =	simm.s32 $0x40;
	s1 =	simm.s32 $0x0  }
.LBB2_2:
0x60: {  	p0 =	sne.s32 s0, $0x1FC0;
	[tilespmem:s1+$0x1EEA0] =	vst v0;
	s1 =	smov.u32 s0;
	s0 =	sadd.s32 $0x40, s0  }
.Ltmp0:
0x61: {  	(pc) =	sbr.rel @p0 .LBB2_2-.Ltmp0, $2  }
0x62: {  	_ =	sdelay $0x2  }
0x63: {  	s1 =	sshra.s32 s1, $0x2  }
0x64: {  	[tilespmem:s1+$0x1EEA0] =	vst v0;
	s0 =	rddreg [dreg:$0xc];
	s6 =	simm.s32 $0x4  }
0x65: {  	[spmem:s0] =	stream.linear.scatter [tilespmem:s2], [sflag:$0x4], $0x800, $0x38;
	[tilespmem:$0x1F6A0] =	vst v63  }
0x66: {  	_ =	swait.ge [sflag:s6], $0x800  }
0x67: {  	[sflag:s6] =	ssyncset.done $0x0  }
0x68: {  	s25 =	rddreg [dreg:$0x11];
	[sflag:s6] =	ssyncadd.s32 $0xFFFFF800  }
0x69: {  	[spmem:s25] =	stream.linear.scatter [tilespmem:s2], [sflag:$0x4], $0x800, $0x38;
	[tilespmem:$0x1F6A0] =	vst v63  }
0x6a: {  	_ =	swait.ge [sflag:s6], $0x800  }
0x6b: {  	[sflag:s6] =	ssyncset.done $0x0  }
0x6c: {  	s31 =	rddreg [dreg:$0x13];
	[sflag:s6] =	ssyncadd.s32 $0xFFFFF800  }
0x6d: {  	[spmem:s31] =	stream.linear.scatter [tilespmem:s2], [sflag:$0x4], $0x800, $0x38;
	[tilespmem:$0x1F6A0] =	vst v63  }
0x6e: {  	_ =	swait.ge [sflag:s6], $0x800  }
0x6f: {  	[sflag:s6] =	ssyncset.done $0x0  }
0x70: {  	s1 =	rddreg [dreg:$0x15];
	[sflag:s6] =	ssyncadd.s32 $0xFFFFF800  }
0x71: {  	[spmem:s1] =	stream.linear.scatter [tilespmem:s2], [sflag:$0x4], $0x800, $0x38;
	[tilespmem:$0x1F6A0] =	vst v63  }
0x72: {  	_ =	swait.ge [sflag:s6], $0x800  }
0x73: {  	[sflag:s6] =	ssyncset.done $0x0  }
0x74: {  	s5 =	rddreg [dreg:$0x17];
	[sflag:s6] =	ssyncadd.s32 $0xFFFFF800  }
0x75: {  	[spmem:s5] =	stream.linear.scatter [tilespmem:s2], [sflag:$0x4], $0x800, $0x38;
	[tilespmem:$0x1F6A0] =	vst v63  }
0x76: {  	_ =	swait.ge [sflag:s6], $0x800  }
0x77: {  	[sflag:s6] =	ssyncset.done $0x0  }
0x78: {  	s9 =	rddreg [dreg:$0x19];
	[sflag:s6] =	ssyncadd.s32 $0xFFFFF800  }
0x79: {  	[spmem:s9] =	stream.linear.scatter [tilespmem:s2], [sflag:$0x4], $0x800, $0x38;
	[tilespmem:$0x1F6A0] =	vst v63  }
0x7a: {  	_ =	swait.ge [sflag:s6], $0x800  }
0x7b: {  	[sflag:s6] =	ssyncset.done $0x0  }
0x7c: {  	s16 =	rddreg [dreg:$0x1b];
	[sflag:s6] =	ssyncadd.s32 $0xFFFFF800  }
0x7d: {  	[spmem:s16] =	stream.linear.scatter [tilespmem:s2], [sflag:$0x4], $0x800, $0x38;
	[tilespmem:$0x1F6A0] =	vst v63  }
0x7e: {  	_ =	swait.ge [sflag:s6], $0x800  }
0x7f: {  	[sflag:s6] =	ssyncset.done $0x0  }
0x80: {  	s23 =	rddreg [dreg:$0x1d];
	[sflag:s6] =	ssyncadd.s32 $0xFFFFF800  }
0x81: {  	[spmem:s23] =	stream.linear.scatter [tilespmem:s2], [sflag:$0x4], $0x800, $0x38;
	[tilespmem:$0x1F6A0] =	vst v63  }
0x82: {  	_ =	swait.ge [sflag:s6], $0x800  }
0x83: {  	[sflag:s6] =	ssyncset.done $0x0  }
0x84: {  	s25 =	rddreg [dreg:$0x1f];
	[sflag:s6] =	ssyncadd.s32 $0xFFFFF800  }
0x85: {  	[spmem:s25] =	stream.linear.scatter [tilespmem:s2], [sflag:$0x4], $0x800, $0x38;
	[tilespmem:$0x1F6A0] =	vst v63  }
0x86: {  	_ =	swait.ge [sflag:s6], $0x800  }
0x87: {  	s31 =	sld [smem:$0x7D4]  }
0x88: {  	[sflag:s6] =	ssyncset.done $0x0  }
0x89: {  	[sflag:s6] =	ssyncadd.s32 $0xFFFFF800  }
0x8a: {  	[spmem:s31] =	stream.linear.scatter [tilespmem:s2], [sflag:$0x4], $0x800, $0x38;
	[tilespmem:$0x1F6A0] =	vst v63  }
0x8b: {  	_ =	swait.ge [sflag:s6], $0x800  }
0x8c: {  	s1 =	sld [smem:$0x7D6]  }
0x8d: {  	[sflag:s6] =	ssyncset.done $0x0  }
0x8e: {  	[sflag:s6] =	ssyncadd.s32 $0xFFFFF800  }
0x8f: {  	[spmem:s1] =	stream.linear.scatter [tilespmem:s2], [sflag:$0x4], $0x800, $0x38;
	[tilespmem:$0x1F6A0] =	vst v63  }
0x90: {  	_ =	swait.ge [sflag:s6], $0x800  }
0x91: {  	s5 =	sld [smem:$0x7D8]  }
0x92: {  	[sflag:s6] =	ssyncset.done $0x0  }
0x93: {  	[sflag:s6] =	ssyncadd.s32 $0xFFFFF800  }
0x94: {  	[spmem:s5] =	stream.linear.scatter [tilespmem:s2], [sflag:$0x4], $0x800, $0x38;
	[tilespmem:$0x1F6A0] =	vst v63  }
0x95: {  	_ =	swait.ge [sflag:s6], $0x800  }
0x96: {  	s9 =	sld [smem:$0x7DA]  }
0x97: {  	[sflag:s6] =	ssyncset.done $0x0  }
0x98: {  	[sflag:s6] =	ssyncadd.s32 $0xFFFFF800  }
0x99: {  	[spmem:s9] =	stream.linear.scatter [tilespmem:s2], [sflag:$0x4], $0x800, $0x38;
	[tilespmem:$0x1F6A0] =	vst v63  }
0x9a: {  	_ =	swait.ge [sflag:s6], $0x800  }
0x9b: {  	s16 =	sld [smem:$0x7DC]  }
0x9c: {  	[sflag:s6] =	ssyncset.done $0x0  }
0x9d: {  	[sflag:s6] =	ssyncadd.s32 $0xFFFFF800  }
0x9e: {  	[spmem:s16] =	stream.linear.scatter [tilespmem:s2], [sflag:$0x4], $0x800, $0x38;
	[tilespmem:$0x1F6A0] =	vst v63  }
0x9f: {  	_ =	swait.ge [sflag:s6], $0x800  }
0xa0: {  	s23 =	sld [smem:$0x7DE]  }
0xa1: {  	[sflag:s6] =	ssyncset.done $0x0  }
0xa2: {  	[sflag:s6] =	ssyncadd.s32 $0xFFFFF800  }
0xa3: {  	[spmem:s23] =	stream.linear.scatter [tilespmem:s2], [sflag:$0x4], $0x800, $0x38;
	[tilespmem:$0x1F6A0] =	vst v63  }
0xa4: {  	_ =	swait.ge [sflag:s6], $0x800  }
0xa5: {  	s25 =	sld [smem:$0x7E0]  }
0xa6: {  	[sflag:s6] =	ssyncset.done $0x0  }
0xa7: {  	[sflag:s6] =	ssyncadd.s32 $0xFFFFF800  }
0xa8: {  	[spmem:s25] =	stream.linear.scatter [tilespmem:s2], [sflag:$0x4], $0x800, $0x38;
	[tilespmem:$0x1F6A0] =	vst v63  }
0xa9: {  	_ =	swait.ge [sflag:s6], $0x800  }
0xaa: {  	s31 =	sld [smem:$0x7E2]  }
0xab: {  	[sflag:s6] =	ssyncset.done $0x0  }
0xac: {  	[sflag:s6] =	ssyncadd.s32 $0xFFFFF800  }
0xad: {  	[spmem:s31] =	stream.linear.scatter [tilespmem:s2], [sflag:$0x4], $0x800, $0x38;
	[tilespmem:$0x1F6A0] =	vst v63  }
0xae: {  	_ =	swait.ge [sflag:s6], $0x800  }
0xaf: {  	s1 =	sld [smem:$0x7E4]  }
0xb0: {  	[sflag:s6] =	ssyncset.done $0x0  }
0xb1: {  	[sflag:s6] =	ssyncadd.s32 $0xFFFFF800  }
0xb2: {  	[spmem:s1] =	stream.linear.scatter [tilespmem:s2], [sflag:$0x4], $0x800, $0x38;
	[tilespmem:$0x1F6A0] =	vst v63  }
0xb3: {  	_ =	swait.ge [sflag:s6], $0x800  }
0xb4: {  	s5 =	sld [smem:$0x7E6]  }
0xb5: {  	[sflag:s6] =	ssyncset.done $0x0  }
0xb6: {  	[sflag:s6] =	ssyncadd.s32 $0xFFFFF800  }
0xb7: {  	[spmem:s5] =	stream.linear.scatter [tilespmem:s2], [sflag:$0x4], $0x800, $0x38;
	[tilespmem:$0x1F6A0] =	vst v63  }
0xb8: {  	_ =	swait.ge [sflag:s6], $0x800  }
0xb9: {  	s9 =	sld [smem:$0x7E8]  }
0xba: {  	[sflag:s6] =	ssyncset.done $0x0  }
0xbb: {  	[sflag:s6] =	ssyncadd.s32 $0xFFFFF800  }
0xbc: {  	[spmem:s9] =	stream.linear.scatter [tilespmem:s2], [sflag:$0x4], $0x800, $0x38;
	[tilespmem:$0x1F6A0] =	vst v63  }
0xbd: {  	_ =	swait.ge [sflag:s6], $0x800  }
0xbe: {  	s16 =	sld [smem:$0x7EA]  }
0xbf: {  	[sflag:s6] =	ssyncset.done $0x0  }
0xc0: {  	[sflag:s6] =	ssyncadd.s32 $0xFFFFF800  }
0xc1: {  	[spmem:s16] =	stream.linear.scatter [tilespmem:s2], [sflag:$0x4], $0x800, $0x38;
	[tilespmem:$0x1F6A0] =	vst v63  }
0xc2: {  	_ =	swait.ge [sflag:s6], $0x800  }
0xc3: {  	s23 =	sld [smem:$0x7EC]  }
0xc4: {  	[sflag:s6] =	ssyncset.done $0x0  }
0xc5: {  	[sflag:s6] =	ssyncadd.s32 $0xFFFFF800  }
0xc6: {  	[spmem:s23] =	stream.linear.scatter [tilespmem:s2], [sflag:$0x4], $0x800, $0x38;
	[tilespmem:$0x1F6A0] =	vst v63  }
0xc7: {  	_ =	swait.ge [sflag:s6], $0x800  }
0xc8: {  	s25 =	sld [smem:$0x7EE]  }
0xc9: {  	[sflag:s6] =	ssyncset.done $0x0  }
0xca: {  	[sflag:s6] =	ssyncadd.s32 $0xFFFFF800  }
0xcb: {  	[spmem:s25] =	stream.linear.scatter [tilespmem:s2], [sflag:$0x4], $0x800, $0x38;
	[tilespmem:$0x1F6A0] =	vst v63  }
0xcc: {  	_ =	swait.ge [sflag:s6], $0x800  }
0xcd: {  	s31 =	sld [smem:$0x7F0]  }
0xce: {  	[sflag:s6] =	ssyncset.done $0x0  }
0xcf: {  	[sflag:s6] =	ssyncadd.s32 $0xFFFFF800  }
0xd0: {  	[spmem:s31] =	stream.linear.scatter [tilespmem:s2], [sflag:$0x4], $0x800, $0x38;
	[tilespmem:$0x1F6A0] =	vst v63  }
0xd1: {  	_ =	swait.ge [sflag:s6], $0x800  }
0xd2: {  	s1 =	sld [smem:$0x7F2]  }
0xd3: {  	[sflag:s6] =	ssyncset.done $0x0  }
0xd4: {  	[sflag:s6] =	ssyncadd.s32 $0xFFFFF800  }
0xd5: {  	[spmem:s1] =	stream.linear.scatter [tilespmem:s2], [sflag:$0x4], $0x350, $0x38;
	[tilespmem:$0x1F6A0] =	vst v63  }
0xd6: {  	_ =	swait.ge [sflag:s6], $0x350  }
0xd7: {  	[sflag:s6] =	ssyncset.done $0x0  }
0xd8: {  	s5 =	rddreg [dreg:$0x10];
	[sflag:s6] =	ssyncadd.s32 $0xFFFFFCB0  }
0xd9: {  	[spmem:s5] =	stream.linear.scatter [tilespmem:s2], [sflag:$0x4], $0x800, $0x38;
	[tilespmem:$0x1F6A0] =	vst v63  }
0xda: {  	_ =	swait.ge [sflag:s6], $0x800  }
0xdb: {  	[sflag:s6] =	ssyncset.done $0x0  }
0xdc: {  	s9 =	rddreg [dreg:$0x12];
	[sflag:s6] =	ssyncadd.s32 $0xFFFFF800  }
0xdd: {  	[spmem:s9] =	stream.linear.scatter [tilespmem:s2], [sflag:$0x4], $0x800, $0x38;
	[tilespmem:$0x1F6A0] =	vst v63  }
0xde: {  	_ =	swait.ge [sflag:s6], $0x800  }
0xdf: {  	[sflag:s6] =	ssyncset.done $0x0  }
0xe0: {  	s16 =	rddreg [dreg:$0x14];
	[sflag:s6] =	ssyncadd.s32 $0xFFFFF800  }
0xe1: {  	[spmem:s16] =	stream.linear.scatter [tilespmem:s2], [sflag:$0x4], $0x800, $0x38;
	[tilespmem:$0x1F6A0] =	vst v63  }
0xe2: {  	_ =	swait.ge [sflag:s6], $0x800  }
0xe3: {  	[sflag:s6] =	ssyncset.done $0x0  }
0xe4: {  	s23 =	rddreg [dreg:$0x16];
	[sflag:s6] =	ssyncadd.s32 $0xFFFFF800  }
0xe5: {  	[spmem:s23] =	stream.linear.scatter [tilespmem:s2], [sflag:$0x4], $0x800, $0x38;
	[tilespmem:$0x1F6A0] =	vst v63  }
0xe6: {  	_ =	swait.ge [sflag:s6], $0x800  }
0xe7: {  	[sflag:s6] =	ssyncset.done $0x0  }
0xe8: {  	s25 =	rddreg [dreg:$0x18];
	[sflag:s6] =	ssyncadd.s32 $0xFFFFF800  }
0xe9: {  	[spmem:s25] =	stream.linear.scatter [tilespmem:s2], [sflag:$0x4], $0x800, $0x38;
	[tilespmem:$0x1F6A0] =	vst v63  }
0xea: {  	_ =	swait.ge [sflag:s6], $0x800  }
0xeb: {  	[sflag:s6] =	ssyncset.done $0x0  }
0xec: {  	s31 =	rddreg [dreg:$0x1a];
	[sflag:s6] =	ssyncadd.s32 $0xFFFFF800  }
0xed: {  	[spmem:s31] =	stream.linear.scatter [tilespmem:s2], [sflag:$0x4], $0x800, $0x38;
	[tilespmem:$0x1F6A0] =	vst v63  }
0xee: {  	_ =	swait.ge [sflag:s6], $0x800  }
0xef: {  	[sflag:s6] =	ssyncset.done $0x0  }
0xf0: {  	s1 =	rddreg [dreg:$0x1c];
	[sflag:s6] =	ssyncadd.s32 $0xFFFFF800  }
0xf1: {  	[spmem:s1] =	stream.linear.scatter [tilespmem:s2], [sflag:$0x4], $0x800, $0x38;
	[tilespmem:$0x1F6A0] =	vst v63  }
0xf2: {  	_ =	swait.ge [sflag:s6], $0x800  }
0xf3: {  	[sflag:s6] =	ssyncset.done $0x0  }
0xf4: {  	s5 =	rddreg [dreg:$0x1e];
	[sflag:s6] =	ssyncadd.s32 $0xFFFFF800  }
0xf5: {  	[spmem:s5] =	stream.linear.scatter [tilespmem:s2], [sflag:$0x4], $0x800, $0x38;
	[tilespmem:$0x1F6A0] =	vst v63  }
0xf6: {  	_ =	swait.ge [sflag:s6], $0x800  }
0xf7: {  	s9 =	sld [smem:$0x7D3]  }
0xf8: {  	[sflag:s6] =	ssyncset.done $0x0  }
0xf9: {  	[sflag:s6] =	ssyncadd.s32 $0xFFFFF800  }
0xfa: {  	[spmem:s9] =	stream.linear.scatter [tilespmem:s2], [sflag:$0x4], $0x800, $0x38;
	[tilespmem:$0x1F6A0] =	vst v63  }
0xfb: {  	_ =	swait.ge [sflag:s6], $0x800  }
0xfc: {  	s16 =	sld [smem:$0x7D5]  }
0xfd: {  	[sflag:s6] =	ssyncset.done $0x0  }
0xfe: {  	[sflag:s6] =	ssyncadd.s32 $0xFFFFF800  }
0xff: {  	[spmem:s16] =	stream.linear.scatter [tilespmem:s2], [sflag:$0x4], $0x800, $0x38;
	[tilespmem:$0x1F6A0] =	vst v63  }
0x100: {  	_ =	swait.ge [sflag:s6], $0x800  }
0x101: {  	s23 =	sld [smem:$0x7D7]  }
0x102: {  	[sflag:s6] =	ssyncset.done $0x0  }
0x103: {  	[sflag:s6] =	ssyncadd.s32 $0xFFFFF800  }
0x104: {  	[spmem:s23] =	stream.linear.scatter [tilespmem:s2], [sflag:$0x4], $0x800, $0x38;
	[tilespmem:$0x1F6A0] =	vst v63  }
0x105: {  	_ =	swait.ge [sflag:s6], $0x800  }
0x106: {  	s25 =	sld [smem:$0x7D9]  }
0x107: {  	[sflag:s6] =	ssyncset.done $0x0  }
0x108: {  	[sflag:s6] =	ssyncadd.s32 $0xFFFFF800  }
0x109: {  	[spmem:s25] =	stream.linear.scatter [tilespmem:s2], [sflag:$0x4], $0x800, $0x38;
	[tilespmem:$0x1F6A0] =	vst v63  }
0x10a: {  	_ =	swait.ge [sflag:s6], $0x800  }
0x10b: {  	s31 =	sld [smem:$0x7DB]  }
0x10c: {  	[sflag:s6] =	ssyncset.done $0x0  }
0x10d: {  	[sflag:s6] =	ssyncadd.s32 $0xFFFFF800  }
0x10e: {  	[spmem:s31] =	stream.linear.scatter [tilespmem:s2], [sflag:$0x4], $0x800, $0x38;
	[tilespmem:$0x1F6A0] =	vst v63  }
0x10f: {  	_ =	swait.ge [sflag:s6], $0x800  }
0x110: {  	s1 =	sld [smem:$0x7DD]  }
0x111: {  	[sflag:s6] =	ssyncset.done $0x0  }
0x112: {  	[sflag:s6] =	ssyncadd.s32 $0xFFFFF800  }
0x113: {  	[spmem:s1] =	stream.linear.scatter [tilespmem:s2], [sflag:$0x4], $0x800, $0x38;
	[tilespmem:$0x1F6A0] =	vst v63  }
0x114: {  	_ =	swait.ge [sflag:s6], $0x800  }
0x115: {  	s5 =	sld [smem:$0x7DF]  }
0x116: {  	[sflag:s6] =	ssyncset.done $0x0  }
0x117: {  	[sflag:s6] =	ssyncadd.s32 $0xFFFFF800  }
0x118: {  	[spmem:s5] =	stream.linear.scatter [tilespmem:s2], [sflag:$0x4], $0x800, $0x38;
	[tilespmem:$0x1F6A0] =	vst v63  }
0x119: {  	_ =	swait.ge [sflag:s6], $0x800  }
0x11a: {  	s9 =	sld [smem:$0x7E1]  }
0x11b: {  	[sflag:s6] =	ssyncset.done $0x0  }
0x11c: {  	[sflag:s6] =	ssyncadd.s32 $0xFFFFF800  }
0x11d: {  	[spmem:s9] =	stream.linear.scatter [tilespmem:s2], [sflag:$0x4], $0x800, $0x38;
	[tilespmem:$0x1F6A0] =	vst v63  }
0x11e: {  	_ =	swait.ge [sflag:s6], $0x800  }
0x11f: {  	s16 =	sld [smem:$0x7E3]  }
0x120: {  	[sflag:s6] =	ssyncset.done $0x0  }
0x121: {  	[sflag:s6] =	ssyncadd.s32 $0xFFFFF800  }
0x122: {  	[spmem:s16] =	stream.linear.scatter [tilespmem:s2], [sflag:$0x4], $0x800, $0x38;
	[tilespmem:$0x1F6A0] =	vst v63  }
0x123: {  	_ =	swait.ge [sflag:s6], $0x800  }
0x124: {  	s23 =	sld [smem:$0x7E5]  }
0x125: {  	[sflag:s6] =	ssyncset.done $0x0  }
0x126: {  	[sflag:s6] =	ssyncadd.s32 $0xFFFFF800  }
0x127: {  	[spmem:s23] =	stream.linear.scatter [tilespmem:s2], [sflag:$0x4], $0x800, $0x38;
	[tilespmem:$0x1F6A0] =	vst v63  }
0x128: {  	_ =	swait.ge [sflag:s6], $0x800  }
0x129: {  	s25 =	sld [smem:$0x7E7]  }
0x12a: {  	[sflag:s6] =	ssyncset.done $0x0  }
0x12b: {  	[sflag:s6] =	ssyncadd.s32 $0xFFFFF800  }
0x12c: {  	[spmem:s25] =	stream.linear.scatter [tilespmem:s2], [sflag:$0x4], $0x800, $0x38;
	[tilespmem:$0x1F6A0] =	vst v63  }
0x12d: {  	_ =	swait.ge [sflag:s6], $0x800  }
0x12e: {  	s31 =	sld [smem:$0x7E9]  }
0x12f: {  	[sflag:s6] =	ssyncset.done $0x0  }
0x130: {  	[sflag:s6] =	ssyncadd.s32 $0xFFFFF800  }
0x131: {  	[spmem:s31] =	stream.linear.scatter [tilespmem:s2], [sflag:$0x4], $0x800, $0x38;
	[tilespmem:$0x1F6A0] =	vst v63  }
0x132: {  	_ =	swait.ge [sflag:s6], $0x800  }
0x133: {  	s1 =	sld [smem:$0x7EB]  }
0x134: {  	[sflag:s6] =	ssyncset.done $0x0  }
0x135: {  	[sflag:s6] =	ssyncadd.s32 $0xFFFFF800  }
0x136: {  	[spmem:s1] =	stream.linear.scatter [tilespmem:s2], [sflag:$0x4], $0x800, $0x38;
	[tilespmem:$0x1F6A0] =	vst v63  }
0x137: {  	_ =	swait.ge [sflag:s6], $0x800  }
0x138: {  	s5 =	sld [smem:$0x7ED]  }
0x139: {  	[sflag:s6] =	ssyncset.done $0x0  }
0x13a: {  	[sflag:s6] =	ssyncadd.s32 $0xFFFFF800  }
0x13b: {  	[spmem:s5] =	stream.linear.scatter [tilespmem:s2], [sflag:$0x4], $0x800, $0x38;
	[tilespmem:$0x1F6A0] =	vst v63  }
0x13c: {  	_ =	swait.ge [sflag:s6], $0x800  }
0x13d: {  	s9 =	sld [smem:$0x7EF]  }
0x13e: {  	[sflag:s6] =	ssyncset.done $0x0  }
0x13f: {  	[sflag:s6] =	ssyncadd.s32 $0xFFFFF800  }
0x140: {  	[spmem:s9] =	stream.linear.scatter [tilespmem:s2], [sflag:$0x4], $0x800, $0x38;
	[tilespmem:$0x1F6A0] =	vst v63  }
0x141: {  	_ =	swait.ge [sflag:s6], $0x800  }
0x142: {  	s16 =	sld [smem:$0x7F1]  }
0x143: {  	[sflag:s6] =	ssyncset.done $0x0  }
0x144: {  	[sflag:s6] =	ssyncadd.s32 $0xFFFFF800  }
0x145: {  	[spmem:s16] =	stream.linear.scatter [tilespmem:s2], [sflag:$0x4], $0x800, $0x38;
	[tilespmem:$0x1F6A0] =	vst v63  }
0x146: {  	_ =	swait.ge [sflag:s6], $0x800  }
0x147: {  	s23 =	sld [smem:$0x7F3]  }
0x148: {  	[sflag:s6] =	ssyncset.done $0x0  }
0x149: {  	[sflag:s6] =	ssyncadd.s32 $0xFFFFF800  }
0x14a: {  	[spmem:s23] =	stream.linear.scatter [tilespmem:s2], [sflag:$0x4], $0x350, $0x38;
	[tilespmem:$0x1F6A0] =	vst v63  }
0x14b: {  	_ =	swait.ge [sflag:s6], $0x350  }
0x14c: {  	s0 =	simm.s32 $0x186A0;
	[sflag:s6] =	ssyncset.done $0x0  }
0x14d: {  	s25 =	simm.s32 $0x0;
	s5 =	rddreg [dreg:$0xd];
	[sflag:s6] =	ssyncadd.s32 $0xFFFFFCB0  }
0x14e: {  	[tilespmem:s0], [sflag:$0x4] =	stream.linear.gather [hbm4b:s5+s25], $0x400, $0x38;
	[tilespmem:$0x1F6A0] =	vst v63  }
0x14f: {  	_ =	swait.ge [sflag:s6], $0x400  }
0x150: {  	[sflag:s6] =	ssyncset.done $0x0  }
0x151: {  	s9 =	simm.s32 $0x18AA0;
	s31 =	rddreg [dreg:$0xe];
	[sflag:s6] =	ssyncadd.s32 $0xFFFFFC00  }
0x152: {  	[tilespmem:s9], [sflag:$0x4] =	stream.linear.gather [hbm4b:s31+s25], $0x200, $0x38;
	[tilespmem:$0x1F6A0] =	vst v63  }
0x153: {  	_ =	swait.ge [sflag:s6], $0x200  }
0x154: {  	[sflag:s6] =	ssyncset.done $0x0  }
0x155: {  	s2 =	rddreg [dreg:$0xf];
	[sflag:s6] =	ssyncadd.s32 $0xFFFFFE00  }
0x156: {  	[tilespmem:s10], [sflag:$0x4] =	stream.linear.gather [hbm4b:s2+s25], $0x200, $0x38;
	[tilespmem:$0x1F6A0] =	vst v63  }
0x157: {  	_ =	swait.ge [sflag:s6], $0x200  }
0x158: {  	s16 =	sld [smem:$0x7FC]  }
0x159: {  	[sflag:s6] =	ssyncset.done $0x0  }
0x15a: {  	[sflag:s6] =	ssyncadd.s32 $0xFFFFFE00  }
0x15b: {  	[tilespmem:s7], [sflag:$0x4] =	stream.strided.gather [hbm4b:s16+s21], $0x2000, s24, s21, $0x38;
	[tilespmem:$0x1F6A0] =	vst v63  }
0x15c: {  	_ =	swait.ge [sflag:s6], $0x2000  }
0x15d: {  	[sflag:s6] =	ssyncset.done $0x0  }
0x15e: {  	[sflag:s6] =	ssyncadd.s32 $0xFFFFE000  }
0x15f: {  	[bflag:$0x0] =	sbarrier.arrive $0xFFFF  }
0x160: {  	s25 =	rddreg [dreg:$0x4]  }
0x161: {  	[spmem:s25] =	stream.indirect.scatter.add.f32 [tilespmem:s7], [sflag:$0x1], $0x10, s9, s24, $0xb8;
	[tilespmem:$0x1F6A0] =	vst v63  }
0x162: {  	s23 =	simm.s32 $0x18B20  }
0x163: {  	[spmem:s25] =	stream.indirect.scatter.add.f32 [tilespmem:s22], [sflag:$0x1], $0x10, s23, s24, $0xb8;
	[tilespmem:$0x1F6A0] =	vst v63  }
0x164: {  	s31 =	simm.s32 $0x18BA0  }
0x165: {  	[spmem:s25] =	stream.indirect.scatter.add.f32 [tilespmem:s12], [sflag:$0x1], $0x10, s31, s24, $0xb8;
	[tilespmem:$0x1F6A0] =	vst v63  }
0x166: {  	s2 =	simm.s32 $0x18C20  }
0x167: {  	[spmem:s25] =	stream.indirect.scatter.add.f32 [tilespmem:s14], [sflag:$0x1], $0x10, s2, s24, $0xb8;
	[tilespmem:$0x1F6A0] =	vst v63  }
0x168: {  	_ =	swait.ge [sflag:s4], $0x800  }
0x169: {  	[sflag:s4] =	ssyncset.done $0x0  }
0x16a: {  	[sflag:s4] =	ssyncadd.s32 $0xFFFFF800  }
0x16b: {  	_ =	swait.ge [sflag:s4], $0x800  }
0x16c: {  	[sflag:s4] =	ssyncset.done $0x0  }
0x16d: {  	[sflag:s4] =	ssyncadd.s32 $0xFFFFF800  }
0x16e: {  	_ =	swait.ge [sflag:s4], $0x800  }
0x16f: {  	[sflag:s4] =	ssyncset.done $0x0  }
0x170: {  	[sflag:s4] =	ssyncadd.s32 $0xFFFFF800  }
0x171: {  	_ =	swait.ge [sflag:s4], $0x800  }
0x172: {  	[sflag:s4] =	ssyncset.done $0x0  }
0x173: {  	[sflag:s4] =	ssyncadd.s32 $0xFFFFF800  }
0x174: {  	[bflag:$0x0] =	sbarrier.arrive $0xFFFF  }
0x175: {  	[tilespmem:s15], [sflag:$0x1] =	stream.indirect.gather [spmem:s25], $0x10, s9, s24, $0xb8;
	[tilespmem:$0x1F6A0] =	vst v63  }
0x176: {  	_ = 	snop  }
0x177: {  	[tilespmem:s29], [sflag:$0x1] =	stream.indirect.gather [spmem:s25], $0x10, s23, s24, $0xb8;
	[tilespmem:$0x1F6A0] =	vst v63  }
0x178: {  	_ = 	snop  }
0x179: {  	[tilespmem:s26], [sflag:$0x1] =	stream.indirect.gather [spmem:s25], $0x10, s31, s24, $0xb8;
	[tilespmem:$0x1F6A0] =	vst v63  }
0x17a: {  	s6 =	sld [smem:$0x7FD]  }
0x17b: {  	[tilespmem:s28], [sflag:$0x1] =	stream.indirect.gather [spmem:s25], $0x10, s2, s24, $0xb8;
	[tilespmem:$0x1F6A0] =	vst v63  }
0x17c: {  	_ = 	snop  }
0x17d: {  	[tilespmem:s7], [sflag:$0x3] =	stream.strided.gather [hbm4b:s6+s21], $0x2000, s24, s21, $0x38;
	[tilespmem:$0x1F6A0] =	vst v63  }
0x17e: {  	_ =	swait.ge [sflag:s4], $0x800  }
0x17f: {  	[sflag:s4] =	ssyncset.done $0x0  }
0x180: {  	[sflag:s4] =	ssyncadd.s32 $0xFFFFF800  }
0x181: {  	_ =	swait.ge [sflag:s4], $0x800  }
0x182: {  	[sflag:s4] =	ssyncset.done $0x0  }
0x183: {  	[sflag:s4] =	ssyncadd.s32 $0xFFFFF800  }
0x184: {  	_ =	swait.ge [sflag:s4], $0x800  }
0x185: {  	[sflag:s4] =	ssyncset.done $0x0  }
0x186: {  	[sflag:s4] =	ssyncadd.s32 $0xFFFFF800  }
0x187: {  	_ =	swait.ge [sflag:s4], $0x800  }
0x188: {  	[sflag:s4] =	ssyncset.done $0x0  }
0x189: {  	s16 =	simm.s32 $0x3;
	[sflag:s4] =	ssyncadd.s32 $0xFFFFF800  }
0x18a: {  	_ =	swait.ge [sflag:s16], $0x2000  }
0x18b: {  	s9 =	simm.s32 $0x0;
	[sflag:s16] =	ssyncset.done $0x0  }
0x18c: {  	s10 =	sand.u32 $0x3FFFFE00, s9;
	[sflag:s16] =	ssyncadd.s32 $0xFFFFE000  }
0x18d: {  	s1 =	sadd.s32 $0x18AA0, s10;
	[bflag:$0x0] =	sbarrier.arrive $0xFFFF  }
0x18e: {  	[spmem:s3] =	stream.indirect.scatter.add.f32 [tilespmem:s7], [sflag:$0x1], $0x10, s1, s24, $0xb8;
	[tilespmem:$0x1F6A0] =	vst v63  }
0x18f: {  	s5 =	sadd.s32 $0x18B20, s10  }
0x190: {  	[spmem:s3] =	stream.indirect.scatter.add.f32 [tilespmem:s22], [sflag:$0x1], $0x10, s5, s24, $0xb8;
	[tilespmem:$0x1F6A0] =	vst v63  }
0x191: {  	s6 =	sadd.s32 $0x18BA0, s10  }
0x192: {  	[spmem:s3] =	stream.indirect.scatter.add.f32 [tilespmem:s12], [sflag:$0x1], $0x10, s6, s24, $0xb8;
	[tilespmem:$0x1F6A0] =	vst v63  }
0x193: {  	s9 =	sadd.s32 $0x18C20, s10  }
0x194: {  	[spmem:s3] =	stream.indirect.scatter.add.f32 [tilespmem:s14], [sflag:$0x1], $0x10, s9, s24, $0xb8;
	[tilespmem:$0x1F6A0] =	vst v63  }
0x195: {  	s31 =	simm.s32 $0x1EEA0  }
0x196: {  	[spmem:s25] =	stream.indirect.scatter [tilespmem:s31], [sflag:$0x2], $0x10, s1, s24, $0xb8;
	[tilespmem:$0x1F6A0] =	vst v63  }
0x197: {  	s12 =	sadd.s32 $0x0, s18;
	s14 =	simm.s32 $0x0  }
0x198: {  	[spmem:s25] =	stream.indirect.scatter [tilespmem:s31], [sflag:$0x2], $0x10, s5, s24, $0xb8;
	[tilespmem:$0x1F6A0] =	vst v63  }
0x199: {  	s10 =	sshll.u32 s12, $0x11;
	s12 =	sand.u32 $0xC, s14  }
0x19a: {  	[spmem:s25] =	stream.indirect.scatter [tilespmem:s31], [sflag:$0x2], $0x10, s6, s24, $0xb8;
	[tilespmem:$0x1F6A0] =	vst v63  }
0x19b: {  	s10 =	sor.u32 s20, s10;
	s12 =	sadd.s32 s19, s12  }
0x19c: {  	[spmem:s25] =	stream.indirect.scatter [tilespmem:s31], [sflag:$0x2], $0x10, s9, s24, $0xb8;
	[tilespmem:$0x1F6A0] =	vst v63  }
0x19d: {  	s10 =	sadd.s32 s10, s12  }
0x19e: {  	[hbm4b:s10+s21] =	stream.strided.scatter [tilespmem:s15], [sflag:$0x3], $0x2000, s24, s21, $0x38;
	[tilespmem:$0x1F6A0] =	vst v63  }
0x19f: {  	_ =	swait.ge [sflag:s13], $0x800  }
0x1a0: {  	[sflag:s13] =	ssyncset.done $0x0  }
0x1a1: {  	[sflag:s13] =	ssyncadd.s32 $0xFFFFF800  }
0x1a2: {  	_ =	swait.ge [sflag:s13], $0x800  }
0x1a3: {  	[sflag:s13] =	ssyncset.done $0x0  }
0x1a4: {  	[sflag:s13] =	ssyncadd.s32 $0xFFFFF800  }
0x1a5: {  	_ =	swait.ge [sflag:s13], $0x800  }
0x1a6: {  	[sflag:s13] =	ssyncset.done $0x0  }
0x1a7: {  	[sflag:s13] =	ssyncadd.s32 $0xFFFFF800  }
0x1a8: {  	_ =	swait.ge [sflag:s13], $0x800  }
0x1a9: {  	[sflag:s13] =	ssyncset.done $0x0  }
0x1aa: {  	s19 =	simm.s32 $0x3;
	[sflag:s13] =	ssyncadd.s32 $0xFFFFF800  }
0x1ab: {  	_ =	swait.ge [sflag:s19], $0x2000  }
0x1ac: {  	[sflag:s19] =	ssyncset.done $0x0  }
0x1ad: {  	[sflag:s19] =	ssyncadd.s32 $0xFFFFE000  }
0x1ae: {  	_ =	swait.ge [sflag:s4], $0x800  }
0x1af: {  	[sflag:s4] =	ssyncset.done $0x0  }
0x1b0: {  	[sflag:s4] =	ssyncadd.s32 $0xFFFFF800  }
0x1b1: {  	_ =	swait.ge [sflag:s4], $0x800  }
0x1b2: {  	[sflag:s4] =	ssyncset.done $0x0  }
0x1b3: {  	[sflag:s4] =	ssyncadd.s32 $0xFFFFF800  }
0x1b4: {  	_ =	swait.ge [sflag:s4], $0x800  }
0x1b5: {  	[sflag:s4] =	ssyncset.done $0x0  }
0x1b6: {  	[sflag:s4] =	ssyncadd.s32 $0xFFFFF800  }
0x1b7: {  	_ =	swait.ge [sflag:s4], $0x800  }
0x1b8: {  	[sflag:s4] =	ssyncset.done $0x0  }
0x1b9: {  	[sflag:s4] =	ssyncadd.s32 $0xFFFFF800  }
0x1ba: {  	[bflag:$0x0] =	sbarrier.arrive $0xFFFF  }
0x1bb: {  	[tilespmem:s15], [sflag:$0x1] =	stream.indirect.gather [spmem:s3], $0x10, s1, s24, $0xb8;
	[tilespmem:$0x1F6A0] =	vst v63  }
0x1bc: {  	s23 =	simm.s32 $0x4  }
0x1bd: {  	[tilespmem:s29], [sflag:$0x1] =	stream.indirect.gather [spmem:s3], $0x10, s5, s24, $0xb8;
	[tilespmem:$0x1F6A0] =	vst v63  }
0x1be: {  	s2 =	sadd.s32 $0x0, s18;
	s12 =	sand.u32 $0xC, s23;
	s29 =	rddreg [dreg:$0x9]  }
0x1bf: {  	[tilespmem:s26], [sflag:$0x1] =	stream.indirect.gather [spmem:s3], $0x10, s6, s24, $0xb8;
	[tilespmem:$0x1F6A0] =	vst v63  }
0x1c0: {  	s14 =	sshll.u32 s2, $0x11;
	s12 =	sadd.s32 s12, s29  }
0x1c1: {  	[tilespmem:s28], [sflag:$0x1] =	stream.indirect.gather [spmem:s3], $0x10, s9, s24, $0xb8;
	[tilespmem:$0x1F6A0] =	vst v63  }
0x1c2: {  	s12 =	sadd.s32 s14, s12  }
0x1c3: {  	[tilespmem:s7], [sflag:$0x3] =	stream.strided.gather [hbm4b:s12+s21], $0x2000, s24, s21, $0x38;
	[tilespmem:$0x1F6A0] =	vst v63  }
0x1c4: {  	_ = 	snop  }
0x1c5: {  	[tilespmem:s8], [sflag:$0x2] =	stream.indirect.gather [hbm4b:s11+s30], $0x80, s0, s30, $0xb8;
	[tilespmem:$0x1F6A0] =	vst v63  }
0x1c6: {  	_ =	swait.ge [sflag:s13], $0x2000  }
0x1c7: {  	s28 =	sld [smem:$0x7FB];
	_ =	sdelay $0x1  }
0x1c8: {  	[sflag:s13] =	ssyncset.done $0x0  }
0x1c9: {  	[sflag:s13] =	ssyncadd.s32 $0xFFFFE000;
	s12 =	sadd.s32 $0xFFFFFC00, s28  }
0x1ca: {  	[hbm4b:s12+s17] =	stream.linear.scatter [tilespmem:s8], [sflag:$0x2], $0x2000, $0x38;
	[tilespmem:$0x1F6A0] =	vst v63  }
0x1cb: {  	_ =	swait.ge [sflag:s13], $0x2000  }
0x1cc: {  	[sflag:s13] =	ssyncset.done $0x0  }
0x1cd: {  	s14 =	simm.s32 $0x186E0;
	[sflag:s13] =	ssyncadd.s32 $0xFFFFE000  }
0x1ce: {  	[tilespmem:s8], [sflag:$0x2] =	stream.indirect.gather [hbm4b:s11+s30], $0x80, s14, s30, $0xb8;
	[tilespmem:$0x1F6A0] =	vst v63  }
0x1cf: {  	_ =	swait.ge [sflag:s13], $0x2000  }
0x1d0: {  	[sflag:s13] =	ssyncset.done $0x0  }
0x1d1: {  	[sflag:s13] =	ssyncadd.s32 $0xFFFFE000  }
0x1d2: {  	[hbm4b:s28+s17] =	stream.linear.scatter [tilespmem:s8], [sflag:$0x2], $0x2000, $0x38;
	[tilespmem:$0x1F6A0] =	vst v63  }
0x1d3: {  	_ =	swait.ge [sflag:s13], $0x2000  }
0x1d4: {  	[sflag:s13] =	ssyncset.done $0x0  }
0x1d5: {  	[sflag:s13] =	ssyncadd.s32 $0xFFFFE000  }
0x1d6: {  	_ =	swait.ge [sflag:s4], $0x800  }
0x1d7: {  	[sflag:s4] =	ssyncset.done $0x0  }
0x1d8: {  	[sflag:s4] =	ssyncadd.s32 $0xFFFFF800  }
0x1d9: {  	_ =	swait.ge [sflag:s4], $0x800  }
0x1da: {  	[sflag:s4] =	ssyncset.done $0x0  }
0x1db: {  	[sflag:s4] =	ssyncadd.s32 $0xFFFFF800  }
0x1dc: {  	_ =	swait.ge [sflag:s4], $0x800  }
0x1dd: {  	[sflag:s4] =	ssyncset.done $0x0  }
0x1de: {  	[sflag:s4] =	ssyncadd.s32 $0xFFFFF800  }
0x1df: {  	_ =	swait.ge [sflag:s4], $0x800  }
0x1e0: {  	[sflag:s4] =	ssyncset.done $0x0  }
0x1e1: {  	[sflag:s4] =	ssyncadd.s32 $0xFFFFF800  }
0x1e2: {  	_ =	swait.ge [sflag:s19], $0x2000  }
0x1e3: {  	s17 =	simm.s32 $0x80;
	[sflag:s19] =	ssyncset.done $0x0  }
0x1e4: {  	s0 =	sand.u32 $0x3FFFFE00, s17;
	[sflag:s19] =	ssyncadd.s32 $0xFFFFE000  }
0x1e5: {  	s14 =	sadd.s32 $0x18AA0, s0;
	[bflag:$0x0] =	sbarrier.arrive $0xFFFF  }
0x1e6: {  	[spmem:s25] =	stream.indirect.scatter.add.f32 [tilespmem:s7], [sflag:$0x1], $0x10, s14, s24, $0xb8;
	[tilespmem:$0x1F6A0] =	vst v63  }
0x1e7: {  	s26 =	sadd.s32 $0x18B20, s0  }
0x1e8: {  	[spmem:s25] =	stream.indirect.scatter.add.f32 [tilespmem:s22], [sflag:$0x1], $0x10, s26, s24, $0xb8;
	[tilespmem:$0x1F6A0] =	vst v63  }
0x1e9: {  	s20 =	simm.s32 $0x1BEA0;
	s30 =	sadd.s32 $0x18BA0, s0  }
0x1ea: {  	[spmem:s25] =	stream.indirect.scatter.add.f32 [tilespmem:s20], [sflag:$0x1], $0x10, s30, s24, $0xb8;
	[tilespmem:$0x1F6A0] =	vst v63  }
0x1eb: {  	s23 =	simm.s32 $0x1C6A0;
	s12 =	sadd.s32 $0x18C20, s0  }
0x1ec: {  	[spmem:s25] =	stream.indirect.scatter.add.f32 [tilespmem:s23], [sflag:$0x1], $0x10, s12, s24, $0xb8;
	[tilespmem:$0x1F6A0] =	vst v63  }
0x1ed: {  	s2 =	smov.u32 s3  }
0x1ee: {  	[spmem:s2] =	stream.indirect.scatter [tilespmem:s31], [sflag:$0x2], $0x10, s1, s24, $0xb8;
	[tilespmem:$0x1F6A0] =	vst v63  }
0x1ef: {  	_ = 	snop  }
0x1f0: {  	[spmem:s2] =	stream.indirect.scatter [tilespmem:s31], [sflag:$0x2], $0x10, s5, s24, $0xb8;
	[tilespmem:$0x1F6A0] =	vst v63  }
0x1f1: {  	_ = 	snop  }
0x1f2: {  	[spmem:s2] =	stream.indirect.scatter [tilespmem:s31], [sflag:$0x2], $0x10, s6, s24, $0xb8;
	[tilespmem:$0x1F6A0] =	vst v63  }
0x1f3: {  	_ = 	snop  }
0x1f4: {  	[spmem:s2] =	stream.indirect.scatter [tilespmem:s31], [sflag:$0x2], $0x10, s9, s24, $0xb8;
	[tilespmem:$0x1F6A0] =	vst v63  }
0x1f5: {  	s7 =	smov.u32 s25;
	s25 =	sadd.s32 $0x2, s10  }
0x1f6: {  	[hbm4b:s25+s21] =	stream.strided.scatter [tilespmem:s15], [sflag:$0x3], $0x2000, s24, s21, $0x38;
	[tilespmem:$0x1F6A0] =	vst v63  }
0x1f7: {  	_ =	swait.ge [sflag:s13], $0x800  }
0x1f8: {  	[sflag:s13] =	ssyncset.done $0x0  }
0x1f9: {  	[sflag:s13] =	ssyncadd.s32 $0xFFFFF800  }
0x1fa: {  	_ =	swait.ge [sflag:s13], $0x800  }
0x1fb: {  	[sflag:s13] =	ssyncset.done $0x0  }
0x1fc: {  	[sflag:s13] =	ssyncadd.s32 $0xFFFFF800  }
0x1fd: {  	_ =	swait.ge [sflag:s13], $0x800  }
0x1fe: {  	[sflag:s13] =	ssyncset.done $0x0  }
0x1ff: {  	[sflag:s13] =	ssyncadd.s32 $0xFFFFF800  }
0x200: {  	_ =	swait.ge [sflag:s13], $0x800  }
0x201: {  	[sflag:s13] =	ssyncset.done $0x0  }
0x202: {  	[sflag:s13] =	ssyncadd.s32 $0xFFFFF800  }
0x203: {  	_ =	swait.ge [sflag:s19], $0x2000  }
0x204: {  	[sflag:s19] =	ssyncset.done $0x0  }
0x205: {  	[sflag:s19] =	ssyncadd.s32 $0xFFFFE000  }
0x206: {  	_ =	swait.ge [sflag:s4], $0x800  }
0x207: {  	[sflag:s4] =	ssyncset.done $0x0  }
0x208: {  	[sflag:s4] =	ssyncadd.s32 $0xFFFFF800  }
0x209: {  	s29 =	sadd.s32 $0x0, s18;
	s3 =	smov.u32 s2;
	_ =	swait.ge [sflag:s4], $0x800  }
0x20a: {  	s17 =	smov.u32 s28;
	s22 =	simm.s32 $0x1;
	[sflag:s4] =	ssyncset.done $0x0  }
0x20b: {  	s20 =	simm.s32 $0xE;
	s10 =	simm.s32 $0x18720;
	[sflag:s4] =	ssyncadd.s32 $0xFFFFF800  }
0x20c: {  	s1 =	simm.s32 $0xA;
	s31 =	sadd.s32 $0x0, s18;
	_ =	swait.ge [sflag:s4], $0x800  }
0x20d: {  	s5 =	sshll.u32 s31, $0x11;
	s21 =	simm.s32 $0x6;
	[sflag:s4] =	ssyncset.done $0x0  }
.LBB2_4:
0x20e: {  	s16 =	sadd.s32 $0x2, s16  }
0x20f: {  	s0 =	sshrl.u32 s16, $0x3  }
0x210: {  	[sflag:s4] =	ssyncadd.s32 $0xFFFFF800;
	[dreg:$0xb] =	wrdreg s0  }
0x211: {  	_ =	swait.ge [sflag:s4], $0x800  }
0x212: {  	[sflag:s4] =	ssyncset.done $0x0  }
0x213: {  	[sflag:s4] =	ssyncadd.s32 $0xFFFFF800  }
0x214: {  	s8 =	simm.s32 $0x1CEA0;
	[bflag:$0x0] =	sbarrier.arrive $0xFFFF  }
0x215: {  	[tilespmem:s8], [sflag:$0x1] =	stream.indirect.gather [spmem:s7], $0x10, s14, s24, $0xb8;
	[tilespmem:$0x1F6A0] =	vst v63  }
0x216: {  	s25 =	rddreg [dreg:$0xa]  }
0x217: {  	s31 =	sand.u32 $0xE, s21;
	s11 =	rddreg [dreg:$0x4]  }
0x218: {  	s0 =	sadd.s32 $0xFFFFFFFF, s16;
	s7 =	simm.s32 $0x1D6A0;
	s14 =	rddreg [dreg:$0x4]  }
0x219: {  	[tilespmem:s7], [sflag:$0x1] =	stream.indirect.gather [spmem:s11], $0x10, s26, s24, $0xb8;
	[tilespmem:$0x1F6A0] =	vst v63  }
0x21a: {  	s23 =	simm.s32 $0x1DEA0;
	s9 =	sshrl.u32 s0, $0x3;
	s15 =	rddreg [dreg:$0x4]  }
0x21b: {  	[tilespmem:s23], [sflag:$0x1] =	stream.indirect.gather [spmem:s14], $0x10, s30, s24, $0xb8;
	[tilespmem:$0x1F6A0] =	vst v63  }
0x21c: {  	s21 =	smov.u32 s1;
	s9 =	sadd.s32 s25, s9;
	s30 =	rddreg [dreg:$0x9]  }
0x21d: {  	s26 =	sshll.u32 s9, $0x11;
	s11 =	simm.s32 $0x1E6A0;
	s9 =	sadd.s32 s31, s30  }
0x21e: {  	[tilespmem:s11], [sflag:$0x1] =	stream.indirect.gather [spmem:s15], $0x10, s12, s24, $0xb8;
	[tilespmem:$0x1F6A0] =	vst v63  }
0x21f: {  	s1 =	simm.s32 $0x1AEA0;
	s5 =	sadd.s32 s5, s9;
	s15 =	simm.s32 $0x10  }
0x220: {  	[tilespmem:s1], [sflag:$0x3] =	stream.strided.gather [hbm4b:s5+s15], $0x2000, s24, s15, $0x38;
	[tilespmem:$0x1F6A0] =	vst v63  }
0x221: {  	_ =	swait.ge [sflag:s4], $0x800  }
0x222: {  	[sflag:s4] =	ssyncset.done $0x0  }
0x223: {  	[sflag:s4] =	ssyncadd.s32 $0xFFFFF800  }
0x224: {  	_ =	swait.ge [sflag:s4], $0x800  }
0x225: {  	[sflag:s4] =	ssyncset.done $0x0  }
0x226: {  	[sflag:s4] =	ssyncadd.s32 $0xFFFFF800  }
0x227: {  	_ =	swait.ge [sflag:s4], $0x800  }
0x228: {  	[sflag:s4] =	ssyncset.done $0x0  }
0x229: {  	[sflag:s4] =	ssyncadd.s32 $0xFFFFF800  }
0x22a: {  	_ =	swait.ge [sflag:s4], $0x800  }
0x22b: {  	[sflag:s4] =	ssyncset.done $0x0  }
0x22c: {  	[sflag:s4] =	ssyncadd.s32 $0xFFFFF800  }
0x22d: {  	_ =	swait.ge [sflag:s19], $0x2000  }
0x22e: {  	s28 =	sshll.u32 s22, $0x7;
	[sflag:s19] =	ssyncset.done $0x0  }
0x22f: {  	s31 =	sand.u32 $0x3FFFFE00, s28;
	[sflag:s19] =	ssyncadd.s32 $0xFFFFE000  }
0x230: {  	s6 =	smov.u32 s20;
	s5 =	sadd.s32 $0x18AA0, s31;
	[bflag:$0x0] =	sbarrier.arrive $0xFFFF  }
0x231: {  	[spmem:s3] =	stream.indirect.scatter.add.f32 [tilespmem:s1], [sflag:$0x1], $0x10, s5, s24, $0xb8;
	[tilespmem:$0x1F6A0] =	vst v63  }
0x232: {  	s18 =	smov.u32 s6;
	s28 =	simm.s32 $0x1B6A0;
	s6 =	sadd.s32 $0x18B20, s31  }
0x233: {  	[spmem:s3] =	stream.indirect.scatter.add.f32 [tilespmem:s28], [sflag:$0x1], $0x10, s6, s24, $0xb8;
	[tilespmem:$0x1F6A0] =	vst v63  }
0x234: {  	s9 =	sadd.s32 $0x18BA0, s31;
	s3 =	simm.s32 $0x1BEA0  }
0x235: {  	[spmem:s2] =	stream.indirect.scatter.add.f32 [tilespmem:s3], [sflag:$0x1], $0x10, s9, s24, $0xb8;
	[tilespmem:$0x1F6A0] =	vst v63  }
0x236: {  	s28 =	sadd.s32 $0x18C20, s31;
	s31 =	simm.s32 $0x1C6A0  }
0x237: {  	[spmem:s2] =	stream.indirect.scatter.add.f32 [tilespmem:s31], [sflag:$0x1], $0x10, s28, s24, $0xb8;
	[tilespmem:$0x1F6A0] =	vst v63  }
0x238: {  	s14 =	rddreg [dreg:$0x4];
	s31 =	simm.s32 $0x1EEA0  }
0x239: {  	[spmem:s14] =	stream.indirect.scatter [tilespmem:s31], [sflag:$0x2], $0x10, s5, s24, $0xb8;
	[tilespmem:$0x1F6A0] =	vst v63  }
0x23a: {  	s14 =	rddreg [dreg:$0x4]  }
0x23b: {  	[spmem:s14] =	stream.indirect.scatter [tilespmem:s31], [sflag:$0x2], $0x10, s6, s24, $0xb8;
	[tilespmem:$0x1F6A0] =	vst v63  }
0x23c: {  	s12 =	sshll.u32 s29, $0x11;
	s29 =	rddreg [dreg:$0x4]  }
0x23d: {  	[spmem:s29] =	stream.indirect.scatter [tilespmem:s31], [sflag:$0x2], $0x10, s9, s24, $0xb8;
	[tilespmem:$0x1F6A0] =	vst v63  }
0x23e: {  	s14 =	sadd.s32 $0xFFFFFFFA, s21;
	s29 =	rddreg [dreg:$0x8]  }
0x23f: {  	s14 =	sand.u32 $0xC, s14;
	s12 =	sor.u32 s29, s12;
	s29 =	rddreg [dreg:$0x7]  }
0x240: {  	s14 =	sadd.s32 s29, s14;
	s29 =	rddreg [dreg:$0x4]  }
0x241: {  	[spmem:s29] =	stream.indirect.scatter [tilespmem:s31], [sflag:$0x2], $0x10, s28, s24, $0xb8;
	[tilespmem:$0x1F6A0] =	vst v63  }
0x242: {  	s29 =	sadd.s32 s12, s14  }
0x243: {  	[hbm4b:s29+s15] =	stream.strided.scatter [tilespmem:s8], [sflag:$0x3], $0x2000, s24, s15, $0x38;
	[tilespmem:$0x1F6A0] =	vst v63  }
0x244: {  	_ =	swait.ge [sflag:s13], $0x800  }
0x245: {  	[sflag:s13] =	ssyncset.done $0x0  }
0x246: {  	[sflag:s13] =	ssyncadd.s32 $0xFFFFF800  }
0x247: {  	_ =	swait.ge [sflag:s13], $0x800  }
0x248: {  	[sflag:s13] =	ssyncset.done $0x0  }
0x249: {  	[sflag:s13] =	ssyncadd.s32 $0xFFFFF800  }
0x24a: {  	_ =	swait.ge [sflag:s13], $0x800  }
0x24b: {  	[sflag:s13] =	ssyncset.done $0x0  }
0x24c: {  	[sflag:s13] =	ssyncadd.s32 $0xFFFFF800  }
0x24d: {  	_ =	swait.ge [sflag:s13], $0x800  }
0x24e: {  	[sflag:s13] =	ssyncset.done $0x0  }
0x24f: {  	[sflag:s13] =	ssyncadd.s32 $0xFFFFF800  }
0x250: {  	_ =	swait.ge [sflag:s19], $0x2000  }
0x251: {  	[sflag:s19] =	ssyncset.done $0x0  }
0x252: {  	[sflag:s19] =	ssyncadd.s32 $0xFFFFE000  }
0x253: {  	_ =	swait.ge [sflag:s4], $0x800  }
0x254: {  	[sflag:s4] =	ssyncset.done $0x0  }
0x255: {  	[sflag:s4] =	ssyncadd.s32 $0xFFFFF800  }
0x256: {  	_ =	swait.ge [sflag:s4], $0x800  }
0x257: {  	[sflag:s4] =	ssyncset.done $0x0  }
0x258: {  	[sflag:s4] =	ssyncadd.s32 $0xFFFFF800  }
0x259: {  	_ =	swait.ge [sflag:s4], $0x800  }
0x25a: {  	[sflag:s4] =	ssyncset.done $0x0  }
0x25b: {  	[sflag:s4] =	ssyncadd.s32 $0xFFFFF800  }
0x25c: {  	_ =	swait.ge [sflag:s4], $0x800  }
0x25d: {  	[sflag:s4] =	ssyncset.done $0x0  }
0x25e: {  	[sflag:s4] =	ssyncadd.s32 $0xFFFFF800  }
0x25f: {  	[bflag:$0x0] =	sbarrier.arrive $0xFFFF  }
0x260: {  	[tilespmem:s8], [sflag:$0x1] =	stream.indirect.gather [spmem:s2], $0x10, s5, s24, $0xb8;
	[tilespmem:$0x1F6A0] =	vst v63  }
0x261: {  	s14 =	sadd.s32 $0xFFFFFFFE, s21  }
0x262: {  	[tilespmem:s7], [sflag:$0x1] =	stream.indirect.gather [spmem:s2], $0x10, s6, s24, $0xb8;
	[tilespmem:$0x1F6A0] =	vst v63  }
0x263: {  	s12 =	sand.u32 $0xC, s14  }
0x264: {  	[tilespmem:s23], [sflag:$0x1] =	stream.indirect.gather [spmem:s2], $0x10, s9, s24, $0xb8;
	[tilespmem:$0x1F6A0] =	vst v63  }
0x265: {  	s12 =	sadd.s32 s12, s30  }
0x266: {  	[tilespmem:s11], [sflag:$0x1] =	stream.indirect.gather [spmem:s2], $0x10, s28, s24, $0xb8;
	[tilespmem:$0x1F6A0] =	vst v63  }
0x267: {  	s12 =	sadd.s32 s26, s12  }
0x268: {  	[tilespmem:s1], [sflag:$0x3] =	stream.strided.gather [hbm4b:s12+s15], $0x2000, s24, s15, $0x38;
	[tilespmem:$0x1F6A0] =	vst v63  }
0x269: {  	s26 =	simm.s32 $0x40;
	s23 =	rddreg [dreg:$0x1];
	s11 =	simm.s32 $0x18EA0  }
0x26a: {  	[tilespmem:s11], [sflag:$0x2] =	stream.indirect.gather [hbm4b:s23+s26], $0x80, s10, s26, $0xb8;
	[tilespmem:$0x1F6A0] =	vst v63  }
0x26b: {  	_ =	swait.ge [sflag:s13], $0x2000  }
0x26c: {  	s17 =	sadd.s32 $0x800, s17;
	[sflag:s13] =	ssyncset.done $0x0  }
0x26d: {  	s7 =	simm.s32 $0x0;
	s12 =	sadd.s32 $0xFFFFFC00, s17;
	[sflag:s13] =	ssyncadd.s32 $0xFFFFE000  }
0x26e: {  	[hbm4b:s12+s7] =	stream.linear.scatter [tilespmem:s11], [sflag:$0x2], $0x2000, $0x38;
	[tilespmem:$0x1F6A0] =	vst v63  }
0x26f: {  	_ =	swait.ge [sflag:s13], $0x2000  }
0x270: {  	[sflag:s13] =	ssyncset.done $0x0  }
0x271: {  	s14 =	sadd.s32 $0x40, s10;
	[sflag:s13] =	ssyncadd.s32 $0xFFFFE000  }
0x272: {  	[tilespmem:s11], [sflag:$0x2] =	stream.indirect.gather [hbm4b:s23+s26], $0x80, s14, s26, $0xb8;
	[tilespmem:$0x1F6A0] =	vst v63  }
0x273: {  	_ =	swait.ge [sflag:s13], $0x2000  }
0x274: {  	[sflag:s13] =	ssyncset.done $0x0  }
0x275: {  	[sflag:s13] =	ssyncadd.s32 $0xFFFFE000  }
0x276: {  	[hbm4b:s17+s7] =	stream.linear.scatter [tilespmem:s11], [sflag:$0x2], $0x2000, $0x38;
	[tilespmem:$0x1F6A0] =	vst v63  }
0x277: {  	s7 =	rddreg [dreg:$0x4];
	_ =	swait.ge [sflag:s13], $0x2000  }
0x278: {  	[sflag:s13] =	ssyncset.done $0x0  }
0x279: {  	[sflag:s13] =	ssyncadd.s32 $0xFFFFE000  }
0x27a: {  	_ =	swait.ge [sflag:s4], $0x800  }
0x27b: {  	[sflag:s4] =	ssyncset.done $0x0  }
0x27c: {  	[sflag:s4] =	ssyncadd.s32 $0xFFFFF800  }
0x27d: {  	_ =	swait.ge [sflag:s4], $0x800  }
0x27e: {  	[sflag:s4] =	ssyncset.done $0x0  }
0x27f: {  	[sflag:s4] =	ssyncadd.s32 $0xFFFFF800  }
0x280: {  	_ =	swait.ge [sflag:s4], $0x800  }
0x281: {  	[sflag:s4] =	ssyncset.done $0x0  }
0x282: {  	[sflag:s4] =	ssyncadd.s32 $0xFFFFF800  }
0x283: {  	_ =	swait.ge [sflag:s4], $0x800  }
0x284: {  	[sflag:s4] =	ssyncset.done $0x0  }
0x285: {  	[sflag:s4] =	ssyncadd.s32 $0xFFFFF800  }
0x286: {  	_ =	swait.ge [sflag:s19], $0x2000  }
0x287: {  	s0 =	sshll.u32 s0, $0x6;
	[sflag:s19] =	ssyncset.done $0x0  }
0x288: {  	s0 =	sand.u32 $0x3FFFFE00, s0;
	[sflag:s19] =	ssyncadd.s32 $0xFFFFE000  }
0x289: {  	s14 =	sadd.s32 $0x18AA0, s0;
	[bflag:$0x0] =	sbarrier.arrive $0xFFFF  }
0x28a: {  	[spmem:s7] =	stream.indirect.scatter.add.f32 [tilespmem:s1], [sflag:$0x1], $0x10, s14, s24, $0xb8;
	[tilespmem:$0x1F6A0] =	vst v63  }
0x28b: {  	s12 =	simm.s32 $0x1B6A0;
	s26 =	sadd.s32 $0x18B20, s0  }
0x28c: {  	[spmem:s7] =	stream.indirect.scatter.add.f32 [tilespmem:s12], [sflag:$0x1], $0x10, s26, s24, $0xb8;
	[tilespmem:$0x1F6A0] =	vst v63  }
0x28d: {  	s30 =	sadd.s32 $0x18BA0, s0  }
0x28e: {  	[spmem:s7] =	stream.indirect.scatter.add.f32 [tilespmem:s3], [sflag:$0x1], $0x10, s30, s24, $0xb8;
	[tilespmem:$0x1F6A0] =	vst v63  }
0x28f: {  	s1 =	smov.u32 s18;
	s18 =	simm.s32 $0x1C6A0;
	s12 =	sadd.s32 $0x18C20, s0  }
0x290: {  	[spmem:s7] =	stream.indirect.scatter.add.f32 [tilespmem:s18], [sflag:$0x1], $0x10, s12, s24, $0xb8;
	[tilespmem:$0x1F6A0] =	vst v63  }
0x291: {  	_ = 	snop  }
0x292: {  	[spmem:s2] =	stream.indirect.scatter [tilespmem:s31], [sflag:$0x2], $0x10, s5, s24, $0xb8;
	[tilespmem:$0x1F6A0] =	vst v63  }
0x293: {  	_ = 	snop  }
0x294: {  	[spmem:s2] =	stream.indirect.scatter [tilespmem:s31], [sflag:$0x2], $0x10, s6, s24, $0xb8;
	[tilespmem:$0x1F6A0] =	vst v63  }
0x295: {  	_ = 	snop  }
0x296: {  	[spmem:s2] =	stream.indirect.scatter [tilespmem:s31], [sflag:$0x2], $0x10, s9, s24, $0xb8;
	[tilespmem:$0x1F6A0] =	vst v63  }
0x297: {  	_ = 	snop  }
0x298: {  	[spmem:s2] =	stream.indirect.scatter [tilespmem:s31], [sflag:$0x2], $0x10, s28, s24, $0xb8;
	[tilespmem:$0x1F6A0] =	vst v63  }
0x299: {  	s23 =	sadd.s32 $0x2, s29  }
0x29a: {  	[hbm4b:s23+s15] =	stream.strided.scatter [tilespmem:s8], [sflag:$0x3], $0x2000, s24, s15, $0x38;
	[tilespmem:$0x1F6A0] =	vst v63  }
0x29b: {  	_ =	swait.ge [sflag:s13], $0x800  }
0x29c: {  	[sflag:s13] =	ssyncset.done $0x0  }
0x29d: {  	[sflag:s13] =	ssyncadd.s32 $0xFFFFF800  }
0x29e: {  	_ =	swait.ge [sflag:s13], $0x800  }
0x29f: {  	[sflag:s13] =	ssyncset.done $0x0  }
0x2a0: {  	[sflag:s13] =	ssyncadd.s32 $0xFFFFF800  }
0x2a1: {  	_ =	swait.ge [sflag:s13], $0x800  }
0x2a2: {  	[sflag:s13] =	ssyncset.done $0x0  }
0x2a3: {  	[sflag:s13] =	ssyncadd.s32 $0xFFFFF800  }
0x2a4: {  	_ =	swait.ge [sflag:s13], $0x800  }
0x2a5: {  	[sflag:s13] =	ssyncset.done $0x0  }
0x2a6: {  	[sflag:s13] =	ssyncadd.s32 $0xFFFFF800  }
0x2a7: {  	_ =	swait.ge [sflag:s19], $0x2000  }
0x2a8: {  	[sflag:s19] =	ssyncset.done $0x0  }
0x2a9: {  	[sflag:s19] =	ssyncadd.s32 $0xFFFFE000  }
0x2aa: {  	_ =	swait.ge [sflag:s4], $0x800  }
0x2ab: {  	[sflag:s4] =	ssyncset.done $0x0  }
0x2ac: {  	p0 =	sne.s32 s20, $0x1E;
	[sflag:s4] =	ssyncadd.s32 $0xFFFFF800  }
.Ltmp1:
0x2ad: {  	s20 =	sadd.s32 $0x4, s20;
	_ =	swait.ge [sflag:s4], $0x800;
	(pc) =	sbr.rel @p0 .LBB2_4-.Ltmp1, $4  }
0x2ae: {  	s22 =	sadd.s32 $0x1, s22;
	s10 =	sadd.s32 $0x80, s10;
	[sflag:s4] =	ssyncset.done $0x0  }
0x2af: {  	s3 =	smov.u32 s2;
	s28 =	rddreg [dreg:$0xb];
	[sflag:s4] =	ssyncadd.s32 $0xFFFFF800  }
0x2b0: {  	s31 =	sshrl.u32 s22, $0x2;
	s0 =	sadd.s32 s25, s28;
	_ =	swait.ge [sflag:s4], $0x800  }
0x2b1: {  	s29 =	sadd.s32 s25, s31;
	s5 =	sshll.u32 s0, $0x11;
	[sflag:s4] =	ssyncset.done $0x0  }
0x2b2: {  	[sflag:s4] =	ssyncadd.s32 $0xFFFFF800  }
0x2b3: {  	_ =	swait.ge [sflag:s4], $0x800  }
0x2b4: {  	[sflag:s4] =	ssyncset.done $0x0  }
0x2b5: {  	[sflag:s4] =	ssyncadd.s32 $0xFFFFF800  }
0x2b6: {  	s23 =	simm.s32 $0x1CEA0;
	[bflag:$0x0] =	sbarrier.arrive $0xFFFF  }
0x2b7: {  	[tilespmem:s23], [sflag:$0x1] =	stream.indirect.gather [spmem:s7], $0x10, s14, s24, $0xb8;
	[tilespmem:$0x1F6A0] =	vst v63  }
0x2b8: {  	s0 =	simm.s32 $0x1D6A0  }
0x2b9: {  	[tilespmem:s0], [sflag:$0x1] =	stream.indirect.gather [spmem:s7], $0x10, s26, s24, $0xb8;
	[tilespmem:$0x1F6A0] =	vst v63  }
0x2ba: {  	s25 =	sand.u32 $0xE, s21;
	s6 =	simm.s32 $0x1DEA0;
	s26 =	rddreg [dreg:$0x9]  }
0x2bb: {  	[tilespmem:s6], [sflag:$0x1] =	stream.indirect.gather [spmem:s7], $0x10, s30, s24, $0xb8;
	[tilespmem:$0x1F6A0] =	vst v63  }
0x2bc: {  	s31 =	simm.s32 $0x1E6A0;
	s0 =	sadd.s32 s25, s26  }
0x2bd: {  	[tilespmem:s31], [sflag:$0x1] =	stream.indirect.gather [spmem:s7], $0x10, s12, s24, $0xb8;
	[tilespmem:$0x1F6A0] =	vst v63  }
0x2be: {  	s21 =	simm.s32 $0x1AEA0;
	s25 =	simm.s32 $0x10;
	s0 =	sadd.s32 s5, s0  }
0x2bf: {  	[tilespmem:s21], [sflag:$0x3] =	stream.strided.gather [hbm4b:s0+s25], $0x2000, s24, s25, $0x38;
	[tilespmem:$0x1F6A0] =	vst v63  }
0x2c0: {  	_ =	swait.ge [sflag:s4], $0x800  }
0x2c1: {  	[sflag:s4] =	ssyncset.done $0x0  }
0x2c2: {  	[sflag:s4] =	ssyncadd.s32 $0xFFFFF800  }
0x2c3: {  	_ =	swait.ge [sflag:s4], $0x800  }
0x2c4: {  	[sflag:s4] =	ssyncset.done $0x0  }
0x2c5: {  	[sflag:s4] =	ssyncadd.s32 $0xFFFFF800  }
0x2c6: {  	_ =	swait.ge [sflag:s4], $0x800  }
0x2c7: {  	[sflag:s4] =	ssyncset.done $0x0  }
0x2c8: {  	[sflag:s4] =	ssyncadd.s32 $0xFFFFF800  }
0x2c9: {  	_ =	swait.ge [sflag:s4], $0x800  }
0x2ca: {  	[sflag:s4] =	ssyncset.done $0x0  }
0x2cb: {  	[sflag:s4] =	ssyncadd.s32 $0xFFFFF800  }
0x2cc: {  	_ =	swait.ge [sflag:s19], $0x2000  }
0x2cd: {  	s8 =	sshll.u32 s22, $0x7;
	[sflag:s19] =	ssyncset.done $0x0  }
0x2ce: {  	s9 =	sand.u32 $0x3FFFFE00, s8;
	[sflag:s19] =	ssyncadd.s32 $0xFFFFE000  }
0x2cf: {  	s8 =	sadd.s32 $0x18AA0, s9;
	[bflag:$0x0] =	sbarrier.arrive $0xFFFF  }
0x2d0: {  	[spmem:s3] =	stream.indirect.scatter.add.f32 [tilespmem:s21], [sflag:$0x1], $0x10, s8, s24, $0xb8;
	[tilespmem:$0x1F6A0] =	vst v63  }
0x2d1: {  	s12 =	simm.s32 $0x1B6A0;
	s0 =	sadd.s32 $0x18B20, s9  }
0x2d2: {  	[spmem:s3] =	stream.indirect.scatter.add.f32 [tilespmem:s12], [sflag:$0x1], $0x10, s0, s24, $0xb8;
	[tilespmem:$0x1F6A0] =	vst v63  }
0x2d3: {  	s14 =	simm.s32 $0x1BEA0;
	s5 =	sadd.s32 $0x18BA0, s9  }
0x2d4: {  	[spmem:s2] =	stream.indirect.scatter.add.f32 [tilespmem:s14], [sflag:$0x1], $0x10, s5, s24, $0xb8;
	[tilespmem:$0x1F6A0] =	vst v63  }
0x2d5: {  	s18 =	simm.s32 $0x1C6A0;
	s6 =	sadd.s32 $0x18C20, s9  }
0x2d6: {  	[spmem:s2] =	stream.indirect.scatter.add.f32 [tilespmem:s18], [sflag:$0x1], $0x10, s6, s24, $0xb8;
	[tilespmem:$0x1F6A0] =	vst v63  }
0x2d7: {  	s31 =	simm.s32 $0x1EEA0  }
0x2d8: {  	[spmem:s7] =	stream.indirect.scatter [tilespmem:s31], [sflag:$0x2], $0x10, s8, s24, $0xb8;
	[tilespmem:$0x1F6A0] =	vst v63  }
0x2d9: {  	s9 =	sadd.s32 $0xFFFFFFFA, s1;
	s22 =	rddreg [dreg:$0x8]  }
0x2da: {  	[spmem:s7] =	stream.indirect.scatter [tilespmem:s31], [sflag:$0x2], $0x10, s0, s24, $0xb8;
	[tilespmem:$0x1F6A0] =	vst v63  }
0x2db: {  	s20 =	sshll.u32 s29, $0x11;
	s9 =	sand.u32 $0xC, s9;
	s30 =	rddreg [dreg:$0x7]  }
0x2dc: {  	[spmem:s7] =	stream.indirect.scatter [tilespmem:s31], [sflag:$0x2], $0x10, s5, s24, $0xb8;
	[tilespmem:$0x1F6A0] =	vst v63  }
0x2dd: {  	s9 =	sadd.s32 s30, s9;
	s12 =	sor.u32 s22, s20  }
0x2de: {  	[spmem:s7] =	stream.indirect.scatter [tilespmem:s31], [sflag:$0x2], $0x10, s6, s24, $0xb8;
	[tilespmem:$0x1F6A0] =	vst v63  }
0x2df: {  	s12 =	sadd.s32 s12, s9  }
0x2e0: {  	[hbm4b:s12+s25] =	stream.strided.scatter [tilespmem:s23], [sflag:$0x3], $0x2000, s24, s25, $0x38;
	[tilespmem:$0x1F6A0] =	vst v63  }
0x2e1: {  	_ =	swait.ge [sflag:s13], $0x800  }
0x2e2: {  	[sflag:s13] =	ssyncset.done $0x0  }
0x2e3: {  	[sflag:s13] =	ssyncadd.s32 $0xFFFFF800  }
0x2e4: {  	_ =	swait.ge [sflag:s13], $0x800  }
0x2e5: {  	[sflag:s13] =	ssyncset.done $0x0  }
0x2e6: {  	[sflag:s13] =	ssyncadd.s32 $0xFFFFF800  }
0x2e7: {  	_ =	swait.ge [sflag:s13], $0x800  }
0x2e8: {  	[sflag:s13] =	ssyncset.done $0x0  }
0x2e9: {  	[sflag:s13] =	ssyncadd.s32 $0xFFFFF800  }
0x2ea: {  	_ =	swait.ge [sflag:s13], $0x800  }
0x2eb: {  	[sflag:s13] =	ssyncset.done $0x0  }
0x2ec: {  	[sflag:s13] =	ssyncadd.s32 $0xFFFFF800  }
0x2ed: {  	_ =	swait.ge [sflag:s19], $0x2000  }
0x2ee: {  	[sflag:s19] =	ssyncset.done $0x0  }
0x2ef: {  	[sflag:s19] =	ssyncadd.s32 $0xFFFFE000  }
0x2f0: {  	_ =	swait.ge [sflag:s4], $0x800  }
0x2f1: {  	[sflag:s4] =	ssyncset.done $0x0  }
0x2f2: {  	[sflag:s4] =	ssyncadd.s32 $0xFFFFF800  }
0x2f3: {  	_ =	swait.ge [sflag:s4], $0x800  }
0x2f4: {  	[sflag:s4] =	ssyncset.done $0x0  }
0x2f5: {  	[sflag:s4] =	ssyncadd.s32 $0xFFFFF800  }
0x2f6: {  	_ =	swait.ge [sflag:s4], $0x800  }
0x2f7: {  	[sflag:s4] =	ssyncset.done $0x0  }
0x2f8: {  	[sflag:s4] =	ssyncadd.s32 $0xFFFFF800  }
0x2f9: {  	_ =	swait.ge [sflag:s4], $0x800  }
0x2fa: {  	[sflag:s4] =	ssyncset.done $0x0  }
0x2fb: {  	s9 =	sadd.s32 $0x2, s16;
	[sflag:s4] =	ssyncadd.s32 $0xFFFFF800  }
0x2fc: {  	s15 =	simm.s32 $0x1D6A0;
	s14 =	sadd.s32 $0xFFFFFFFF, s9;
	[bflag:$0x0] =	sbarrier.arrive $0xFFFF  }
0x2fd: {  	[tilespmem:s23], [sflag:$0x1] =	stream.indirect.gather [spmem:s2], $0x10, s8, s24, $0xb8;
	[tilespmem:$0x1F6A0] =	vst v63  }
0x2fe: {  	s20 =	sadd.s32 $0xFFFFFFFE, s1;
	s3 =	sshrl.u32 s14, $0x3;
	s18 =	rddreg [dreg:$0xa]  }
0x2ff: {  	[tilespmem:s15], [sflag:$0x1] =	stream.indirect.gather [spmem:s2], $0x10, s0, s24, $0xb8;
	[tilespmem:$0x1F6A0] =	vst v63  }
0x300: {  	s28 =	simm.s32 $0x1DEA0;
	s20 =	sand.u32 $0xC, s20;
	s16 =	sadd.s32 s18, s3  }
0x301: {  	[tilespmem:s28], [sflag:$0x1] =	stream.indirect.gather [spmem:s2], $0x10, s5, s24, $0xb8;
	[tilespmem:$0x1F6A0] =	vst v63  }
0x302: {  	s11 =	simm.s32 $0x1E6A0;
	s20 =	sadd.s32 s20, s26;
	s16 =	sshll.u32 s16, $0x11  }
0x303: {  	[tilespmem:s11], [sflag:$0x1] =	stream.indirect.gather [spmem:s2], $0x10, s6, s24, $0xb8;
	[tilespmem:$0x1F6A0] =	vst v63  }
0x304: {  	s16 =	sadd.s32 s16, s20  }
0x305: {  	[tilespmem:s21], [sflag:$0x3] =	stream.strided.gather [hbm4b:s16+s25], $0x2000, s24, s25, $0x38;
	[tilespmem:$0x1F6A0] =	vst v63  }
0x306: {  	s29 =	simm.s32 $0x18EA0;
	s15 =	rddreg [dreg:$0x1];
	s28 =	simm.s32 $0x40  }
0x307: {  	[tilespmem:s29], [sflag:$0x2] =	stream.indirect.gather [hbm4b:s15+s28], $0x80, s10, s28, $0xb8;
	[tilespmem:$0x1F6A0] =	vst v63  }
0x308: {  	_ =	swait.ge [sflag:s13], $0x2000  }
0x309: {  	s20 =	sadd.s32 $0x800, s17;
	[sflag:s13] =	ssyncset.done $0x0  }
0x30a: {  	s22 =	simm.s32 $0x0;
	s17 =	sadd.s32 $0xFFFFFC00, s20;
	[sflag:s13] =	ssyncadd.s32 $0xFFFFE000  }
0x30b: {  	[hbm4b:s17+s22] =	stream.linear.scatter [tilespmem:s29], [sflag:$0x2], $0x2000, $0x38;
	[tilespmem:$0x1F6A0] =	vst v63  }
0x30c: {  	_ =	swait.ge [sflag:s13], $0x2000  }
0x30d: {  	[sflag:s13] =	ssyncset.done $0x0  }
0x30e: {  	s3 =	sadd.s32 $0x40, s10;
	[sflag:s13] =	ssyncadd.s32 $0xFFFFE000  }
0x30f: {  	[tilespmem:s29], [sflag:$0x2] =	stream.indirect.gather [hbm4b:s15+s28], $0x80, s3, s28, $0xb8;
	[tilespmem:$0x1F6A0] =	vst v63  }
0x310: {  	_ =	swait.ge [sflag:s13], $0x2000  }
0x311: {  	[sflag:s13] =	ssyncset.done $0x0  }
0x312: {  	[sflag:s13] =	ssyncadd.s32 $0xFFFFE000  }
0x313: {  	[hbm4b:s20+s22] =	stream.linear.scatter [tilespmem:s29], [sflag:$0x2], $0x2000, $0x38;
	[tilespmem:$0x1F6A0] =	vst v63  }
0x314: {  	_ =	swait.ge [sflag:s13], $0x2000  }
0x315: {  	[sflag:s13] =	ssyncset.done $0x0  }
0x316: {  	[sflag:s13] =	ssyncadd.s32 $0xFFFFE000  }
0x317: {  	_ =	swait.ge [sflag:s4], $0x800  }
0x318: {  	[sflag:s4] =	ssyncset.done $0x0  }
0x319: {  	[sflag:s4] =	ssyncadd.s32 $0xFFFFF800  }
0x31a: {  	_ =	swait.ge [sflag:s4], $0x800  }
0x31b: {  	[sflag:s4] =	ssyncset.done $0x0  }
0x31c: {  	[sflag:s4] =	ssyncadd.s32 $0xFFFFF800  }
0x31d: {  	_ =	swait.ge [sflag:s4], $0x800  }
0x31e: {  	[sflag:s4] =	ssyncset.done $0x0  }
0x31f: {  	[sflag:s4] =	ssyncadd.s32 $0xFFFFF800  }
0x320: {  	_ =	swait.ge [sflag:s4], $0x800  }
0x321: {  	[sflag:s4] =	ssyncset.done $0x0  }
0x322: {  	[sflag:s4] =	ssyncadd.s32 $0xFFFFF800  }
0x323: {  	_ =	swait.ge [sflag:s19], $0x2000  }
0x324: {  	s11 =	sshll.u32 s14, $0x6;
	[sflag:s19] =	ssyncset.done $0x0  }
0x325: {  	s10 =	sand.u32 $0x3FFFFE00, s11;
	[sflag:s19] =	ssyncadd.s32 $0xFFFFE000  }
0x326: {  	s14 =	sadd.s32 $0x18AA0, s10;
	[bflag:$0x0] =	sbarrier.arrive $0xFFFF  }
0x327: {  	[spmem:s7] =	stream.indirect.scatter.add.f32 [tilespmem:s21], [sflag:$0x1], $0x10, s14, s24, $0xb8;
	[tilespmem:$0x1F6A0] =	vst v63  }
0x328: {  	s16 =	sadd.s32 $0x18B20, s10;
	s20 =	simm.s32 $0x1B6A0  }
0x329: {  	[spmem:s7] =	stream.indirect.scatter.add.f32 [tilespmem:s20], [sflag:$0x1], $0x10, s16, s24, $0xb8;
	[tilespmem:$0x1F6A0] =	vst v63  }
0x32a: {  	s17 =	sadd.s32 $0x18BA0, s10;
	s3 =	simm.s32 $0x1BEA0  }
0x32b: {  	[spmem:s7] =	stream.indirect.scatter.add.f32 [tilespmem:s3], [sflag:$0x1], $0x10, s17, s24, $0xb8;
	[tilespmem:$0x1F6A0] =	vst v63  }
0x32c: {  	s11 =	simm.s32 $0x1C6A0;
	s10 =	sadd.s32 $0x18C20, s10  }
0x32d: {  	[spmem:s7] =	stream.indirect.scatter.add.f32 [tilespmem:s11], [sflag:$0x1], $0x10, s10, s24, $0xb8;
	[tilespmem:$0x1F6A0] =	vst v63  }
0x32e: {  	_ = 	snop  }
0x32f: {  	[spmem:s2] =	stream.indirect.scatter [tilespmem:s31], [sflag:$0x2], $0x10, s8, s24, $0xb8;
	[tilespmem:$0x1F6A0] =	vst v63  }
0x330: {  	_ = 	snop  }
0x331: {  	[spmem:s2] =	stream.indirect.scatter [tilespmem:s31], [sflag:$0x2], $0x10, s0, s24, $0xb8;
	[tilespmem:$0x1F6A0] =	vst v63  }
0x332: {  	_ = 	snop  }
0x333: {  	[spmem:s2] =	stream.indirect.scatter [tilespmem:s31], [sflag:$0x2], $0x10, s5, s24, $0xb8;
	[tilespmem:$0x1F6A0] =	vst v63  }
0x334: {  	_ = 	snop  }
0x335: {  	[spmem:s2] =	stream.indirect.scatter [tilespmem:s31], [sflag:$0x2], $0x10, s6, s24, $0xb8;
	[tilespmem:$0x1F6A0] =	vst v63  }
0x336: {  	s12 =	sadd.s32 $0x2, s12  }
0x337: {  	[hbm4b:s12+s25] =	stream.strided.scatter [tilespmem:s23], [sflag:$0x3], $0x2000, s24, s25, $0x38;
	[tilespmem:$0x1F6A0] =	vst v63  }
0x338: {  	_ =	swait.ge [sflag:s13], $0x800  }
0x339: {  	[sflag:s13] =	ssyncset.done $0x0  }
0x33a: {  	[sflag:s13] =	ssyncadd.s32 $0xFFFFF800  }
0x33b: {  	_ =	swait.ge [sflag:s13], $0x800  }
0x33c: {  	[sflag:s13] =	ssyncset.done $0x0  }
0x33d: {  	[sflag:s13] =	ssyncadd.s32 $0xFFFFF800  }
0x33e: {  	_ =	swait.ge [sflag:s13], $0x800  }
0x33f: {  	[sflag:s13] =	ssyncset.done $0x0  }
0x340: {  	[sflag:s13] =	ssyncadd.s32 $0xFFFFF800  }
0x341: {  	_ =	swait.ge [sflag:s13], $0x800  }
0x342: {  	[sflag:s13] =	ssyncset.done $0x0  }
0x343: {  	[sflag:s13] =	ssyncadd.s32 $0xFFFFF800  }
0x344: {  	_ =	swait.ge [sflag:s19], $0x2000  }
0x345: {  	[sflag:s19] =	ssyncset.done $0x0  }
0x346: {  	[sflag:s19] =	ssyncadd.s32 $0xFFFFE000  }
0x347: {  	_ =	swait.ge [sflag:s4], $0x800  }
0x348: {  	[sflag:s4] =	ssyncset.done $0x0  }
0x349: {  	[sflag:s4] =	ssyncadd.s32 $0xFFFFF800  }
0x34a: {  	_ =	swait.ge [sflag:s4], $0x800  }
0x34b: {  	[sflag:s4] =	ssyncset.done $0x0  }
0x34c: {  	[sflag:s4] =	ssyncadd.s32 $0xFFFFF800  }
0x34d: {  	_ =	swait.ge [sflag:s4], $0x800  }
0x34e: {  	[sflag:s4] =	ssyncset.done $0x0  }
0x34f: {  	[sflag:s4] =	ssyncadd.s32 $0xFFFFF800  }
0x350: {  	_ =	swait.ge [sflag:s4], $0x800  }
0x351: {  	[sflag:s4] =	ssyncset.done $0x0  }
0x352: {  	[sflag:s4] =	ssyncadd.s32 $0xFFFFF800  }
0x353: {  	[bflag:$0x0] =	sbarrier.arrive $0xFFFF  }
0x354: {  	[tilespmem:s23], [sflag:$0x1] =	stream.indirect.gather [spmem:s7], $0x10, s14, s24, $0xb8;
	[tilespmem:$0x1F6A0] =	vst v63  }
0x355: {  	s8 =	simm.s32 $0x1D6A0  }
0x356: {  	[tilespmem:s8], [sflag:$0x1] =	stream.indirect.gather [spmem:s7], $0x10, s16, s24, $0xb8;
	[tilespmem:$0x1F6A0] =	vst v63  }
0x357: {  	s12 =	simm.s32 $0x1DEA0;
	s16 =	sshrl.u32 s9, $0x3  }
0x358: {  	[tilespmem:s12], [sflag:$0x1] =	stream.indirect.gather [spmem:s7], $0x10, s17, s24, $0xb8;
	[tilespmem:$0x1F6A0] =	vst v63  }
0x359: {  	s0 =	sadd.s32 s18, s16;
	s17 =	sand.u32 $0xE, s1  }
0x35a: {  	s14 =	simm.s32 $0x1E6A0;
	s0 =	sshll.u32 s0, $0x11;
	s1 =	sadd.s32 s17, s26  }
0x35b: {  	[tilespmem:s14], [sflag:$0x1] =	stream.indirect.gather [spmem:s7], $0x10, s10, s24, $0xb8;
	[tilespmem:$0x1F6A0] =	vst v63  }
0x35c: {  	s0 =	sadd.s32 s0, s1  }
0x35d: {  	[tilespmem:s21], [sflag:$0x3] =	stream.strided.gather [hbm4b:s0+s25], $0x2000, s24, s25, $0x38;
	[tilespmem:$0x1F6A0] =	vst v63  }
0x35e: {  	_ =	swait.ge [sflag:s4], $0x800  }
0x35f: {  	[sflag:s4] =	ssyncset.done $0x0  }
0x360: {  	[sflag:s4] =	ssyncadd.s32 $0xFFFFF800  }
0x361: {  	_ =	swait.ge [sflag:s4], $0x800  }
0x362: {  	[sflag:s4] =	ssyncset.done $0x0  }
0x363: {  	[sflag:s4] =	ssyncadd.s32 $0xFFFFF800  }
0x364: {  	_ =	swait.ge [sflag:s4], $0x800  }
0x365: {  	[sflag:s4] =	ssyncset.done $0x0  }
0x366: {  	[sflag:s4] =	ssyncadd.s32 $0xFFFFF800  }
0x367: {  	_ =	swait.ge [sflag:s4], $0x800  }
0x368: {  	[sflag:s4] =	ssyncset.done $0x0  }
0x369: {  	[sflag:s4] =	ssyncadd.s32 $0xFFFFF800  }
0x36a: {  	_ =	swait.ge [sflag:s19], $0x2000  }
0x36b: {  	[sflag:s19] =	ssyncset.done $0x0  }
0x36c: {  	[sflag:s19] =	ssyncadd.s32 $0xFFFFE000  }
0x36d: {  	s10 =	simm.s32 $0x18CA0;
	[bflag:$0x0] =	sbarrier.arrive $0xFFFF  }
0x36e: {  	[spmem:s2] =	stream.indirect.scatter.add.f32 [tilespmem:s21], [sflag:$0x1], $0x10, s10, s24, $0xb8;
	[tilespmem:$0x1F6A0] =	vst v63  }
0x36f: {  	s5 =	simm.s32 $0x18D20  }
0x370: {  	[spmem:s2] =	stream.indirect.scatter.add.f32 [tilespmem:s20], [sflag:$0x1], $0x10, s5, s24, $0xb8;
	[tilespmem:$0x1F6A0] =	vst v63  }
0x371: {  	s6 =	simm.s32 $0x18DA0  }
0x372: {  	[spmem:s2] =	stream.indirect.scatter.add.f32 [tilespmem:s3], [sflag:$0x1], $0x10, s6, s24, $0xb8;
	[tilespmem:$0x1F6A0] =	vst v63  }
0x373: {  	s9 =	simm.s32 $0x18E20  }
0x374: {  	[spmem:s2] =	stream.indirect.scatter.add.f32 [tilespmem:s11], [sflag:$0x1], $0x10, s9, s24, $0xb8;
	[tilespmem:$0x1F6A0] =	vst v63  }
0x375: {  	_ = 	snop  }
0x376: {  	[spmem:s7] =	stream.indirect.scatter [tilespmem:s31], [sflag:$0x2], $0x10, s10, s24, $0xb8;
	[tilespmem:$0x1F6A0] =	vst v63  }
0x377: {  	_ = 	snop  }
0x378: {  	[spmem:s7] =	stream.indirect.scatter [tilespmem:s31], [sflag:$0x2], $0x10, s5, s24, $0xb8;
	[tilespmem:$0x1F6A0] =	vst v63  }
0x379: {  	_ = 	snop  }
0x37a: {  	[spmem:s7] =	stream.indirect.scatter [tilespmem:s31], [sflag:$0x2], $0x10, s6, s24, $0xb8;
	[tilespmem:$0x1F6A0] =	vst v63  }
0x37b: {  	s11 =	sld [smem:$0x7F7]  }
0x37c: {  	[spmem:s7] =	stream.indirect.scatter [tilespmem:s31], [sflag:$0x2], $0x10, s9, s24, $0xb8;
	[tilespmem:$0x1F6A0] =	vst v63  }
0x37d: {  	_ = 	snop  }
0x37e: {  	[hbm4b:s11+s25] =	stream.strided.scatter [tilespmem:s23], [sflag:$0x3], $0x2000, s24, s25, $0x38;
	[tilespmem:$0x1F6A0] =	vst v63  }
0x37f: {  	_ =	swait.ge [sflag:s13], $0x800  }
0x380: {  	[sflag:s13] =	ssyncset.done $0x0  }
0x381: {  	[sflag:s13] =	ssyncadd.s32 $0xFFFFF800  }
0x382: {  	_ =	swait.ge [sflag:s13], $0x800  }
0x383: {  	[sflag:s13] =	ssyncset.done $0x0  }
0x384: {  	[sflag:s13] =	ssyncadd.s32 $0xFFFFF800  }
0x385: {  	_ =	swait.ge [sflag:s13], $0x800  }
0x386: {  	[sflag:s13] =	ssyncset.done $0x0  }
0x387: {  	[sflag:s13] =	ssyncadd.s32 $0xFFFFF800  }
0x388: {  	_ =	swait.ge [sflag:s13], $0x800  }
0x389: {  	[sflag:s13] =	ssyncset.done $0x0  }
0x38a: {  	[sflag:s13] =	ssyncadd.s32 $0xFFFFF800  }
0x38b: {  	_ =	swait.ge [sflag:s19], $0x2000  }
0x38c: {  	[sflag:s19] =	ssyncset.done $0x0  }
0x38d: {  	[sflag:s19] =	ssyncadd.s32 $0xFFFFE000  }
0x38e: {  	_ =	swait.ge [sflag:s4], $0x800  }
0x38f: {  	[sflag:s4] =	ssyncset.done $0x0  }
0x390: {  	[sflag:s4] =	ssyncadd.s32 $0xFFFFF800  }
0x391: {  	_ =	swait.ge [sflag:s4], $0x800  }
0x392: {  	[sflag:s4] =	ssyncset.done $0x0  }
0x393: {  	[sflag:s4] =	ssyncadd.s32 $0xFFFFF800  }
0x394: {  	_ =	swait.ge [sflag:s4], $0x800  }
0x395: {  	[sflag:s4] =	ssyncset.done $0x0  }
0x396: {  	[sflag:s4] =	ssyncadd.s32 $0xFFFFF800  }
0x397: {  	_ =	swait.ge [sflag:s4], $0x800  }
0x398: {  	[sflag:s4] =	ssyncset.done $0x0  }
0x399: {  	[sflag:s4] =	ssyncadd.s32 $0xFFFFF800  }
0x39a: {  	[bflag:$0x0] =	sbarrier.arrive $0xFFFF  }
0x39b: {  	[tilespmem:s23], [sflag:$0x1] =	stream.indirect.gather [spmem:s2], $0x10, s10, s24, $0xb8;
	[tilespmem:$0x1F6A0] =	vst v63  }
0x39c: {  	_ = 	snop  }
0x39d: {  	[tilespmem:s8], [sflag:$0x1] =	stream.indirect.gather [spmem:s2], $0x10, s5, s24, $0xb8;
	[tilespmem:$0x1F6A0] =	vst v63  }
0x39e: {  	_ = 	snop  }
0x39f: {  	[tilespmem:s12], [sflag:$0x1] =	stream.indirect.gather [spmem:s2], $0x10, s6, s24, $0xb8;
	[tilespmem:$0x1F6A0] =	vst v63  }
0x3a0: {  	_ = 	snop  }
0x3a1: {  	[tilespmem:s14], [sflag:$0x1] =	stream.indirect.gather [spmem:s2], $0x10, s9, s24, $0xb8;
	[tilespmem:$0x1F6A0] =	vst v63  }
0x3a2: {  	s16 =	simm.s32 $0x18A20  }
0x3a3: {  	[tilespmem:s29], [sflag:$0x2] =	stream.indirect.gather [hbm4b:s15+s28], $0x80, s16, s28, $0xb8;
	[tilespmem:$0x1F6A0] =	vst v63  }
0x3a4: {  	_ =	swait.ge [sflag:s13], $0x2000  }
0x3a5: {  	s17 =	sld [smem:$0x7F5]  }
0x3a6: {  	[sflag:s13] =	ssyncset.done $0x0  }
0x3a7: {  	[sflag:s13] =	ssyncadd.s32 $0xFFFFE000  }
0x3a8: {  	[hbm4b:s17+s22] =	stream.linear.scatter [tilespmem:s29], [sflag:$0x2], $0x2000, $0x38;
	[tilespmem:$0x1F6A0] =	vst v63  }
0x3a9: {  	_ =	swait.ge [sflag:s13], $0x2000  }
0x3aa: {  	[sflag:s13] =	ssyncset.done $0x0  }
0x3ab: {  	s20 =	simm.s32 $0x18A60;
	[sflag:s13] =	ssyncadd.s32 $0xFFFFE000  }
0x3ac: {  	[tilespmem:s29], [sflag:$0x2] =	stream.indirect.gather [hbm4b:s15+s28], $0x80, s20, s28, $0xb8;
	[tilespmem:$0x1F6A0] =	vst v63  }
0x3ad: {  	_ =	swait.ge [sflag:s13], $0x2000  }
0x3ae: {  	s21 =	sld [smem:$0x7F6]  }
0x3af: {  	[sflag:s13] =	ssyncset.done $0x0  }
0x3b0: {  	[sflag:s13] =	ssyncadd.s32 $0xFFFFE000  }
0x3b1: {  	[hbm4b:s21+s22] =	stream.linear.scatter [tilespmem:s29], [sflag:$0x2], $0x2000, $0x38;
	[tilespmem:$0x1F6A0] =	vst v63  }
0x3b2: {  	_ =	swait.ge [sflag:s13], $0x2000  }
0x3b3: {  	[sflag:s13] =	ssyncset.done $0x0  }
0x3b4: {  	[sflag:s13] =	ssyncadd.s32 $0xFFFFE000  }
0x3b5: {  	_ =	swait.ge [sflag:s4], $0x800  }
0x3b6: {  	[sflag:s4] =	ssyncset.done $0x0  }
0x3b7: {  	[sflag:s4] =	ssyncadd.s32 $0xFFFFF800  }
0x3b8: {  	_ =	swait.ge [sflag:s4], $0x800  }
0x3b9: {  	[sflag:s4] =	ssyncset.done $0x0  }
0x3ba: {  	[sflag:s4] =	ssyncadd.s32 $0xFFFFF800  }
0x3bb: {  	_ =	swait.ge [sflag:s4], $0x800  }
0x3bc: {  	[sflag:s4] =	ssyncset.done $0x0  }
0x3bd: {  	[sflag:s4] =	ssyncadd.s32 $0xFFFFF800  }
0x3be: {  	_ =	swait.ge [sflag:s4], $0x800  }
0x3bf: {  	[sflag:s4] =	ssyncset.done $0x0  }
0x3c0: {  	[sflag:s4] =	ssyncadd.s32 $0xFFFFF800  }
0x3c1: {  	[bflag:$0x0] =	sbarrier.arrive $0xFFFF  }
0x3c2: {  	s22 =	sld [smem:$0x7F8];
	_ =	sdelay $0x2  }
0x3c3: {  	[hbm4b:s22+s25] =	stream.strided.scatter [tilespmem:s23], [sflag:$0x3], $0x2000, s24, s25, $0x38;
	[tilespmem:$0x1F6A0] =	vst v63  }
0x3c4: {  	_ =	swait.ge [sflag:s19], $0x2000  }
0x3c5: {  	s26 =	sld [smem:$0x7D2]  }
0x3c6: {  	s31 =	sld [smem:$0x7FA]  }
0x3c7: {  	s3 =	smov.u32 s2  }
0x3c8: {  	s7 =	simm.s32 $0x1AEA0;
	s11 =	smov.u32 s15;
	s1 =	sadd.s32 $0x1, s26  }
0x3c9: {  	s8 =	simm.s32 $0x18EA0;
	s12 =	simm.s32 $0x1BEA0;
	p0 =	sne.s32 s1, s31  }
.Ltmp2:
0x3ca: {  	s14 =	simm.s32 $0x1C6A0;
	s2 =	simm.s32 $0x1EEA0;
	(pc) =	sbr.rel @p0 .LBB2_1-.Ltmp2, $4  }
0x3cb: {  	s17 =	simm.s32 $0x0;
	s15 =	simm.s32 $0x1CEA0;
	s28 =	simm.s32 $0x1E6A0  }
0x3cc: {  	s21 =	simm.s32 $0x10;
	s29 =	simm.s32 $0x1D6A0;
	[sflag:s19] =	ssyncset.done $0x0  }
0x3cd: {  	s22 =	simm.s32 $0x1B6A0;
	s20 =	rddreg [dreg:$0x8];
	[sflag:s19] =	ssyncadd.s32 $0xFFFFE000  }
0x3ce: {  	s19 =	smov.u32 s30;
	s30 =	simm.s32 $0x40;
	s26 =	simm.s32 $0x1DEA0  }
0x3cf: {  	_ =	sfence.sel $0x180000  }
0x3d0: {  	[bflag:$0x0] =	sbarrier.arrive $0xFFFF  }
0x3d1: {  	_ =	strace $0x90000047  }
0x3d2: {  	s0 =	stileid.u32;
	[bflag:$0x2] =	sbarrier.arrive $0xFFFF  }
0x3d3: {  	p0 =	sne.s32 s0, $0x0;
	s0 =	rddreg [dreg:$0x6]  }
0x3d4: {  	s0 =	sadd.s32 @!p0 $0x100000, s0  }
0x3d5: {  	[sflag:s0] =	ssyncadd.tile.s32 @!p0 $0x1;
	_ =	shalt  }
.Lfunc_end2:
_tile_overlayer_lowered:
.L_overlay_start_2:
0x3d6: {  	(tag) =	ssettag $0x2  }
0x3d7: {  	s0 =	rddreg [dreg:$0x0];
	s2 =	stileid.u32  }
0x3d8: {  	s1 =	rddreg [dreg:$0x1];
	p0 =	sne.s32 s2, $0x0  }
0x3d9: {  	s3 =	rddreg [dreg:$0x2];
	[bflag:$0x3] =	sbarrier.arrive $0xFFFF;
	s2 =	simm.s32 @!p0 $0x1C04  }
0x3da: {  	[timem:s3], [sflag:s2] =	dma.local @!p0 [hbm:s0], s1  }
0x3db: {  	s0 =	simm.s32 @!p0 $0x4  }
0x3dc: {  	_ =	swait.ge @!p0 [sflag:s0], s1  }
0x3dd: {  	s1 =	ssub.s32 @!p0 $0x0, s1;
	[sflag:s0] =	ssyncset.done @!p0 $0x0  }
0x3de: {  	[sflag:s0] =	ssyncadd.s32 @!p0 s1  }
0x3df: {  	[bflag:$0x3] =	sbarrier.arrive $0xFFFF  }
0x3e0: {  	_ =	shalt  }

</sc_bundles>
